<compile_context>
chip_gen: v7x
topology: tpu7x:2x2x1
jax: 0.10.2.dev20260603
libtpu: 0.0.44.dev20260713+nightly
codegen_flags: <defaults>
</compile_context>

<pallas_src>
import functools

import jax
import jax.numpy as jnp
from jax import lax
from jax.experimental import pallas as pl
from jax.experimental.pallas import tpu as pltpu
from jax.experimental.pallas import tpu_sc as plsc

NC = 80
NA = 3
IMG = 640.0
CH = NA * (5 + NC)
HWS = ((80, 80), (40, 40), (20, 20))
B = 8
NB = 32
N = B * NB
SC_CORES = 2
SC_SUBCORES = 16
NW = SC_CORES * SC_SUBCORES
BPT = N // NW


def _sc_body(p3, p4, p5, boxes, out, bx_v, r3, r4, r5, sem):
    cid = lax.axis_index("c")
    sid = lax.axis_index("s")
    wid = sid * SC_CORES + cid
    pltpu.sync_copy(boxes.at[pl.ds(wid * (BPT * 4), BPT * 4)], bx_v)
    lanes = lax.iota(jnp.int32, 16)
    nc4 = jnp.minimum(lanes, BPT - 1) * 4
    x1 = plsc.load_gather(bx_v, [nc4])
    y1 = plsc.load_gather(bx_v, [nc4 + 1])
    x2 = plsc.load_gather(bx_v, [nc4 + 2])
    y2 = plsc.load_gather(bx_v, [nc4 + 3])
    cx = jnp.clip((x1 + x2) * 0.5 / IMG, 0.0, 1.0 - 1e-6)
    cy = jnp.clip((y1 + y2) * 0.5 / IMG, 0.0, 1.0 - 1e-6)
    bimg = wid // (NB // BPT)

    rows = (r3, r4, r5)
    cps = []
    for s, (h, w) in enumerate(HWS):
        gi = jnp.clip((cx * float(w)).astype(jnp.int32), 0, w - 1)
        gj = jnp.clip((cy * float(h)).astype(jnp.int32), 0, h - 1)
        for m in range(BPT):
            gim = lax.reduce_max(jnp.where(lanes == m, gi, 0), (0,))
            gjm = lax.reduce_max(jnp.where(lanes == m, gj, 0), (0,))
            if s == 2:
                src = p5.at[gjm, gim, bimg, :]
            else:
                src = (p3, p4)[s].at[bimg, gjm, gim, :]
            cps.append(pltpu.make_async_copy(src, rows[s].at[m], sem))
    for c in cps:
        c.start()
    for c in cps:
        c.wait()
    for s in range(3):
        pltpu.sync_copy(rows[s], out.at[s, wid])


@functools.cache
def _sc_gather():
    return pl.kernel(
        _sc_body,
        out_type=jax.ShapeDtypeStruct((3, NW, BPT, CH), jnp.float32),
        mesh=plsc.VectorSubcoreMesh(
            core_axis_name="c", subcore_axis_name="s",
            num_cores=SC_CORES, num_subcores=SC_SUBCORES),
        compiler_params=pltpu.CompilerParams(needs_layout_passes=False),
        scratch_types=[
            pltpu.VMEM((BPT * 4,), jnp.float32),
            pltpu.VMEM((BPT, CH), jnp.float32),
            pltpu.VMEM((BPT, CH), jnp.float32),
            pltpu.VMEM((BPT, CH), jnp.float32),
            pltpu.SemaphoreType.DMA,
        ],
    )


def _bce(x, t):
    return jnp.maximum(x, 0.0) - x * t + jnp.log1p(jnp.exp(-jnp.abs(x)))


def _sig(x):
    return 1.0 / (1.0 + jnp.exp(-x))


def _meta(x1, y1, x2, y2):
    bw = jnp.clip((x2 - x1) / IMG, 1e-6, 1.0)
    bh = jnp.clip((y2 - y1) / IMG, 1e-6, 1.0)
    ms = jnp.maximum(bw, bh)
    s = jnp.where(ms < 0.15, 0, jnp.where(ms < 0.45, 1, 2))
    cx = jnp.clip((x1 + x2) * 0.5 / IMG, 0.0, 1.0 - 1e-6)
    cy = jnp.clip((y1 + y2) * 0.5 / IMG, 0.0, 1.0 - 1e-6)
    gis, gjs = [], []
    for (h, w) in HWS:
        gis.append(jnp.clip(jnp.floor(cx * w).astype(jnp.int32), 0, w - 1))
        gjs.append(jnp.clip(jnp.floor(cy * h).astype(jnp.int32), 0, h - 1))
    gi = jnp.where(s == 0, gis[0], jnp.where(s == 1, gis[1], gis[2]))
    gj = jnp.where(s == 0, gjs[0], jnp.where(s == 1, gjs[1], gjs[2]))
    return bw, bh, cx, cy, s, gi, gj


RCH = 3200
GSTEPS = B * 80 * 80 // RCH


def _tc_body(p3_ref, p4_ref, p5_ref, g_ref, bx_ref, bxt_ref, lab_ref,
             labt_ref, out_ref, acc):
    a = pl.program_id(0)

    @pl.when(a == 0)
    def _init():
        acc[0] = 0.0
        acc[1] = 0.0
        acc[2] = 0.0

    def fneg_sum(blk):
        tot = jnp.float32(0.0)
        for an in range(NA):
            x = blk[:, 4 + 85 * an:5 + 85 * an]
            p = _sig(x)
            tot += jnp.sum(0.75 * p * p * _bce(x, 0.0))
        return tot

    acc[0] += fneg_sum(p3_ref[...])

    @pl.when(a < 4)
    def _p4():
        acc[1] += fneg_sum(p4_ref[...])

    @pl.when(a == 0)
    def _p5():
        acc[2] += fneg_sum(p5_ref[...])

    @pl.when(a == GSTEPS - 1)
    def _run_combine():
        _combine_math(g_ref, bx_ref, bxt_ref, lab_ref, labt_ref, out_ref, acc)


def _combine_math(g_ref, bx_ref, bxt_ref, lab_ref, labt_ref, out_ref, acc):
        boxes = bx_ref[...]
        bT = bxt_ref[...]
        lab = lab_ref[...]
        labT = labt_ref[...]

        bw, bh, cx, cy, s_c, gi_c, gj_c = _meta(
            boxes[:, 0:1], boxes[:, 1:2], boxes[:, 2:3], boxes[:, 3:4])
        _, _, _, _, s_r, gi_r, gj_r = _meta(
            bT[0:1, :], bT[1:2, :], bT[2:3, :], bT[3:4, :])

        bidx_c = lax.broadcasted_iota(jnp.int32, (N, 1), 0) // NB
        bidx_r = lax.broadcasted_iota(jnp.int32, (1, N), 1) // NB
        labc_c = jnp.clip(lab, 0, NC - 1)
        labc_r = jnp.clip(labT, 0, NC - 1)
        valid_c = (lab >= 0) & (lab < NC)
        valid_r = (labT >= 0) & (labT < NC)

        key_c = ((bidx_c * 4 + s_c) * 128 + gj_c) * 128 + gi_c
        key_r = ((bidx_r * 4 + s_r) * 128 + gj_r) * 128 + gi_r
        key2_c = key_c * 128 + labc_c
        key2_r = key_r * 128 + labc_r

        nm_lt = (lax.broadcasted_iota(jnp.int32, (N, N), 1)
                 < lax.broadcasted_iota(jnp.int32, (N, N), 0))
        occ = (key_c == key_r) & valid_r & nm_lt
        fc = valid_c & (jnp.max(occ.astype(jnp.int32), axis=1,
                                keepdims=True) == 0)
        occ2 = (key2_c == key2_r) & valid_r & nm_lt
        fcl = valid_c & (jnp.max(occ2.astype(jnp.int32), axis=1,
                                 keepdims=True) == 0)
        fc_f = fc.astype(jnp.float32)
        fcl_f = fcl.astype(jnp.float32)
        valid_f = valid_c.astype(jnp.float32)

        sel = [(s_c == s).astype(jnp.float32) for s in range(3)]
        g = g_ref[...]
        own = g[0] * sel[0] + g[1] * sel[1] + g[2] * sel[2]

        onehot = (labc_c == lax.broadcasted_iota(jnp.int32, (N, NC), 1)
                  ).astype(jnp.float32)

        corr_col = jnp.zeros((N, 1), jnp.float32)
        s0_col = jnp.zeros((N, 1), jnp.float32)
        dl_col = jnp.zeros((N, 1), jnp.float32)
        for an in range(NA):
            o = own[:, an * 85 + 4:an * 85 + 5]
            po = _sig(o)
            elem_pos = _bce(o, 1.0) * (0.25 * (1.0 - po) * (1.0 - po))
            elem_neg = _bce(o, 0.0) * (0.75 * po * po)
            corr_col += elem_pos - elem_neg
            cl = own[:, an * 85 + 5:an * 85 + 85]
            b0 = _bce(cl, 0.0)
            s0_col += jnp.sum(b0, axis=1, keepdims=True)
            dl_col += jnp.sum((_bce(cl, 1.0) - b0) * onehot, axis=1,
                              keepdims=True)
        corr_col = corr_col * fc_f
        cls_col = s0_col * fc_f + dl_col * fcl_f

        obj_loss = jnp.float32(0.0)
        cls_loss = jnp.float32(0.0)
        for s in range(3):
            pos = 3.0 * jnp.sum(fc_f * sel[s])
            denom = jnp.maximum(pos, 1.0)
            obj_loss += (acc[s] + jnp.sum(corr_col * sel[s])) / denom
            cls_loss += jnp.sum(cls_col * sel[s]) / jnp.maximum(pos * NC, 1.0)

        wv = sel[0] * 80.0 + sel[1] * 40.0 + sel[2] * 20.0
        hv = wv
        tx1 = cx - bw / 2
        ty1 = cy - bh / 2
        tx2 = cx + bw / 2
        ty2 = cy + bh / 2
        area2 = (tx2 - tx1) * (ty2 - ty1)
        gif = gi_c.astype(jnp.float32)
        gjf = gj_c.astype(jnp.float32)
        box_sum = jnp.float32(0.0)
        for an in range(NA):
            px = _sig(own[:, an * 85 + 0:an * 85 + 1])
            py = _sig(own[:, an * 85 + 1:an * 85 + 2])
            pw = _sig(own[:, an * 85 + 2:an * 85 + 3])
            ph = _sig(own[:, an * 85 + 3:an * 85 + 4])
            pcx = (gif + px) / wv
            pcy = (gjf + py) / hv
            px1 = pcx - pw / 2
            py1 = pcy - ph / 2
            px2 = pcx + pw / 2
            py2 = pcy + ph / 2
            area1 = (px2 - px1) * (py2 - py1)
            iw = jnp.maximum(jnp.minimum(px2, tx2) - jnp.maximum(px1, tx1), 0.0)
            ih = jnp.maximum(jnp.minimum(py2, ty2) - jnp.maximum(py1, ty1), 0.0)
            inter = iw * ih
            union = area1 + area2 - inter
            iou = inter / union
            cw = jnp.maximum(jnp.maximum(px2, tx2) - jnp.minimum(px1, tx1), 0.0)
            chh = jnp.maximum(jnp.maximum(py2, ty2) - jnp.minimum(py1, ty1), 0.0)
            areac = cw * chh
            gg = iou - (areac - union) / areac
            box_sum += jnp.sum((1.0 - gg) * valid_f)
        total_pos = 3.0 * jnp.sum(valid_f)
        loss = (obj_loss + 0.5 * cls_loss
                + 5.0 * box_sum / jnp.maximum(total_pos, 1.0))
        out_ref[...] = loss.reshape(1, 1)


def _combine_call(p3r, p4r, p5r, g, bx, bxt, lab, labt):
    return pl.pallas_call(
        _tc_body,
        grid=(GSTEPS,),
        in_specs=[
            pl.BlockSpec((RCH, CH), lambda a: (a, 0)),
            pl.BlockSpec((RCH, CH), lambda a: (jnp.minimum(a, 3), 0)),
            pl.BlockSpec((RCH, CH), lambda a: (0, 0)),
            pl.BlockSpec((3, N, CH), lambda a: (0, 0, 0)),
            pl.BlockSpec((N, 4), lambda a: (0, 0)),
            pl.BlockSpec((4, N), lambda a: (0, 0)),
            pl.BlockSpec((N, 1), lambda a: (0, 0)),
            pl.BlockSpec((1, N), lambda a: (0, 0)),
        ],
        out_specs=pl.BlockSpec((1, 1), lambda a: (0, 0)),
        out_shape=jax.ShapeDtypeStruct((1, 1), jnp.float32),
        scratch_shapes=[pltpu.SMEM((4,), jnp.float32)],
    )(p3r, p4r, p5r, g, bx, bxt, lab, labt)


def kernel(pred_p3, pred_p4, pred_p5, target_boxes, target_labels):
    pt3 = jnp.transpose(pred_p3, (0, 2, 3, 1))
    pt4 = jnp.transpose(pred_p4, (0, 2, 3, 1))
    pt5 = jnp.transpose(pred_p5, (2, 3, 0, 1))
    sc_out = _sc_gather()(pt3, pt4, pt5, target_boxes.reshape(-1))
    g = sc_out.reshape(3, N, CH)
    bx = target_boxes.reshape(N, 4)
    lab32 = target_labels.astype(jnp.int32)
    out = _combine_call(
        pt3.reshape(B * 80 * 80, CH), pt4.reshape(B * 40 * 40, CH),
        pt5.reshape(20 * 20 * B, CH), g, bx, bx.T,
        lab32.reshape(N, 1), lab32.reshape(1, N))
    return out[0, 0]

# --- scband reference (transcript-rebuilt; emitter-appended) ---
"""Pipeline reference for scband-yololoss-23905787970056 (READ-ONLY COPY).

The authoritative reference and input builder live on the scoring server;
editing this copy changes nothing except your own understanding.
"""

import jax, jax.numpy as jnp
import numpy as np

NUM_CLASSES = 80
NUM_ANCHORS = 3
IMG = 640.0
L_NOOBJ = 1.0
L_OBJ = 1.0
L_CLS = 0.5
L_BOX = 5.0
F_ALPHA = 0.25
F_GAMMA = 2.0


def _bce_logits(x, t):
    return jnp.maximum(x, 0.0) - x * t + jnp.log1p(jnp.exp(-jnp.abs(x)))


def _focal_factor(logits, targets):
    p = jax.nn.sigmoid(logits)
    p_t = p * targets + (1.0 - p) * (1.0 - targets)
    alpha_t = F_ALPHA * targets + (1.0 - F_ALPHA) * (1.0 - targets)
    return alpha_t * jnp.power(1.0 - p_t, F_GAMMA)


def _generalized_box_iou(b1, b2):
    area1 = (b1[:, 2] - b1[:, 0]) * (b1[:, 3] - b1[:, 1])
    area2 = (b2[:, 2] - b2[:, 0]) * (b2[:, 3] - b2[:, 1])
    lt = jnp.maximum(b1[:, None, :2], b2[None, :, :2])
    rb = jnp.minimum(b1[:, None, 2:], b2[None, :, 2:])
    wh = jnp.maximum(rb - lt, 0.0)
    inter = wh[..., 0] * wh[..., 1]
    union = area1[:, None] + area2[None, :] - inter
    iou = inter / union
    ltc = jnp.minimum(b1[:, None, :2], b2[None, :, :2])
    rbc = jnp.maximum(b1[:, None, 2:], b2[None, :, 2:])
    whc = jnp.maximum(rbc - ltc, 0.0)
    areac = whc[..., 0] * whc[..., 1]
    return iou - (areac - union) / areac


def yolo_loss(preds, target_boxes, target_labels):
    B = preds[0].shape[0]
    num_scales = len(preds)
    bw_n = jnp.clip((target_boxes[..., 2] - target_boxes[..., 0]) / IMG, 1e-6, 1.0)
    bh_n = jnp.clip((target_boxes[..., 3] - target_boxes[..., 1]) / IMG, 1e-6, 1.0)
    max_side = jnp.maximum(bw_n, bh_n)
    scale_idx_all = jnp.clip(jnp.where(max_side < 0.15, 0, jnp.where(max_side < 0.45, 1, num_scales - 1)), 0, num_scales - 1)

    obj_loss = jnp.float32(0.0)
    cls_loss = jnp.float32(0.0)
    box_loss = jnp.float32(0.0)
    total_pos = jnp.float32(0.0)
    for s, pred in enumerate(preds):
        _, ch, h, w = pred.shape
        if ch != NUM_ANCHORS * (5 + NUM_CLASSES):
            continue
        pred = pred.reshape(B, NUM_ANCHORS, 5 + NUM_CLASSES, h, w)
        pred_boxes = pred[:, :, :4]
        pred_obj = pred[:, :, 4]
        pred_cls = pred[:, :, 5:]
        obj_target = jnp.zeros_like(pred_obj)
        cls_target = jnp.zeros_like(pred_cls)
        for b in range(B):
            boxes_b = target_boxes[b]
            labels_b = target_labels[b]
            nb = boxes_b.shape[0]
            valid = (labels_b >= 0) & (labels_b < NUM_CLASSES)
            sel = ((scale_idx_all[b] == s) & valid).astype(jnp.float32)
            cx = jnp.clip((boxes_b[:, 0] + boxes_b[:, 2]) * 0.5 / IMG, 0.0, 1.0 - 1e-6)
            cy = jnp.clip((boxes_b[:, 1] + boxes_b[:, 3]) * 0.5 / IMG, 0.0, 1.0 - 1e-6)
            bw = jnp.clip((boxes_b[:, 2] - boxes_b[:, 0]) / IMG, 1e-6, 1.0)
            bh = jnp.clip((boxes_b[:, 3] - boxes_b[:, 1]) / IMG, 1e-6, 1.0)
            gx = cx * w
            gy = cy * h
            gi = jnp.clip(jnp.floor(jax.lax.stop_gradient(gx)).astype(jnp.int32), 0, w - 1)
            gj = jnp.clip(jnp.floor(jax.lax.stop_gradient(gy)).astype(jnp.int32), 0, h - 1)
            labels_c = jnp.clip(labels_b, 0, NUM_CLASSES - 1).astype(jnp.int32)
            upd = jnp.broadcast_to(sel[None, :], (NUM_ANCHORS, nb))
            ot_b = obj_target[b].at[:, gj, gi].max(upd)
            obj_target = obj_target.at[b].set(ot_b)
            ct_b = cls_target[b].at[:, labels_c, gj, gi].max(upd)
            cls_target = cls_target.at[b].set(ct_b)
            tgt_xyxy = jnp.stack((cx - bw / 2, cy - bh / 2, cx + bw / 2, cy + bh / 2), axis=1)
            for a in range(NUM_ANCHORS):
                pxywh = pred_boxes[b, a][:, gj, gi].T
                pred_xy = jax.nn.sigmoid(pxywh[:, :2])
                pred_wh = jax.nn.sigmoid(pxywh[:, 2:])
                pcx = (gi.astype(jnp.float32) + pred_xy[:, 0]) / float(w)
                pcy = (gj.astype(jnp.float32) + pred_xy[:, 1]) / float(h)
                pw = pred_wh[:, 0]
                ph = pred_wh[:, 1]
                pred_xyxy = jnp.stack((pcx - pw / 2, pcy - ph / 2, pcx + pw / 2, pcy + ph / 2), axis=1)
                g = _generalized_box_iou(pred_xyxy, tgt_xyxy)
                gdiag = jnp.diagonal(g)
                box_loss = box_loss + ((1.0 - gdiag) * sel).sum()
            total_pos = total_pos + sel.sum() * NUM_ANCHORS
        obj_bce = _bce_logits(pred_obj, obj_target)
        focal_w = _focal_factor(jax.lax.stop_gradient(pred_obj), obj_target)
        elem = obj_bce * focal_w
        pos_mask = (obj_target > 0.5).astype(jnp.float32)
        pos_count = pos_mask.sum()
        denom = jnp.maximum(pos_count, 1.0)
        obj_pos = (elem * pos_mask).sum() / denom
        obj_neg = (elem * (1.0 - pos_mask)).sum() / denom
        obj_loss = obj_loss + L_OBJ * obj_pos + L_NOOBJ * obj_neg
        cls_bce = _bce_logits(pred_cls, cls_target) * pos_mask[:, :, None, :, :]
        cls_denom = jnp.maximum(pos_count * NUM_CLASSES, 1.0)
        cls_loss = cls_loss + cls_bce.sum() / cls_denom
    box_loss = box_loss / jnp.maximum(total_pos, 1.0)
    return obj_loss + L_CLS * cls_loss + L_BOX * box_loss


def setup_inputs(seed: int = 0):
    key = jax.random.key(seed)
    k1, k2, k3, k4, k5, k6 = jax.random.split(key, 6)
    B, NB = 8, 32
    ch = NUM_ANCHORS * (5 + NUM_CLASSES)
    pred_p3 = jax.random.normal(k1, (B, ch, 80, 80), dtype=jnp.float32)
    pred_p4 = jax.random.normal(k2, (B, ch, 40, 40), dtype=jnp.float32)
    pred_p5 = jax.random.normal(k3, (B, ch, 20, 20), dtype=jnp.float32)
    xy = jax.random.uniform(k4, (B, NB, 2), minval=0.0, maxval=560.0, dtype=jnp.float32)
    wh = jax.random.uniform(k5, (B, NB, 2), minval=8.0, maxval=400.0, dtype=jnp.float32)
    x2y2 = jnp.clip(xy + wh, 0.0, 640.0)
    target_boxes = jnp.concatenate([xy, x2y2], axis=-1)
    target_labels = jax.random.randint(k6, (B, NB), 0, NUM_CLASSES, dtype=jnp.int32)
    return {"pred_p3": pred_p3, "pred_p4": pred_p4, "pred_p5": pred_p5, "target_boxes": target_boxes, "target_labels": target_labels}


def reference(pred_p3, pred_p4, pred_p5, target_boxes, target_labels):
    return yolo_loss([pred_p3, pred_p4, pred_p5], target_boxes, target_labels)

if __name__ == "__main__":
    import jax
    _d = setup_inputs()
    print(jax.jit(kernel)(*tuple(_d.values())))

</pallas_src>

<mosaic_0001>
#map = affine_map<(d0, d1) -> (0, 0, 0, 0)>
#map1 = affine_map<(d0, d1) -> (0)>
module attributes {stable_mosaic.version = 14 : i64} {
  func.func @_sc_body(%arg0: i32, %arg1: i32, %arg2: memref<8x80x80x255xf32, #tpu.memory_space<hbm>>, %arg3: memref<8x40x40x255xf32, #tpu.memory_space<hbm>>, %arg4: memref<20x20x8x255xf32, #tpu.memory_space<hbm>>, %arg5: memref<1024xf32, #tpu.memory_space<hbm>>, %arg6: memref<3x32x8x255xf32, #tpu.memory_space<hbm>>, %arg7: memref<32xf32, #tpu.memory_space<vmem>>, %arg8: memref<8x255xf32, #tpu.memory_space<vmem>>, %arg9: memref<8x255xf32, #tpu.memory_space<vmem>>, %arg10: memref<8x255xf32, #tpu.memory_space<vmem>>, %arg11: memref<!tpu.dma_semaphore, #tpu.memory_space<semaphore_mem>>) attributes {dimension_semantics = [#tpu.dimension_semantics<core_parallel>, #tpu.dimension_semantics<subcore_parallel>], iteration_bounds = array<i64: 2, 16>, scalar_prefetch = 0 : i64, scratch_operands = 5 : i64, tpu.core_type = #tpu.core_type<sc_vector_subcore>, window_params = [{transform_indices = #map}, {transform_indices = #map}, {transform_indices = #map}, {transform_indices = #map1}, {transform_indices = #map}]} {
    %mul3A = arith.constant 2 : i32
    %mul3A_0 = arith.muli %arg1, %mul3A : i32
    %add3A = arith.addi %mul3A_0, %arg0 : i32
    %mul3A_1 = arith.constant 32 : i32
    %mul3A_2 = arith.muli %add3A, %mul3A_1 : i32
    "tpu.region"() ({
      %run_scoped3A_1413 = tpu.sem_alloc : memref<!tpu.dma_semaphore, #tpu.memory_space<semaphore_mem>>
      %dma_start3A_1414 = tpu.memref_slice %arg5[%mul3A_2] : memref<1024xf32, #tpu.memory_space<hbm>> -> memref<32xf32, #tpu.memory_space<hbm>>
      %dma_start3A_1415 = tpu.memref_slice %arg5[%mul3A_2] : memref<1024xf32, #tpu.memory_space<hbm>> -> memref<32xf32, #tpu.memory_space<hbm>>
      tpu.enqueue_dma source(%dma_start3A_1415 : memref<32xf32, #tpu.memory_space<hbm>>) target(%arg7 : memref<32xf32, #tpu.memory_space<vmem>>) target_semaphore(%run_scoped3A_1413 : memref<!tpu.dma_semaphore, #tpu.memory_space<semaphore_mem>>)
      %dma_wait3A_1416 = tpu.memref_slice %arg5[%mul3A_2] : memref<1024xf32, #tpu.memory_space<hbm>> -> memref<32xf32, #tpu.memory_space<hbm>>
      %dma_wait3A_1417 = tpu.memref_slice %arg5[%mul3A_2] : memref<1024xf32, #tpu.memory_space<hbm>> -> memref<32xf32, #tpu.memory_space<hbm>>
      tpu.wait_dma2 semaphore(%run_scoped3A_1413 : memref<!tpu.dma_semaphore, #tpu.memory_space<semaphore_mem>>) src(%dma_wait3A_1417 : memref<32xf32, #tpu.memory_space<hbm>>) dst(%arg7 : memref<32xf32, #tpu.memory_space<vmem>>)
      tpu.yield
    }) : () -> ()
    %iota3A = tpu.iota {dimensions = array<i32: 0>} : vector<16xi32>
    %min3A = arith.constant 7 : i32
    %min3A_3 = vector.broadcast %min3A : i32 to vector<16xi32>
    %min3A_4 = arith.minsi %iota3A, %min3A_3 : vector<16xi32>
    %mul3A_5 = arith.constant 4 : i32
    %mul3A_6 = vector.broadcast %mul3A_5 : i32 to vector<16xi32>
    %mul3A_7 = arith.muli %min3A_4, %mul3A_6 : vector<16xi32>
    %gather3A = tpu.vector_load_idx %arg7[%mul3A_7] : memref<32xf32, #tpu.memory_space<vmem>>[vector<16xi32>], vector<16xf32>,
    %add3A_8 = arith.constant 1 : i32
    %add3A_9 = vector.broadcast %add3A_8 : i32 to vector<16xi32>
    %add3A_10 = arith.addi %mul3A_7, %add3A_9 : vector<16xi32>
    %gather3A_11 = tpu.vector_load_idx %arg7[%add3A_10] : memref<32xf32, #tpu.memory_space<vmem>>[vector<16xi32>], vector<16xf32>,
    %add3A_12 = arith.constant 2 : i32
    %add3A_13 = vector.broadcast %add3A_12 : i32 to vector<16xi32>
    %add3A_14 = arith.addi %mul3A_7, %add3A_13 : vector<16xi32>
    %gather3A_15 = tpu.vector_load_idx %arg7[%add3A_14] : memref<32xf32, #tpu.memory_space<vmem>>[vector<16xi32>], vector<16xf32>,
    %add3A_16 = arith.constant 3 : i32
    %add3A_17 = vector.broadcast %add3A_16 : i32 to vector<16xi32>
    %add3A_18 = arith.addi %mul3A_7, %add3A_17 : vector<16xi32>
    %gather3A_19 = tpu.vector_load_idx %arg7[%add3A_18] : memref<32xf32, #tpu.memory_space<vmem>>[vector<16xi32>], vector<16xf32>,
    %add3A_20 = arith.addf %gather3A, %gather3A_15 : vector<16xf32>
    %mul3A_21 = arith.constant 5.000000e-01 : f32
    %mul3A_22 = vector.broadcast %mul3A_21 : f32 to vector<16xf32>
    %mul3A_23 = arith.mulf %add3A_20, %mul3A_22 : vector<16xf32>
    %div3A = arith.constant 6.400000e+02 : f32
    %div3A_24 = vector.broadcast %div3A : f32 to vector<16xf32>
    %div3A_25 = arith.divf %mul3A_23, %div3A_24 : vector<16xf32>
    %jit3A = arith.constant 0.000000e+00 : f32
    %jit3A_26 = arith.constant 0.999998986 : f32
    %max3A = vector.broadcast %jit3A : f32 to vector<16xf32>
    %max3A_27 = arith.maximumf %max3A, %div3A_25 : vector<16xf32>
    %min3A_28 = vector.broadcast %jit3A_26 : f32 to vector<16xf32>
    %min3A_29 = arith.minimumf %min3A_28, %max3A_27 : vector<16xf32>
    %add3A_30 = arith.addf %gather3A_11, %gather3A_19 : vector<16xf32>
    %mul3A_31 = arith.constant 5.000000e-01 : f32
    %mul3A_32 = vector.broadcast %mul3A_31 : f32 to vector<16xf32>
    %mul3A_33 = arith.mulf %add3A_30, %mul3A_32 : vector<16xf32>
    %div3A_34 = arith.constant 6.400000e+02 : f32
    %div3A_35 = vector.broadcast %div3A_34 : f32 to vector<16xf32>
    %div3A_36 = arith.divf %mul3A_33, %div3A_35 : vector<16xf32>
    %jit3A_37 = arith.constant 0.000000e+00 : f32
    %jit3A_38 = arith.constant 0.999998986 : f32
    %max3A_39 = vector.broadcast %jit3A_37 : f32 to vector<16xf32>
    %max3A_40 = arith.maximumf %max3A_39, %div3A_36 : vector<16xf32>
    %min3A_41 = vector.broadcast %jit3A_38 : f32 to vector<16xf32>
    %min3A_42 = arith.minimumf %min3A_41, %max3A_40 : vector<16xf32>
    %jit3A_43 = arith.constant 4 : i32
    %div3A_44 = arith.divsi %add3A, %jit3A_43 : i32
    %sign3A = arith.constant 0 : i32
    %sign3A_45 = arith.cmpi sgt, %add3A, %sign3A : i32
    %sign3A_46 = arith.extui %sign3A_45 : i1 to i32
    %sign3A_47 = arith.constant 0 : i32
    %sign3A_48 = arith.cmpi slt, %add3A, %sign3A_47 : i32
    %sign3A_49 = arith.extui %sign3A_48 : i1 to i32
    %sign3A_50 = arith.subi %sign3A_46, %sign3A_49 : i32
    %sign3A_51 = arith.constant 0 : i32
    %sign3A_52 = arith.cmpi sgt, %jit3A_43, %sign3A_51 : i32
    %sign3A_53 = arith.extui %sign3A_52 : i1 to i32
    %sign3A_54 = arith.constant 0 : i32
    %sign3A_55 = arith.cmpi slt, %jit3A_43, %sign3A_54 : i32
    %sign3A_56 = arith.extui %sign3A_55 : i1 to i32
    %sign3A_57 = arith.subi %sign3A_53, %sign3A_56 : i32
    %ne3A = arith.cmpi ne, %sign3A_50, %sign3A_57 : i32
    %rem3A = arith.remsi %add3A, %jit3A_43 : i32
    %ne3A_58 = arith.constant 0 : i32
    %ne3A_59 = arith.cmpi ne, %rem3A, %ne3A_58 : i32
    %and3A = arith.andi %ne3A, %ne3A_59 : i1
    %sub3A = arith.constant 1 : i32
    %sub3A_60 = arith.subi %div3A_44, %sub3A : i32
    %select_n3A = arith.select %and3A, %sub3A_60, %div3A_44 : i32
    %mul3A_61 = arith.constant 8.000000e+01 : f32
    %mul3A_62 = vector.broadcast %mul3A_61 : f32 to vector<16xf32>
    %mul3A_63 = arith.mulf %min3A_29, %mul3A_62 : vector<16xf32>
    %convert_element_type3A = arith.fptosi %mul3A_63 : vector<16xf32> to vector<16xi32>
    %jit3A_64 = arith.constant 0 : i32
    %jit3A_65 = arith.constant 79 : i32
    %max3A_66 = vector.broadcast %jit3A_64 : i32 to vector<16xi32>
    %max3A_67 = arith.maxsi %max3A_66, %convert_element_type3A : vector<16xi32>
    %min3A_68 = vector.broadcast %jit3A_65 : i32 to vector<16xi32>
    %min3A_69 = arith.minsi %min3A_68, %max3A_67 : vector<16xi32>
    %mul3A_70 = arith.constant 8.000000e+01 : f32
    %mul3A_71 = vector.broadcast %mul3A_70 : f32 to vector<16xf32>
    %mul3A_72 = arith.mulf %min3A_42, %mul3A_71 : vector<16xf32>
    %convert_element_type3A_73 = arith.fptosi %mul3A_72 : vector<16xf32> to vector<16xi32>
    %jit3A_74 = arith.constant 0 : i32
    %jit3A_75 = arith.constant 79 : i32
    %max3A_76 = vector.broadcast %jit3A_74 : i32 to vector<16xi32>
    %max3A_77 = arith.maxsi %max3A_76, %convert_element_type3A_73 : vector<16xi32>
    %min3A_78 = vector.broadcast %jit3A_75 : i32 to vector<16xi32>
    %min3A_79 = arith.minsi %min3A_78, %max3A_77 : vector<16xi32>
    %eq3A = arith.constant 0 : i32
    %eq3A_80 = vector.broadcast %eq3A : i32 to vector<16xi32>
    %eq3A_81 = arith.cmpi eq, %iota3A, %eq3A_80 : vector<16xi32>
    %jit3A_82 = arith.constant 0 : i32
    %broadcast_in_dim3A = vector.broadcast %jit3A_82 : i32 to vector<16xi32>
    %select_n3A_83 = arith.select %eq3A_81, %min3A_69, %broadcast_in_dim3A : vector<16xi1>, vector<16xi32>
    %reduce_max3A = arith.constant true
    %reduce_max3A_84 = vector.broadcast %reduce_max3A : i1 to vector<16xi1>
    %reduce_max3A_85 = arith.constant -2147483648 : i32
    %reduce_max3A_86 = vector.broadcast %reduce_max3A_85 : i32 to vector<16xi32>
    %reduce_max3A_87 = arith.xori %select_n3A_83, %reduce_max3A_86 : vector<16xi32>
    %reduce_max3A_88 = tpu.scan <max>, %reduce_max3A_87 masked %reduce_max3A_84 : vector<16xi32>, vector<16xi1> -> vector<16xi32>
    %reduce_max3A_89 = arith.xori %reduce_max3A_88, %reduce_max3A_86 : vector<16xi32>
    %reduce_max3A_90 = vector.extract %reduce_max3A_89[15] : i32 from vector<16xi32>
    %eq3A_91 = arith.constant 0 : i32
    %eq3A_92 = vector.broadcast %eq3A_91 : i32 to vector<16xi32>
    %eq3A_93 = arith.cmpi eq, %iota3A, %eq3A_92 : vector<16xi32>
    %jit3A_94 = arith.constant 0 : i32
    %broadcast_in_dim3A_95 = vector.broadcast %jit3A_94 : i32 to vector<16xi32>
    %select_n3A_96 = arith.select %eq3A_93, %min3A_79, %broadcast_in_dim3A_95 : vector<16xi1>, vector<16xi32>
    %reduce_max3A_97 = arith.constant true
    %reduce_max3A_98 = vector.broadcast %reduce_max3A_97 : i1 to vector<16xi1>
    %reduce_max3A_99 = arith.constant -2147483648 : i32
    %reduce_max3A_100 = vector.broadcast %reduce_max3A_99 : i32 to vector<16xi32>
    %reduce_max3A_101 = arith.xori %select_n3A_96, %reduce_max3A_100 : vector<16xi32>
    %reduce_max3A_102 = tpu.scan <max>, %reduce_max3A_101 masked %reduce_max3A_98 : vector<16xi32>, vector<16xi1> -> vector<16xi32>
    %reduce_max3A_103 = arith.xori %reduce_max3A_102, %reduce_max3A_100 : vector<16xi32>
    %reduce_max3A_104 = vector.extract %reduce_max3A_103[15] : i32 from vector<16xi32>
    %eq3A_105 = arith.constant 1 : i32
    %eq3A_106 = vector.broadcast %eq3A_105 : i32 to vector<16xi32>
    %eq3A_107 = arith.cmpi eq, %iota3A, %eq3A_106 : vector<16xi32>
    %jit3A_108 = arith.constant 0 : i32
    %broadcast_in_dim3A_109 = vector.broadcast %jit3A_108 : i32 to vector<16xi32>
    %select_n3A_110 = arith.select %eq3A_107, %min3A_69, %broadcast_in_dim3A_109 : vector<16xi1>, vector<16xi32>
    %reduce_max3A_111 = arith.constant true
    %reduce_max3A_112 = vector.broadcast %reduce_max3A_111 : i1 to vector<16xi1>
    %reduce_max3A_113 = arith.constant -2147483648 : i32
    %reduce_max3A_114 = vector.broadcast %reduce_max3A_113 : i32 to vector<16xi32>
    %reduce_max3A_115 = arith.xori %select_n3A_110, %reduce_max3A_114 : vector<16xi32>
    %reduce_max3A_116 = tpu.scan <max>, %reduce_max3A_115 masked %reduce_max3A_112 : vector<16xi32>, vector<16xi1> -> vector<16xi32>
    %reduce_max3A_117 = arith.xori %reduce_max3A_116, %reduce_max3A_114 : vector<16xi32>
    %reduce_max3A_118 = vector.extract %reduce_max3A_117[15] : i32 from vector<16xi32>
    %eq3A_119 = arith.constant 1 : i32
    %eq3A_120 = vector.broadcast %eq3A_119 : i32 to vector<16xi32>
    %eq3A_121 = arith.cmpi eq, %iota3A, %eq3A_120 : vector<16xi32>
    %jit3A_122 = arith.constant 0 : i32
    %broadcast_in_dim3A_123 = vector.broadcast %jit3A_122 : i32 to vector<16xi32>
    %select_n3A_124 = arith.select %eq3A_121, %min3A_79, %broadcast_in_dim3A_123 : vector<16xi1>, vector<16xi32>
    %reduce_max3A_125 = arith.constant true
    %reduce_max3A_126 = vector.broadcast %reduce_max3A_125 : i1 to vector<16xi1>
    %reduce_max3A_127 = arith.constant -2147483648 : i32
    %reduce_max3A_128 = vector.broadcast %reduce_max3A_127 : i32 to vector<16xi32>
    %reduce_max3A_129 = arith.xori %select_n3A_124, %reduce_max3A_128 : vector<16xi32>
    %reduce_max3A_130 = tpu.scan <max>, %reduce_max3A_129 masked %reduce_max3A_126 : vector<16xi32>, vector<16xi1> -> vector<16xi32>
    %reduce_max3A_131 = arith.xori %reduce_max3A_130, %reduce_max3A_128 : vector<16xi32>
    %reduce_max3A_132 = vector.extract %reduce_max3A_131[15] : i32 from vector<16xi32>
    %eq3A_133 = arith.constant 2 : i32
    %eq3A_134 = vector.broadcast %eq3A_133 : i32 to vector<16xi32>
    %eq3A_135 = arith.cmpi eq, %iota3A, %eq3A_134 : vector<16xi32>
    %jit3A_136 = arith.constant 0 : i32
    %broadcast_in_dim3A_137 = vector.broadcast %jit3A_136 : i32 to vector<16xi32>
    %select_n3A_138 = arith.select %eq3A_135, %min3A_69, %broadcast_in_dim3A_137 : vector<16xi1>, vector<16xi32>
    %reduce_max3A_139 = arith.constant true
    %reduce_max3A_140 = vector.broadcast %reduce_max3A_139 : i1 to vector<16xi1>
    %reduce_max3A_141 = arith.constant -2147483648 : i32
    %reduce_max3A_142 = vector.broadcast %reduce_max3A_141 : i32 to vector<16xi32>
    %reduce_max3A_143 = arith.xori %select_n3A_138, %reduce_max3A_142 : vector<16xi32>
    %reduce_max3A_144 = tpu.scan <max>, %reduce_max3A_143 masked %reduce_max3A_140 : vector<16xi32>, vector<16xi1> -> vector<16xi32>
    %reduce_max3A_145 = arith.xori %reduce_max3A_144, %reduce_max3A_142 : vector<16xi32>
    %reduce_max3A_146 = vector.extract %reduce_max3A_145[15] : i32 from vector<16xi32>
    %eq3A_147 = arith.constant 2 : i32
    %eq3A_148 = vector.broadcast %eq3A_147 : i32 to vector<16xi32>
    %eq3A_149 = arith.cmpi eq, %iota3A, %eq3A_148 : vector<16xi32>
    %jit3A_150 = arith.constant 0 : i32
    %broadcast_in_dim3A_151 = vector.broadcast %jit3A_150 : i32 to vector<16xi32>
    %select_n3A_152 = arith.select %eq3A_149, %min3A_79, %broadcast_in_dim3A_151 : vector<16xi1>, vector<16xi32>
    %reduce_max3A_153 = arith.constant true
    %reduce_max3A_154 = vector.broadcast %reduce_max3A_153 : i1 to vector<16xi1>
    %reduce_max3A_155 = arith.constant -2147483648 : i32
    %reduce_max3A_156 = vector.broadcast %reduce_max3A_155 : i32 to vector<16xi32>
    %reduce_max3A_157 = arith.xori %select_n3A_152, %reduce_max3A_156 : vector<16xi32>
    %reduce_max3A_158 = tpu.scan <max>, %reduce_max3A_157 masked %reduce_max3A_154 : vector<16xi32>, vector<16xi1> -> vector<16xi32>
    %reduce_max3A_159 = arith.xori %reduce_max3A_158, %reduce_max3A_156 : vector<16xi32>
    %reduce_max3A_160 = vector.extract %reduce_max3A_159[15] : i32 from vector<16xi32>
    %eq3A_161 = arith.constant 3 : i32
    %eq3A_162 = vector.broadcast %eq3A_161 : i32 to vector<16xi32>
    %eq3A_163 = arith.cmpi eq, %iota3A, %eq3A_162 : vector<16xi32>
    %jit3A_164 = arith.constant 0 : i32
    %broadcast_in_dim3A_165 = vector.broadcast %jit3A_164 : i32 to vector<16xi32>
    %select_n3A_166 = arith.select %eq3A_163, %min3A_69, %broadcast_in_dim3A_165 : vector<16xi1>, vector<16xi32>
    %reduce_max3A_167 = arith.constant true
    %reduce_max3A_168 = vector.broadcast %reduce_max3A_167 : i1 to vector<16xi1>
    %reduce_max3A_169 = arith.constant -2147483648 : i32
    %reduce_max3A_170 = vector.broadcast %reduce_max3A_169 : i32 to vector<16xi32>
    %reduce_max3A_171 = arith.xori %select_n3A_166, %reduce_max3A_170 : vector<16xi32>
    %reduce_max3A_172 = tpu.scan <max>, %reduce_max3A_171 masked %reduce_max3A_168 : vector<16xi32>, vector<16xi1> -> vector<16xi32>
    %reduce_max3A_173 = arith.xori %reduce_max3A_172, %reduce_max3A_170 : vector<16xi32>
    %reduce_max3A_174 = vector.extract %reduce_max3A_173[15] : i32 from vector<16xi32>
    %eq3A_175 = arith.constant 3 : i32
    %eq3A_176 = vector.broadcast %eq3A_175 : i32 to vector<16xi32>
    %eq3A_177 = arith.cmpi eq, %iota3A, %eq3A_176 : vector<16xi32>
    %jit3A_178 = arith.constant 0 : i32
    %broadcast_in_dim3A_179 = vector.broadcast %jit3A_178 : i32 to vector<16xi32>
    %select_n3A_180 = arith.select %eq3A_177, %min3A_79, %broadcast_in_dim3A_179 : vector<16xi1>, vector<16xi32>
    %reduce_max3A_181 = arith.constant true
    %reduce_max3A_182 = vector.broadcast %reduce_max3A_181 : i1 to vector<16xi1>
    %reduce_max3A_183 = arith.constant -2147483648 : i32
    %reduce_max3A_184 = vector.broadcast %reduce_max3A_183 : i32 to vector<16xi32>
    %reduce_max3A_185 = arith.xori %select_n3A_180, %reduce_max3A_184 : vector<16xi32>
    %reduce_max3A_186 = tpu.scan <max>, %reduce_max3A_185 masked %reduce_max3A_182 : vector<16xi32>, vector<16xi1> -> vector<16xi32>
    %reduce_max3A_187 = arith.xori %reduce_max3A_186, %reduce_max3A_184 : vector<16xi32>
    %reduce_max3A_188 = vector.extract %reduce_max3A_187[15] : i32 from vector<16xi32>
    %eq3A_189 = arith.constant 4 : i32
    %eq3A_190 = vector.broadcast %eq3A_189 : i32 to vector<16xi32>
    %eq3A_191 = arith.cmpi eq, %iota3A, %eq3A_190 : vector<16xi32>
    %jit3A_192 = arith.constant 0 : i32
    %broadcast_in_dim3A_193 = vector.broadcast %jit3A_192 : i32 to vector<16xi32>
    %select_n3A_194 = arith.select %eq3A_191, %min3A_69, %broadcast_in_dim3A_193 : vector<16xi1>, vector<16xi32>
    %reduce_max3A_195 = arith.constant true
    %reduce_max3A_196 = vector.broadcast %reduce_max3A_195 : i1 to vector<16xi1>
    %reduce_max3A_197 = arith.constant -2147483648 : i32
    %reduce_max3A_198 = vector.broadcast %reduce_max3A_197 : i32 to vector<16xi32>
    %reduce_max3A_199 = arith.xori %select_n3A_194, %reduce_max3A_198 : vector<16xi32>
    %reduce_max3A_200 = tpu.scan <max>, %reduce_max3A_199 masked %reduce_max3A_196 : vector<16xi32>, vector<16xi1> -> vector<16xi32>
    %reduce_max3A_201 = arith.xori %reduce_max3A_200, %reduce_max3A_198 : vector<16xi32>
    %reduce_max3A_202 = vector.extract %reduce_max3A_201[15] : i32 from vector<16xi32>
    %eq3A_203 = arith.constant 4 : i32
    %eq3A_204 = vector.broadcast %eq3A_203 : i32 to vector<16xi32>
    %eq3A_205 = arith.cmpi eq, %iota3A, %eq3A_204 : vector<16xi32>
    %jit3A_206 = arith.constant 0 : i32
    %broadcast_in_dim3A_207 = vector.broadcast %jit3A_206 : i32 to vector<16xi32>
    %select_n3A_208 = arith.select %eq3A_205, %min3A_79, %broadcast_in_dim3A_207 : vector<16xi1>, vector<16xi32>
    %reduce_max3A_209 = arith.constant true
    %reduce_max3A_210 = vector.broadcast %reduce_max3A_209 : i1 to vector<16xi1>
    %reduce_max3A_211 = arith.constant -2147483648 : i32
    %reduce_max3A_212 = vector.broadcast %reduce_max3A_211 : i32 to vector<16xi32>
    %reduce_max3A_213 = arith.xori %select_n3A_208, %reduce_max3A_212 : vector<16xi32>
    %reduce_max3A_214 = tpu.scan <max>, %reduce_max3A_213 masked %reduce_max3A_210 : vector<16xi32>, vector<16xi1> -> vector<16xi32>
    %reduce_max3A_215 = arith.xori %reduce_max3A_214, %reduce_max3A_212 : vector<16xi32>
    %reduce_max3A_216 = vector.extract %reduce_max3A_215[15] : i32 from vector<16xi32>
    %eq3A_217 = arith.constant 5 : i32
    %eq3A_218 = vector.broadcast %eq3A_217 : i32 to vector<16xi32>
    %eq3A_219 = arith.cmpi eq, %iota3A, %eq3A_218 : vector<16xi32>
    %jit3A_220 = arith.constant 0 : i32
    %broadcast_in_dim3A_221 = vector.broadcast %jit3A_220 : i32 to vector<16xi32>
    %select_n3A_222 = arith.select %eq3A_219, %min3A_69, %broadcast_in_dim3A_221 : vector<16xi1>, vector<16xi32>
    %reduce_max3A_223 = arith.constant true
    %reduce_max3A_224 = vector.broadcast %reduce_max3A_223 : i1 to vector<16xi1>
    %reduce_max3A_225 = arith.constant -2147483648 : i32
    %reduce_max3A_226 = vector.broadcast %reduce_max3A_225 : i32 to vector<16xi32>
    %reduce_max3A_227 = arith.xori %select_n3A_222, %reduce_max3A_226 : vector<16xi32>
    %reduce_max3A_228 = tpu.scan <max>, %reduce_max3A_227 masked %reduce_max3A_224 : vector<16xi32>, vector<16xi1> -> vector<16xi32>
    %reduce_max3A_229 = arith.xori %reduce_max3A_228, %reduce_max3A_226 : vector<16xi32>
    %reduce_max3A_230 = vector.extract %reduce_max3A_229[15] : i32 from vector<16xi32>
    %eq3A_231 = arith.constant 5 : i32
    %eq3A_232 = vector.broadcast %eq3A_231 : i32 to vector<16xi32>
    %eq3A_233 = arith.cmpi eq, %iota3A, %eq3A_232 : vector<16xi32>
    %jit3A_234 = arith.constant 0 : i32
    %broadcast_in_dim3A_235 = vector.broadcast %jit3A_234 : i32 to vector<16xi32>
    %select_n3A_236 = arith.select %eq3A_233, %min3A_79, %broadcast_in_dim3A_235 : vector<16xi1>, vector<16xi32>
    %reduce_max3A_237 = arith.constant true
    %reduce_max3A_238 = vector.broadcast %reduce_max3A_237 : i1 to vector<16xi1>
    %reduce_max3A_239 = arith.constant -2147483648 : i32
    %reduce_max3A_240 = vector.broadcast %reduce_max3A_239 : i32 to vector<16xi32>
    %reduce_max3A_241 = arith.xori %select_n3A_236, %reduce_max3A_240 : vector<16xi32>
    %reduce_max3A_242 = tpu.scan <max>, %reduce_max3A_241 masked %reduce_max3A_238 : vector<16xi32>, vector<16xi1> -> vector<16xi32>
    %reduce_max3A_243 = arith.xori %reduce_max3A_242, %reduce_max3A_240 : vector<16xi32>
    %reduce_max3A_244 = vector.extract %reduce_max3A_243[15] : i32 from vector<16xi32>
    %eq3A_245 = arith.constant 6 : i32
    %eq3A_246 = vector.broadcast %eq3A_245 : i32 to vector<16xi32>
    %eq3A_247 = arith.cmpi eq, %iota3A, %eq3A_246 : vector<16xi32>
    %jit3A_248 = arith.constant 0 : i32
    %broadcast_in_dim3A_249 = vector.broadcast %jit3A_248 : i32 to vector<16xi32>
    %select_n3A_250 = arith.select %eq3A_247, %min3A_69, %broadcast_in_dim3A_249 : vector<16xi1>, vector<16xi32>
    %reduce_max3A_251 = arith.constant true
    %reduce_max3A_252 = vector.broadcast %reduce_max3A_251 : i1 to vector<16xi1>
    %reduce_max3A_253 = arith.constant -2147483648 : i32
    %reduce_max3A_254 = vector.broadcast %reduce_max3A_253 : i32 to vector<16xi32>
    %reduce_max3A_255 = arith.xori %select_n3A_250, %reduce_max3A_254 : vector<16xi32>
    %reduce_max3A_256 = tpu.scan <max>, %reduce_max3A_255 masked %reduce_max3A_252 : vector<16xi32>, vector<16xi1> -> vector<16xi32>
    %reduce_max3A_257 = arith.xori %reduce_max3A_256, %reduce_max3A_254 : vector<16xi32>
    %reduce_max3A_258 = vector.extract %reduce_max3A_257[15] : i32 from vector<16xi32>
    %eq3A_259 = arith.constant 6 : i32
    %eq3A_260 = vector.broadcast %eq3A_259 : i32 to vector<16xi32>
    %eq3A_261 = arith.cmpi eq, %iota3A, %eq3A_260 : vector<16xi32>
    %jit3A_262 = arith.constant 0 : i32
    %broadcast_in_dim3A_263 = vector.broadcast %jit3A_262 : i32 to vector<16xi32>
    %select_n3A_264 = arith.select %eq3A_261, %min3A_79, %broadcast_in_dim3A_263 : vector<16xi1>, vector<16xi32>
    %reduce_max3A_265 = arith.constant true
    %reduce_max3A_266 = vector.broadcast %reduce_max3A_265 : i1 to vector<16xi1>
    %reduce_max3A_267 = arith.constant -2147483648 : i32
    %reduce_max3A_268 = vector.broadcast %reduce_max3A_267 : i32 to vector<16xi32>
    %reduce_max3A_269 = arith.xori %select_n3A_264, %reduce_max3A_268 : vector<16xi32>
    %reduce_max3A_270 = tpu.scan <max>, %reduce_max3A_269 masked %reduce_max3A_266 : vector<16xi32>, vector<16xi1> -> vector<16xi32>
    %reduce_max3A_271 = arith.xori %reduce_max3A_270, %reduce_max3A_268 : vector<16xi32>
    %reduce_max3A_272 = vector.extract %reduce_max3A_271[15] : i32 from vector<16xi32>
    %eq3A_273 = arith.constant 7 : i32
    %eq3A_274 = vector.broadcast %eq3A_273 : i32 to vector<16xi32>
    %eq3A_275 = arith.cmpi eq, %iota3A, %eq3A_274 : vector<16xi32>
    %jit3A_276 = arith.constant 0 : i32
    %broadcast_in_dim3A_277 = vector.broadcast %jit3A_276 : i32 to vector<16xi32>
    %select_n3A_278 = arith.select %eq3A_275, %min3A_69, %broadcast_in_dim3A_277 : vector<16xi1>, vector<16xi32>
    %reduce_max3A_279 = arith.constant true
    %reduce_max3A_280 = vector.broadcast %reduce_max3A_279 : i1 to vector<16xi1>
    %reduce_max3A_281 = arith.constant -2147483648 : i32
    %reduce_max3A_282 = vector.broadcast %reduce_max3A_281 : i32 to vector<16xi32>
    %reduce_max3A_283 = arith.xori %select_n3A_278, %reduce_max3A_282 : vector<16xi32>
    %reduce_max3A_284 = tpu.scan <max>, %reduce_max3A_283 masked %reduce_max3A_280 : vector<16xi32>, vector<16xi1> -> vector<16xi32>
    %reduce_max3A_285 = arith.xori %reduce_max3A_284, %reduce_max3A_282 : vector<16xi32>
    %reduce_max3A_286 = vector.extract %reduce_max3A_285[15] : i32 from vector<16xi32>
    %eq3A_287 = arith.constant 7 : i32
    %eq3A_288 = vector.broadcast %eq3A_287 : i32 to vector<16xi32>
    %eq3A_289 = arith.cmpi eq, %iota3A, %eq3A_288 : vector<16xi32>
    %jit3A_290 = arith.constant 0 : i32
    %broadcast_in_dim3A_291 = vector.broadcast %jit3A_290 : i32 to vector<16xi32>
    %select_n3A_292 = arith.select %eq3A_289, %min3A_79, %broadcast_in_dim3A_291 : vector<16xi1>, vector<16xi32>
    %reduce_max3A_293 = arith.constant true
    %reduce_max3A_294 = vector.broadcast %reduce_max3A_293 : i1 to vector<16xi1>
    %reduce_max3A_295 = arith.constant -2147483648 : i32
    %reduce_max3A_296 = vector.broadcast %reduce_max3A_295 : i32 to vector<16xi32>
    %reduce_max3A_297 = arith.xori %select_n3A_292, %reduce_max3A_296 : vector<16xi32>
    %reduce_max3A_298 = tpu.scan <max>, %reduce_max3A_297 masked %reduce_max3A_294 : vector<16xi32>, vector<16xi1> -> vector<16xi32>
    %reduce_max3A_299 = arith.xori %reduce_max3A_298, %reduce_max3A_296 : vector<16xi32>
    %reduce_max3A_300 = vector.extract %reduce_max3A_299[15] : i32 from vector<16xi32>
    %mul3A_301 = arith.constant 4.000000e+01 : f32
    %mul3A_302 = vector.broadcast %mul3A_301 : f32 to vector<16xf32>
    %mul3A_303 = arith.mulf %min3A_29, %mul3A_302 : vector<16xf32>
    %convert_element_type3A_304 = arith.fptosi %mul3A_303 : vector<16xf32> to vector<16xi32>
    %jit3A_305 = arith.constant 0 : i32
    %jit3A_306 = arith.constant 39 : i32
    %max3A_307 = vector.broadcast %jit3A_305 : i32 to vector<16xi32>
    %max3A_308 = arith.maxsi %max3A_307, %convert_element_type3A_304 : vector<16xi32>
    %min3A_309 = vector.broadcast %jit3A_306 : i32 to vector<16xi32>
    %min3A_310 = arith.minsi %min3A_309, %max3A_308 : vector<16xi32>
    %mul3A_311 = arith.constant 4.000000e+01 : f32
    %mul3A_312 = vector.broadcast %mul3A_311 : f32 to vector<16xf32>
    %mul3A_313 = arith.mulf %min3A_42, %mul3A_312 : vector<16xf32>
    %convert_element_type3A_314 = arith.fptosi %mul3A_313 : vector<16xf32> to vector<16xi32>
    %jit3A_315 = arith.constant 0 : i32
    %jit3A_316 = arith.constant 39 : i32
    %max3A_317 = vector.broadcast %jit3A_315 : i32 to vector<16xi32>
    %max3A_318 = arith.maxsi %max3A_317, %convert_element_type3A_314 : vector<16xi32>
    %min3A_319 = vector.broadcast %jit3A_316 : i32 to vector<16xi32>
    %min3A_320 = arith.minsi %min3A_319, %max3A_318 : vector<16xi32>
    %eq3A_321 = arith.constant 0 : i32
    %eq3A_322 = vector.broadcast %eq3A_321 : i32 to vector<16xi32>
    %eq3A_323 = arith.cmpi eq, %iota3A, %eq3A_322 : vector<16xi32>
    %jit3A_324 = arith.constant 0 : i32
    %broadcast_in_dim3A_325 = vector.broadcast %jit3A_324 : i32 to vector<16xi32>
    %select_n3A_326 = arith.select %eq3A_323, %min3A_310, %broadcast_in_dim3A_325 : vector<16xi1>, vector<16xi32>
    %reduce_max3A_327 = arith.constant true
    %reduce_max3A_328 = vector.broadcast %reduce_max3A_327 : i1 to vector<16xi1>
    %reduce_max3A_329 = arith.constant -2147483648 : i32
    %reduce_max3A_330 = vector.broadcast %reduce_max3A_329 : i32 to vector<16xi32>
    %reduce_max3A_331 = arith.xori %select_n3A_326, %reduce_max3A_330 : vector<16xi32>
    %reduce_max3A_332 = tpu.scan <max>, %reduce_max3A_331 masked %reduce_max3A_328 : vector<16xi32>, vector<16xi1> -> vector<16xi32>
    %reduce_max3A_333 = arith.xori %reduce_max3A_332, %reduce_max3A_330 : vector<16xi32>
    %reduce_max3A_334 = vector.extract %reduce_max3A_333[15] : i32 from vector<16xi32>
    %eq3A_335 = arith.constant 0 : i32
    %eq3A_336 = vector.broadcast %eq3A_335 : i32 to vector<16xi32>
    %eq3A_337 = arith.cmpi eq, %iota3A, %eq3A_336 : vector<16xi32>
    %jit3A_338 = arith.constant 0 : i32
    %broadcast_in_dim3A_339 = vector.broadcast %jit3A_338 : i32 to vector<16xi32>
    %select_n3A_340 = arith.select %eq3A_337, %min3A_320, %broadcast_in_dim3A_339 : vector<16xi1>, vector<16xi32>
    %reduce_max3A_341 = arith.constant true
    %reduce_max3A_342 = vector.broadcast %reduce_max3A_341 : i1 to vector<16xi1>
    %reduce_max3A_343 = arith.constant -2147483648 : i32
    %reduce_max3A_344 = vector.broadcast %reduce_max3A_343 : i32 to vector<16xi32>
    %reduce_max3A_345 = arith.xori %select_n3A_340, %reduce_max3A_344 : vector<16xi32>
    %reduce_max3A_346 = tpu.scan <max>, %reduce_max3A_345 masked %reduce_max3A_342 : vector<16xi32>, vector<16xi1> -> vector<16xi32>
    %reduce_max3A_347 = arith.xori %reduce_max3A_346, %reduce_max3A_344 : vector<16xi32>
    %reduce_max3A_348 = vector.extract %reduce_max3A_347[15] : i32 from vector<16xi32>
    %eq3A_349 = arith.constant 1 : i32
    %eq3A_350 = vector.broadcast %eq3A_349 : i32 to vector<16xi32>
    %eq3A_351 = arith.cmpi eq, %iota3A, %eq3A_350 : vector<16xi32>
    %jit3A_352 = arith.constant 0 : i32
    %broadcast_in_dim3A_353 = vector.broadcast %jit3A_352 : i32 to vector<16xi32>
    %select_n3A_354 = arith.select %eq3A_351, %min3A_310, %broadcast_in_dim3A_353 : vector<16xi1>, vector<16xi32>
    %reduce_max3A_355 = arith.constant true
    %reduce_max3A_356 = vector.broadcast %reduce_max3A_355 : i1 to vector<16xi1>
    %reduce_max3A_357 = arith.constant -2147483648 : i32
    %reduce_max3A_358 = vector.broadcast %reduce_max3A_357 : i32 to vector<16xi32>
    %reduce_max3A_359 = arith.xori %select_n3A_354, %reduce_max3A_358 : vector<16xi32>
    %reduce_max3A_360 = tpu.scan <max>, %reduce_max3A_359 masked %reduce_max3A_356 : vector<16xi32>, vector<16xi1> -> vector<16xi32>
    %reduce_max3A_361 = arith.xori %reduce_max3A_360, %reduce_max3A_358 : vector<16xi32>
    %reduce_max3A_362 = vector.extract %reduce_max3A_361[15] : i32 from vector<16xi32>
    %eq3A_363 = arith.constant 1 : i32
    %eq3A_364 = vector.broadcast %eq3A_363 : i32 to vector<16xi32>
    %eq3A_365 = arith.cmpi eq, %iota3A, %eq3A_364 : vector<16xi32>
    %jit3A_366 = arith.constant 0 : i32
    %broadcast_in_dim3A_367 = vector.broadcast %jit3A_366 : i32 to vector<16xi32>
    %select_n3A_368 = arith.select %eq3A_365, %min3A_320, %broadcast_in_dim3A_367 : vector<16xi1>, vector<16xi32>
    %reduce_max3A_369 = arith.constant true
    %reduce_max3A_370 = vector.broadcast %reduce_max3A_369 : i1 to vector<16xi1>
    %reduce_max3A_371 = arith.constant -2147483648 : i32
    %reduce_max3A_372 = vector.broadcast %reduce_max3A_371 : i32 to vector<16xi32>
    %reduce_max3A_373 = arith.xori %select_n3A_368, %reduce_max3A_372 : vector<16xi32>
    %reduce_max3A_374 = tpu.scan <max>, %reduce_max3A_373 masked %reduce_max3A_370 : vector<16xi32>, vector<16xi1> -> vector<16xi32>
    %reduce_max3A_375 = arith.xori %reduce_max3A_374, %reduce_max3A_372 : vector<16xi32>
    %reduce_max3A_376 = vector.extract %reduce_max3A_375[15] : i32 from vector<16xi32>
    %eq3A_377 = arith.constant 2 : i32
    %eq3A_378 = vector.broadcast %eq3A_377 : i32 to vector<16xi32>
    %eq3A_379 = arith.cmpi eq, %iota3A, %eq3A_378 : vector<16xi32>
    %jit3A_380 = arith.constant 0 : i32
    %broadcast_in_dim3A_381 = vector.broadcast %jit3A_380 : i32 to vector<16xi32>
    %select_n3A_382 = arith.select %eq3A_379, %min3A_310, %broadcast_in_dim3A_381 : vector<16xi1>, vector<16xi32>
    %reduce_max3A_383 = arith.constant true
    %reduce_max3A_384 = vector.broadcast %reduce_max3A_383 : i1 to vector<16xi1>
    %reduce_max3A_385 = arith.constant -2147483648 : i32
    %reduce_max3A_386 = vector.broadcast %reduce_max3A_385 : i32 to vector<16xi32>
    %reduce_max3A_387 = arith.xori %select_n3A_382, %reduce_max3A_386 : vector<16xi32>
    %reduce_max3A_388 = tpu.scan <max>, %reduce_max3A_387 masked %reduce_max3A_384 : vector<16xi32>, vector<16xi1> -> vector<16xi32>
    %reduce_max3A_389 = arith.xori %reduce_max3A_388, %reduce_max3A_386 : vector<16xi32>
    %reduce_max3A_390 = vector.extract %reduce_max3A_389[15] : i32 from vector<16xi32>
    %eq3A_391 = arith.constant 2 : i32
    %eq3A_392 = vector.broadcast %eq3A_391 : i32 to vector<16xi32>
    %eq3A_393 = arith.cmpi eq, %iota3A, %eq3A_392 : vector<16xi32>
    %jit3A_394 = arith.constant 0 : i32
    %broadcast_in_dim3A_395 = vector.broadcast %jit3A_394 : i32 to vector<16xi32>
    %select_n3A_396 = arith.select %eq3A_393, %min3A_320, %broadcast_in_dim3A_395 : vector<16xi1>, vector<16xi32>
    %reduce_max3A_397 = arith.constant true
    %reduce_max3A_398 = vector.broadcast %reduce_max3A_397 : i1 to vector<16xi1>
    %reduce_max3A_399 = arith.constant -2147483648 : i32
    %reduce_max3A_400 = vector.broadcast %reduce_max3A_399 : i32 to vector<16xi32>
    %reduce_max3A_401 = arith.xori %select_n3A_396, %reduce_max3A_400 : vector<16xi32>
    %reduce_max3A_402 = tpu.scan <max>, %reduce_max3A_401 masked %reduce_max3A_398 : vector<16xi32>, vector<16xi1> -> vector<16xi32>
    %reduce_max3A_403 = arith.xori %reduce_max3A_402, %reduce_max3A_400 : vector<16xi32>
    %reduce_max3A_404 = vector.extract %reduce_max3A_403[15] : i32 from vector<16xi32>
    %eq3A_405 = arith.constant 3 : i32
    %eq3A_406 = vector.broadcast %eq3A_405 : i32 to vector<16xi32>
    %eq3A_407 = arith.cmpi eq, %iota3A, %eq3A_406 : vector<16xi32>
    %jit3A_408 = arith.constant 0 : i32
    %broadcast_in_dim3A_409 = vector.broadcast %jit3A_408 : i32 to vector<16xi32>
    %select_n3A_410 = arith.select %eq3A_407, %min3A_310, %broadcast_in_dim3A_409 : vector<16xi1>, vector<16xi32>
    %reduce_max3A_411 = arith.constant true
    %reduce_max3A_412 = vector.broadcast %reduce_max3A_411 : i1 to vector<16xi1>
    %reduce_max3A_413 = arith.constant -2147483648 : i32
    %reduce_max3A_414 = vector.broadcast %reduce_max3A_413 : i32 to vector<16xi32>
    %reduce_max3A_415 = arith.xori %select_n3A_410, %reduce_max3A_414 : vector<16xi32>
    %reduce_max3A_416 = tpu.scan <max>, %reduce_max3A_415 masked %reduce_max3A_412 : vector<16xi32>, vector<16xi1> -> vector<16xi32>
    %reduce_max3A_417 = arith.xori %reduce_max3A_416, %reduce_max3A_414 : vector<16xi32>
    %reduce_max3A_418 = vector.extract %reduce_max3A_417[15] : i32 from vector<16xi32>
    %eq3A_419 = arith.constant 3 : i32
    %eq3A_420 = vector.broadcast %eq3A_419 : i32 to vector<16xi32>
    %eq3A_421 = arith.cmpi eq, %iota3A, %eq3A_420 : vector<16xi32>
    %jit3A_422 = arith.constant 0 : i32
    %broadcast_in_dim3A_423 = vector.broadcast %jit3A_422 : i32 to vector<16xi32>
    %select_n3A_424 = arith.select %eq3A_421, %min3A_320, %broadcast_in_dim3A_423 : vector<16xi1>, vector<16xi32>
    %reduce_max3A_425 = arith.constant true
    %reduce_max3A_426 = vector.broadcast %reduce_max3A_425 : i1 to vector<16xi1>
    %reduce_max3A_427 = arith.constant -2147483648 : i32
    %reduce_max3A_428 = vector.broadcast %reduce_max3A_427 : i32 to vector<16xi32>
    %reduce_max3A_429 = arith.xori %select_n3A_424, %reduce_max3A_428 : vector<16xi32>
    %reduce_max3A_430 = tpu.scan <max>, %reduce_max3A_429 masked %reduce_max3A_426 : vector<16xi32>, vector<16xi1> -> vector<16xi32>
    %reduce_max3A_431 = arith.xori %reduce_max3A_430, %reduce_max3A_428 : vector<16xi32>
    %reduce_max3A_432 = vector.extract %reduce_max3A_431[15] : i32 from vector<16xi32>
    %eq3A_433 = arith.constant 4 : i32
    %eq3A_434 = vector.broadcast %eq3A_433 : i32 to vector<16xi32>
    %eq3A_435 = arith.cmpi eq, %iota3A, %eq3A_434 : vector<16xi32>
    %jit3A_436 = arith.constant 0 : i32
    %broadcast_in_dim3A_437 = vector.broadcast %jit3A_436 : i32 to vector<16xi32>
    %select_n3A_438 = arith.select %eq3A_435, %min3A_310, %broadcast_in_dim3A_437 : vector<16xi1>, vector<16xi32>
    %reduce_max3A_439 = arith.constant true
    %reduce_max3A_440 = vector.broadcast %reduce_max3A_439 : i1 to vector<16xi1>
    %reduce_max3A_441 = arith.constant -2147483648 : i32
    %reduce_max3A_442 = vector.broadcast %reduce_max3A_441 : i32 to vector<16xi32>
    %reduce_max3A_443 = arith.xori %select_n3A_438, %reduce_max3A_442 : vector<16xi32>
    %reduce_max3A_444 = tpu.scan <max>, %reduce_max3A_443 masked %reduce_max3A_440 : vector<16xi32>, vector<16xi1> -> vector<16xi32>
    %reduce_max3A_445 = arith.xori %reduce_max3A_444, %reduce_max3A_442 : vector<16xi32>
    %reduce_max3A_446 = vector.extract %reduce_max3A_445[15] : i32 from vector<16xi32>
    %eq3A_447 = arith.constant 4 : i32
    %eq3A_448 = vector.broadcast %eq3A_447 : i32 to vector<16xi32>
    %eq3A_449 = arith.cmpi eq, %iota3A, %eq3A_448 : vector<16xi32>
    %jit3A_450 = arith.constant 0 : i32
    %broadcast_in_dim3A_451 = vector.broadcast %jit3A_450 : i32 to vector<16xi32>
    %select_n3A_452 = arith.select %eq3A_449, %min3A_320, %broadcast_in_dim3A_451 : vector<16xi1>, vector<16xi32>
    %reduce_max3A_453 = arith.constant true
    %reduce_max3A_454 = vector.broadcast %reduce_max3A_453 : i1 to vector<16xi1>
    %reduce_max3A_455 = arith.constant -2147483648 : i32
    %reduce_max3A_456 = vector.broadcast %reduce_max3A_455 : i32 to vector<16xi32>
    %reduce_max3A_457 = arith.xori %select_n3A_452, %reduce_max3A_456 : vector<16xi32>
    %reduce_max3A_458 = tpu.scan <max>, %reduce_max3A_457 masked %reduce_max3A_454 : vector<16xi32>, vector<16xi1> -> vector<16xi32>
    %reduce_max3A_459 = arith.xori %reduce_max3A_458, %reduce_max3A_456 : vector<16xi32>
    %reduce_max3A_460 = vector.extract %reduce_max3A_459[15] : i32 from vector<16xi32>
    %eq3A_461 = arith.constant 5 : i32
    %eq3A_462 = vector.broadcast %eq3A_461 : i32 to vector<16xi32>
    %eq3A_463 = arith.cmpi eq, %iota3A, %eq3A_462 : vector<16xi32>
    %jit3A_464 = arith.constant 0 : i32
    %broadcast_in_dim3A_465 = vector.broadcast %jit3A_464 : i32 to vector<16xi32>
    %select_n3A_466 = arith.select %eq3A_463, %min3A_310, %broadcast_in_dim3A_465 : vector<16xi1>, vector<16xi32>
    %reduce_max3A_467 = arith.constant true
    %reduce_max3A_468 = vector.broadcast %reduce_max3A_467 : i1 to vector<16xi1>
    %reduce_max3A_469 = arith.constant -2147483648 : i32
    %reduce_max3A_470 = vector.broadcast %reduce_max3A_469 : i32 to vector<16xi32>
    %reduce_max3A_471 = arith.xori %select_n3A_466, %reduce_max3A_470 : vector<16xi32>
    %reduce_max3A_472 = tpu.scan <max>, %reduce_max3A_471 masked %reduce_max3A_468 : vector<16xi32>, vector<16xi1> -> vector<16xi32>
    %reduce_max3A_473 = arith.xori %reduce_max3A_472, %reduce_max3A_470 : vector<16xi32>
    %reduce_max3A_474 = vector.extract %reduce_max3A_473[15] : i32 from vector<16xi32>
    %eq3A_475 = arith.constant 5 : i32
    %eq3A_476 = vector.broadcast %eq3A_475 : i32 to vector<16xi32>
    %eq3A_477 = arith.cmpi eq, %iota3A, %eq3A_476 : vector<16xi32>
    %jit3A_478 = arith.constant 0 : i32
    %broadcast_in_dim3A_479 = vector.broadcast %jit3A_478 : i32 to vector<16xi32>
    %select_n3A_480 = arith.select %eq3A_477, %min3A_320, %broadcast_in_dim3A_479 : vector<16xi1>, vector<16xi32>
    %reduce_max3A_481 = arith.constant true
    %reduce_max3A_482 = vector.broadcast %reduce_max3A_481 : i1 to vector<16xi1>
    %reduce_max3A_483 = arith.constant -2147483648 : i32
    %reduce_max3A_484 = vector.broadcast %reduce_max3A_483 : i32 to vector<16xi32>
    %reduce_max3A_485 = arith.xori %select_n3A_480, %reduce_max3A_484 : vector<16xi32>
    %reduce_max3A_486 = tpu.scan <max>, %reduce_max3A_485 masked %reduce_max3A_482 : vector<16xi32>, vector<16xi1> -> vector<16xi32>
    %reduce_max3A_487 = arith.xori %reduce_max3A_486, %reduce_max3A_484 : vector<16xi32>
    %reduce_max3A_488 = vector.extract %reduce_max3A_487[15] : i32 from vector<16xi32>
    %eq3A_489 = arith.constant 6 : i32
    %eq3A_490 = vector.broadcast %eq3A_489 : i32 to vector<16xi32>
    %eq3A_491 = arith.cmpi eq, %iota3A, %eq3A_490 : vector<16xi32>
    %jit3A_492 = arith.constant 0 : i32
    %broadcast_in_dim3A_493 = vector.broadcast %jit3A_492 : i32 to vector<16xi32>
    %select_n3A_494 = arith.select %eq3A_491, %min3A_310, %broadcast_in_dim3A_493 : vector<16xi1>, vector<16xi32>
    %reduce_max3A_495 = arith.constant true
    %reduce_max3A_496 = vector.broadcast %reduce_max3A_495 : i1 to vector<16xi1>
    %reduce_max3A_497 = arith.constant -2147483648 : i32
    %reduce_max3A_498 = vector.broadcast %reduce_max3A_497 : i32 to vector<16xi32>
    %reduce_max3A_499 = arith.xori %select_n3A_494, %reduce_max3A_498 : vector<16xi32>
    %reduce_max3A_500 = tpu.scan <max>, %reduce_max3A_499 masked %reduce_max3A_496 : vector<16xi32>, vector<16xi1> -> vector<16xi32>
    %reduce_max3A_501 = arith.xori %reduce_max3A_500, %reduce_max3A_498 : vector<16xi32>
    %reduce_max3A_502 = vector.extract %reduce_max3A_501[15] : i32 from vector<16xi32>
    %eq3A_503 = arith.constant 6 : i32
    %eq3A_504 = vector.broadcast %eq3A_503 : i32 to vector<16xi32>
    %eq3A_505 = arith.cmpi eq, %iota3A, %eq3A_504 : vector<16xi32>
    %jit3A_506 = arith.constant 0 : i32
    %broadcast_in_dim3A_507 = vector.broadcast %jit3A_506 : i32 to vector<16xi32>
    %select_n3A_508 = arith.select %eq3A_505, %min3A_320, %broadcast_in_dim3A_507 : vector<16xi1>, vector<16xi32>
    %reduce_max3A_509 = arith.constant true
    %reduce_max3A_510 = vector.broadcast %reduce_max3A_509 : i1 to vector<16xi1>
    %reduce_max3A_511 = arith.constant -2147483648 : i32
    %reduce_max3A_512 = vector.broadcast %reduce_max3A_511 : i32 to vector<16xi32>
    %reduce_max3A_513 = arith.xori %select_n3A_508, %reduce_max3A_512 : vector<16xi32>
    %reduce_max3A_514 = tpu.scan <max>, %reduce_max3A_513 masked %reduce_max3A_510 : vector<16xi32>, vector<16xi1> -> vector<16xi32>
    %reduce_max3A_515 = arith.xori %reduce_max3A_514, %reduce_max3A_512 : vector<16xi32>
    %reduce_max3A_516 = vector.extract %reduce_max3A_515[15] : i32 from vector<16xi32>
    %eq3A_517 = arith.constant 7 : i32
    %eq3A_518 = vector.broadcast %eq3A_517 : i32 to vector<16xi32>
    %eq3A_519 = arith.cmpi eq, %iota3A, %eq3A_518 : vector<16xi32>
    %jit3A_520 = arith.constant 0 : i32
    %broadcast_in_dim3A_521 = vector.broadcast %jit3A_520 : i32 to vector<16xi32>
    %select_n3A_522 = arith.select %eq3A_519, %min3A_310, %broadcast_in_dim3A_521 : vector<16xi1>, vector<16xi32>
    %reduce_max3A_523 = arith.constant true
    %reduce_max3A_524 = vector.broadcast %reduce_max3A_523 : i1 to vector<16xi1>
    %reduce_max3A_525 = arith.constant -2147483648 : i32
    %reduce_max3A_526 = vector.broadcast %reduce_max3A_525 : i32 to vector<16xi32>
    %reduce_max3A_527 = arith.xori %select_n3A_522, %reduce_max3A_526 : vector<16xi32>
    %reduce_max3A_528 = tpu.scan <max>, %reduce_max3A_527 masked %reduce_max3A_524 : vector<16xi32>, vector<16xi1> -> vector<16xi32>
    %reduce_max3A_529 = arith.xori %reduce_max3A_528, %reduce_max3A_526 : vector<16xi32>
    %reduce_max3A_530 = vector.extract %reduce_max3A_529[15] : i32 from vector<16xi32>
    %eq3A_531 = arith.constant 7 : i32
    %eq3A_532 = vector.broadcast %eq3A_531 : i32 to vector<16xi32>
    %eq3A_533 = arith.cmpi eq, %iota3A, %eq3A_532 : vector<16xi32>
    %jit3A_534 = arith.constant 0 : i32
    %broadcast_in_dim3A_535 = vector.broadcast %jit3A_534 : i32 to vector<16xi32>
    %select_n3A_536 = arith.select %eq3A_533, %min3A_320, %broadcast_in_dim3A_535 : vector<16xi1>, vector<16xi32>
    %reduce_max3A_537 = arith.constant true
    %reduce_max3A_538 = vector.broadcast %reduce_max3A_537 : i1 to vector<16xi1>
    %reduce_max3A_539 = arith.constant -2147483648 : i32
    %reduce_max3A_540 = vector.broadcast %reduce_max3A_539 : i32 to vector<16xi32>
    %reduce_max3A_541 = arith.xori %select_n3A_536, %reduce_max3A_540 : vector<16xi32>
    %reduce_max3A_542 = tpu.scan <max>, %reduce_max3A_541 masked %reduce_max3A_538 : vector<16xi32>, vector<16xi1> -> vector<16xi32>
    %reduce_max3A_543 = arith.xori %reduce_max3A_542, %reduce_max3A_540 : vector<16xi32>
    %reduce_max3A_544 = vector.extract %reduce_max3A_543[15] : i32 from vector<16xi32>
    %mul3A_545 = arith.constant 2.000000e+01 : f32
    %mul3A_546 = vector.broadcast %mul3A_545 : f32 to vector<16xf32>
    %mul3A_547 = arith.mulf %min3A_29, %mul3A_546 : vector<16xf32>
    %convert_element_type3A_548 = arith.fptosi %mul3A_547 : vector<16xf32> to vector<16xi32>
    %jit3A_549 = arith.constant 0 : i32
    %jit3A_550 = arith.constant 19 : i32
    %max3A_551 = vector.broadcast %jit3A_549 : i32 to vector<16xi32>
    %max3A_552 = arith.maxsi %max3A_551, %convert_element_type3A_548 : vector<16xi32>
    %min3A_553 = vector.broadcast %jit3A_550 : i32 to vector<16xi32>
    %min3A_554 = arith.minsi %min3A_553, %max3A_552 : vector<16xi32>
    %mul3A_555 = arith.constant 2.000000e+01 : f32
    %mul3A_556 = vector.broadcast %mul3A_555 : f32 to vector<16xf32>
    %mul3A_557 = arith.mulf %min3A_42, %mul3A_556 : vector<16xf32>
    %convert_element_type3A_558 = arith.fptosi %mul3A_557 : vector<16xf32> to vector<16xi32>
    %jit3A_559 = arith.constant 0 : i32
    %jit3A_560 = arith.constant 19 : i32
    %max3A_561 = vector.broadcast %jit3A_559 : i32 to vector<16xi32>
    %max3A_562 = arith.maxsi %max3A_561, %convert_element_type3A_558 : vector<16xi32>
    %min3A_563 = vector.broadcast %jit3A_560 : i32 to vector<16xi32>
    %min3A_564 = arith.minsi %min3A_563, %max3A_562 : vector<16xi32>
    %eq3A_565 = arith.constant 0 : i32
    %eq3A_566 = vector.broadcast %eq3A_565 : i32 to vector<16xi32>
    %eq3A_567 = arith.cmpi eq, %iota3A, %eq3A_566 : vector<16xi32>
    %jit3A_568 = arith.constant 0 : i32
    %broadcast_in_dim3A_569 = vector.broadcast %jit3A_568 : i32 to vector<16xi32>
    %select_n3A_570 = arith.select %eq3A_567, %min3A_554, %broadcast_in_dim3A_569 : vector<16xi1>, vector<16xi32>
    %reduce_max3A_571 = arith.constant true
    %reduce_max3A_572 = vector.broadcast %reduce_max3A_571 : i1 to vector<16xi1>
    %reduce_max3A_573 = arith.constant -2147483648 : i32
    %reduce_max3A_574 = vector.broadcast %reduce_max3A_573 : i32 to vector<16xi32>
    %reduce_max3A_575 = arith.xori %select_n3A_570, %reduce_max3A_574 : vector<16xi32>
    %reduce_max3A_576 = tpu.scan <max>, %reduce_max3A_575 masked %reduce_max3A_572 : vector<16xi32>, vector<16xi1> -> vector<16xi32>
    %reduce_max3A_577 = arith.xori %reduce_max3A_576, %reduce_max3A_574 : vector<16xi32>
    %reduce_max3A_578 = vector.extract %reduce_max3A_577[15] : i32 from vector<16xi32>
    %eq3A_579 = arith.constant 0 : i32
    %eq3A_580 = vector.broadcast %eq3A_579 : i32 to vector<16xi32>
    %eq3A_581 = arith.cmpi eq, %iota3A, %eq3A_580 : vector<16xi32>
    %jit3A_582 = arith.constant 0 : i32
    %broadcast_in_dim3A_583 = vector.broadcast %jit3A_582 : i32 to vector<16xi32>
    %select_n3A_584 = arith.select %eq3A_581, %min3A_564, %broadcast_in_dim3A_583 : vector<16xi1>, vector<16xi32>
    %reduce_max3A_585 = arith.constant true
    %reduce_max3A_586 = vector.broadcast %reduce_max3A_585 : i1 to vector<16xi1>
    %reduce_max3A_587 = arith.constant -2147483648 : i32
    %reduce_max3A_588 = vector.broadcast %reduce_max3A_587 : i32 to vector<16xi32>
    %reduce_max3A_589 = arith.xori %select_n3A_584, %reduce_max3A_588 : vector<16xi32>
    %reduce_max3A_590 = tpu.scan <max>, %reduce_max3A_589 masked %reduce_max3A_586 : vector<16xi32>, vector<16xi1> -> vector<16xi32>
    %reduce_max3A_591 = arith.xori %reduce_max3A_590, %reduce_max3A_588 : vector<16xi32>
    %reduce_max3A_592 = vector.extract %reduce_max3A_591[15] : i32 from vector<16xi32>
    %eq3A_593 = arith.constant 1 : i32
    %eq3A_594 = vector.broadcast %eq3A_593 : i32 to vector<16xi32>
    %eq3A_595 = arith.cmpi eq, %iota3A, %eq3A_594 : vector<16xi32>
    %jit3A_596 = arith.constant 0 : i32
    %broadcast_in_dim3A_597 = vector.broadcast %jit3A_596 : i32 to vector<16xi32>
    %select_n3A_598 = arith.select %eq3A_595, %min3A_554, %broadcast_in_dim3A_597 : vector<16xi1>, vector<16xi32>
    %reduce_max3A_599 = arith.constant true
    %reduce_max3A_600 = vector.broadcast %reduce_max3A_599 : i1 to vector<16xi1>
    %reduce_max3A_601 = arith.constant -2147483648 : i32
    %reduce_max3A_602 = vector.broadcast %reduce_max3A_601 : i32 to vector<16xi32>
    %reduce_max3A_603 = arith.xori %select_n3A_598, %reduce_max3A_602 : vector<16xi32>
    %reduce_max3A_604 = tpu.scan <max>, %reduce_max3A_603 masked %reduce_max3A_600 : vector<16xi32>, vector<16xi1> -> vector<16xi32>
    %reduce_max3A_605 = arith.xori %reduce_max3A_604, %reduce_max3A_602 : vector<16xi32>
    %reduce_max3A_606 = vector.extract %reduce_max3A_605[15] : i32 from vector<16xi32>
    %eq3A_607 = arith.constant 1 : i32
    %eq3A_608 = vector.broadcast %eq3A_607 : i32 to vector<16xi32>
    %eq3A_609 = arith.cmpi eq, %iota3A, %eq3A_608 : vector<16xi32>
    %jit3A_610 = arith.constant 0 : i32
    %broadcast_in_dim3A_611 = vector.broadcast %jit3A_610 : i32 to vector<16xi32>
    %select_n3A_612 = arith.select %eq3A_609, %min3A_564, %broadcast_in_dim3A_611 : vector<16xi1>, vector<16xi32>
    %reduce_max3A_613 = arith.constant true
    %reduce_max3A_614 = vector.broadcast %reduce_max3A_613 : i1 to vector<16xi1>
    %reduce_max3A_615 = arith.constant -2147483648 : i32
    %reduce_max3A_616 = vector.broadcast %reduce_max3A_615 : i32 to vector<16xi32>
    %reduce_max3A_617 = arith.xori %select_n3A_612, %reduce_max3A_616 : vector<16xi32>
    %reduce_max3A_618 = tpu.scan <max>, %reduce_max3A_617 masked %reduce_max3A_614 : vector<16xi32>, vector<16xi1> -> vector<16xi32>
    %reduce_max3A_619 = arith.xori %reduce_max3A_618, %reduce_max3A_616 : vector<16xi32>
    %reduce_max3A_620 = vector.extract %reduce_max3A_619[15] : i32 from vector<16xi32>
    %eq3A_621 = arith.constant 2 : i32
    %eq3A_622 = vector.broadcast %eq3A_621 : i32 to vector<16xi32>
    %eq3A_623 = arith.cmpi eq, %iota3A, %eq3A_622 : vector<16xi32>
    %jit3A_624 = arith.constant 0 : i32
    %broadcast_in_dim3A_625 = vector.broadcast %jit3A_624 : i32 to vector<16xi32>
    %select_n3A_626 = arith.select %eq3A_623, %min3A_554, %broadcast_in_dim3A_625 : vector<16xi1>, vector<16xi32>
    %reduce_max3A_627 = arith.constant true
    %reduce_max3A_628 = vector.broadcast %reduce_max3A_627 : i1 to vector<16xi1>
    %reduce_max3A_629 = arith.constant -2147483648 : i32
    %reduce_max3A_630 = vector.broadcast %reduce_max3A_629 : i32 to vector<16xi32>
    %reduce_max3A_631 = arith.xori %select_n3A_626, %reduce_max3A_630 : vector<16xi32>
    %reduce_max3A_632 = tpu.scan <max>, %reduce_max3A_631 masked %reduce_max3A_628 : vector<16xi32>, vector<16xi1> -> vector<16xi32>
    %reduce_max3A_633 = arith.xori %reduce_max3A_632, %reduce_max3A_630 : vector<16xi32>
    %reduce_max3A_634 = vector.extract %reduce_max3A_633[15] : i32 from vector<16xi32>
    %eq3A_635 = arith.constant 2 : i32
    %eq3A_636 = vector.broadcast %eq3A_635 : i32 to vector<16xi32>
    %eq3A_637 = arith.cmpi eq, %iota3A, %eq3A_636 : vector<16xi32>
    %jit3A_638 = arith.constant 0 : i32
    %broadcast_in_dim3A_639 = vector.broadcast %jit3A_638 : i32 to vector<16xi32>
    %select_n3A_640 = arith.select %eq3A_637, %min3A_564, %broadcast_in_dim3A_639 : vector<16xi1>, vector<16xi32>
    %reduce_max3A_641 = arith.constant true
    %reduce_max3A_642 = vector.broadcast %reduce_max3A_641 : i1 to vector<16xi1>
    %reduce_max3A_643 = arith.constant -2147483648 : i32
    %reduce_max3A_644 = vector.broadcast %reduce_max3A_643 : i32 to vector<16xi32>
    %reduce_max3A_645 = arith.xori %select_n3A_640, %reduce_max3A_644 : vector<16xi32>
    %reduce_max3A_646 = tpu.scan <max>, %reduce_max3A_645 masked %reduce_max3A_642 : vector<16xi32>, vector<16xi1> -> vector<16xi32>
    %reduce_max3A_647 = arith.xori %reduce_max3A_646, %reduce_max3A_644 : vector<16xi32>
    %reduce_max3A_648 = vector.extract %reduce_max3A_647[15] : i32 from vector<16xi32>
    %eq3A_649 = arith.constant 3 : i32
    %eq3A_650 = vector.broadcast %eq3A_649 : i32 to vector<16xi32>
    %eq3A_651 = arith.cmpi eq, %iota3A, %eq3A_650 : vector<16xi32>
    %jit3A_652 = arith.constant 0 : i32
    %broadcast_in_dim3A_653 = vector.broadcast %jit3A_652 : i32 to vector<16xi32>
    %select_n3A_654 = arith.select %eq3A_651, %min3A_554, %broadcast_in_dim3A_653 : vector<16xi1>, vector<16xi32>
    %reduce_max3A_655 = arith.constant true
    %reduce_max3A_656 = vector.broadcast %reduce_max3A_655 : i1 to vector<16xi1>
    %reduce_max3A_657 = arith.constant -2147483648 : i32
    %reduce_max3A_658 = vector.broadcast %reduce_max3A_657 : i32 to vector<16xi32>
    %reduce_max3A_659 = arith.xori %select_n3A_654, %reduce_max3A_658 : vector<16xi32>
    %reduce_max3A_660 = tpu.scan <max>, %reduce_max3A_659 masked %reduce_max3A_656 : vector<16xi32>, vector<16xi1> -> vector<16xi32>
    %reduce_max3A_661 = arith.xori %reduce_max3A_660, %reduce_max3A_658 : vector<16xi32>
    %reduce_max3A_662 = vector.extract %reduce_max3A_661[15] : i32 from vector<16xi32>
    %eq3A_663 = arith.constant 3 : i32
    %eq3A_664 = vector.broadcast %eq3A_663 : i32 to vector<16xi32>
    %eq3A_665 = arith.cmpi eq, %iota3A, %eq3A_664 : vector<16xi32>
    %jit3A_666 = arith.constant 0 : i32
    %broadcast_in_dim3A_667 = vector.broadcast %jit3A_666 : i32 to vector<16xi32>
    %select_n3A_668 = arith.select %eq3A_665, %min3A_564, %broadcast_in_dim3A_667 : vector<16xi1>, vector<16xi32>
    %reduce_max3A_669 = arith.constant true
    %reduce_max3A_670 = vector.broadcast %reduce_max3A_669 : i1 to vector<16xi1>
    %reduce_max3A_671 = arith.constant -2147483648 : i32
    %reduce_max3A_672 = vector.broadcast %reduce_max3A_671 : i32 to vector<16xi32>
    %reduce_max3A_673 = arith.xori %select_n3A_668, %reduce_max3A_672 : vector<16xi32>
    %reduce_max3A_674 = tpu.scan <max>, %reduce_max3A_673 masked %reduce_max3A_670 : vector<16xi32>, vector<16xi1> -> vector<16xi32>
    %reduce_max3A_675 = arith.xori %reduce_max3A_674, %reduce_max3A_672 : vector<16xi32>
    %reduce_max3A_676 = vector.extract %reduce_max3A_675[15] : i32 from vector<16xi32>
    %eq3A_677 = arith.constant 4 : i32
    %eq3A_678 = vector.broadcast %eq3A_677 : i32 to vector<16xi32>
    %eq3A_679 = arith.cmpi eq, %iota3A, %eq3A_678 : vector<16xi32>
    %jit3A_680 = arith.constant 0 : i32
    %broadcast_in_dim3A_681 = vector.broadcast %jit3A_680 : i32 to vector<16xi32>
    %select_n3A_682 = arith.select %eq3A_679, %min3A_554, %broadcast_in_dim3A_681 : vector<16xi1>, vector<16xi32>
    %reduce_max3A_683 = arith.constant true
    %reduce_max3A_684 = vector.broadcast %reduce_max3A_683 : i1 to vector<16xi1>
    %reduce_max3A_685 = arith.constant -2147483648 : i32
    %reduce_max3A_686 = vector.broadcast %reduce_max3A_685 : i32 to vector<16xi32>
    %reduce_max3A_687 = arith.xori %select_n3A_682, %reduce_max3A_686 : vector<16xi32>
    %reduce_max3A_688 = tpu.scan <max>, %reduce_max3A_687 masked %reduce_max3A_684 : vector<16xi32>, vector<16xi1> -> vector<16xi32>
    %reduce_max3A_689 = arith.xori %reduce_max3A_688, %reduce_max3A_686 : vector<16xi32>
    %reduce_max3A_690 = vector.extract %reduce_max3A_689[15] : i32 from vector<16xi32>
    %eq3A_691 = arith.constant 4 : i32
    %eq3A_692 = vector.broadcast %eq3A_691 : i32 to vector<16xi32>
    %eq3A_693 = arith.cmpi eq, %iota3A, %eq3A_692 : vector<16xi32>
    %jit3A_694 = arith.constant 0 : i32
    %broadcast_in_dim3A_695 = vector.broadcast %jit3A_694 : i32 to vector<16xi32>
    %select_n3A_696 = arith.select %eq3A_693, %min3A_564, %broadcast_in_dim3A_695 : vector<16xi1>, vector<16xi32>
    %reduce_max3A_697 = arith.constant true
    %reduce_max3A_698 = vector.broadcast %reduce_max3A_697 : i1 to vector<16xi1>
    %reduce_max3A_699 = arith.constant -2147483648 : i32
    %reduce_max3A_700 = vector.broadcast %reduce_max3A_699 : i32 to vector<16xi32>
    %reduce_max3A_701 = arith.xori %select_n3A_696, %reduce_max3A_700 : vector<16xi32>
    %reduce_max3A_702 = tpu.scan <max>, %reduce_max3A_701 masked %reduce_max3A_698 : vector<16xi32>, vector<16xi1> -> vector<16xi32>
    %reduce_max3A_703 = arith.xori %reduce_max3A_702, %reduce_max3A_700 : vector<16xi32>
    %reduce_max3A_704 = vector.extract %reduce_max3A_703[15] : i32 from vector<16xi32>
    %eq3A_705 = arith.constant 5 : i32
    %eq3A_706 = vector.broadcast %eq3A_705 : i32 to vector<16xi32>
    %eq3A_707 = arith.cmpi eq, %iota3A, %eq3A_706 : vector<16xi32>
    %jit3A_708 = arith.constant 0 : i32
    %broadcast_in_dim3A_709 = vector.broadcast %jit3A_708 : i32 to vector<16xi32>
    %select_n3A_710 = arith.select %eq3A_707, %min3A_554, %broadcast_in_dim3A_709 : vector<16xi1>, vector<16xi32>
    %reduce_max3A_711 = arith.constant true
    %reduce_max3A_712 = vector.broadcast %reduce_max3A_711 : i1 to vector<16xi1>
    %reduce_max3A_713 = arith.constant -2147483648 : i32
    %reduce_max3A_714 = vector.broadcast %reduce_max3A_713 : i32 to vector<16xi32>
    %reduce_max3A_715 = arith.xori %select_n3A_710, %reduce_max3A_714 : vector<16xi32>
    %reduce_max3A_716 = tpu.scan <max>, %reduce_max3A_715 masked %reduce_max3A_712 : vector<16xi32>, vector<16xi1> -> vector<16xi32>
    %reduce_max3A_717 = arith.xori %reduce_max3A_716, %reduce_max3A_714 : vector<16xi32>
    %reduce_max3A_718 = vector.extract %reduce_max3A_717[15] : i32 from vector<16xi32>
    %eq3A_719 = arith.constant 5 : i32
    %eq3A_720 = vector.broadcast %eq3A_719 : i32 to vector<16xi32>
    %eq3A_721 = arith.cmpi eq, %iota3A, %eq3A_720 : vector<16xi32>
    %jit3A_722 = arith.constant 0 : i32
    %broadcast_in_dim3A_723 = vector.broadcast %jit3A_722 : i32 to vector<16xi32>
    %select_n3A_724 = arith.select %eq3A_721, %min3A_564, %broadcast_in_dim3A_723 : vector<16xi1>, vector<16xi32>
    %reduce_max3A_725 = arith.constant true
    %reduce_max3A_726 = vector.broadcast %reduce_max3A_725 : i1 to vector<16xi1>
    %reduce_max3A_727 = arith.constant -2147483648 : i32
    %reduce_max3A_728 = vector.broadcast %reduce_max3A_727 : i32 to vector<16xi32>
    %reduce_max3A_729 = arith.xori %select_n3A_724, %reduce_max3A_728 : vector<16xi32>
    %reduce_max3A_730 = tpu.scan <max>, %reduce_max3A_729 masked %reduce_max3A_726 : vector<16xi32>, vector<16xi1> -> vector<16xi32>
    %reduce_max3A_731 = arith.xori %reduce_max3A_730, %reduce_max3A_728 : vector<16xi32>
    %reduce_max3A_732 = vector.extract %reduce_max3A_731[15] : i32 from vector<16xi32>
    %eq3A_733 = arith.constant 6 : i32
    %eq3A_734 = vector.broadcast %eq3A_733 : i32 to vector<16xi32>
    %eq3A_735 = arith.cmpi eq, %iota3A, %eq3A_734 : vector<16xi32>
    %jit3A_736 = arith.constant 0 : i32
    %broadcast_in_dim3A_737 = vector.broadcast %jit3A_736 : i32 to vector<16xi32>
    %select_n3A_738 = arith.select %eq3A_735, %min3A_554, %broadcast_in_dim3A_737 : vector<16xi1>, vector<16xi32>
    %reduce_max3A_739 = arith.constant true
    %reduce_max3A_740 = vector.broadcast %reduce_max3A_739 : i1 to vector<16xi1>
    %reduce_max3A_741 = arith.constant -2147483648 : i32
    %reduce_max3A_742 = vector.broadcast %reduce_max3A_741 : i32 to vector<16xi32>
    %reduce_max3A_743 = arith.xori %select_n3A_738, %reduce_max3A_742 : vector<16xi32>
    %reduce_max3A_744 = tpu.scan <max>, %reduce_max3A_743 masked %reduce_max3A_740 : vector<16xi32>, vector<16xi1> -> vector<16xi32>
    %reduce_max3A_745 = arith.xori %reduce_max3A_744, %reduce_max3A_742 : vector<16xi32>
    %reduce_max3A_746 = vector.extract %reduce_max3A_745[15] : i32 from vector<16xi32>
    %eq3A_747 = arith.constant 6 : i32
    %eq3A_748 = vector.broadcast %eq3A_747 : i32 to vector<16xi32>
    %eq3A_749 = arith.cmpi eq, %iota3A, %eq3A_748 : vector<16xi32>
    %jit3A_750 = arith.constant 0 : i32
    %broadcast_in_dim3A_751 = vector.broadcast %jit3A_750 : i32 to vector<16xi32>
    %select_n3A_752 = arith.select %eq3A_749, %min3A_564, %broadcast_in_dim3A_751 : vector<16xi1>, vector<16xi32>
    %reduce_max3A_753 = arith.constant true
    %reduce_max3A_754 = vector.broadcast %reduce_max3A_753 : i1 to vector<16xi1>
    %reduce_max3A_755 = arith.constant -2147483648 : i32
    %reduce_max3A_756 = vector.broadcast %reduce_max3A_755 : i32 to vector<16xi32>
    %reduce_max3A_757 = arith.xori %select_n3A_752, %reduce_max3A_756 : vector<16xi32>
    %reduce_max3A_758 = tpu.scan <max>, %reduce_max3A_757 masked %reduce_max3A_754 : vector<16xi32>, vector<16xi1> -> vector<16xi32>
    %reduce_max3A_759 = arith.xori %reduce_max3A_758, %reduce_max3A_756 : vector<16xi32>
    %reduce_max3A_760 = vector.extract %reduce_max3A_759[15] : i32 from vector<16xi32>
    %eq3A_761 = arith.constant 7 : i32
    %eq3A_762 = vector.broadcast %eq3A_761 : i32 to vector<16xi32>
    %eq3A_763 = arith.cmpi eq, %iota3A, %eq3A_762 : vector<16xi32>
    %jit3A_764 = arith.constant 0 : i32
    %broadcast_in_dim3A_765 = vector.broadcast %jit3A_764 : i32 to vector<16xi32>
    %select_n3A_766 = arith.select %eq3A_763, %min3A_554, %broadcast_in_dim3A_765 : vector<16xi1>, vector<16xi32>
    %reduce_max3A_767 = arith.constant true
    %reduce_max3A_768 = vector.broadcast %reduce_max3A_767 : i1 to vector<16xi1>
    %reduce_max3A_769 = arith.constant -2147483648 : i32
    %reduce_max3A_770 = vector.broadcast %reduce_max3A_769 : i32 to vector<16xi32>
    %reduce_max3A_771 = arith.xori %select_n3A_766, %reduce_max3A_770 : vector<16xi32>
    %reduce_max3A_772 = tpu.scan <max>, %reduce_max3A_771 masked %reduce_max3A_768 : vector<16xi32>, vector<16xi1> -> vector<16xi32>
    %reduce_max3A_773 = arith.xori %reduce_max3A_772, %reduce_max3A_770 : vector<16xi32>
    %reduce_max3A_774 = vector.extract %reduce_max3A_773[15] : i32 from vector<16xi32>
    %eq3A_775 = arith.constant 7 : i32
    %eq3A_776 = vector.broadcast %eq3A_775 : i32 to vector<16xi32>
    %eq3A_777 = arith.cmpi eq, %iota3A, %eq3A_776 : vector<16xi32>
    %jit3A_778 = arith.constant 0 : i32
    %broadcast_in_dim3A_779 = vector.broadcast %jit3A_778 : i32 to vector<16xi32>
    %select_n3A_780 = arith.select %eq3A_777, %min3A_564, %broadcast_in_dim3A_779 : vector<16xi1>, vector<16xi32>
    %reduce_max3A_781 = arith.constant true
    %reduce_max3A_782 = vector.broadcast %reduce_max3A_781 : i1 to vector<16xi1>
    %reduce_max3A_783 = arith.constant -2147483648 : i32
    %reduce_max3A_784 = vector.broadcast %reduce_max3A_783 : i32 to vector<16xi32>
    %reduce_max3A_785 = arith.xori %select_n3A_780, %reduce_max3A_784 : vector<16xi32>
    %reduce_max3A_786 = tpu.scan <max>, %reduce_max3A_785 masked %reduce_max3A_782 : vector<16xi32>, vector<16xi1> -> vector<16xi32>
    %reduce_max3A_787 = arith.xori %reduce_max3A_786, %reduce_max3A_784 : vector<16xi32>
    %reduce_max3A_788 = vector.extract %reduce_max3A_787[15] : i32 from vector<16xi32>
    %dma_start3A = arith.constant 0 : i32
    %dma_start3A_789 = arith.constant 0 : i32
    %dma_start3A_790 = tpu.memref_slice %arg8[%dma_start3A, %dma_start3A_789] : memref<8x255xf32, #tpu.memory_space<vmem>> -> memref<1x255xf32, #tpu.memory_space<vmem>>
    %dma_start3A_791 = tpu.memref_squeeze %dma_start3A_790 : memref<1x255xf32, #tpu.memory_space<vmem>> -> memref<255xf32, #tpu.memory_space<vmem>>
    %dma_start3A_792 = arith.constant 0 : i32
    %dma_start3A_793 = tpu.memref_slice %arg2[%select_n3A, %reduce_max3A_104, %reduce_max3A_90, %dma_start3A_792] : memref<8x80x80x255xf32, #tpu.memory_space<hbm>> -> memref<1x1x1x255xf32, #tpu.memory_space<hbm>>
    %dma_start3A_794 = tpu.memref_squeeze %dma_start3A_793 : memref<1x1x1x255xf32, #tpu.memory_space<hbm>> -> memref<255xf32, #tpu.memory_space<hbm>>
    %dma_start3A_795 = arith.constant 0 : i32
    %dma_start3A_796 = tpu.memref_slice %arg8[%dma_start3A, %dma_start3A_795] : memref<8x255xf32, #tpu.memory_space<vmem>> -> memref<1x255xf32, #tpu.memory_space<vmem>>
    %dma_start3A_797 = tpu.memref_squeeze %dma_start3A_796 : memref<1x255xf32, #tpu.memory_space<vmem>> -> memref<255xf32, #tpu.memory_space<vmem>>
    %dma_start3A_798 = arith.constant 0 : i32
    %dma_start3A_799 = tpu.memref_slice %arg2[%select_n3A, %reduce_max3A_104, %reduce_max3A_90, %dma_start3A_798] : memref<8x80x80x255xf32, #tpu.memory_space<hbm>> -> memref<1x1x1x255xf32, #tpu.memory_space<hbm>>
    %dma_start3A_800 = tpu.memref_squeeze %dma_start3A_799 : memref<1x1x1x255xf32, #tpu.memory_space<hbm>> -> memref<255xf32, #tpu.memory_space<hbm>>
    tpu.enqueue_dma source(%dma_start3A_800 : memref<255xf32, #tpu.memory_space<hbm>>) target(%dma_start3A_797 : memref<255xf32, #tpu.memory_space<vmem>>) target_semaphore(%arg11 : memref<!tpu.dma_semaphore, #tpu.memory_space<semaphore_mem>>)
    %dma_start3A_801 = arith.constant 1 : i32
    %dma_start3A_802 = arith.constant 0 : i32
    %dma_start3A_803 = tpu.memref_slice %arg8[%dma_start3A_801, %dma_start3A_802] : memref<8x255xf32, #tpu.memory_space<vmem>> -> memref<1x255xf32, #tpu.memory_space<vmem>>
    %dma_start3A_804 = tpu.memref_squeeze %dma_start3A_803 : memref<1x255xf32, #tpu.memory_space<vmem>> -> memref<255xf32, #tpu.memory_space<vmem>>
    %dma_start3A_805 = arith.constant 0 : i32
    %dma_start3A_806 = tpu.memref_slice %arg2[%select_n3A, %reduce_max3A_132, %reduce_max3A_118, %dma_start3A_805] : memref<8x80x80x255xf32, #tpu.memory_space<hbm>> -> memref<1x1x1x255xf32, #tpu.memory_space<hbm>>
    %dma_start3A_807 = tpu.memref_squeeze %dma_start3A_806 : memref<1x1x1x255xf32, #tpu.memory_space<hbm>> -> memref<255xf32, #tpu.memory_space<hbm>>
    %dma_start3A_808 = arith.constant 0 : i32
    %dma_start3A_809 = tpu.memref_slice %arg8[%dma_start3A_801, %dma_start3A_808] : memref<8x255xf32, #tpu.memory_space<vmem>> -> memref<1x255xf32, #tpu.memory_space<vmem>>
    %dma_start3A_810 = tpu.memref_squeeze %dma_start3A_809 : memref<1x255xf32, #tpu.memory_space<vmem>> -> memref<255xf32, #tpu.memory_space<vmem>>
    %dma_start3A_811 = arith.constant 0 : i32
    %dma_start3A_812 = tpu.memref_slice %arg2[%select_n3A, %reduce_max3A_132, %reduce_max3A_118, %dma_start3A_811] : memref<8x80x80x255xf32, #tpu.memory_space<hbm>> -> memref<1x1x1x255xf32, #tpu.memory_space<hbm>>
    %dma_start3A_813 = tpu.memref_squeeze %dma_start3A_812 : memref<1x1x1x255xf32, #tpu.memory_space<hbm>> -> memref<255xf32, #tpu.memory_space<hbm>>
    tpu.enqueue_dma source(%dma_start3A_813 : memref<255xf32, #tpu.memory_space<hbm>>) target(%dma_start3A_810 : memref<255xf32, #tpu.memory_space<vmem>>) target_semaphore(%arg11 : memref<!tpu.dma_semaphore, #tpu.memory_space<semaphore_mem>>)
    %dma_start3A_814 = arith.constant 2 : i32
    %dma_start3A_815 = arith.constant 0 : i32
    %dma_start3A_816 = tpu.memref_slice %arg8[%dma_start3A_814, %dma_start3A_815] : memref<8x255xf32, #tpu.memory_space<vmem>> -> memref<1x255xf32, #tpu.memory_space<vmem>>
    %dma_start3A_817 = tpu.memref_squeeze %dma_start3A_816 : memref<1x255xf32, #tpu.memory_space<vmem>> -> memref<255xf32, #tpu.memory_space<vmem>>
    %dma_start3A_818 = arith.constant 0 : i32
    %dma_start3A_819 = tpu.memref_slice %arg2[%select_n3A, %reduce_max3A_160, %reduce_max3A_146, %dma_start3A_818] : memref<8x80x80x255xf32, #tpu.memory_space<hbm>> -> memref<1x1x1x255xf32, #tpu.memory_space<hbm>>
    %dma_start3A_820 = tpu.memref_squeeze %dma_start3A_819 : memref<1x1x1x255xf32, #tpu.memory_space<hbm>> -> memref<255xf32, #tpu.memory_space<hbm>>
    %dma_start3A_821 = arith.constant 0 : i32
    %dma_start3A_822 = tpu.memref_slice %arg8[%dma_start3A_814, %dma_start3A_821] : memref<8x255xf32, #tpu.memory_space<vmem>> -> memref<1x255xf32, #tpu.memory_space<vmem>>
    %dma_start3A_823 = tpu.memref_squeeze %dma_start3A_822 : memref<1x255xf32, #tpu.memory_space<vmem>> -> memref<255xf32, #tpu.memory_space<vmem>>
    %dma_start3A_824 = arith.constant 0 : i32
    %dma_start3A_825 = tpu.memref_slice %arg2[%select_n3A, %reduce_max3A_160, %reduce_max3A_146, %dma_start3A_824] : memref<8x80x80x255xf32, #tpu.memory_space<hbm>> -> memref<1x1x1x255xf32, #tpu.memory_space<hbm>>
    %dma_start3A_826 = tpu.memref_squeeze %dma_start3A_825 : memref<1x1x1x255xf32, #tpu.memory_space<hbm>> -> memref<255xf32, #tpu.memory_space<hbm>>
    tpu.enqueue_dma source(%dma_start3A_826 : memref<255xf32, #tpu.memory_space<hbm>>) target(%dma_start3A_823 : memref<255xf32, #tpu.memory_space<vmem>>) target_semaphore(%arg11 : memref<!tpu.dma_semaphore, #tpu.memory_space<semaphore_mem>>)
    %dma_start3A_827 = arith.constant 3 : i32
    %dma_start3A_828 = arith.constant 0 : i32
    %dma_start3A_829 = tpu.memref_slice %arg8[%dma_start3A_827, %dma_start3A_828] : memref<8x255xf32, #tpu.memory_space<vmem>> -> memref<1x255xf32, #tpu.memory_space<vmem>>
    %dma_start3A_830 = tpu.memref_squeeze %dma_start3A_829 : memref<1x255xf32, #tpu.memory_space<vmem>> -> memref<255xf32, #tpu.memory_space<vmem>>
    %dma_start3A_831 = arith.constant 0 : i32
    %dma_start3A_832 = tpu.memref_slice %arg2[%select_n3A, %reduce_max3A_188, %reduce_max3A_174, %dma_start3A_831] : memref<8x80x80x255xf32, #tpu.memory_space<hbm>> -> memref<1x1x1x255xf32, #tpu.memory_space<hbm>>
    %dma_start3A_833 = tpu.memref_squeeze %dma_start3A_832 : memref<1x1x1x255xf32, #tpu.memory_space<hbm>> -> memref<255xf32, #tpu.memory_space<hbm>>
    %dma_start3A_834 = arith.constant 0 : i32
    %dma_start3A_835 = tpu.memref_slice %arg8[%dma_start3A_827, %dma_start3A_834] : memref<8x255xf32, #tpu.memory_space<vmem>> -> memref<1x255xf32, #tpu.memory_space<vmem>>
    %dma_start3A_836 = tpu.memref_squeeze %dma_start3A_835 : memref<1x255xf32, #tpu.memory_space<vmem>> -> memref<255xf32, #tpu.memory_space<vmem>>
    %dma_start3A_837 = arith.constant 0 : i32
    %dma_start3A_838 = tpu.memref_slice %arg2[%select_n3A, %reduce_max3A_188, %reduce_max3A_174, %dma_start3A_837] : memref<8x80x80x255xf32, #tpu.memory_space<hbm>> -> memref<1x1x1x255xf32, #tpu.memory_space<hbm>>
    %dma_start3A_839 = tpu.memref_squeeze %dma_start3A_838 : memref<1x1x1x255xf32, #tpu.memory_space<hbm>> -> memref<255xf32, #tpu.memory_space<hbm>>
    tpu.enqueue_dma source(%dma_start3A_839 : memref<255xf32, #tpu.memory_space<hbm>>) target(%dma_start3A_836 : memref<255xf32, #tpu.memory_space<vmem>>) target_semaphore(%arg11 : memref<!tpu.dma_semaphore, #tpu.memory_space<semaphore_mem>>)
    %dma_start3A_840 = arith.constant 4 : i32
    %dma_start3A_841 = arith.constant 0 : i32
    %dma_start3A_842 = tpu.memref_slice %arg8[%dma_start3A_840, %dma_start3A_841] : memref<8x255xf32, #tpu.memory_space<vmem>> -> memref<1x255xf32, #tpu.memory_space<vmem>>
    %dma_start3A_843 = tpu.memref_squeeze %dma_start3A_842 : memref<1x255xf32, #tpu.memory_space<vmem>> -> memref<255xf32, #tpu.memory_space<vmem>>
    %dma_start3A_844 = arith.constant 0 : i32
    %dma_start3A_845 = tpu.memref_slice %arg2[%select_n3A, %reduce_max3A_216, %reduce_max3A_202, %dma_start3A_844] : memref<8x80x80x255xf32, #tpu.memory_space<hbm>> -> memref<1x1x1x255xf32, #tpu.memory_space<hbm>>
    %dma_start3A_846 = tpu.memref_squeeze %dma_start3A_845 : memref<1x1x1x255xf32, #tpu.memory_space<hbm>> -> memref<255xf32, #tpu.memory_space<hbm>>
    %dma_start3A_847 = arith.constant 0 : i32
    %dma_start3A_848 = tpu.memref_slice %arg8[%dma_start3A_840, %dma_start3A_847] : memref<8x255xf32, #tpu.memory_space<vmem>> -> memref<1x255xf32, #tpu.memory_space<vmem>>
    %dma_start3A_849 = tpu.memref_squeeze %dma_start3A_848 : memref<1x255xf32, #tpu.memory_space<vmem>> -> memref<255xf32, #tpu.memory_space<vmem>>
    %dma_start3A_850 = arith.constant 0 : i32
    %dma_start3A_851 = tpu.memref_slice %arg2[%select_n3A, %reduce_max3A_216, %reduce_max3A_202, %dma_start3A_850] : memref<8x80x80x255xf32, #tpu.memory_space<hbm>> -> memref<1x1x1x255xf32, #tpu.memory_space<hbm>>
    %dma_start3A_852 = tpu.memref_squeeze %dma_start3A_851 : memref<1x1x1x255xf32, #tpu.memory_space<hbm>> -> memref<255xf32, #tpu.memory_space<hbm>>
    tpu.enqueue_dma source(%dma_start3A_852 : memref<255xf32, #tpu.memory_space<hbm>>) target(%dma_start3A_849 : memref<255xf32, #tpu.memory_space<vmem>>) target_semaphore(%arg11 : memref<!tpu.dma_semaphore, #tpu.memory_space<semaphore_mem>>)
    %dma_start3A_853 = arith.constant 5 : i32
    %dma_start3A_854 = arith.constant 0 : i32
    %dma_start3A_855 = tpu.memref_slice %arg8[%dma_start3A_853, %dma_start3A_854] : memref<8x255xf32, #tpu.memory_space<vmem>> -> memref<1x255xf32, #tpu.memory_space<vmem>>
    %dma_start3A_856 = tpu.memref_squeeze %dma_start3A_855 : memref<1x255xf32, #tpu.memory_space<vmem>> -> memref<255xf32, #tpu.memory_space<vmem>>
    %dma_start3A_857 = arith.constant 0 : i32
    %dma_start3A_858 = tpu.memref_slice %arg2[%select_n3A, %reduce_max3A_244, %reduce_max3A_230, %dma_start3A_857] : memref<8x80x80x255xf32, #tpu.memory_space<hbm>> -> memref<1x1x1x255xf32, #tpu.memory_space<hbm>>
    %dma_start3A_859 = tpu.memref_squeeze %dma_start3A_858 : memref<1x1x1x255xf32, #tpu.memory_space<hbm>> -> memref<255xf32, #tpu.memory_space<hbm>>
    %dma_start3A_860 = arith.constant 0 : i32
    %dma_start3A_861 = tpu.memref_slice %arg8[%dma_start3A_853, %dma_start3A_860] : memref<8x255xf32, #tpu.memory_space<vmem>> -> memref<1x255xf32, #tpu.memory_space<vmem>>
    %dma_start3A_862 = tpu.memref_squeeze %dma_start3A_861 : memref<1x255xf32, #tpu.memory_space<vmem>> -> memref<255xf32, #tpu.memory_space<vmem>>
    %dma_start3A_863 = arith.constant 0 : i32
    %dma_start3A_864 = tpu.memref_slice %arg2[%select_n3A, %reduce_max3A_244, %reduce_max3A_230, %dma_start3A_863] : memref<8x80x80x255xf32, #tpu.memory_space<hbm>> -> memref<1x1x1x255xf32, #tpu.memory_space<hbm>>
    %dma_start3A_865 = tpu.memref_squeeze %dma_start3A_864 : memref<1x1x1x255xf32, #tpu.memory_space<hbm>> -> memref<255xf32, #tpu.memory_space<hbm>>
    tpu.enqueue_dma source(%dma_start3A_865 : memref<255xf32, #tpu.memory_space<hbm>>) target(%dma_start3A_862 : memref<255xf32, #tpu.memory_space<vmem>>) target_semaphore(%arg11 : memref<!tpu.dma_semaphore, #tpu.memory_space<semaphore_mem>>)
    %dma_start3A_866 = arith.constant 6 : i32
    %dma_start3A_867 = arith.constant 0 : i32
    %dma_start3A_868 = tpu.memref_slice %arg8[%dma_start3A_866, %dma_start3A_867] : memref<8x255xf32, #tpu.memory_space<vmem>> -> memref<1x255xf32, #tpu.memory_space<vmem>>
    %dma_start3A_869 = tpu.memref_squeeze %dma_start3A_868 : memref<1x255xf32, #tpu.memory_space<vmem>> -> memref<255xf32, #tpu.memory_space<vmem>>
    %dma_start3A_870 = arith.constant 0 : i32
    %dma_start3A_871 = tpu.memref_slice %arg2[%select_n3A, %reduce_max3A_272, %reduce_max3A_258, %dma_start3A_870] : memref<8x80x80x255xf32, #tpu.memory_space<hbm>> -> memref<1x1x1x255xf32, #tpu.memory_space<hbm>>
    %dma_start3A_872 = tpu.memref_squeeze %dma_start3A_871 : memref<1x1x1x255xf32, #tpu.memory_space<hbm>> -> memref<255xf32, #tpu.memory_space<hbm>>
    %dma_start3A_873 = arith.constant 0 : i32
    %dma_start3A_874 = tpu.memref_slice %arg8[%dma_start3A_866, %dma_start3A_873] : memref<8x255xf32, #tpu.memory_space<vmem>> -> memref<1x255xf32, #tpu.memory_space<vmem>>
    %dma_start3A_875 = tpu.memref_squeeze %dma_start3A_874 : memref<1x255xf32, #tpu.memory_space<vmem>> -> memref<255xf32, #tpu.memory_space<vmem>>
    %dma_start3A_876 = arith.constant 0 : i32
    %dma_start3A_877 = tpu.memref_slice %arg2[%select_n3A, %reduce_max3A_272, %reduce_max3A_258, %dma_start3A_876] : memref<8x80x80x255xf32, #tpu.memory_space<hbm>> -> memref<1x1x1x255xf32, #tpu.memory_space<hbm>>
    %dma_start3A_878 = tpu.memref_squeeze %dma_start3A_877 : memref<1x1x1x255xf32, #tpu.memory_space<hbm>> -> memref<255xf32, #tpu.memory_space<hbm>>
    tpu.enqueue_dma source(%dma_start3A_878 : memref<255xf32, #tpu.memory_space<hbm>>) target(%dma_start3A_875 : memref<255xf32, #tpu.memory_space<vmem>>) target_semaphore(%arg11 : memref<!tpu.dma_semaphore, #tpu.memory_space<semaphore_mem>>)
    %dma_start3A_879 = arith.constant 7 : i32
    %dma_start3A_880 = arith.constant 0 : i32
    %dma_start3A_881 = tpu.memref_slice %arg8[%dma_start3A_879, %dma_start3A_880] : memref<8x255xf32, #tpu.memory_space<vmem>> -> memref<1x255xf32, #tpu.memory_space<vmem>>
    %dma_start3A_882 = tpu.memref_squeeze %dma_start3A_881 : memref<1x255xf32, #tpu.memory_space<vmem>> -> memref<255xf32, #tpu.memory_space<vmem>>
    %dma_start3A_883 = arith.constant 0 : i32
    %dma_start3A_884 = tpu.memref_slice %arg2[%select_n3A, %reduce_max3A_300, %reduce_max3A_286, %dma_start3A_883] : memref<8x80x80x255xf32, #tpu.memory_space<hbm>> -> memref<1x1x1x255xf32, #tpu.memory_space<hbm>>
    %dma_start3A_885 = tpu.memref_squeeze %dma_start3A_884 : memref<1x1x1x255xf32, #tpu.memory_space<hbm>> -> memref<255xf32, #tpu.memory_space<hbm>>
    %dma_start3A_886 = arith.constant 0 : i32
    %dma_start3A_887 = tpu.memref_slice %arg8[%dma_start3A_879, %dma_start3A_886] : memref<8x255xf32, #tpu.memory_space<vmem>> -> memref<1x255xf32, #tpu.memory_space<vmem>>
    %dma_start3A_888 = tpu.memref_squeeze %dma_start3A_887 : memref<1x255xf32, #tpu.memory_space<vmem>> -> memref<255xf32, #tpu.memory_space<vmem>>
    %dma_start3A_889 = arith.constant 0 : i32
    %dma_start3A_890 = tpu.memref_slice %arg2[%select_n3A, %reduce_max3A_300, %reduce_max3A_286, %dma_start3A_889] : memref<8x80x80x255xf32, #tpu.memory_space<hbm>> -> memref<1x1x1x255xf32, #tpu.memory_space<hbm>>
    %dma_start3A_891 = tpu.memref_squeeze %dma_start3A_890 : memref<1x1x1x255xf32, #tpu.memory_space<hbm>> -> memref<255xf32, #tpu.memory_space<hbm>>
    tpu.enqueue_dma source(%dma_start3A_891 : memref<255xf32, #tpu.memory_space<hbm>>) target(%dma_start3A_888 : memref<255xf32, #tpu.memory_space<vmem>>) target_semaphore(%arg11 : memref<!tpu.dma_semaphore, #tpu.memory_space<semaphore_mem>>)
    %dma_start3A_892 = arith.constant 0 : i32
    %dma_start3A_893 = arith.constant 0 : i32
    %dma_start3A_894 = tpu.memref_slice %arg9[%dma_start3A_892, %dma_start3A_893] : memref<8x255xf32, #tpu.memory_space<vmem>> -> memref<1x255xf32, #tpu.memory_space<vmem>>
    %dma_start3A_895 = tpu.memref_squeeze %dma_start3A_894 : memref<1x255xf32, #tpu.memory_space<vmem>> -> memref<255xf32, #tpu.memory_space<vmem>>
    %dma_start3A_896 = arith.constant 0 : i32
    %dma_start3A_897 = tpu.memref_slice %arg3[%select_n3A, %reduce_max3A_348, %reduce_max3A_334, %dma_start3A_896] : memref<8x40x40x255xf32, #tpu.memory_space<hbm>> -> memref<1x1x1x255xf32, #tpu.memory_space<hbm>>
    %dma_start3A_898 = tpu.memref_squeeze %dma_start3A_897 : memref<1x1x1x255xf32, #tpu.memory_space<hbm>> -> memref<255xf32, #tpu.memory_space<hbm>>
    %dma_start3A_899 = arith.constant 0 : i32
    %dma_start3A_900 = tpu.memref_slice %arg9[%dma_start3A_892, %dma_start3A_899] : memref<8x255xf32, #tpu.memory_space<vmem>> -> memref<1x255xf32, #tpu.memory_space<vmem>>
    %dma_start3A_901 = tpu.memref_squeeze %dma_start3A_900 : memref<1x255xf32, #tpu.memory_space<vmem>> -> memref<255xf32, #tpu.memory_space<vmem>>
    %dma_start3A_902 = arith.constant 0 : i32
    %dma_start3A_903 = tpu.memref_slice %arg3[%select_n3A, %reduce_max3A_348, %reduce_max3A_334, %dma_start3A_902] : memref<8x40x40x255xf32, #tpu.memory_space<hbm>> -> memref<1x1x1x255xf32, #tpu.memory_space<hbm>>
    %dma_start3A_904 = tpu.memref_squeeze %dma_start3A_903 : memref<1x1x1x255xf32, #tpu.memory_space<hbm>> -> memref<255xf32, #tpu.memory_space<hbm>>
    tpu.enqueue_dma source(%dma_start3A_904 : memref<255xf32, #tpu.memory_space<hbm>>) target(%dma_start3A_901 : memref<255xf32, #tpu.memory_space<vmem>>) target_semaphore(%arg11 : memref<!tpu.dma_semaphore, #tpu.memory_space<semaphore_mem>>)
    %dma_start3A_905 = arith.constant 1 : i32
    %dma_start3A_906 = arith.constant 0 : i32
    %dma_start3A_907 = tpu.memref_slice %arg9[%dma_start3A_905, %dma_start3A_906] : memref<8x255xf32, #tpu.memory_space<vmem>> -> memref<1x255xf32, #tpu.memory_space<vmem>>
    %dma_start3A_908 = tpu.memref_squeeze %dma_start3A_907 : memref<1x255xf32, #tpu.memory_space<vmem>> -> memref<255xf32, #tpu.memory_space<vmem>>
    %dma_start3A_909 = arith.constant 0 : i32
    %dma_start3A_910 = tpu.memref_slice %arg3[%select_n3A, %reduce_max3A_376, %reduce_max3A_362, %dma_start3A_909] : memref<8x40x40x255xf32, #tpu.memory_space<hbm>> -> memref<1x1x1x255xf32, #tpu.memory_space<hbm>>
    %dma_start3A_911 = tpu.memref_squeeze %dma_start3A_910 : memref<1x1x1x255xf32, #tpu.memory_space<hbm>> -> memref<255xf32, #tpu.memory_space<hbm>>
    %dma_start3A_912 = arith.constant 0 : i32
    %dma_start3A_913 = tpu.memref_slice %arg9[%dma_start3A_905, %dma_start3A_912] : memref<8x255xf32, #tpu.memory_space<vmem>> -> memref<1x255xf32, #tpu.memory_space<vmem>>
    %dma_start3A_914 = tpu.memref_squeeze %dma_start3A_913 : memref<1x255xf32, #tpu.memory_space<vmem>> -> memref<255xf32, #tpu.memory_space<vmem>>
    %dma_start3A_915 = arith.constant 0 : i32
    %dma_start3A_916 = tpu.memref_slice %arg3[%select_n3A, %reduce_max3A_376, %reduce_max3A_362, %dma_start3A_915] : memref<8x40x40x255xf32, #tpu.memory_space<hbm>> -> memref<1x1x1x255xf32, #tpu.memory_space<hbm>>
    %dma_start3A_917 = tpu.memref_squeeze %dma_start3A_916 : memref<1x1x1x255xf32, #tpu.memory_space<hbm>> -> memref<255xf32, #tpu.memory_space<hbm>>
    tpu.enqueue_dma source(%dma_start3A_917 : memref<255xf32, #tpu.memory_space<hbm>>) target(%dma_start3A_914 : memref<255xf32, #tpu.memory_space<vmem>>) target_semaphore(%arg11 : memref<!tpu.dma_semaphore, #tpu.memory_space<semaphore_mem>>)
    %dma_start3A_918 = arith.constant 2 : i32
    %dma_start3A_919 = arith.constant 0 : i32
    %dma_start3A_920 = tpu.memref_slice %arg9[%dma_start3A_918, %dma_start3A_919] : memref<8x255xf32, #tpu.memory_space<vmem>> -> memref<1x255xf32, #tpu.memory_space<vmem>>
    %dma_start3A_921 = tpu.memref_squeeze %dma_start3A_920 : memref<1x255xf32, #tpu.memory_space<vmem>> -> memref<255xf32, #tpu.memory_space<vmem>>
    %dma_start3A_922 = arith.constant 0 : i32
    %dma_start3A_923 = tpu.memref_slice %arg3[%select_n3A, %reduce_max3A_404, %reduce_max3A_390, %dma_start3A_922] : memref<8x40x40x255xf32, #tpu.memory_space<hbm>> -> memref<1x1x1x255xf32, #tpu.memory_space<hbm>>
    %dma_start3A_924 = tpu.memref_squeeze %dma_start3A_923 : memref<1x1x1x255xf32, #tpu.memory_space<hbm>> -> memref<255xf32, #tpu.memory_space<hbm>>
    %dma_start3A_925 = arith.constant 0 : i32
    %dma_start3A_926 = tpu.memref_slice %arg9[%dma_start3A_918, %dma_start3A_925] : memref<8x255xf32, #tpu.memory_space<vmem>> -> memref<1x255xf32, #tpu.memory_space<vmem>>
    %dma_start3A_927 = tpu.memref_squeeze %dma_start3A_926 : memref<1x255xf32, #tpu.memory_space<vmem>> -> memref<255xf32, #tpu.memory_space<vmem>>
    %dma_start3A_928 = arith.constant 0 : i32
    %dma_start3A_929 = tpu.memref_slice %arg3[%select_n3A, %reduce_max3A_404, %reduce_max3A_390, %dma_start3A_928] : memref<8x40x40x255xf32, #tpu.memory_space<hbm>> -> memref<1x1x1x255xf32, #tpu.memory_space<hbm>>
    %dma_start3A_930 = tpu.memref_squeeze %dma_start3A_929 : memref<1x1x1x255xf32, #tpu.memory_space<hbm>> -> memref<255xf32, #tpu.memory_space<hbm>>
    tpu.enqueue_dma source(%dma_start3A_930 : memref<255xf32, #tpu.memory_space<hbm>>) target(%dma_start3A_927 : memref<255xf32, #tpu.memory_space<vmem>>) target_semaphore(%arg11 : memref<!tpu.dma_semaphore, #tpu.memory_space<semaphore_mem>>)
    %dma_start3A_931 = arith.constant 3 : i32
    %dma_start3A_932 = arith.constant 0 : i32
    %dma_start3A_933 = tpu.memref_slice %arg9[%dma_start3A_931, %dma_start3A_932] : memref<8x255xf32, #tpu.memory_space<vmem>> -> memref<1x255xf32, #tpu.memory_space<vmem>>
    %dma_start3A_934 = tpu.memref_squeeze %dma_start3A_933 : memref<1x255xf32, #tpu.memory_space<vmem>> -> memref<255xf32, #tpu.memory_space<vmem>>
    %dma_start3A_935 = arith.constant 0 : i32
    %dma_start3A_936 = tpu.memref_slice %arg3[%select_n3A, %reduce_max3A_432, %reduce_max3A_418, %dma_start3A_935] : memref<8x40x40x255xf32, #tpu.memory_space<hbm>> -> memref<1x1x1x255xf32, #tpu.memory_space<hbm>>
    %dma_start3A_937 = tpu.memref_squeeze %dma_start3A_936 : memref<1x1x1x255xf32, #tpu.memory_space<hbm>> -> memref<255xf32, #tpu.memory_space<hbm>>
    %dma_start3A_938 = arith.constant 0 : i32
    %dma_start3A_939 = tpu.memref_slice %arg9[%dma_start3A_931, %dma_start3A_938] : memref<8x255xf32, #tpu.memory_space<vmem>> -> memref<1x255xf32, #tpu.memory_space<vmem>>
    %dma_start3A_940 = tpu.memref_squeeze %dma_start3A_939 : memref<1x255xf32, #tpu.memory_space<vmem>> -> memref<255xf32, #tpu.memory_space<vmem>>
    %dma_start3A_941 = arith.constant 0 : i32
    %dma_start3A_942 = tpu.memref_slice %arg3[%select_n3A, %reduce_max3A_432, %reduce_max3A_418, %dma_start3A_941] : memref<8x40x40x255xf32, #tpu.memory_space<hbm>> -> memref<1x1x1x255xf32, #tpu.memory_space<hbm>>
    %dma_start3A_943 = tpu.memref_squeeze %dma_start3A_942 : memref<1x1x1x255xf32, #tpu.memory_space<hbm>> -> memref<255xf32, #tpu.memory_space<hbm>>
    tpu.enqueue_dma source(%dma_start3A_943 : memref<255xf32, #tpu.memory_space<hbm>>) target(%dma_start3A_940 : memref<255xf32, #tpu.memory_space<vmem>>) target_semaphore(%arg11 : memref<!tpu.dma_semaphore, #tpu.memory_space<semaphore_mem>>)
    %dma_start3A_944 = arith.constant 4 : i32
    %dma_start3A_945 = arith.constant 0 : i32
    %dma_start3A_946 = tpu.memref_slice %arg9[%dma_start3A_944, %dma_start3A_945] : memref<8x255xf32, #tpu.memory_space<vmem>> -> memref<1x255xf32, #tpu.memory_space<vmem>>
    %dma_start3A_947 = tpu.memref_squeeze %dma_start3A_946 : memref<1x255xf32, #tpu.memory_space<vmem>> -> memref<255xf32, #tpu.memory_space<vmem>>
    %dma_start3A_948 = arith.constant 0 : i32
    %dma_start3A_949 = tpu.memref_slice %arg3[%select_n3A, %reduce_max3A_460, %reduce_max3A_446, %dma_start3A_948] : memref<8x40x40x255xf32, #tpu.memory_space<hbm>> -> memref<1x1x1x255xf32, #tpu.memory_space<hbm>>
    %dma_start3A_950 = tpu.memref_squeeze %dma_start3A_949 : memref<1x1x1x255xf32, #tpu.memory_space<hbm>> -> memref<255xf32, #tpu.memory_space<hbm>>
    %dma_start3A_951 = arith.constant 0 : i32
    %dma_start3A_952 = tpu.memref_slice %arg9[%dma_start3A_944, %dma_start3A_951] : memref<8x255xf32, #tpu.memory_space<vmem>> -> memref<1x255xf32, #tpu.memory_space<vmem>>
    %dma_start3A_953 = tpu.memref_squeeze %dma_start3A_952 : memref<1x255xf32, #tpu.memory_space<vmem>> -> memref<255xf32, #tpu.memory_space<vmem>>
    %dma_start3A_954 = arith.constant 0 : i32
    %dma_start3A_955 = tpu.memref_slice %arg3[%select_n3A, %reduce_max3A_460, %reduce_max3A_446, %dma_start3A_954] : memref<8x40x40x255xf32, #tpu.memory_space<hbm>> -> memref<1x1x1x255xf32, #tpu.memory_space<hbm>>
    %dma_start3A_956 = tpu.memref_squeeze %dma_start3A_955 : memref<1x1x1x255xf32, #tpu.memory_space<hbm>> -> memref<255xf32, #tpu.memory_space<hbm>>
    tpu.enqueue_dma source(%dma_start3A_956 : memref<255xf32, #tpu.memory_space<hbm>>) target(%dma_start3A_953 : memref<255xf32, #tpu.memory_space<vmem>>) target_semaphore(%arg11 : memref<!tpu.dma_semaphore, #tpu.memory_space<semaphore_mem>>)
    %dma_start3A_957 = arith.constant 5 : i32
    %dma_start3A_958 = arith.constant 0 : i32
    %dma_start3A_959 = tpu.memref_slice %arg9[%dma_start3A_957, %dma_start3A_958] : memref<8x255xf32, #tpu.memory_space<vmem>> -> memref<1x255xf32, #tpu.memory_space<vmem>>
    %dma_start3A_960 = tpu.memref_squeeze %dma_start3A_959 : memref<1x255xf32, #tpu.memory_space<vmem>> -> memref<255xf32, #tpu.memory_space<vmem>>
    %dma_start3A_961 = arith.constant 0 : i32
    %dma_start3A_962 = tpu.memref_slice %arg3[%select_n3A, %reduce_max3A_488, %reduce_max3A_474, %dma_start3A_961] : memref<8x40x40x255xf32, #tpu.memory_space<hbm>> -> memref<1x1x1x255xf32, #tpu.memory_space<hbm>>
    %dma_start3A_963 = tpu.memref_squeeze %dma_start3A_962 : memref<1x1x1x255xf32, #tpu.memory_space<hbm>> -> memref<255xf32, #tpu.memory_space<hbm>>
    %dma_start3A_964 = arith.constant 0 : i32
    %dma_start3A_965 = tpu.memref_slice %arg9[%dma_start3A_957, %dma_start3A_964] : memref<8x255xf32, #tpu.memory_space<vmem>> -> memref<1x255xf32, #tpu.memory_space<vmem>>
    %dma_start3A_966 = tpu.memref_squeeze %dma_start3A_965 : memref<1x255xf32, #tpu.memory_space<vmem>> -> memref<255xf32, #tpu.memory_space<vmem>>
    %dma_start3A_967 = arith.constant 0 : i32
    %dma_start3A_968 = tpu.memref_slice %arg3[%select_n3A, %reduce_max3A_488, %reduce_max3A_474, %dma_start3A_967] : memref<8x40x40x255xf32, #tpu.memory_space<hbm>> -> memref<1x1x1x255xf32, #tpu.memory_space<hbm>>
    %dma_start3A_969 = tpu.memref_squeeze %dma_start3A_968 : memref<1x1x1x255xf32, #tpu.memory_space<hbm>> -> memref<255xf32, #tpu.memory_space<hbm>>
    tpu.enqueue_dma source(%dma_start3A_969 : memref<255xf32, #tpu.memory_space<hbm>>) target(%dma_start3A_966 : memref<255xf32, #tpu.memory_space<vmem>>) target_semaphore(%arg11 : memref<!tpu.dma_semaphore, #tpu.memory_space<semaphore_mem>>)
    %dma_start3A_970 = arith.constant 6 : i32
    %dma_start3A_971 = arith.constant 0 : i32
    %dma_start3A_972 = tpu.memref_slice %arg9[%dma_start3A_970, %dma_start3A_971] : memref<8x255xf32, #tpu.memory_space<vmem>> -> memref<1x255xf32, #tpu.memory_space<vmem>>
    %dma_start3A_973 = tpu.memref_squeeze %dma_start3A_972 : memref<1x255xf32, #tpu.memory_space<vmem>> -> memref<255xf32, #tpu.memory_space<vmem>>
    %dma_start3A_974 = arith.constant 0 : i32
    %dma_start3A_975 = tpu.memref_slice %arg3[%select_n3A, %reduce_max3A_516, %reduce_max3A_502, %dma_start3A_974] : memref<8x40x40x255xf32, #tpu.memory_space<hbm>> -> memref<1x1x1x255xf32, #tpu.memory_space<hbm>>
    %dma_start3A_976 = tpu.memref_squeeze %dma_start3A_975 : memref<1x1x1x255xf32, #tpu.memory_space<hbm>> -> memref<255xf32, #tpu.memory_space<hbm>>
    %dma_start3A_977 = arith.constant 0 : i32
    %dma_start3A_978 = tpu.memref_slice %arg9[%dma_start3A_970, %dma_start3A_977] : memref<8x255xf32, #tpu.memory_space<vmem>> -> memref<1x255xf32, #tpu.memory_space<vmem>>
    %dma_start3A_979 = tpu.memref_squeeze %dma_start3A_978 : memref<1x255xf32, #tpu.memory_space<vmem>> -> memref<255xf32, #tpu.memory_space<vmem>>
    %dma_start3A_980 = arith.constant 0 : i32
    %dma_start3A_981 = tpu.memref_slice %arg3[%select_n3A, %reduce_max3A_516, %reduce_max3A_502, %dma_start3A_980] : memref<8x40x40x255xf32, #tpu.memory_space<hbm>> -> memref<1x1x1x255xf32, #tpu.memory_space<hbm>>
    %dma_start3A_982 = tpu.memref_squeeze %dma_start3A_981 : memref<1x1x1x255xf32, #tpu.memory_space<hbm>> -> memref<255xf32, #tpu.memory_space<hbm>>
    tpu.enqueue_dma source(%dma_start3A_982 : memref<255xf32, #tpu.memory_space<hbm>>) target(%dma_start3A_979 : memref<255xf32, #tpu.memory_space<vmem>>) target_semaphore(%arg11 : memref<!tpu.dma_semaphore, #tpu.memory_space<semaphore_mem>>)
    %dma_start3A_983 = arith.constant 7 : i32
    %dma_start3A_984 = arith.constant 0 : i32
    %dma_start3A_985 = tpu.memref_slice %arg9[%dma_start3A_983, %dma_start3A_984] : memref<8x255xf32, #tpu.memory_space<vmem>> -> memref<1x255xf32, #tpu.memory_space<vmem>>
    %dma_start3A_986 = tpu.memref_squeeze %dma_start3A_985 : memref<1x255xf32, #tpu.memory_space<vmem>> -> memref<255xf32, #tpu.memory_space<vmem>>
    %dma_start3A_987 = arith.constant 0 : i32
    %dma_start3A_988 = tpu.memref_slice %arg3[%select_n3A, %reduce_max3A_544, %reduce_max3A_530, %dma_start3A_987] : memref<8x40x40x255xf32, #tpu.memory_space<hbm>> -> memref<1x1x1x255xf32, #tpu.memory_space<hbm>>
    %dma_start3A_989 = tpu.memref_squeeze %dma_start3A_988 : memref<1x1x1x255xf32, #tpu.memory_space<hbm>> -> memref<255xf32, #tpu.memory_space<hbm>>
    %dma_start3A_990 = arith.constant 0 : i32
    %dma_start3A_991 = tpu.memref_slice %arg9[%dma_start3A_983, %dma_start3A_990] : memref<8x255xf32, #tpu.memory_space<vmem>> -> memref<1x255xf32, #tpu.memory_space<vmem>>
    %dma_start3A_992 = tpu.memref_squeeze %dma_start3A_991 : memref<1x255xf32, #tpu.memory_space<vmem>> -> memref<255xf32, #tpu.memory_space<vmem>>
    %dma_start3A_993 = arith.constant 0 : i32
    %dma_start3A_994 = tpu.memref_slice %arg3[%select_n3A, %reduce_max3A_544, %reduce_max3A_530, %dma_start3A_993] : memref<8x40x40x255xf32, #tpu.memory_space<hbm>> -> memref<1x1x1x255xf32, #tpu.memory_space<hbm>>
    %dma_start3A_995 = tpu.memref_squeeze %dma_start3A_994 : memref<1x1x1x255xf32, #tpu.memory_space<hbm>> -> memref<255xf32, #tpu.memory_space<hbm>>
    tpu.enqueue_dma source(%dma_start3A_995 : memref<255xf32, #tpu.memory_space<hbm>>) target(%dma_start3A_992 : memref<255xf32, #tpu.memory_space<vmem>>) target_semaphore(%arg11 : memref<!tpu.dma_semaphore, #tpu.memory_space<semaphore_mem>>)
    %dma_start3A_996 = arith.constant 0 : i32
    %dma_start3A_997 = arith.constant 0 : i32
    %dma_start3A_998 = tpu.memref_slice %arg10[%dma_start3A_996, %dma_start3A_997] : memref<8x255xf32, #tpu.memory_space<vmem>> -> memref<1x255xf32, #tpu.memory_space<vmem>>
    %dma_start3A_999 = tpu.memref_squeeze %dma_start3A_998 : memref<1x255xf32, #tpu.memory_space<vmem>> -> memref<255xf32, #tpu.memory_space<vmem>>
    %dma_start3A_1000 = arith.constant 0 : i32
    %dma_start3A_1001 = tpu.memref_slice %arg4[%reduce_max3A_592, %reduce_max3A_578, %select_n3A, %dma_start3A_1000] : memref<20x20x8x255xf32, #tpu.memory_space<hbm>> -> memref<1x1x1x255xf32, #tpu.memory_space<hbm>>
    %dma_start3A_1002 = tpu.memref_squeeze %dma_start3A_1001 : memref<1x1x1x255xf32, #tpu.memory_space<hbm>> -> memref<255xf32, #tpu.memory_space<hbm>>
    %dma_start3A_1003 = arith.constant 0 : i32
    %dma_start3A_1004 = tpu.memref_slice %arg10[%dma_start3A_996, %dma_start3A_1003] : memref<8x255xf32, #tpu.memory_space<vmem>> -> memref<1x255xf32, #tpu.memory_space<vmem>>
    %dma_start3A_1005 = tpu.memref_squeeze %dma_start3A_1004 : memref<1x255xf32, #tpu.memory_space<vmem>> -> memref<255xf32, #tpu.memory_space<vmem>>
    %dma_start3A_1006 = arith.constant 0 : i32
    %dma_start3A_1007 = tpu.memref_slice %arg4[%reduce_max3A_592, %reduce_max3A_578, %select_n3A, %dma_start3A_1006] : memref<20x20x8x255xf32, #tpu.memory_space<hbm>> -> memref<1x1x1x255xf32, #tpu.memory_space<hbm>>
    %dma_start3A_1008 = tpu.memref_squeeze %dma_start3A_1007 : memref<1x1x1x255xf32, #tpu.memory_space<hbm>> -> memref<255xf32, #tpu.memory_space<hbm>>
    tpu.enqueue_dma source(%dma_start3A_1008 : memref<255xf32, #tpu.memory_space<hbm>>) target(%dma_start3A_1005 : memref<255xf32, #tpu.memory_space<vmem>>) target_semaphore(%arg11 : memref<!tpu.dma_semaphore, #tpu.memory_space<semaphore_mem>>)
    %dma_start3A_1009 = arith.constant 1 : i32
    %dma_start3A_1010 = arith.constant 0 : i32
    %dma_start3A_1011 = tpu.memref_slice %arg10[%dma_start3A_1009, %dma_start3A_1010] : memref<8x255xf32, #tpu.memory_space<vmem>> -> memref<1x255xf32, #tpu.memory_space<vmem>>
    %dma_start3A_1012 = tpu.memref_squeeze %dma_start3A_1011 : memref<1x255xf32, #tpu.memory_space<vmem>> -> memref<255xf32, #tpu.memory_space<vmem>>
    %dma_start3A_1013 = arith.constant 0 : i32
    %dma_start3A_1014 = tpu.memref_slice %arg4[%reduce_max3A_620, %reduce_max3A_606, %select_n3A, %dma_start3A_1013] : memref<20x20x8x255xf32, #tpu.memory_space<hbm>> -> memref<1x1x1x255xf32, #tpu.memory_space<hbm>>
    %dma_start3A_1015 = tpu.memref_squeeze %dma_start3A_1014 : memref<1x1x1x255xf32, #tpu.memory_space<hbm>> -> memref<255xf32, #tpu.memory_space<hbm>>
    %dma_start3A_1016 = arith.constant 0 : i32
    %dma_start3A_1017 = tpu.memref_slice %arg10[%dma_start3A_1009, %dma_start3A_1016] : memref<8x255xf32, #tpu.memory_space<vmem>> -> memref<1x255xf32, #tpu.memory_space<vmem>>
    %dma_start3A_1018 = tpu.memref_squeeze %dma_start3A_1017 : memref<1x255xf32, #tpu.memory_space<vmem>> -> memref<255xf32, #tpu.memory_space<vmem>>
    %dma_start3A_1019 = arith.constant 0 : i32
    %dma_start3A_1020 = tpu.memref_slice %arg4[%reduce_max3A_620, %reduce_max3A_606, %select_n3A, %dma_start3A_1019] : memref<20x20x8x255xf32, #tpu.memory_space<hbm>> -> memref<1x1x1x255xf32, #tpu.memory_space<hbm>>
    %dma_start3A_1021 = tpu.memref_squeeze %dma_start3A_1020 : memref<1x1x1x255xf32, #tpu.memory_space<hbm>> -> memref<255xf32, #tpu.memory_space<hbm>>
    tpu.enqueue_dma source(%dma_start3A_1021 : memref<255xf32, #tpu.memory_space<hbm>>) target(%dma_start3A_1018 : memref<255xf32, #tpu.memory_space<vmem>>) target_semaphore(%arg11 : memref<!tpu.dma_semaphore, #tpu.memory_space<semaphore_mem>>)
    %dma_start3A_1022 = arith.constant 2 : i32
    %dma_start3A_1023 = arith.constant 0 : i32
    %dma_start3A_1024 = tpu.memref_slice %arg10[%dma_start3A_1022, %dma_start3A_1023] : memref<8x255xf32, #tpu.memory_space<vmem>> -> memref<1x255xf32, #tpu.memory_space<vmem>>
    %dma_start3A_1025 = tpu.memref_squeeze %dma_start3A_1024 : memref<1x255xf32, #tpu.memory_space<vmem>> -> memref<255xf32, #tpu.memory_space<vmem>>
    %dma_start3A_1026 = arith.constant 0 : i32
    %dma_start3A_1027 = tpu.memref_slice %arg4[%reduce_max3A_648, %reduce_max3A_634, %select_n3A, %dma_start3A_1026] : memref<20x20x8x255xf32, #tpu.memory_space<hbm>> -> memref<1x1x1x255xf32, #tpu.memory_space<hbm>>
    %dma_start3A_1028 = tpu.memref_squeeze %dma_start3A_1027 : memref<1x1x1x255xf32, #tpu.memory_space<hbm>> -> memref<255xf32, #tpu.memory_space<hbm>>
    %dma_start3A_1029 = arith.constant 0 : i32
    %dma_start3A_1030 = tpu.memref_slice %arg10[%dma_start3A_1022, %dma_start3A_1029] : memref<8x255xf32, #tpu.memory_space<vmem>> -> memref<1x255xf32, #tpu.memory_space<vmem>>
    %dma_start3A_1031 = tpu.memref_squeeze %dma_start3A_1030 : memref<1x255xf32, #tpu.memory_space<vmem>> -> memref<255xf32, #tpu.memory_space<vmem>>
    %dma_start3A_1032 = arith.constant 0 : i32
    %dma_start3A_1033 = tpu.memref_slice %arg4[%reduce_max3A_648, %reduce_max3A_634, %select_n3A, %dma_start3A_1032] : memref<20x20x8x255xf32, #tpu.memory_space<hbm>> -> memref<1x1x1x255xf32, #tpu.memory_space<hbm>>
    %dma_start3A_1034 = tpu.memref_squeeze %dma_start3A_1033 : memref<1x1x1x255xf32, #tpu.memory_space<hbm>> -> memref<255xf32, #tpu.memory_space<hbm>>
    tpu.enqueue_dma source(%dma_start3A_1034 : memref<255xf32, #tpu.memory_space<hbm>>) target(%dma_start3A_1031 : memref<255xf32, #tpu.memory_space<vmem>>) target_semaphore(%arg11 : memref<!tpu.dma_semaphore, #tpu.memory_space<semaphore_mem>>)
    %dma_start3A_1035 = arith.constant 3 : i32
    %dma_start3A_1036 = arith.constant 0 : i32
    %dma_start3A_1037 = tpu.memref_slice %arg10[%dma_start3A_1035, %dma_start3A_1036] : memref<8x255xf32, #tpu.memory_space<vmem>> -> memref<1x255xf32, #tpu.memory_space<vmem>>
    %dma_start3A_1038 = tpu.memref_squeeze %dma_start3A_1037 : memref<1x255xf32, #tpu.memory_space<vmem>> -> memref<255xf32, #tpu.memory_space<vmem>>
    %dma_start3A_1039 = arith.constant 0 : i32
    %dma_start3A_1040 = tpu.memref_slice %arg4[%reduce_max3A_676, %reduce_max3A_662, %select_n3A, %dma_start3A_1039] : memref<20x20x8x255xf32, #tpu.memory_space<hbm>> -> memref<1x1x1x255xf32, #tpu.memory_space<hbm>>
    %dma_start3A_1041 = tpu.memref_squeeze %dma_start3A_1040 : memref<1x1x1x255xf32, #tpu.memory_space<hbm>> -> memref<255xf32, #tpu.memory_space<hbm>>
    %dma_start3A_1042 = arith.constant 0 : i32
    %dma_start3A_1043 = tpu.memref_slice %arg10[%dma_start3A_1035, %dma_start3A_1042] : memref<8x255xf32, #tpu.memory_space<vmem>> -> memref<1x255xf32, #tpu.memory_space<vmem>>
    %dma_start3A_1044 = tpu.memref_squeeze %dma_start3A_1043 : memref<1x255xf32, #tpu.memory_space<vmem>> -> memref<255xf32, #tpu.memory_space<vmem>>
    %dma_start3A_1045 = arith.constant 0 : i32
    %dma_start3A_1046 = tpu.memref_slice %arg4[%reduce_max3A_676, %reduce_max3A_662, %select_n3A, %dma_start3A_1045] : memref<20x20x8x255xf32, #tpu.memory_space<hbm>> -> memref<1x1x1x255xf32, #tpu.memory_space<hbm>>
    %dma_start3A_1047 = tpu.memref_squeeze %dma_start3A_1046 : memref<1x1x1x255xf32, #tpu.memory_space<hbm>> -> memref<255xf32, #tpu.memory_space<hbm>>
    tpu.enqueue_dma source(%dma_start3A_1047 : memref<255xf32, #tpu.memory_space<hbm>>) target(%dma_start3A_1044 : memref<255xf32, #tpu.memory_space<vmem>>) target_semaphore(%arg11 : memref<!tpu.dma_semaphore, #tpu.memory_space<semaphore_mem>>)
    %dma_start3A_1048 = arith.constant 4 : i32
    %dma_start3A_1049 = arith.constant 0 : i32
    %dma_start3A_1050 = tpu.memref_slice %arg10[%dma_start3A_1048, %dma_start3A_1049] : memref<8x255xf32, #tpu.memory_space<vmem>> -> memref<1x255xf32, #tpu.memory_space<vmem>>
    %dma_start3A_1051 = tpu.memref_squeeze %dma_start3A_1050 : memref<1x255xf32, #tpu.memory_space<vmem>> -> memref<255xf32, #tpu.memory_space<vmem>>
    %dma_start3A_1052 = arith.constant 0 : i32
    %dma_start3A_1053 = tpu.memref_slice %arg4[%reduce_max3A_704, %reduce_max3A_690, %select_n3A, %dma_start3A_1052] : memref<20x20x8x255xf32, #tpu.memory_space<hbm>> -> memref<1x1x1x255xf32, #tpu.memory_space<hbm>>
    %dma_start3A_1054 = tpu.memref_squeeze %dma_start3A_1053 : memref<1x1x1x255xf32, #tpu.memory_space<hbm>> -> memref<255xf32, #tpu.memory_space<hbm>>
    %dma_start3A_1055 = arith.constant 0 : i32
    %dma_start3A_1056 = tpu.memref_slice %arg10[%dma_start3A_1048, %dma_start3A_1055] : memref<8x255xf32, #tpu.memory_space<vmem>> -> memref<1x255xf32, #tpu.memory_space<vmem>>
    %dma_start3A_1057 = tpu.memref_squeeze %dma_start3A_1056 : memref<1x255xf32, #tpu.memory_space<vmem>> -> memref<255xf32, #tpu.memory_space<vmem>>
    %dma_start3A_1058 = arith.constant 0 : i32
    %dma_start3A_1059 = tpu.memref_slice %arg4[%reduce_max3A_704, %reduce_max3A_690, %select_n3A, %dma_start3A_1058] : memref<20x20x8x255xf32, #tpu.memory_space<hbm>> -> memref<1x1x1x255xf32, #tpu.memory_space<hbm>>
    %dma_start3A_1060 = tpu.memref_squeeze %dma_start3A_1059 : memref<1x1x1x255xf32, #tpu.memory_space<hbm>> -> memref<255xf32, #tpu.memory_space<hbm>>
    tpu.enqueue_dma source(%dma_start3A_1060 : memref<255xf32, #tpu.memory_space<hbm>>) target(%dma_start3A_1057 : memref<255xf32, #tpu.memory_space<vmem>>) target_semaphore(%arg11 : memref<!tpu.dma_semaphore, #tpu.memory_space<semaphore_mem>>)
    %dma_start3A_1061 = arith.constant 5 : i32
    %dma_start3A_1062 = arith.constant 0 : i32
    %dma_start3A_1063 = tpu.memref_slice %arg10[%dma_start3A_1061, %dma_start3A_1062] : memref<8x255xf32, #tpu.memory_space<vmem>> -> memref<1x255xf32, #tpu.memory_space<vmem>>
    %dma_start3A_1064 = tpu.memref_squeeze %dma_start3A_1063 : memref<1x255xf32, #tpu.memory_space<vmem>> -> memref<255xf32, #tpu.memory_space<vmem>>
    %dma_start3A_1065 = arith.constant 0 : i32
    %dma_start3A_1066 = tpu.memref_slice %arg4[%reduce_max3A_732, %reduce_max3A_718, %select_n3A, %dma_start3A_1065] : memref<20x20x8x255xf32, #tpu.memory_space<hbm>> -> memref<1x1x1x255xf32, #tpu.memory_space<hbm>>
    %dma_start3A_1067 = tpu.memref_squeeze %dma_start3A_1066 : memref<1x1x1x255xf32, #tpu.memory_space<hbm>> -> memref<255xf32, #tpu.memory_space<hbm>>
    %dma_start3A_1068 = arith.constant 0 : i32
    %dma_start3A_1069 = tpu.memref_slice %arg10[%dma_start3A_1061, %dma_start3A_1068] : memref<8x255xf32, #tpu.memory_space<vmem>> -> memref<1x255xf32, #tpu.memory_space<vmem>>
    %dma_start3A_1070 = tpu.memref_squeeze %dma_start3A_1069 : memref<1x255xf32, #tpu.memory_space<vmem>> -> memref<255xf32, #tpu.memory_space<vmem>>
    %dma_start3A_1071 = arith.constant 0 : i32
    %dma_start3A_1072 = tpu.memref_slice %arg4[%reduce_max3A_732, %reduce_max3A_718, %select_n3A, %dma_start3A_1071] : memref<20x20x8x255xf32, #tpu.memory_space<hbm>> -> memref<1x1x1x255xf32, #tpu.memory_space<hbm>>
    %dma_start3A_1073 = tpu.memref_squeeze %dma_start3A_1072 : memref<1x1x1x255xf32, #tpu.memory_space<hbm>> -> memref<255xf32, #tpu.memory_space<hbm>>
    tpu.enqueue_dma source(%dma_start3A_1073 : memref<255xf32, #tpu.memory_space<hbm>>) target(%dma_start3A_1070 : memref<255xf32, #tpu.memory_space<vmem>>) target_semaphore(%arg11 : memref<!tpu.dma_semaphore, #tpu.memory_space<semaphore_mem>>)
    %dma_start3A_1074 = arith.constant 6 : i32
    %dma_start3A_1075 = arith.constant 0 : i32
    %dma_start3A_1076 = tpu.memref_slice %arg10[%dma_start3A_1074, %dma_start3A_1075] : memref<8x255xf32, #tpu.memory_space<vmem>> -> memref<1x255xf32, #tpu.memory_space<vmem>>
    %dma_start3A_1077 = tpu.memref_squeeze %dma_start3A_1076 : memref<1x255xf32, #tpu.memory_space<vmem>> -> memref<255xf32, #tpu.memory_space<vmem>>
    %dma_start3A_1078 = arith.constant 0 : i32
    %dma_start3A_1079 = tpu.memref_slice %arg4[%reduce_max3A_760, %reduce_max3A_746, %select_n3A, %dma_start3A_1078] : memref<20x20x8x255xf32, #tpu.memory_space<hbm>> -> memref<1x1x1x255xf32, #tpu.memory_space<hbm>>
    %dma_start3A_1080 = tpu.memref_squeeze %dma_start3A_1079 : memref<1x1x1x255xf32, #tpu.memory_space<hbm>> -> memref<255xf32, #tpu.memory_space<hbm>>
    %dma_start3A_1081 = arith.constant 0 : i32
    %dma_start3A_1082 = tpu.memref_slice %arg10[%dma_start3A_1074, %dma_start3A_1081] : memref<8x255xf32, #tpu.memory_space<vmem>> -> memref<1x255xf32, #tpu.memory_space<vmem>>
    %dma_start3A_1083 = tpu.memref_squeeze %dma_start3A_1082 : memref<1x255xf32, #tpu.memory_space<vmem>> -> memref<255xf32, #tpu.memory_space<vmem>>
    %dma_start3A_1084 = arith.constant 0 : i32
    %dma_start3A_1085 = tpu.memref_slice %arg4[%reduce_max3A_760, %reduce_max3A_746, %select_n3A, %dma_start3A_1084] : memref<20x20x8x255xf32, #tpu.memory_space<hbm>> -> memref<1x1x1x255xf32, #tpu.memory_space<hbm>>
    %dma_start3A_1086 = tpu.memref_squeeze %dma_start3A_1085 : memref<1x1x1x255xf32, #tpu.memory_space<hbm>> -> memref<255xf32, #tpu.memory_space<hbm>>
    tpu.enqueue_dma source(%dma_start3A_1086 : memref<255xf32, #tpu.memory_space<hbm>>) target(%dma_start3A_1083 : memref<255xf32, #tpu.memory_space<vmem>>) target_semaphore(%arg11 : memref<!tpu.dma_semaphore, #tpu.memory_space<semaphore_mem>>)
    %dma_start3A_1087 = arith.constant 7 : i32
    %dma_start3A_1088 = arith.constant 0 : i32
    %dma_start3A_1089 = tpu.memref_slice %arg10[%dma_start3A_1087, %dma_start3A_1088] : memref<8x255xf32, #tpu.memory_space<vmem>> -> memref<1x255xf32, #tpu.memory_space<vmem>>
    %dma_start3A_1090 = tpu.memref_squeeze %dma_start3A_1089 : memref<1x255xf32, #tpu.memory_space<vmem>> -> memref<255xf32, #tpu.memory_space<vmem>>
    %dma_start3A_1091 = arith.constant 0 : i32
    %dma_start3A_1092 = tpu.memref_slice %arg4[%reduce_max3A_788, %reduce_max3A_774, %select_n3A, %dma_start3A_1091] : memref<20x20x8x255xf32, #tpu.memory_space<hbm>> -> memref<1x1x1x255xf32, #tpu.memory_space<hbm>>
    %dma_start3A_1093 = tpu.memref_squeeze %dma_start3A_1092 : memref<1x1x1x255xf32, #tpu.memory_space<hbm>> -> memref<255xf32, #tpu.memory_space<hbm>>
    %dma_start3A_1094 = arith.constant 0 : i32
    %dma_start3A_1095 = tpu.memref_slice %arg10[%dma_start3A_1087, %dma_start3A_1094] : memref<8x255xf32, #tpu.memory_space<vmem>> -> memref<1x255xf32, #tpu.memory_space<vmem>>
    %dma_start3A_1096 = tpu.memref_squeeze %dma_start3A_1095 : memref<1x255xf32, #tpu.memory_space<vmem>> -> memref<255xf32, #tpu.memory_space<vmem>>
    %dma_start3A_1097 = arith.constant 0 : i32
    %dma_start3A_1098 = tpu.memref_slice %arg4[%reduce_max3A_788, %reduce_max3A_774, %select_n3A, %dma_start3A_1097] : memref<20x20x8x255xf32, #tpu.memory_space<hbm>> -> memref<1x1x1x255xf32, #tpu.memory_space<hbm>>
    %dma_start3A_1099 = tpu.memref_squeeze %dma_start3A_1098 : memref<1x1x1x255xf32, #tpu.memory_space<hbm>> -> memref<255xf32, #tpu.memory_space<hbm>>
    tpu.enqueue_dma source(%dma_start3A_1099 : memref<255xf32, #tpu.memory_space<hbm>>) target(%dma_start3A_1096 : memref<255xf32, #tpu.memory_space<vmem>>) target_semaphore(%arg11 : memref<!tpu.dma_semaphore, #tpu.memory_space<semaphore_mem>>)
    %dma_wait3A = arith.constant 0 : i32
    %dma_wait3A_1100 = arith.constant 0 : i32
    %dma_wait3A_1101 = tpu.memref_slice %arg8[%dma_wait3A, %dma_wait3A_1100] : memref<8x255xf32, #tpu.memory_space<vmem>> -> memref<1x255xf32, #tpu.memory_space<vmem>>
    %dma_wait3A_1102 = tpu.memref_squeeze %dma_wait3A_1101 : memref<1x255xf32, #tpu.memory_space<vmem>> -> memref<255xf32, #tpu.memory_space<vmem>>
    %dma_wait3A_1103 = arith.constant 0 : i32
    %dma_wait3A_1104 = tpu.memref_slice %arg2[%select_n3A, %reduce_max3A_104, %reduce_max3A_90, %dma_wait3A_1103] : memref<8x80x80x255xf32, #tpu.memory_space<hbm>> -> memref<1x1x1x255xf32, #tpu.memory_space<hbm>>
    %dma_wait3A_1105 = tpu.memref_squeeze %dma_wait3A_1104 : memref<1x1x1x255xf32, #tpu.memory_space<hbm>> -> memref<255xf32, #tpu.memory_space<hbm>>
    %dma_wait3A_1106 = arith.constant 0 : i32
    %dma_wait3A_1107 = tpu.memref_slice %arg8[%dma_wait3A, %dma_wait3A_1106] : memref<8x255xf32, #tpu.memory_space<vmem>> -> memref<1x255xf32, #tpu.memory_space<vmem>>
    %dma_wait3A_1108 = tpu.memref_squeeze %dma_wait3A_1107 : memref<1x255xf32, #tpu.memory_space<vmem>> -> memref<255xf32, #tpu.memory_space<vmem>>
    %dma_wait3A_1109 = arith.constant 0 : i32
    %dma_wait3A_1110 = tpu.memref_slice %arg2[%select_n3A, %reduce_max3A_104, %reduce_max3A_90, %dma_wait3A_1109] : memref<8x80x80x255xf32, #tpu.memory_space<hbm>> -> memref<1x1x1x255xf32, #tpu.memory_space<hbm>>
    %dma_wait3A_1111 = tpu.memref_squeeze %dma_wait3A_1110 : memref<1x1x1x255xf32, #tpu.memory_space<hbm>> -> memref<255xf32, #tpu.memory_space<hbm>>
    tpu.wait_dma2 semaphore(%arg11 : memref<!tpu.dma_semaphore, #tpu.memory_space<semaphore_mem>>) src(%dma_wait3A_1111 : memref<255xf32, #tpu.memory_space<hbm>>) dst(%dma_wait3A_1108 : memref<255xf32, #tpu.memory_space<vmem>>)
    %dma_wait3A_1112 = arith.constant 1 : i32
    %dma_wait3A_1113 = arith.constant 0 : i32
    %dma_wait3A_1114 = tpu.memref_slice %arg8[%dma_wait3A_1112, %dma_wait3A_1113] : memref<8x255xf32, #tpu.memory_space<vmem>> -> memref<1x255xf32, #tpu.memory_space<vmem>>
    %dma_wait3A_1115 = tpu.memref_squeeze %dma_wait3A_1114 : memref<1x255xf32, #tpu.memory_space<vmem>> -> memref<255xf32, #tpu.memory_space<vmem>>
    %dma_wait3A_1116 = arith.constant 0 : i32
    %dma_wait3A_1117 = tpu.memref_slice %arg2[%select_n3A, %reduce_max3A_132, %reduce_max3A_118, %dma_wait3A_1116] : memref<8x80x80x255xf32, #tpu.memory_space<hbm>> -> memref<1x1x1x255xf32, #tpu.memory_space<hbm>>
    %dma_wait3A_1118 = tpu.memref_squeeze %dma_wait3A_1117 : memref<1x1x1x255xf32, #tpu.memory_space<hbm>> -> memref<255xf32, #tpu.memory_space<hbm>>
    %dma_wait3A_1119 = arith.constant 0 : i32
    %dma_wait3A_1120 = tpu.memref_slice %arg8[%dma_wait3A_1112, %dma_wait3A_1119] : memref<8x255xf32, #tpu.memory_space<vmem>> -> memref<1x255xf32, #tpu.memory_space<vmem>>
    %dma_wait3A_1121 = tpu.memref_squeeze %dma_wait3A_1120 : memref<1x255xf32, #tpu.memory_space<vmem>> -> memref<255xf32, #tpu.memory_space<vmem>>
    %dma_wait3A_1122 = arith.constant 0 : i32
    %dma_wait3A_1123 = tpu.memref_slice %arg2[%select_n3A, %reduce_max3A_132, %reduce_max3A_118, %dma_wait3A_1122] : memref<8x80x80x255xf32, #tpu.memory_space<hbm>> -> memref<1x1x1x255xf32, #tpu.memory_space<hbm>>
    %dma_wait3A_1124 = tpu.memref_squeeze %dma_wait3A_1123 : memref<1x1x1x255xf32, #tpu.memory_space<hbm>> -> memref<255xf32, #tpu.memory_space<hbm>>
    tpu.wait_dma2 semaphore(%arg11 : memref<!tpu.dma_semaphore, #tpu.memory_space<semaphore_mem>>) src(%dma_wait3A_1124 : memref<255xf32, #tpu.memory_space<hbm>>) dst(%dma_wait3A_1121 : memref<255xf32, #tpu.memory_space<vmem>>)
    %dma_wait3A_1125 = arith.constant 2 : i32
    %dma_wait3A_1126 = arith.constant 0 : i32
    %dma_wait3A_1127 = tpu.memref_slice %arg8[%dma_wait3A_1125, %dma_wait3A_1126] : memref<8x255xf32, #tpu.memory_space<vmem>> -> memref<1x255xf32, #tpu.memory_space<vmem>>
    %dma_wait3A_1128 = tpu.memref_squeeze %dma_wait3A_1127 : memref<1x255xf32, #tpu.memory_space<vmem>> -> memref<255xf32, #tpu.memory_space<vmem>>
    %dma_wait3A_1129 = arith.constant 0 : i32
    %dma_wait3A_1130 = tpu.memref_slice %arg2[%select_n3A, %reduce_max3A_160, %reduce_max3A_146, %dma_wait3A_1129] : memref<8x80x80x255xf32, #tpu.memory_space<hbm>> -> memref<1x1x1x255xf32, #tpu.memory_space<hbm>>
    %dma_wait3A_1131 = tpu.memref_squeeze %dma_wait3A_1130 : memref<1x1x1x255xf32, #tpu.memory_space<hbm>> -> memref<255xf32, #tpu.memory_space<hbm>>
    %dma_wait3A_1132 = arith.constant 0 : i32
    %dma_wait3A_1133 = tpu.memref_slice %arg8[%dma_wait3A_1125, %dma_wait3A_1132] : memref<8x255xf32, #tpu.memory_space<vmem>> -> memref<1x255xf32, #tpu.memory_space<vmem>>
    %dma_wait3A_1134 = tpu.memref_squeeze %dma_wait3A_1133 : memref<1x255xf32, #tpu.memory_space<vmem>> -> memref<255xf32, #tpu.memory_space<vmem>>
    %dma_wait3A_1135 = arith.constant 0 : i32
    %dma_wait3A_1136 = tpu.memref_slice %arg2[%select_n3A, %reduce_max3A_160, %reduce_max3A_146, %dma_wait3A_1135] : memref<8x80x80x255xf32, #tpu.memory_space<hbm>> -> memref<1x1x1x255xf32, #tpu.memory_space<hbm>>
    %dma_wait3A_1137 = tpu.memref_squeeze %dma_wait3A_1136 : memref<1x1x1x255xf32, #tpu.memory_space<hbm>> -> memref<255xf32, #tpu.memory_space<hbm>>
    tpu.wait_dma2 semaphore(%arg11 : memref<!tpu.dma_semaphore, #tpu.memory_space<semaphore_mem>>) src(%dma_wait3A_1137 : memref<255xf32, #tpu.memory_space<hbm>>) dst(%dma_wait3A_1134 : memref<255xf32, #tpu.memory_space<vmem>>)
    %dma_wait3A_1138 = arith.constant 3 : i32
    %dma_wait3A_1139 = arith.constant 0 : i32
    %dma_wait3A_1140 = tpu.memref_slice %arg8[%dma_wait3A_1138, %dma_wait3A_1139] : memref<8x255xf32, #tpu.memory_space<vmem>> -> memref<1x255xf32, #tpu.memory_space<vmem>>
    %dma_wait3A_1141 = tpu.memref_squeeze %dma_wait3A_1140 : memref<1x255xf32, #tpu.memory_space<vmem>> -> memref<255xf32, #tpu.memory_space<vmem>>
    %dma_wait3A_1142 = arith.constant 0 : i32
    %dma_wait3A_1143 = tpu.memref_slice %arg2[%select_n3A, %reduce_max3A_188, %reduce_max3A_174, %dma_wait3A_1142] : memref<8x80x80x255xf32, #tpu.memory_space<hbm>> -> memref<1x1x1x255xf32, #tpu.memory_space<hbm>>
    %dma_wait3A_1144 = tpu.memref_squeeze %dma_wait3A_1143 : memref<1x1x1x255xf32, #tpu.memory_space<hbm>> -> memref<255xf32, #tpu.memory_space<hbm>>
    %dma_wait3A_1145 = arith.constant 0 : i32
    %dma_wait3A_1146 = tpu.memref_slice %arg8[%dma_wait3A_1138, %dma_wait3A_1145] : memref<8x255xf32, #tpu.memory_space<vmem>> -> memref<1x255xf32, #tpu.memory_space<vmem>>
    %dma_wait3A_1147 = tpu.memref_squeeze %dma_wait3A_1146 : memref<1x255xf32, #tpu.memory_space<vmem>> -> memref<255xf32, #tpu.memory_space<vmem>>
    %dma_wait3A_1148 = arith.constant 0 : i32
    %dma_wait3A_1149 = tpu.memref_slice %arg2[%select_n3A, %reduce_max3A_188, %reduce_max3A_174, %dma_wait3A_1148] : memref<8x80x80x255xf32, #tpu.memory_space<hbm>> -> memref<1x1x1x255xf32, #tpu.memory_space<hbm>>
    %dma_wait3A_1150 = tpu.memref_squeeze %dma_wait3A_1149 : memref<1x1x1x255xf32, #tpu.memory_space<hbm>> -> memref<255xf32, #tpu.memory_space<hbm>>
    tpu.wait_dma2 semaphore(%arg11 : memref<!tpu.dma_semaphore, #tpu.memory_space<semaphore_mem>>) src(%dma_wait3A_1150 : memref<255xf32, #tpu.memory_space<hbm>>) dst(%dma_wait3A_1147 : memref<255xf32, #tpu.memory_space<vmem>>)
    %dma_wait3A_1151 = arith.constant 4 : i32
    %dma_wait3A_1152 = arith.constant 0 : i32
    %dma_wait3A_1153 = tpu.memref_slice %arg8[%dma_wait3A_1151, %dma_wait3A_1152] : memref<8x255xf32, #tpu.memory_space<vmem>> -> memref<1x255xf32, #tpu.memory_space<vmem>>
    %dma_wait3A_1154 = tpu.memref_squeeze %dma_wait3A_1153 : memref<1x255xf32, #tpu.memory_space<vmem>> -> memref<255xf32, #tpu.memory_space<vmem>>
    %dma_wait3A_1155 = arith.constant 0 : i32
    %dma_wait3A_1156 = tpu.memref_slice %arg2[%select_n3A, %reduce_max3A_216, %reduce_max3A_202, %dma_wait3A_1155] : memref<8x80x80x255xf32, #tpu.memory_space<hbm>> -> memref<1x1x1x255xf32, #tpu.memory_space<hbm>>
    %dma_wait3A_1157 = tpu.memref_squeeze %dma_wait3A_1156 : memref<1x1x1x255xf32, #tpu.memory_space<hbm>> -> memref<255xf32, #tpu.memory_space<hbm>>
    %dma_wait3A_1158 = arith.constant 0 : i32
    %dma_wait3A_1159 = tpu.memref_slice %arg8[%dma_wait3A_1151, %dma_wait3A_1158] : memref<8x255xf32, #tpu.memory_space<vmem>> -> memref<1x255xf32, #tpu.memory_space<vmem>>
    %dma_wait3A_1160 = tpu.memref_squeeze %dma_wait3A_1159 : memref<1x255xf32, #tpu.memory_space<vmem>> -> memref<255xf32, #tpu.memory_space<vmem>>
    %dma_wait3A_1161 = arith.constant 0 : i32
    %dma_wait3A_1162 = tpu.memref_slice %arg2[%select_n3A, %reduce_max3A_216, %reduce_max3A_202, %dma_wait3A_1161] : memref<8x80x80x255xf32, #tpu.memory_space<hbm>> -> memref<1x1x1x255xf32, #tpu.memory_space<hbm>>
    %dma_wait3A_1163 = tpu.memref_squeeze %dma_wait3A_1162 : memref<1x1x1x255xf32, #tpu.memory_space<hbm>> -> memref<255xf32, #tpu.memory_space<hbm>>
    tpu.wait_dma2 semaphore(%arg11 : memref<!tpu.dma_semaphore, #tpu.memory_space<semaphore_mem>>) src(%dma_wait3A_1163 : memref<255xf32, #tpu.memory_space<hbm>>) dst(%dma_wait3A_1160 : memref<255xf32, #tpu.memory_space<vmem>>)
    %dma_wait3A_1164 = arith.constant 5 : i32
    %dma_wait3A_1165 = arith.constant 0 : i32
    %dma_wait3A_1166 = tpu.memref_slice %arg8[%dma_wait3A_1164, %dma_wait3A_1165] : memref<8x255xf32, #tpu.memory_space<vmem>> -> memref<1x255xf32, #tpu.memory_space<vmem>>
    %dma_wait3A_1167 = tpu.memref_squeeze %dma_wait3A_1166 : memref<1x255xf32, #tpu.memory_space<vmem>> -> memref<255xf32, #tpu.memory_space<vmem>>
    %dma_wait3A_1168 = arith.constant 0 : i32
    %dma_wait3A_1169 = tpu.memref_slice %arg2[%select_n3A, %reduce_max3A_244, %reduce_max3A_230, %dma_wait3A_1168] : memref<8x80x80x255xf32, #tpu.memory_space<hbm>> -> memref<1x1x1x255xf32, #tpu.memory_space<hbm>>
    %dma_wait3A_1170 = tpu.memref_squeeze %dma_wait3A_1169 : memref<1x1x1x255xf32, #tpu.memory_space<hbm>> -> memref<255xf32, #tpu.memory_space<hbm>>
    %dma_wait3A_1171 = arith.constant 0 : i32
    %dma_wait3A_1172 = tpu.memref_slice %arg8[%dma_wait3A_1164, %dma_wait3A_1171] : memref<8x255xf32, #tpu.memory_space<vmem>> -> memref<1x255xf32, #tpu.memory_space<vmem>>
    %dma_wait3A_1173 = tpu.memref_squeeze %dma_wait3A_1172 : memref<1x255xf32, #tpu.memory_space<vmem>> -> memref<255xf32, #tpu.memory_space<vmem>>
    %dma_wait3A_1174 = arith.constant 0 : i32
    %dma_wait3A_1175 = tpu.memref_slice %arg2[%select_n3A, %reduce_max3A_244, %reduce_max3A_230, %dma_wait3A_1174] : memref<8x80x80x255xf32, #tpu.memory_space<hbm>> -> memref<1x1x1x255xf32, #tpu.memory_space<hbm>>
    %dma_wait3A_1176 = tpu.memref_squeeze %dma_wait3A_1175 : memref<1x1x1x255xf32, #tpu.memory_space<hbm>> -> memref<255xf32, #tpu.memory_space<hbm>>
    tpu.wait_dma2 semaphore(%arg11 : memref<!tpu.dma_semaphore, #tpu.memory_space<semaphore_mem>>) src(%dma_wait3A_1176 : memref<255xf32, #tpu.memory_space<hbm>>) dst(%dma_wait3A_1173 : memref<255xf32, #tpu.memory_space<vmem>>)
    %dma_wait3A_1177 = arith.constant 6 : i32
    %dma_wait3A_1178 = arith.constant 0 : i32
    %dma_wait3A_1179 = tpu.memref_slice %arg8[%dma_wait3A_1177, %dma_wait3A_1178] : memref<8x255xf32, #tpu.memory_space<vmem>> -> memref<1x255xf32, #tpu.memory_space<vmem>>
    %dma_wait3A_1180 = tpu.memref_squeeze %dma_wait3A_1179 : memref<1x255xf32, #tpu.memory_space<vmem>> -> memref<255xf32, #tpu.memory_space<vmem>>
    %dma_wait3A_1181 = arith.constant 0 : i32
    %dma_wait3A_1182 = tpu.memref_slice %arg2[%select_n3A, %reduce_max3A_272, %reduce_max3A_258, %dma_wait3A_1181] : memref<8x80x80x255xf32, #tpu.memory_space<hbm>> -> memref<1x1x1x255xf32, #tpu.memory_space<hbm>>
    %dma_wait3A_1183 = tpu.memref_squeeze %dma_wait3A_1182 : memref<1x1x1x255xf32, #tpu.memory_space<hbm>> -> memref<255xf32, #tpu.memory_space<hbm>>
    %dma_wait3A_1184 = arith.constant 0 : i32
    %dma_wait3A_1185 = tpu.memref_slice %arg8[%dma_wait3A_1177, %dma_wait3A_1184] : memref<8x255xf32, #tpu.memory_space<vmem>> -> memref<1x255xf32, #tpu.memory_space<vmem>>
    %dma_wait3A_1186 = tpu.memref_squeeze %dma_wait3A_1185 : memref<1x255xf32, #tpu.memory_space<vmem>> -> memref<255xf32, #tpu.memory_space<vmem>>
    %dma_wait3A_1187 = arith.constant 0 : i32
    %dma_wait3A_1188 = tpu.memref_slice %arg2[%select_n3A, %reduce_max3A_272, %reduce_max3A_258, %dma_wait3A_1187] : memref<8x80x80x255xf32, #tpu.memory_space<hbm>> -> memref<1x1x1x255xf32, #tpu.memory_space<hbm>>
    %dma_wait3A_1189 = tpu.memref_squeeze %dma_wait3A_1188 : memref<1x1x1x255xf32, #tpu.memory_space<hbm>> -> memref<255xf32, #tpu.memory_space<hbm>>
    tpu.wait_dma2 semaphore(%arg11 : memref<!tpu.dma_semaphore, #tpu.memory_space<semaphore_mem>>) src(%dma_wait3A_1189 : memref<255xf32, #tpu.memory_space<hbm>>) dst(%dma_wait3A_1186 : memref<255xf32, #tpu.memory_space<vmem>>)
    %dma_wait3A_1190 = arith.constant 7 : i32
    %dma_wait3A_1191 = arith.constant 0 : i32
    %dma_wait3A_1192 = tpu.memref_slice %arg8[%dma_wait3A_1190, %dma_wait3A_1191] : memref<8x255xf32, #tpu.memory_space<vmem>> -> memref<1x255xf32, #tpu.memory_space<vmem>>
    %dma_wait3A_1193 = tpu.memref_squeeze %dma_wait3A_1192 : memref<1x255xf32, #tpu.memory_space<vmem>> -> memref<255xf32, #tpu.memory_space<vmem>>
    %dma_wait3A_1194 = arith.constant 0 : i32
    %dma_wait3A_1195 = tpu.memref_slice %arg2[%select_n3A, %reduce_max3A_300, %reduce_max3A_286, %dma_wait3A_1194] : memref<8x80x80x255xf32, #tpu.memory_space<hbm>> -> memref<1x1x1x255xf32, #tpu.memory_space<hbm>>
    %dma_wait3A_1196 = tpu.memref_squeeze %dma_wait3A_1195 : memref<1x1x1x255xf32, #tpu.memory_space<hbm>> -> memref<255xf32, #tpu.memory_space<hbm>>
    %dma_wait3A_1197 = arith.constant 0 : i32
    %dma_wait3A_1198 = tpu.memref_slice %arg8[%dma_wait3A_1190, %dma_wait3A_1197] : memref<8x255xf32, #tpu.memory_space<vmem>> -> memref<1x255xf32, #tpu.memory_space<vmem>>
    %dma_wait3A_1199 = tpu.memref_squeeze %dma_wait3A_1198 : memref<1x255xf32, #tpu.memory_space<vmem>> -> memref<255xf32, #tpu.memory_space<vmem>>
    %dma_wait3A_1200 = arith.constant 0 : i32
    %dma_wait3A_1201 = tpu.memref_slice %arg2[%select_n3A, %reduce_max3A_300, %reduce_max3A_286, %dma_wait3A_1200] : memref<8x80x80x255xf32, #tpu.memory_space<hbm>> -> memref<1x1x1x255xf32, #tpu.memory_space<hbm>>
    %dma_wait3A_1202 = tpu.memref_squeeze %dma_wait3A_1201 : memref<1x1x1x255xf32, #tpu.memory_space<hbm>> -> memref<255xf32, #tpu.memory_space<hbm>>
    tpu.wait_dma2 semaphore(%arg11 : memref<!tpu.dma_semaphore, #tpu.memory_space<semaphore_mem>>) src(%dma_wait3A_1202 : memref<255xf32, #tpu.memory_space<hbm>>) dst(%dma_wait3A_1199 : memref<255xf32, #tpu.memory_space<vmem>>)
    %dma_wait3A_1203 = arith.constant 0 : i32
    %dma_wait3A_1204 = arith.constant 0 : i32
    %dma_wait3A_1205 = tpu.memref_slice %arg9[%dma_wait3A_1203, %dma_wait3A_1204] : memref<8x255xf32, #tpu.memory_space<vmem>> -> memref<1x255xf32, #tpu.memory_space<vmem>>
    %dma_wait3A_1206 = tpu.memref_squeeze %dma_wait3A_1205 : memref<1x255xf32, #tpu.memory_space<vmem>> -> memref<255xf32, #tpu.memory_space<vmem>>
    %dma_wait3A_1207 = arith.constant 0 : i32
    %dma_wait3A_1208 = tpu.memref_slice %arg3[%select_n3A, %reduce_max3A_348, %reduce_max3A_334, %dma_wait3A_1207] : memref<8x40x40x255xf32, #tpu.memory_space<hbm>> -> memref<1x1x1x255xf32, #tpu.memory_space<hbm>>
    %dma_wait3A_1209 = tpu.memref_squeeze %dma_wait3A_1208 : memref<1x1x1x255xf32, #tpu.memory_space<hbm>> -> memref<255xf32, #tpu.memory_space<hbm>>
    %dma_wait3A_1210 = arith.constant 0 : i32
    %dma_wait3A_1211 = tpu.memref_slice %arg9[%dma_wait3A_1203, %dma_wait3A_1210] : memref<8x255xf32, #tpu.memory_space<vmem>> -> memref<1x255xf32, #tpu.memory_space<vmem>>
    %dma_wait3A_1212 = tpu.memref_squeeze %dma_wait3A_1211 : memref<1x255xf32, #tpu.memory_space<vmem>> -> memref<255xf32, #tpu.memory_space<vmem>>
    %dma_wait3A_1213 = arith.constant 0 : i32
    %dma_wait3A_1214 = tpu.memref_slice %arg3[%select_n3A, %reduce_max3A_348, %reduce_max3A_334, %dma_wait3A_1213] : memref<8x40x40x255xf32, #tpu.memory_space<hbm>> -> memref<1x1x1x255xf32, #tpu.memory_space<hbm>>
    %dma_wait3A_1215 = tpu.memref_squeeze %dma_wait3A_1214 : memref<1x1x1x255xf32, #tpu.memory_space<hbm>> -> memref<255xf32, #tpu.memory_space<hbm>>
    tpu.wait_dma2 semaphore(%arg11 : memref<!tpu.dma_semaphore, #tpu.memory_space<semaphore_mem>>) src(%dma_wait3A_1215 : memref<255xf32, #tpu.memory_space<hbm>>) dst(%dma_wait3A_1212 : memref<255xf32, #tpu.memory_space<vmem>>)
    %dma_wait3A_1216 = arith.constant 1 : i32
    %dma_wait3A_1217 = arith.constant 0 : i32
    %dma_wait3A_1218 = tpu.memref_slice %arg9[%dma_wait3A_1216, %dma_wait3A_1217] : memref<8x255xf32, #tpu.memory_space<vmem>> -> memref<1x255xf32, #tpu.memory_space<vmem>>
    %dma_wait3A_1219 = tpu.memref_squeeze %dma_wait3A_1218 : memref<1x255xf32, #tpu.memory_space<vmem>> -> memref<255xf32, #tpu.memory_space<vmem>>
    %dma_wait3A_1220 = arith.constant 0 : i32
    %dma_wait3A_1221 = tpu.memref_slice %arg3[%select_n3A, %reduce_max3A_376, %reduce_max3A_362, %dma_wait3A_1220] : memref<8x40x40x255xf32, #tpu.memory_space<hbm>> -> memref<1x1x1x255xf32, #tpu.memory_space<hbm>>
    %dma_wait3A_1222 = tpu.memref_squeeze %dma_wait3A_1221 : memref<1x1x1x255xf32, #tpu.memory_space<hbm>> -> memref<255xf32, #tpu.memory_space<hbm>>
    %dma_wait3A_1223 = arith.constant 0 : i32
    %dma_wait3A_1224 = tpu.memref_slice %arg9[%dma_wait3A_1216, %dma_wait3A_1223] : memref<8x255xf32, #tpu.memory_space<vmem>> -> memref<1x255xf32, #tpu.memory_space<vmem>>
    %dma_wait3A_1225 = tpu.memref_squeeze %dma_wait3A_1224 : memref<1x255xf32, #tpu.memory_space<vmem>> -> memref<255xf32, #tpu.memory_space<vmem>>
    %dma_wait3A_1226 = arith.constant 0 : i32
    %dma_wait3A_1227 = tpu.memref_slice %arg3[%select_n3A, %reduce_max3A_376, %reduce_max3A_362, %dma_wait3A_1226] : memref<8x40x40x255xf32, #tpu.memory_space<hbm>> -> memref<1x1x1x255xf32, #tpu.memory_space<hbm>>
    %dma_wait3A_1228 = tpu.memref_squeeze %dma_wait3A_1227 : memref<1x1x1x255xf32, #tpu.memory_space<hbm>> -> memref<255xf32, #tpu.memory_space<hbm>>
    tpu.wait_dma2 semaphore(%arg11 : memref<!tpu.dma_semaphore, #tpu.memory_space<semaphore_mem>>) src(%dma_wait3A_1228 : memref<255xf32, #tpu.memory_space<hbm>>) dst(%dma_wait3A_1225 : memref<255xf32, #tpu.memory_space<vmem>>)
    %dma_wait3A_1229 = arith.constant 2 : i32
    %dma_wait3A_1230 = arith.constant 0 : i32
    %dma_wait3A_1231 = tpu.memref_slice %arg9[%dma_wait3A_1229, %dma_wait3A_1230] : memref<8x255xf32, #tpu.memory_space<vmem>> -> memref<1x255xf32, #tpu.memory_space<vmem>>
    %dma_wait3A_1232 = tpu.memref_squeeze %dma_wait3A_1231 : memref<1x255xf32, #tpu.memory_space<vmem>> -> memref<255xf32, #tpu.memory_space<vmem>>
    %dma_wait3A_1233 = arith.constant 0 : i32
    %dma_wait3A_1234 = tpu.memref_slice %arg3[%select_n3A, %reduce_max3A_404, %reduce_max3A_390, %dma_wait3A_1233] : memref<8x40x40x255xf32, #tpu.memory_space<hbm>> -> memref<1x1x1x255xf32, #tpu.memory_space<hbm>>
    %dma_wait3A_1235 = tpu.memref_squeeze %dma_wait3A_1234 : memref<1x1x1x255xf32, #tpu.memory_space<hbm>> -> memref<255xf32, #tpu.memory_space<hbm>>
    %dma_wait3A_1236 = arith.constant 0 : i32
    %dma_wait3A_1237 = tpu.memref_slice %arg9[%dma_wait3A_1229, %dma_wait3A_1236] : memref<8x255xf32, #tpu.memory_space<vmem>> -> memref<1x255xf32, #tpu.memory_space<vmem>>
    %dma_wait3A_1238 = tpu.memref_squeeze %dma_wait3A_1237 : memref<1x255xf32, #tpu.memory_space<vmem>> -> memref<255xf32, #tpu.memory_space<vmem>>
    %dma_wait3A_1239 = arith.constant 0 : i32
    %dma_wait3A_1240 = tpu.memref_slice %arg3[%select_n3A, %reduce_max3A_404, %reduce_max3A_390, %dma_wait3A_1239] : memref<8x40x40x255xf32, #tpu.memory_space<hbm>> -> memref<1x1x1x255xf32, #tpu.memory_space<hbm>>
    %dma_wait3A_1241 = tpu.memref_squeeze %dma_wait3A_1240 : memref<1x1x1x255xf32, #tpu.memory_space<hbm>> -> memref<255xf32, #tpu.memory_space<hbm>>
    tpu.wait_dma2 semaphore(%arg11 : memref<!tpu.dma_semaphore, #tpu.memory_space<semaphore_mem>>) src(%dma_wait3A_1241 : memref<255xf32, #tpu.memory_space<hbm>>) dst(%dma_wait3A_1238 : memref<255xf32, #tpu.memory_space<vmem>>)
    %dma_wait3A_1242 = arith.constant 3 : i32
    %dma_wait3A_1243 = arith.constant 0 : i32
    %dma_wait3A_1244 = tpu.memref_slice %arg9[%dma_wait3A_1242, %dma_wait3A_1243] : memref<8x255xf32, #tpu.memory_space<vmem>> -> memref<1x255xf32, #tpu.memory_space<vmem>>
    %dma_wait3A_1245 = tpu.memref_squeeze %dma_wait3A_1244 : memref<1x255xf32, #tpu.memory_space<vmem>> -> memref<255xf32, #tpu.memory_space<vmem>>
    %dma_wait3A_1246 = arith.constant 0 : i32
    %dma_wait3A_1247 = tpu.memref_slice %arg3[%select_n3A, %reduce_max3A_432, %reduce_max3A_418, %dma_wait3A_1246] : memref<8x40x40x255xf32, #tpu.memory_space<hbm>> -> memref<1x1x1x255xf32, #tpu.memory_space<hbm>>
    %dma_wait3A_1248 = tpu.memref_squeeze %dma_wait3A_1247 : memref<1x1x1x255xf32, #tpu.memory_space<hbm>> -> memref<255xf32, #tpu.memory_space<hbm>>
    %dma_wait3A_1249 = arith.constant 0 : i32
    %dma_wait3A_1250 = tpu.memref_slice %arg9[%dma_wait3A_1242, %dma_wait3A_1249] : memref<8x255xf32, #tpu.memory_space<vmem>> -> memref<1x255xf32, #tpu.memory_space<vmem>>
    %dma_wait3A_1251 = tpu.memref_squeeze %dma_wait3A_1250 : memref<1x255xf32, #tpu.memory_space<vmem>> -> memref<255xf32, #tpu.memory_space<vmem>>
    %dma_wait3A_1252 = arith.constant 0 : i32
    %dma_wait3A_1253 = tpu.memref_slice %arg3[%select_n3A, %reduce_max3A_432, %reduce_max3A_418, %dma_wait3A_1252] : memref<8x40x40x255xf32, #tpu.memory_space<hbm>> -> memref<1x1x1x255xf32, #tpu.memory_space<hbm>>
    %dma_wait3A_1254 = tpu.memref_squeeze %dma_wait3A_1253 : memref<1x1x1x255xf32, #tpu.memory_space<hbm>> -> memref<255xf32, #tpu.memory_space<hbm>>
    tpu.wait_dma2 semaphore(%arg11 : memref<!tpu.dma_semaphore, #tpu.memory_space<semaphore_mem>>) src(%dma_wait3A_1254 : memref<255xf32, #tpu.memory_space<hbm>>) dst(%dma_wait3A_1251 : memref<255xf32, #tpu.memory_space<vmem>>)
    %dma_wait3A_1255 = arith.constant 4 : i32
    %dma_wait3A_1256 = arith.constant 0 : i32
    %dma_wait3A_1257 = tpu.memref_slice %arg9[%dma_wait3A_1255, %dma_wait3A_1256] : memref<8x255xf32, #tpu.memory_space<vmem>> -> memref<1x255xf32, #tpu.memory_space<vmem>>
    %dma_wait3A_1258 = tpu.memref_squeeze %dma_wait3A_1257 : memref<1x255xf32, #tpu.memory_space<vmem>> -> memref<255xf32, #tpu.memory_space<vmem>>
    %dma_wait3A_1259 = arith.constant 0 : i32
    %dma_wait3A_1260 = tpu.memref_slice %arg3[%select_n3A, %reduce_max3A_460, %reduce_max3A_446, %dma_wait3A_1259] : memref<8x40x40x255xf32, #tpu.memory_space<hbm>> -> memref<1x1x1x255xf32, #tpu.memory_space<hbm>>
    %dma_wait3A_1261 = tpu.memref_squeeze %dma_wait3A_1260 : memref<1x1x1x255xf32, #tpu.memory_space<hbm>> -> memref<255xf32, #tpu.memory_space<hbm>>
    %dma_wait3A_1262 = arith.constant 0 : i32
    %dma_wait3A_1263 = tpu.memref_slice %arg9[%dma_wait3A_1255, %dma_wait3A_1262] : memref<8x255xf32, #tpu.memory_space<vmem>> -> memref<1x255xf32, #tpu.memory_space<vmem>>
    %dma_wait3A_1264 = tpu.memref_squeeze %dma_wait3A_1263 : memref<1x255xf32, #tpu.memory_space<vmem>> -> memref<255xf32, #tpu.memory_space<vmem>>
    %dma_wait3A_1265 = arith.constant 0 : i32
    %dma_wait3A_1266 = tpu.memref_slice %arg3[%select_n3A, %reduce_max3A_460, %reduce_max3A_446, %dma_wait3A_1265] : memref<8x40x40x255xf32, #tpu.memory_space<hbm>> -> memref<1x1x1x255xf32, #tpu.memory_space<hbm>>
    %dma_wait3A_1267 = tpu.memref_squeeze %dma_wait3A_1266 : memref<1x1x1x255xf32, #tpu.memory_space<hbm>> -> memref<255xf32, #tpu.memory_space<hbm>>
    tpu.wait_dma2 semaphore(%arg11 : memref<!tpu.dma_semaphore, #tpu.memory_space<semaphore_mem>>) src(%dma_wait3A_1267 : memref<255xf32, #tpu.memory_space<hbm>>) dst(%dma_wait3A_1264 : memref<255xf32, #tpu.memory_space<vmem>>)
    %dma_wait3A_1268 = arith.constant 5 : i32
    %dma_wait3A_1269 = arith.constant 0 : i32
    %dma_wait3A_1270 = tpu.memref_slice %arg9[%dma_wait3A_1268, %dma_wait3A_1269] : memref<8x255xf32, #tpu.memory_space<vmem>> -> memref<1x255xf32, #tpu.memory_space<vmem>>
    %dma_wait3A_1271 = tpu.memref_squeeze %dma_wait3A_1270 : memref<1x255xf32, #tpu.memory_space<vmem>> -> memref<255xf32, #tpu.memory_space<vmem>>
    %dma_wait3A_1272 = arith.constant 0 : i32
    %dma_wait3A_1273 = tpu.memref_slice %arg3[%select_n3A, %reduce_max3A_488, %reduce_max3A_474, %dma_wait3A_1272] : memref<8x40x40x255xf32, #tpu.memory_space<hbm>> -> memref<1x1x1x255xf32, #tpu.memory_space<hbm>>
    %dma_wait3A_1274 = tpu.memref_squeeze %dma_wait3A_1273 : memref<1x1x1x255xf32, #tpu.memory_space<hbm>> -> memref<255xf32, #tpu.memory_space<hbm>>
    %dma_wait3A_1275 = arith.constant 0 : i32
    %dma_wait3A_1276 = tpu.memref_slice %arg9[%dma_wait3A_1268, %dma_wait3A_1275] : memref<8x255xf32, #tpu.memory_space<vmem>> -> memref<1x255xf32, #tpu.memory_space<vmem>>
    %dma_wait3A_1277 = tpu.memref_squeeze %dma_wait3A_1276 : memref<1x255xf32, #tpu.memory_space<vmem>> -> memref<255xf32, #tpu.memory_space<vmem>>
    %dma_wait3A_1278 = arith.constant 0 : i32
    %dma_wait3A_1279 = tpu.memref_slice %arg3[%select_n3A, %reduce_max3A_488, %reduce_max3A_474, %dma_wait3A_1278] : memref<8x40x40x255xf32, #tpu.memory_space<hbm>> -> memref<1x1x1x255xf32, #tpu.memory_space<hbm>>
    %dma_wait3A_1280 = tpu.memref_squeeze %dma_wait3A_1279 : memref<1x1x1x255xf32, #tpu.memory_space<hbm>> -> memref<255xf32, #tpu.memory_space<hbm>>
    tpu.wait_dma2 semaphore(%arg11 : memref<!tpu.dma_semaphore, #tpu.memory_space<semaphore_mem>>) src(%dma_wait3A_1280 : memref<255xf32, #tpu.memory_space<hbm>>) dst(%dma_wait3A_1277 : memref<255xf32, #tpu.memory_space<vmem>>)
    %dma_wait3A_1281 = arith.constant 6 : i32
    %dma_wait3A_1282 = arith.constant 0 : i32
    %dma_wait3A_1283 = tpu.memref_slice %arg9[%dma_wait3A_1281, %dma_wait3A_1282] : memref<8x255xf32, #tpu.memory_space<vmem>> -> memref<1x255xf32, #tpu.memory_space<vmem>>
    %dma_wait3A_1284 = tpu.memref_squeeze %dma_wait3A_1283 : memref<1x255xf32, #tpu.memory_space<vmem>> -> memref<255xf32, #tpu.memory_space<vmem>>
    %dma_wait3A_1285 = arith.constant 0 : i32
    %dma_wait3A_1286 = tpu.memref_slice %arg3[%select_n3A, %reduce_max3A_516, %reduce_max3A_502, %dma_wait3A_1285] : memref<8x40x40x255xf32, #tpu.memory_space<hbm>> -> memref<1x1x1x255xf32, #tpu.memory_space<hbm>>
    %dma_wait3A_1287 = tpu.memref_squeeze %dma_wait3A_1286 : memref<1x1x1x255xf32, #tpu.memory_space<hbm>> -> memref<255xf32, #tpu.memory_space<hbm>>
    %dma_wait3A_1288 = arith.constant 0 : i32
    %dma_wait3A_1289 = tpu.memref_slice %arg9[%dma_wait3A_1281, %dma_wait3A_1288] : memref<8x255xf32, #tpu.memory_space<vmem>> -> memref<1x255xf32, #tpu.memory_space<vmem>>
    %dma_wait3A_1290 = tpu.memref_squeeze %dma_wait3A_1289 : memref<1x255xf32, #tpu.memory_space<vmem>> -> memref<255xf32, #tpu.memory_space<vmem>>
    %dma_wait3A_1291 = arith.constant 0 : i32
    %dma_wait3A_1292 = tpu.memref_slice %arg3[%select_n3A, %reduce_max3A_516, %reduce_max3A_502, %dma_wait3A_1291] : memref<8x40x40x255xf32, #tpu.memory_space<hbm>> -> memref<1x1x1x255xf32, #tpu.memory_space<hbm>>
    %dma_wait3A_1293 = tpu.memref_squeeze %dma_wait3A_1292 : memref<1x1x1x255xf32, #tpu.memory_space<hbm>> -> memref<255xf32, #tpu.memory_space<hbm>>
    tpu.wait_dma2 semaphore(%arg11 : memref<!tpu.dma_semaphore, #tpu.memory_space<semaphore_mem>>) src(%dma_wait3A_1293 : memref<255xf32, #tpu.memory_space<hbm>>) dst(%dma_wait3A_1290 : memref<255xf32, #tpu.memory_space<vmem>>)
    %dma_wait3A_1294 = arith.constant 7 : i32
    %dma_wait3A_1295 = arith.constant 0 : i32
    %dma_wait3A_1296 = tpu.memref_slice %arg9[%dma_wait3A_1294, %dma_wait3A_1295] : memref<8x255xf32, #tpu.memory_space<vmem>> -> memref<1x255xf32, #tpu.memory_space<vmem>>
    %dma_wait3A_1297 = tpu.memref_squeeze %dma_wait3A_1296 : memref<1x255xf32, #tpu.memory_space<vmem>> -> memref<255xf32, #tpu.memory_space<vmem>>
    %dma_wait3A_1298 = arith.constant 0 : i32
    %dma_wait3A_1299 = tpu.memref_slice %arg3[%select_n3A, %reduce_max3A_544, %reduce_max3A_530, %dma_wait3A_1298] : memref<8x40x40x255xf32, #tpu.memory_space<hbm>> -> memref<1x1x1x255xf32, #tpu.memory_space<hbm>>
    %dma_wait3A_1300 = tpu.memref_squeeze %dma_wait3A_1299 : memref<1x1x1x255xf32, #tpu.memory_space<hbm>> -> memref<255xf32, #tpu.memory_space<hbm>>
    %dma_wait3A_1301 = arith.constant 0 : i32
    %dma_wait3A_1302 = tpu.memref_slice %arg9[%dma_wait3A_1294, %dma_wait3A_1301] : memref<8x255xf32, #tpu.memory_space<vmem>> -> memref<1x255xf32, #tpu.memory_space<vmem>>
    %dma_wait3A_1303 = tpu.memref_squeeze %dma_wait3A_1302 : memref<1x255xf32, #tpu.memory_space<vmem>> -> memref<255xf32, #tpu.memory_space<vmem>>
    %dma_wait3A_1304 = arith.constant 0 : i32
    %dma_wait3A_1305 = tpu.memref_slice %arg3[%select_n3A, %reduce_max3A_544, %reduce_max3A_530, %dma_wait3A_1304] : memref<8x40x40x255xf32, #tpu.memory_space<hbm>> -> memref<1x1x1x255xf32, #tpu.memory_space<hbm>>
    %dma_wait3A_1306 = tpu.memref_squeeze %dma_wait3A_1305 : memref<1x1x1x255xf32, #tpu.memory_space<hbm>> -> memref<255xf32, #tpu.memory_space<hbm>>
    tpu.wait_dma2 semaphore(%arg11 : memref<!tpu.dma_semaphore, #tpu.memory_space<semaphore_mem>>) src(%dma_wait3A_1306 : memref<255xf32, #tpu.memory_space<hbm>>) dst(%dma_wait3A_1303 : memref<255xf32, #tpu.memory_space<vmem>>)
    %dma_wait3A_1307 = arith.constant 0 : i32
    %dma_wait3A_1308 = arith.constant 0 : i32
    %dma_wait3A_1309 = tpu.memref_slice %arg10[%dma_wait3A_1307, %dma_wait3A_1308] : memref<8x255xf32, #tpu.memory_space<vmem>> -> memref<1x255xf32, #tpu.memory_space<vmem>>
    %dma_wait3A_1310 = tpu.memref_squeeze %dma_wait3A_1309 : memref<1x255xf32, #tpu.memory_space<vmem>> -> memref<255xf32, #tpu.memory_space<vmem>>
    %dma_wait3A_1311 = arith.constant 0 : i32
    %dma_wait3A_1312 = tpu.memref_slice %arg4[%reduce_max3A_592, %reduce_max3A_578, %select_n3A, %dma_wait3A_1311] : memref<20x20x8x255xf32, #tpu.memory_space<hbm>> -> memref<1x1x1x255xf32, #tpu.memory_space<hbm>>
    %dma_wait3A_1313 = tpu.memref_squeeze %dma_wait3A_1312 : memref<1x1x1x255xf32, #tpu.memory_space<hbm>> -> memref<255xf32, #tpu.memory_space<hbm>>
    %dma_wait3A_1314 = arith.constant 0 : i32
    %dma_wait3A_1315 = tpu.memref_slice %arg10[%dma_wait3A_1307, %dma_wait3A_1314] : memref<8x255xf32, #tpu.memory_space<vmem>> -> memref<1x255xf32, #tpu.memory_space<vmem>>
    %dma_wait3A_1316 = tpu.memref_squeeze %dma_wait3A_1315 : memref<1x255xf32, #tpu.memory_space<vmem>> -> memref<255xf32, #tpu.memory_space<vmem>>
    %dma_wait3A_1317 = arith.constant 0 : i32
    %dma_wait3A_1318 = tpu.memref_slice %arg4[%reduce_max3A_592, %reduce_max3A_578, %select_n3A, %dma_wait3A_1317] : memref<20x20x8x255xf32, #tpu.memory_space<hbm>> -> memref<1x1x1x255xf32, #tpu.memory_space<hbm>>
    %dma_wait3A_1319 = tpu.memref_squeeze %dma_wait3A_1318 : memref<1x1x1x255xf32, #tpu.memory_space<hbm>> -> memref<255xf32, #tpu.memory_space<hbm>>
    tpu.wait_dma2 semaphore(%arg11 : memref<!tpu.dma_semaphore, #tpu.memory_space<semaphore_mem>>) src(%dma_wait3A_1319 : memref<255xf32, #tpu.memory_space<hbm>>) dst(%dma_wait3A_1316 : memref<255xf32, #tpu.memory_space<vmem>>)
    %dma_wait3A_1320 = arith.constant 1 : i32
    %dma_wait3A_1321 = arith.constant 0 : i32
    %dma_wait3A_1322 = tpu.memref_slice %arg10[%dma_wait3A_1320, %dma_wait3A_1321] : memref<8x255xf32, #tpu.memory_space<vmem>> -> memref<1x255xf32, #tpu.memory_space<vmem>>
    %dma_wait3A_1323 = tpu.memref_squeeze %dma_wait3A_1322 : memref<1x255xf32, #tpu.memory_space<vmem>> -> memref<255xf32, #tpu.memory_space<vmem>>
    %dma_wait3A_1324 = arith.constant 0 : i32
    %dma_wait3A_1325 = tpu.memref_slice %arg4[%reduce_max3A_620, %reduce_max3A_606, %select_n3A, %dma_wait3A_1324] : memref<20x20x8x255xf32, #tpu.memory_space<hbm>> -> memref<1x1x1x255xf32, #tpu.memory_space<hbm>>
    %dma_wait3A_1326 = tpu.memref_squeeze %dma_wait3A_1325 : memref<1x1x1x255xf32, #tpu.memory_space<hbm>> -> memref<255xf32, #tpu.memory_space<hbm>>
    %dma_wait3A_1327 = arith.constant 0 : i32
    %dma_wait3A_1328 = tpu.memref_slice %arg10[%dma_wait3A_1320, %dma_wait3A_1327] : memref<8x255xf32, #tpu.memory_space<vmem>> -> memref<1x255xf32, #tpu.memory_space<vmem>>
    %dma_wait3A_1329 = tpu.memref_squeeze %dma_wait3A_1328 : memref<1x255xf32, #tpu.memory_space<vmem>> -> memref<255xf32, #tpu.memory_space<vmem>>
    %dma_wait3A_1330 = arith.constant 0 : i32
    %dma_wait3A_1331 = tpu.memref_slice %arg4[%reduce_max3A_620, %reduce_max3A_606, %select_n3A, %dma_wait3A_1330] : memref<20x20x8x255xf32, #tpu.memory_space<hbm>> -> memref<1x1x1x255xf32, #tpu.memory_space<hbm>>
    %dma_wait3A_1332 = tpu.memref_squeeze %dma_wait3A_1331 : memref<1x1x1x255xf32, #tpu.memory_space<hbm>> -> memref<255xf32, #tpu.memory_space<hbm>>
    tpu.wait_dma2 semaphore(%arg11 : memref<!tpu.dma_semaphore, #tpu.memory_space<semaphore_mem>>) src(%dma_wait3A_1332 : memref<255xf32, #tpu.memory_space<hbm>>) dst(%dma_wait3A_1329 : memref<255xf32, #tpu.memory_space<vmem>>)
    %dma_wait3A_1333 = arith.constant 2 : i32
    %dma_wait3A_1334 = arith.constant 0 : i32
    %dma_wait3A_1335 = tpu.memref_slice %arg10[%dma_wait3A_1333, %dma_wait3A_1334] : memref<8x255xf32, #tpu.memory_space<vmem>> -> memref<1x255xf32, #tpu.memory_space<vmem>>
    %dma_wait3A_1336 = tpu.memref_squeeze %dma_wait3A_1335 : memref<1x255xf32, #tpu.memory_space<vmem>> -> memref<255xf32, #tpu.memory_space<vmem>>
    %dma_wait3A_1337 = arith.constant 0 : i32
    %dma_wait3A_1338 = tpu.memref_slice %arg4[%reduce_max3A_648, %reduce_max3A_634, %select_n3A, %dma_wait3A_1337] : memref<20x20x8x255xf32, #tpu.memory_space<hbm>> -> memref<1x1x1x255xf32, #tpu.memory_space<hbm>>
    %dma_wait3A_1339 = tpu.memref_squeeze %dma_wait3A_1338 : memref<1x1x1x255xf32, #tpu.memory_space<hbm>> -> memref<255xf32, #tpu.memory_space<hbm>>
    %dma_wait3A_1340 = arith.constant 0 : i32
    %dma_wait3A_1341 = tpu.memref_slice %arg10[%dma_wait3A_1333, %dma_wait3A_1340] : memref<8x255xf32, #tpu.memory_space<vmem>> -> memref<1x255xf32, #tpu.memory_space<vmem>>
    %dma_wait3A_1342 = tpu.memref_squeeze %dma_wait3A_1341 : memref<1x255xf32, #tpu.memory_space<vmem>> -> memref<255xf32, #tpu.memory_space<vmem>>
    %dma_wait3A_1343 = arith.constant 0 : i32
    %dma_wait3A_1344 = tpu.memref_slice %arg4[%reduce_max3A_648, %reduce_max3A_634, %select_n3A, %dma_wait3A_1343] : memref<20x20x8x255xf32, #tpu.memory_space<hbm>> -> memref<1x1x1x255xf32, #tpu.memory_space<hbm>>
    %dma_wait3A_1345 = tpu.memref_squeeze %dma_wait3A_1344 : memref<1x1x1x255xf32, #tpu.memory_space<hbm>> -> memref<255xf32, #tpu.memory_space<hbm>>
    tpu.wait_dma2 semaphore(%arg11 : memref<!tpu.dma_semaphore, #tpu.memory_space<semaphore_mem>>) src(%dma_wait3A_1345 : memref<255xf32, #tpu.memory_space<hbm>>) dst(%dma_wait3A_1342 : memref<255xf32, #tpu.memory_space<vmem>>)
    %dma_wait3A_1346 = arith.constant 3 : i32
    %dma_wait3A_1347 = arith.constant 0 : i32
    %dma_wait3A_1348 = tpu.memref_slice %arg10[%dma_wait3A_1346, %dma_wait3A_1347] : memref<8x255xf32, #tpu.memory_space<vmem>> -> memref<1x255xf32, #tpu.memory_space<vmem>>
    %dma_wait3A_1349 = tpu.memref_squeeze %dma_wait3A_1348 : memref<1x255xf32, #tpu.memory_space<vmem>> -> memref<255xf32, #tpu.memory_space<vmem>>
    %dma_wait3A_1350 = arith.constant 0 : i32
    %dma_wait3A_1351 = tpu.memref_slice %arg4[%reduce_max3A_676, %reduce_max3A_662, %select_n3A, %dma_wait3A_1350] : memref<20x20x8x255xf32, #tpu.memory_space<hbm>> -> memref<1x1x1x255xf32, #tpu.memory_space<hbm>>
    %dma_wait3A_1352 = tpu.memref_squeeze %dma_wait3A_1351 : memref<1x1x1x255xf32, #tpu.memory_space<hbm>> -> memref<255xf32, #tpu.memory_space<hbm>>
    %dma_wait3A_1353 = arith.constant 0 : i32
    %dma_wait3A_1354 = tpu.memref_slice %arg10[%dma_wait3A_1346, %dma_wait3A_1353] : memref<8x255xf32, #tpu.memory_space<vmem>> -> memref<1x255xf32, #tpu.memory_space<vmem>>
    %dma_wait3A_1355 = tpu.memref_squeeze %dma_wait3A_1354 : memref<1x255xf32, #tpu.memory_space<vmem>> -> memref<255xf32, #tpu.memory_space<vmem>>
    %dma_wait3A_1356 = arith.constant 0 : i32
    %dma_wait3A_1357 = tpu.memref_slice %arg4[%reduce_max3A_676, %reduce_max3A_662, %select_n3A, %dma_wait3A_1356] : memref<20x20x8x255xf32, #tpu.memory_space<hbm>> -> memref<1x1x1x255xf32, #tpu.memory_space<hbm>>
    %dma_wait3A_1358 = tpu.memref_squeeze %dma_wait3A_1357 : memref<1x1x1x255xf32, #tpu.memory_space<hbm>> -> memref<255xf32, #tpu.memory_space<hbm>>
    tpu.wait_dma2 semaphore(%arg11 : memref<!tpu.dma_semaphore, #tpu.memory_space<semaphore_mem>>) src(%dma_wait3A_1358 : memref<255xf32, #tpu.memory_space<hbm>>) dst(%dma_wait3A_1355 : memref<255xf32, #tpu.memory_space<vmem>>)
    %dma_wait3A_1359 = arith.constant 4 : i32
    %dma_wait3A_1360 = arith.constant 0 : i32
    %dma_wait3A_1361 = tpu.memref_slice %arg10[%dma_wait3A_1359, %dma_wait3A_1360] : memref<8x255xf32, #tpu.memory_space<vmem>> -> memref<1x255xf32, #tpu.memory_space<vmem>>
    %dma_wait3A_1362 = tpu.memref_squeeze %dma_wait3A_1361 : memref<1x255xf32, #tpu.memory_space<vmem>> -> memref<255xf32, #tpu.memory_space<vmem>>
    %dma_wait3A_1363 = arith.constant 0 : i32
    %dma_wait3A_1364 = tpu.memref_slice %arg4[%reduce_max3A_704, %reduce_max3A_690, %select_n3A, %dma_wait3A_1363] : memref<20x20x8x255xf32, #tpu.memory_space<hbm>> -> memref<1x1x1x255xf32, #tpu.memory_space<hbm>>
    %dma_wait3A_1365 = tpu.memref_squeeze %dma_wait3A_1364 : memref<1x1x1x255xf32, #tpu.memory_space<hbm>> -> memref<255xf32, #tpu.memory_space<hbm>>
    %dma_wait3A_1366 = arith.constant 0 : i32
    %dma_wait3A_1367 = tpu.memref_slice %arg10[%dma_wait3A_1359, %dma_wait3A_1366] : memref<8x255xf32, #tpu.memory_space<vmem>> -> memref<1x255xf32, #tpu.memory_space<vmem>>
    %dma_wait3A_1368 = tpu.memref_squeeze %dma_wait3A_1367 : memref<1x255xf32, #tpu.memory_space<vmem>> -> memref<255xf32, #tpu.memory_space<vmem>>
    %dma_wait3A_1369 = arith.constant 0 : i32
    %dma_wait3A_1370 = tpu.memref_slice %arg4[%reduce_max3A_704, %reduce_max3A_690, %select_n3A, %dma_wait3A_1369] : memref<20x20x8x255xf32, #tpu.memory_space<hbm>> -> memref<1x1x1x255xf32, #tpu.memory_space<hbm>>
    %dma_wait3A_1371 = tpu.memref_squeeze %dma_wait3A_1370 : memref<1x1x1x255xf32, #tpu.memory_space<hbm>> -> memref<255xf32, #tpu.memory_space<hbm>>
    tpu.wait_dma2 semaphore(%arg11 : memref<!tpu.dma_semaphore, #tpu.memory_space<semaphore_mem>>) src(%dma_wait3A_1371 : memref<255xf32, #tpu.memory_space<hbm>>) dst(%dma_wait3A_1368 : memref<255xf32, #tpu.memory_space<vmem>>)
    %dma_wait3A_1372 = arith.constant 5 : i32
    %dma_wait3A_1373 = arith.constant 0 : i32
    %dma_wait3A_1374 = tpu.memref_slice %arg10[%dma_wait3A_1372, %dma_wait3A_1373] : memref<8x255xf32, #tpu.memory_space<vmem>> -> memref<1x255xf32, #tpu.memory_space<vmem>>
    %dma_wait3A_1375 = tpu.memref_squeeze %dma_wait3A_1374 : memref<1x255xf32, #tpu.memory_space<vmem>> -> memref<255xf32, #tpu.memory_space<vmem>>
    %dma_wait3A_1376 = arith.constant 0 : i32
    %dma_wait3A_1377 = tpu.memref_slice %arg4[%reduce_max3A_732, %reduce_max3A_718, %select_n3A, %dma_wait3A_1376] : memref<20x20x8x255xf32, #tpu.memory_space<hbm>> -> memref<1x1x1x255xf32, #tpu.memory_space<hbm>>
    %dma_wait3A_1378 = tpu.memref_squeeze %dma_wait3A_1377 : memref<1x1x1x255xf32, #tpu.memory_space<hbm>> -> memref<255xf32, #tpu.memory_space<hbm>>
    %dma_wait3A_1379 = arith.constant 0 : i32
    %dma_wait3A_1380 = tpu.memref_slice %arg10[%dma_wait3A_1372, %dma_wait3A_1379] : memref<8x255xf32, #tpu.memory_space<vmem>> -> memref<1x255xf32, #tpu.memory_space<vmem>>
    %dma_wait3A_1381 = tpu.memref_squeeze %dma_wait3A_1380 : memref<1x255xf32, #tpu.memory_space<vmem>> -> memref<255xf32, #tpu.memory_space<vmem>>
    %dma_wait3A_1382 = arith.constant 0 : i32
    %dma_wait3A_1383 = tpu.memref_slice %arg4[%reduce_max3A_732, %reduce_max3A_718, %select_n3A, %dma_wait3A_1382] : memref<20x20x8x255xf32, #tpu.memory_space<hbm>> -> memref<1x1x1x255xf32, #tpu.memory_space<hbm>>
    %dma_wait3A_1384 = tpu.memref_squeeze %dma_wait3A_1383 : memref<1x1x1x255xf32, #tpu.memory_space<hbm>> -> memref<255xf32, #tpu.memory_space<hbm>>
    tpu.wait_dma2 semaphore(%arg11 : memref<!tpu.dma_semaphore, #tpu.memory_space<semaphore_mem>>) src(%dma_wait3A_1384 : memref<255xf32, #tpu.memory_space<hbm>>) dst(%dma_wait3A_1381 : memref<255xf32, #tpu.memory_space<vmem>>)
    %dma_wait3A_1385 = arith.constant 6 : i32
    %dma_wait3A_1386 = arith.constant 0 : i32
    %dma_wait3A_1387 = tpu.memref_slice %arg10[%dma_wait3A_1385, %dma_wait3A_1386] : memref<8x255xf32, #tpu.memory_space<vmem>> -> memref<1x255xf32, #tpu.memory_space<vmem>>
    %dma_wait3A_1388 = tpu.memref_squeeze %dma_wait3A_1387 : memref<1x255xf32, #tpu.memory_space<vmem>> -> memref<255xf32, #tpu.memory_space<vmem>>
    %dma_wait3A_1389 = arith.constant 0 : i32
    %dma_wait3A_1390 = tpu.memref_slice %arg4[%reduce_max3A_760, %reduce_max3A_746, %select_n3A, %dma_wait3A_1389] : memref<20x20x8x255xf32, #tpu.memory_space<hbm>> -> memref<1x1x1x255xf32, #tpu.memory_space<hbm>>
    %dma_wait3A_1391 = tpu.memref_squeeze %dma_wait3A_1390 : memref<1x1x1x255xf32, #tpu.memory_space<hbm>> -> memref<255xf32, #tpu.memory_space<hbm>>
    %dma_wait3A_1392 = arith.constant 0 : i32
    %dma_wait3A_1393 = tpu.memref_slice %arg10[%dma_wait3A_1385, %dma_wait3A_1392] : memref<8x255xf32, #tpu.memory_space<vmem>> -> memref<1x255xf32, #tpu.memory_space<vmem>>
    %dma_wait3A_1394 = tpu.memref_squeeze %dma_wait3A_1393 : memref<1x255xf32, #tpu.memory_space<vmem>> -> memref<255xf32, #tpu.memory_space<vmem>>
    %dma_wait3A_1395 = arith.constant 0 : i32
    %dma_wait3A_1396 = tpu.memref_slice %arg4[%reduce_max3A_760, %reduce_max3A_746, %select_n3A, %dma_wait3A_1395] : memref<20x20x8x255xf32, #tpu.memory_space<hbm>> -> memref<1x1x1x255xf32, #tpu.memory_space<hbm>>
    %dma_wait3A_1397 = tpu.memref_squeeze %dma_wait3A_1396 : memref<1x1x1x255xf32, #tpu.memory_space<hbm>> -> memref<255xf32, #tpu.memory_space<hbm>>
    tpu.wait_dma2 semaphore(%arg11 : memref<!tpu.dma_semaphore, #tpu.memory_space<semaphore_mem>>) src(%dma_wait3A_1397 : memref<255xf32, #tpu.memory_space<hbm>>) dst(%dma_wait3A_1394 : memref<255xf32, #tpu.memory_space<vmem>>)
    %dma_wait3A_1398 = arith.constant 7 : i32
    %dma_wait3A_1399 = arith.constant 0 : i32
    %dma_wait3A_1400 = tpu.memref_slice %arg10[%dma_wait3A_1398, %dma_wait3A_1399] : memref<8x255xf32, #tpu.memory_space<vmem>> -> memref<1x255xf32, #tpu.memory_space<vmem>>
    %dma_wait3A_1401 = tpu.memref_squeeze %dma_wait3A_1400 : memref<1x255xf32, #tpu.memory_space<vmem>> -> memref<255xf32, #tpu.memory_space<vmem>>
    %dma_wait3A_1402 = arith.constant 0 : i32
    %dma_wait3A_1403 = tpu.memref_slice %arg4[%reduce_max3A_788, %reduce_max3A_774, %select_n3A, %dma_wait3A_1402] : memref<20x20x8x255xf32, #tpu.memory_space<hbm>> -> memref<1x1x1x255xf32, #tpu.memory_space<hbm>>
    %dma_wait3A_1404 = tpu.memref_squeeze %dma_wait3A_1403 : memref<1x1x1x255xf32, #tpu.memory_space<hbm>> -> memref<255xf32, #tpu.memory_space<hbm>>
    %dma_wait3A_1405 = arith.constant 0 : i32
    %dma_wait3A_1406 = tpu.memref_slice %arg10[%dma_wait3A_1398, %dma_wait3A_1405] : memref<8x255xf32, #tpu.memory_space<vmem>> -> memref<1x255xf32, #tpu.memory_space<vmem>>
    %dma_wait3A_1407 = tpu.memref_squeeze %dma_wait3A_1406 : memref<1x255xf32, #tpu.memory_space<vmem>> -> memref<255xf32, #tpu.memory_space<vmem>>
    %dma_wait3A_1408 = arith.constant 0 : i32
    %dma_wait3A_1409 = tpu.memref_slice %arg4[%reduce_max3A_788, %reduce_max3A_774, %select_n3A, %dma_wait3A_1408] : memref<20x20x8x255xf32, #tpu.memory_space<hbm>> -> memref<1x1x1x255xf32, #tpu.memory_space<hbm>>
    %dma_wait3A_1410 = tpu.memref_squeeze %dma_wait3A_1409 : memref<1x1x1x255xf32, #tpu.memory_space<hbm>> -> memref<255xf32, #tpu.memory_space<hbm>>
    tpu.wait_dma2 semaphore(%arg11 : memref<!tpu.dma_semaphore, #tpu.memory_space<semaphore_mem>>) src(%dma_wait3A_1410 : memref<255xf32, #tpu.memory_space<hbm>>) dst(%dma_wait3A_1407 : memref<255xf32, #tpu.memory_space<vmem>>)
    %run_scoped3A = arith.constant 0 : i32
    "tpu.region"() ({
      %run_scoped3A_1413 = tpu.sem_alloc : memref<!tpu.dma_semaphore, #tpu.memory_space<semaphore_mem>>
      %dma_start3A_1414 = arith.constant 0 : i32
      %dma_start3A_1415 = arith.constant 0 : i32
      %dma_start3A_1416 = tpu.memref_slice %arg6[%run_scoped3A, %add3A, %dma_start3A_1414, %dma_start3A_1415] : memref<3x32x8x255xf32, #tpu.memory_space<hbm>> -> memref<1x1x8x255xf32, #tpu.memory_space<hbm>>
      %dma_start3A_1417 = tpu.memref_squeeze %dma_start3A_1416 : memref<1x1x8x255xf32, #tpu.memory_space<hbm>> -> memref<8x255xf32, #tpu.memory_space<hbm>>
      %dma_start3A_1418 = arith.constant 0 : i32
      %dma_start3A_1419 = arith.constant 0 : i32
      %dma_start3A_1420 = tpu.memref_slice %arg6[%run_scoped3A, %add3A, %dma_start3A_1418, %dma_start3A_1419] : memref<3x32x8x255xf32, #tpu.memory_space<hbm>> -> memref<1x1x8x255xf32, #tpu.memory_space<hbm>>
      %dma_start3A_1421 = tpu.memref_squeeze %dma_start3A_1420 : memref<1x1x8x255xf32, #tpu.memory_space<hbm>> -> memref<8x255xf32, #tpu.memory_space<hbm>>
      tpu.enqueue_dma source(%arg8 : memref<8x255xf32, #tpu.memory_space<vmem>>) target(%dma_start3A_1421 : memref<8x255xf32, #tpu.memory_space<hbm>>) target_semaphore(%run_scoped3A_1413 : memref<!tpu.dma_semaphore, #tpu.memory_space<semaphore_mem>>)
      %dma_wait3A_1422 = arith.constant 0 : i32
      %dma_wait3A_1423 = arith.constant 0 : i32
      %dma_wait3A_1424 = tpu.memref_slice %arg6[%run_scoped3A, %add3A, %dma_wait3A_1422, %dma_wait3A_1423] : memref<3x32x8x255xf32, #tpu.memory_space<hbm>> -> memref<1x1x8x255xf32, #tpu.memory_space<hbm>>
      %dma_wait3A_1425 = tpu.memref_squeeze %dma_wait3A_1424 : memref<1x1x8x255xf32, #tpu.memory_space<hbm>> -> memref<8x255xf32, #tpu.memory_space<hbm>>
      %dma_wait3A_1426 = arith.constant 0 : i32
      %dma_wait3A_1427 = arith.constant 0 : i32
      %dma_wait3A_1428 = tpu.memref_slice %arg6[%run_scoped3A, %add3A, %dma_wait3A_1426, %dma_wait3A_1427] : memref<3x32x8x255xf32, #tpu.memory_space<hbm>> -> memref<1x1x8x255xf32, #tpu.memory_space<hbm>>
      %dma_wait3A_1429 = tpu.memref_squeeze %dma_wait3A_1428 : memref<1x1x8x255xf32, #tpu.memory_space<hbm>> -> memref<8x255xf32, #tpu.memory_space<hbm>>
      tpu.wait_dma2 semaphore(%run_scoped3A_1413 : memref<!tpu.dma_semaphore, #tpu.memory_space<semaphore_mem>>) src(%arg8 : memref<8x255xf32, #tpu.memory_space<vmem>>) dst(%dma_wait3A_1429 : memref<8x255xf32, #tpu.memory_space<hbm>>)
      tpu.yield
    }) : () -> ()
    %run_scoped3A_1411 = arith.constant 1 : i32
    "tpu.region"() ({
      %run_scoped3A_1413 = tpu.sem_alloc : memref<!tpu.dma_semaphore, #tpu.memory_space<semaphore_mem>>
      %dma_start3A_1414 = arith.constant 0 : i32
      %dma_start3A_1415 = arith.constant 0 : i32
      %dma_start3A_1416 = tpu.memref_slice %arg6[%run_scoped3A_1411, %add3A, %dma_start3A_1414, %dma_start3A_1415] : memref<3x32x8x255xf32, #tpu.memory_space<hbm>> -> memref<1x1x8x255xf32, #tpu.memory_space<hbm>>
      %dma_start3A_1417 = tpu.memref_squeeze %dma_start3A_1416 : memref<1x1x8x255xf32, #tpu.memory_space<hbm>> -> memref<8x255xf32, #tpu.memory_space<hbm>>
      %dma_start3A_1418 = arith.constant 0 : i32
      %dma_start3A_1419 = arith.constant 0 : i32
      %dma_start3A_1420 = tpu.memref_slice %arg6[%run_scoped3A_1411, %add3A, %dma_start3A_1418, %dma_start3A_1419] : memref<3x32x8x255xf32, #tpu.memory_space<hbm>> -> memref<1x1x8x255xf32, #tpu.memory_space<hbm>>
      %dma_start3A_1421 = tpu.memref_squeeze %dma_start3A_1420 : memref<1x1x8x255xf32, #tpu.memory_space<hbm>> -> memref<8x255xf32, #tpu.memory_space<hbm>>
      tpu.enqueue_dma source(%arg9 : memref<8x255xf32, #tpu.memory_space<vmem>>) target(%dma_start3A_1421 : memref<8x255xf32, #tpu.memory_space<hbm>>) target_semaphore(%run_scoped3A_1413 : memref<!tpu.dma_semaphore, #tpu.memory_space<semaphore_mem>>)
      %dma_wait3A_1422 = arith.constant 0 : i32
      %dma_wait3A_1423 = arith.constant 0 : i32
      %dma_wait3A_1424 = tpu.memref_slice %arg6[%run_scoped3A_1411, %add3A, %dma_wait3A_1422, %dma_wait3A_1423] : memref<3x32x8x255xf32, #tpu.memory_space<hbm>> -> memref<1x1x8x255xf32, #tpu.memory_space<hbm>>
      %dma_wait3A_1425 = tpu.memref_squeeze %dma_wait3A_1424 : memref<1x1x8x255xf32, #tpu.memory_space<hbm>> -> memref<8x255xf32, #tpu.memory_space<hbm>>
      %dma_wait3A_1426 = arith.constant 0 : i32
      %dma_wait3A_1427 = arith.constant 0 : i32
      %dma_wait3A_1428 = tpu.memref_slice %arg6[%run_scoped3A_1411, %add3A, %dma_wait3A_1426, %dma_wait3A_1427] : memref<3x32x8x255xf32, #tpu.memory_space<hbm>> -> memref<1x1x8x255xf32, #tpu.memory_space<hbm>>
      %dma_wait3A_1429 = tpu.memref_squeeze %dma_wait3A_1428 : memref<1x1x8x255xf32, #tpu.memory_space<hbm>> -> memref<8x255xf32, #tpu.memory_space<hbm>>
      tpu.wait_dma2 semaphore(%run_scoped3A_1413 : memref<!tpu.dma_semaphore, #tpu.memory_space<semaphore_mem>>) src(%arg9 : memref<8x255xf32, #tpu.memory_space<vmem>>) dst(%dma_wait3A_1429 : memref<8x255xf32, #tpu.memory_space<hbm>>)
      tpu.yield
    }) : () -> ()
    %run_scoped3A_1412 = arith.constant 2 : i32
    "tpu.region"() ({
      %run_scoped3A_1413 = tpu.sem_alloc : memref<!tpu.dma_semaphore, #tpu.memory_space<semaphore_mem>>
      %dma_start3A_1414 = arith.constant 0 : i32
      %dma_start3A_1415 = arith.constant 0 : i32
      %dma_start3A_1416 = tpu.memref_slice %arg6[%run_scoped3A_1412, %add3A, %dma_start3A_1414, %dma_start3A_1415] : memref<3x32x8x255xf32, #tpu.memory_space<hbm>> -> memref<1x1x8x255xf32, #tpu.memory_space<hbm>>
      %dma_start3A_1417 = tpu.memref_squeeze %dma_start3A_1416 : memref<1x1x8x255xf32, #tpu.memory_space<hbm>> -> memref<8x255xf32, #tpu.memory_space<hbm>>
      %dma_start3A_1418 = arith.constant 0 : i32
      %dma_start3A_1419 = arith.constant 0 : i32
      %dma_start3A_1420 = tpu.memref_slice %arg6[%run_scoped3A_1412, %add3A, %dma_start3A_1418, %dma_start3A_1419] : memref<3x32x8x255xf32, #tpu.memory_space<hbm>> -> memref<1x1x8x255xf32, #tpu.memory_space<hbm>>
      %dma_start3A_1421 = tpu.memref_squeeze %dma_start3A_1420 : memref<1x1x8x255xf32, #tpu.memory_space<hbm>> -> memref<8x255xf32, #tpu.memory_space<hbm>>
      tpu.enqueue_dma source(%arg10 : memref<8x255xf32, #tpu.memory_space<vmem>>) target(%dma_start3A_1421 : memref<8x255xf32, #tpu.memory_space<hbm>>) target_semaphore(%run_scoped3A_1413 : memref<!tpu.dma_semaphore, #tpu.memory_space<semaphore_mem>>)
      %dma_wait3A_1422 = arith.constant 0 : i32
      %dma_wait3A_1423 = arith.constant 0 : i32
      %dma_wait3A_1424 = tpu.memref_slice %arg6[%run_scoped3A_1412, %add3A, %dma_wait3A_1422, %dma_wait3A_1423] : memref<3x32x8x255xf32, #tpu.memory_space<hbm>> -> memref<1x1x8x255xf32, #tpu.memory_space<hbm>>
      %dma_wait3A_1425 = tpu.memref_squeeze %dma_wait3A_1424 : memref<1x1x8x255xf32, #tpu.memory_space<hbm>> -> memref<8x255xf32, #tpu.memory_space<hbm>>
      %dma_wait3A_1426 = arith.constant 0 : i32
      %dma_wait3A_1427 = arith.constant 0 : i32
      %dma_wait3A_1428 = tpu.memref_slice %arg6[%run_scoped3A_1412, %add3A, %dma_wait3A_1426, %dma_wait3A_1427] : memref<3x32x8x255xf32, #tpu.memory_space<hbm>> -> memref<1x1x8x255xf32, #tpu.memory_space<hbm>>
      %dma_wait3A_1429 = tpu.memref_squeeze %dma_wait3A_1428 : memref<1x1x8x255xf32, #tpu.memory_space<hbm>> -> memref<8x255xf32, #tpu.memory_space<hbm>>
      tpu.wait_dma2 semaphore(%run_scoped3A_1413 : memref<!tpu.dma_semaphore, #tpu.memory_space<semaphore_mem>>) src(%arg10 : memref<8x255xf32, #tpu.memory_space<vmem>>) dst(%dma_wait3A_1429 : memref<8x255xf32, #tpu.memory_space<hbm>>)
      tpu.yield
    }) : () -> ()
    return
  }
}

module attributes {stable_mosaic.version = 14 : i64} {
  func.func @_tc_body(%arg0: i32, %arg1: memref<3200x255xf32, #tpu.memory_space<vmem>>, %arg2: memref<3200x255xf32, #tpu.memory_space<vmem>>, %arg3: memref<3200x255xf32, #tpu.memory_space<vmem>>, %arg4: memref<3x256x255xf32, #tpu.memory_space<vmem>>, %arg5: memref<256x4xf32, #tpu.memory_space<vmem>>, %arg6: memref<4x256xf32, #tpu.memory_space<vmem>>, %arg7: memref<256x1xi32, #tpu.memory_space<vmem>>, %arg8: memref<1x256xi32, #tpu.memory_space<vmem>>, %arg9: memref<1x1xf32, #tpu.memory_space<vmem>>, %arg10: memref<4xf32, #tpu.memory_space<smem>>) attributes {dimension_semantics = [#tpu.dimension_semantics<arbitrary>], iteration_bounds = array<i64: 16>, scalar_prefetch = 0 : i64, scratch_operands = 1 : i64, tpu.core_type = #tpu.core_type<tc>, window_params = [{transform_indices = @transform_0, window_bounds = array<i64: 3200, 255>}, {transform_indices = @transform_1, window_bounds = array<i64: 3200, 255>}, {pipeline_mode = #tpu.pipeline_mode<synchronous>, transform_indices = @transform_2, window_bounds = array<i64: 3200, 255>}, {pipeline_mode = #tpu.pipeline_mode<synchronous>, transform_indices = @transform_3, window_bounds = array<i64: 3, 256, 255>}, {pipeline_mode = #tpu.pipeline_mode<synchronous>, transform_indices = @transform_4, window_bounds = array<i64: 256, 4>}, {pipeline_mode = #tpu.pipeline_mode<synchronous>, transform_indices = @transform_5, window_bounds = array<i64: 4, 256>}, {pipeline_mode = #tpu.pipeline_mode<synchronous>, transform_indices = @transform_6, window_bounds = array<i64: 256, 1>}, {pipeline_mode = #tpu.pipeline_mode<synchronous>, transform_indices = @transform_7, window_bounds = array<i64: 1, 256>}, {pipeline_mode = #tpu.pipeline_mode<synchronous>, transform_indices = @transform_8, window_bounds = array<i64: 1, 1>}]} {
    %eq3A = arith.constant 0 : i32
    %eq3A_0 = arith.cmpi eq, %arg0, %eq3A : i32
    %convert_element_type3A = arith.extui %eq3A_0 : i1 to i32
    %cond3A = arith.constant 0 : i32
    %cond3A_1 = arith.cmpi ne, %convert_element_type3A, %cond3A : i32
    scf.if %cond3A_1 {
      %swap3A_120 = arith.constant 0.000000e+00 : f32
      %swap3A_121 = arith.constant 0 : index
      %swap3A_122 = memref.load %arg10[%swap3A_121] : memref<4xf32, #tpu.memory_space<smem>>
      memref.store %swap3A_120, %arg10[%swap3A_121] : memref<4xf32, #tpu.memory_space<smem>>
      %swap3A_123 = arith.constant 0.000000e+00 : f32
      %swap3A_124 = arith.constant 1 : index
      %swap3A_125 = memref.load %arg10[%swap3A_124] : memref<4xf32, #tpu.memory_space<smem>>
      memref.store %swap3A_123, %arg10[%swap3A_124] : memref<4xf32, #tpu.memory_space<smem>>
      %swap3A_126 = arith.constant 0.000000e+00 : f32
      %swap3A_127 = arith.constant 2 : index
      %swap3A_128 = memref.load %arg10[%swap3A_127] : memref<4xf32, #tpu.memory_space<smem>>
      memref.store %swap3A_126, %arg10[%swap3A_127] : memref<4xf32, #tpu.memory_space<smem>>
    } else {
    }
    %get3A = arith.constant 0 : index
    %get3A_2 = memref.load %arg10[%get3A] : memref<4xf32, #tpu.memory_space<smem>>
    %get3A_3 = arith.constant 0 : index
    %get3A_4 = arith.constant 0 : index
    %get3A_5 = vector.load %arg1[%get3A_3, %get3A_4] : memref<3200x255xf32, #tpu.memory_space<vmem>>, vector<3200x255xf32>
    %slice3A = vector.extract_strided_slice %get3A_5 {offsets = [0, 4], sizes = [3200, 1], strides = [1, 1]} : vector<3200x255xf32> to vector<3200x1xf32>
    %neg3A = arith.constant 0.000000e+00 : f32
    %neg3A_6 = vector.broadcast %neg3A : f32 to vector<3200x1xf32>
    %neg3A_7 = arith.subf %neg3A_6, %slice3A : vector<3200x1xf32>
    %exp3A = math.exp %neg3A_7 : vector<3200x1xf32>
    %add3A = arith.constant 1.000000e+00 : f32
    %add3A_8 = vector.broadcast %add3A : f32 to vector<3200x1xf32>
    %add3A_9 = arith.addf %add3A_8, %exp3A : vector<3200x1xf32>
    %div3A = arith.constant 1.000000e+00 : f32
    %div3A_10 = vector.broadcast %div3A : f32 to vector<3200x1xf32>
    %div3A_11 = arith.divf %div3A_10, %add3A_9 : vector<3200x1xf32>
    %mul3A = arith.constant 7.500000e-01 : f32
    %mul3A_12 = vector.broadcast %mul3A : f32 to vector<3200x1xf32>
    %mul3A_13 = arith.mulf %mul3A_12, %div3A_11 : vector<3200x1xf32>
    %mul3A_14 = arith.mulf %mul3A_13, %div3A_11 : vector<3200x1xf32>
    %max3A = arith.constant 0.000000e+00 : f32
    %max3A_15 = vector.broadcast %max3A : f32 to vector<3200x1xf32>
    %max3A_16 = arith.maximumf %slice3A, %max3A_15 : vector<3200x1xf32>
    %mul3A_17 = arith.constant 0.000000e+00 : f32
    %mul3A_18 = vector.broadcast %mul3A_17 : f32 to vector<3200x1xf32>
    %mul3A_19 = arith.mulf %slice3A, %mul3A_18 : vector<3200x1xf32>
    %sub3A = arith.subf %max3A_16, %mul3A_19 : vector<3200x1xf32>
    %abs3A = math.absf %slice3A : vector<3200x1xf32>
    %neg3A_20 = arith.constant 0.000000e+00 : f32
    %neg3A_21 = vector.broadcast %neg3A_20 : f32 to vector<3200x1xf32>
    %neg3A_22 = arith.subf %neg3A_21, %abs3A : vector<3200x1xf32>
    %exp3A_23 = math.exp %neg3A_22 : vector<3200x1xf32>
    %log1p3A = math.log1p %exp3A_23 : vector<3200x1xf32>
    %add3A_24 = arith.addf %sub3A, %log1p3A : vector<3200x1xf32>
    %mul3A_25 = arith.mulf %mul3A_14, %add3A_24 : vector<3200x1xf32>
    %reduce_sum3A = vector.shape_cast %mul3A_25 : vector<3200x1xf32> to vector<1x3200x1xf32>
    %reduce_sum3A_26 = arith.constant dense<0.000000e+00> : vector<1xf32>
    %reduce_sum3A_27 = vector.multi_reduction <add>, %reduce_sum3A, %reduce_sum3A_26 [1, 2] : vector<1x3200x1xf32> to vector<1xf32>
    %reduce_sum3A_28 = vector.shape_cast %reduce_sum3A_27 : vector<1xf32> to vector<1x1x1xf32>
    %reduce_sum3A_29 = vector.extract %reduce_sum3A_28[0, 0, 0] : f32 from vector<1x1x1xf32>
    %add3A_30 = arith.constant 0.000000e+00 : f32
    %add3A_31 = arith.addf %add3A_30, %reduce_sum3A_29 : f32
    %slice3A_32 = vector.extract_strided_slice %get3A_5 {offsets = [0, 89], sizes = [3200, 1], strides = [1, 1]} : vector<3200x255xf32> to vector<3200x1xf32>
    %neg3A_33 = arith.constant 0.000000e+00 : f32
    %neg3A_34 = vector.broadcast %neg3A_33 : f32 to vector<3200x1xf32>
    %neg3A_35 = arith.subf %neg3A_34, %slice3A_32 : vector<3200x1xf32>
    %exp3A_36 = math.exp %neg3A_35 : vector<3200x1xf32>
    %add3A_37 = arith.constant 1.000000e+00 : f32
    %add3A_38 = vector.broadcast %add3A_37 : f32 to vector<3200x1xf32>
    %add3A_39 = arith.addf %add3A_38, %exp3A_36 : vector<3200x1xf32>
    %div3A_40 = arith.constant 1.000000e+00 : f32
    %div3A_41 = vector.broadcast %div3A_40 : f32 to vector<3200x1xf32>
    %div3A_42 = arith.divf %div3A_41, %add3A_39 : vector<3200x1xf32>
    %mul3A_43 = arith.constant 7.500000e-01 : f32
    %mul3A_44 = vector.broadcast %mul3A_43 : f32 to vector<3200x1xf32>
    %mul3A_45 = arith.mulf %mul3A_44, %div3A_42 : vector<3200x1xf32>
    %mul3A_46 = arith.mulf %mul3A_45, %div3A_42 : vector<3200x1xf32>
    %max3A_47 = arith.constant 0.000000e+00 : f32
    %max3A_48 = vector.broadcast %max3A_47 : f32 to vector<3200x1xf32>
    %max3A_49 = arith.maximumf %slice3A_32, %max3A_48 : vector<3200x1xf32>
    %mul3A_50 = arith.constant 0.000000e+00 : f32
    %mul3A_51 = vector.broadcast %mul3A_50 : f32 to vector<3200x1xf32>
    %mul3A_52 = arith.mulf %slice3A_32, %mul3A_51 : vector<3200x1xf32>
    %sub3A_53 = arith.subf %max3A_49, %mul3A_52 : vector<3200x1xf32>
    %abs3A_54 = math.absf %slice3A_32 : vector<3200x1xf32>
    %neg3A_55 = arith.constant 0.000000e+00 : f32
    %neg3A_56 = vector.broadcast %neg3A_55 : f32 to vector<3200x1xf32>
    %neg3A_57 = arith.subf %neg3A_56, %abs3A_54 : vector<3200x1xf32>
    %exp3A_58 = math.exp %neg3A_57 : vector<3200x1xf32>
    %log1p3A_59 = math.log1p %exp3A_58 : vector<3200x1xf32>
    %add3A_60 = arith.addf %sub3A_53, %log1p3A_59 : vector<3200x1xf32>
    %mul3A_61 = arith.mulf %mul3A_46, %add3A_60 : vector<3200x1xf32>
    %reduce_sum3A_62 = vector.shape_cast %mul3A_61 : vector<3200x1xf32> to vector<1x3200x1xf32>
    %reduce_sum3A_63 = arith.constant dense<0.000000e+00> : vector<1xf32>
    %reduce_sum3A_64 = vector.multi_reduction <add>, %reduce_sum3A_62, %reduce_sum3A_63 [1, 2] : vector<1x3200x1xf32> to vector<1xf32>
    %reduce_sum3A_65 = vector.shape_cast %reduce_sum3A_64 : vector<1xf32> to vector<1x1x1xf32>
    %reduce_sum3A_66 = vector.extract %reduce_sum3A_65[0, 0, 0] : f32 from vector<1x1x1xf32>
    %add3A_67 = arith.addf %add3A_31, %reduce_sum3A_66 : f32
    %slice3A_68 = vector.extract_strided_slice %get3A_5 {offsets = [0, 174], sizes = [3200, 1], strides = [1, 1]} : vector<3200x255xf32> to vector<3200x1xf32>
    %neg3A_69 = arith.constant 0.000000e+00 : f32
    %neg3A_70 = vector.broadcast %neg3A_69 : f32 to vector<3200x1xf32>
    %neg3A_71 = arith.subf %neg3A_70, %slice3A_68 : vector<3200x1xf32>
    %exp3A_72 = math.exp %neg3A_71 : vector<3200x1xf32>
    %add3A_73 = arith.constant 1.000000e+00 : f32
    %add3A_74 = vector.broadcast %add3A_73 : f32 to vector<3200x1xf32>
    %add3A_75 = arith.addf %add3A_74, %exp3A_72 : vector<3200x1xf32>
    %div3A_76 = arith.constant 1.000000e+00 : f32
    %div3A_77 = vector.broadcast %div3A_76 : f32 to vector<3200x1xf32>
    %div3A_78 = arith.divf %div3A_77, %add3A_75 : vector<3200x1xf32>
    %mul3A_79 = arith.constant 7.500000e-01 : f32
    %mul3A_80 = vector.broadcast %mul3A_79 : f32 to vector<3200x1xf32>
    %mul3A_81 = arith.mulf %mul3A_80, %div3A_78 : vector<3200x1xf32>
    %mul3A_82 = arith.mulf %mul3A_81, %div3A_78 : vector<3200x1xf32>
    %max3A_83 = arith.constant 0.000000e+00 : f32
    %max3A_84 = vector.broadcast %max3A_83 : f32 to vector<3200x1xf32>
    %max3A_85 = arith.maximumf %slice3A_68, %max3A_84 : vector<3200x1xf32>
    %mul3A_86 = arith.constant 0.000000e+00 : f32
    %mul3A_87 = vector.broadcast %mul3A_86 : f32 to vector<3200x1xf32>
    %mul3A_88 = arith.mulf %slice3A_68, %mul3A_87 : vector<3200x1xf32>
    %sub3A_89 = arith.subf %max3A_85, %mul3A_88 : vector<3200x1xf32>
    %abs3A_90 = math.absf %slice3A_68 : vector<3200x1xf32>
    %neg3A_91 = arith.constant 0.000000e+00 : f32
    %neg3A_92 = vector.broadcast %neg3A_91 : f32 to vector<3200x1xf32>
    %neg3A_93 = arith.subf %neg3A_92, %abs3A_90 : vector<3200x1xf32>
    %exp3A_94 = math.exp %neg3A_93 : vector<3200x1xf32>
    %log1p3A_95 = math.log1p %exp3A_94 : vector<3200x1xf32>
    %add3A_96 = arith.addf %sub3A_89, %log1p3A_95 : vector<3200x1xf32>
    %mul3A_97 = arith.mulf %mul3A_82, %add3A_96 : vector<3200x1xf32>
    %reduce_sum3A_98 = vector.shape_cast %mul3A_97 : vector<3200x1xf32> to vector<1x3200x1xf32>
    %reduce_sum3A_99 = arith.constant dense<0.000000e+00> : vector<1xf32>
    %reduce_sum3A_100 = vector.multi_reduction <add>, %reduce_sum3A_98, %reduce_sum3A_99 [1, 2] : vector<1x3200x1xf32> to vector<1xf32>
    %reduce_sum3A_101 = vector.shape_cast %reduce_sum3A_100 : vector<1xf32> to vector<1x1x1xf32>
    %reduce_sum3A_102 = vector.extract %reduce_sum3A_101[0, 0, 0] : f32 from vector<1x1x1xf32>
    %add3A_103 = arith.addf %add3A_67, %reduce_sum3A_102 : f32
    %add3A_104 = arith.addf %get3A_2, %add3A_103 : f32
    %swap3A = arith.constant 0 : index
    %swap3A_105 = memref.load %arg10[%swap3A] : memref<4xf32, #tpu.memory_space<smem>>
    memref.store %add3A_104, %arg10[%swap3A] : memref<4xf32, #tpu.memory_space<smem>>
    %lt3A = arith.constant 4 : i32
    %lt3A_106 = arith.cmpi slt, %arg0, %lt3A : i32
    %convert_element_type3A_107 = arith.extui %lt3A_106 : i1 to i32
    %cond3A_108 = arith.constant 0 : i32
    %cond3A_109 = arith.cmpi ne, %convert_element_type3A_107, %cond3A_108 : i32
    scf.if %cond3A_109 {
      %get3A_120 = arith.constant 1 : index
      %get3A_121 = memref.load %arg10[%get3A_120] : memref<4xf32, #tpu.memory_space<smem>>
      %get3A_122 = arith.constant 0 : index
      %get3A_123 = arith.constant 0 : index
      %get3A_124 = vector.load %arg2[%get3A_122, %get3A_123] : memref<3200x255xf32, #tpu.memory_space<vmem>>, vector<3200x255xf32>
      %slice3A_125 = vector.extract_strided_slice %get3A_124 {offsets = [0, 4], sizes = [3200, 1], strides = [1, 1]} : vector<3200x255xf32> to vector<3200x1xf32>
      %neg3A_126 = arith.constant 0.000000e+00 : f32
      %neg3A_127 = vector.broadcast %neg3A_126 : f32 to vector<3200x1xf32>
      %neg3A_128 = arith.subf %neg3A_127, %slice3A_125 : vector<3200x1xf32>
      %exp3A_129 = math.exp %neg3A_128 : vector<3200x1xf32>
      %add3A_130 = arith.constant 1.000000e+00 : f32
      %add3A_131 = vector.broadcast %add3A_130 : f32 to vector<3200x1xf32>
      %add3A_132 = arith.addf %add3A_131, %exp3A_129 : vector<3200x1xf32>
      %div3A_133 = arith.constant 1.000000e+00 : f32
      %div3A_134 = vector.broadcast %div3A_133 : f32 to vector<3200x1xf32>
      %div3A_135 = arith.divf %div3A_134, %add3A_132 : vector<3200x1xf32>
      %mul3A_136 = arith.constant 7.500000e-01 : f32
      %mul3A_137 = vector.broadcast %mul3A_136 : f32 to vector<3200x1xf32>
      %mul3A_138 = arith.mulf %mul3A_137, %div3A_135 : vector<3200x1xf32>
      %mul3A_139 = arith.mulf %mul3A_138, %div3A_135 : vector<3200x1xf32>
      %max3A_140 = arith.constant 0.000000e+00 : f32
      %max3A_141 = vector.broadcast %max3A_140 : f32 to vector<3200x1xf32>
      %max3A_142 = arith.maximumf %slice3A_125, %max3A_141 : vector<3200x1xf32>
      %mul3A_143 = arith.constant 0.000000e+00 : f32
      %mul3A_144 = vector.broadcast %mul3A_143 : f32 to vector<3200x1xf32>
      %mul3A_145 = arith.mulf %slice3A_125, %mul3A_144 : vector<3200x1xf32>
      %sub3A_146 = arith.subf %max3A_142, %mul3A_145 : vector<3200x1xf32>
      %abs3A_147 = math.absf %slice3A_125 : vector<3200x1xf32>
      %neg3A_148 = arith.constant 0.000000e+00 : f32
      %neg3A_149 = vector.broadcast %neg3A_148 : f32 to vector<3200x1xf32>
      %neg3A_150 = arith.subf %neg3A_149, %abs3A_147 : vector<3200x1xf32>
      %exp3A_151 = math.exp %neg3A_150 : vector<3200x1xf32>
      %log1p3A_152 = math.log1p %exp3A_151 : vector<3200x1xf32>
      %add3A_153 = arith.addf %sub3A_146, %log1p3A_152 : vector<3200x1xf32>
      %mul3A_154 = arith.mulf %mul3A_139, %add3A_153 : vector<3200x1xf32>
      %reduce_sum3A_155 = vector.shape_cast %mul3A_154 : vector<3200x1xf32> to vector<1x3200x1xf32>
      %reduce_sum3A_156 = arith.constant dense<0.000000e+00> : vector<1xf32>
      %reduce_sum3A_157 = vector.multi_reduction <add>, %reduce_sum3A_155, %reduce_sum3A_156 [1, 2] : vector<1x3200x1xf32> to vector<1xf32>
      %reduce_sum3A_158 = vector.shape_cast %reduce_sum3A_157 : vector<1xf32> to vector<1x1x1xf32>
      %reduce_sum3A_159 = vector.extract %reduce_sum3A_158[0, 0, 0] : f32 from vector<1x1x1xf32>
      %add3A_160 = arith.constant 0.000000e+00 : f32
      %add3A_161 = arith.addf %add3A_160, %reduce_sum3A_159 : f32
      %slice3A_162 = vector.extract_strided_slice %get3A_124 {offsets = [0, 89], sizes = [3200, 1], strides = [1, 1]} : vector<3200x255xf32> to vector<3200x1xf32>
      %neg3A_163 = arith.constant 0.000000e+00 : f32
      %neg3A_164 = vector.broadcast %neg3A_163 : f32 to vector<3200x1xf32>
      %neg3A_165 = arith.subf %neg3A_164, %slice3A_162 : vector<3200x1xf32>
      %exp3A_166 = math.exp %neg3A_165 : vector<3200x1xf32>
      %add3A_167 = arith.constant 1.000000e+00 : f32
      %add3A_168 = vector.broadcast %add3A_167 : f32 to vector<3200x1xf32>
      %add3A_169 = arith.addf %add3A_168, %exp3A_166 : vector<3200x1xf32>
      %div3A_170 = arith.constant 1.000000e+00 : f32
      %div3A_171 = vector.broadcast %div3A_170 : f32 to vector<3200x1xf32>
      %div3A_172 = arith.divf %div3A_171, %add3A_169 : vector<3200x1xf32>
      %mul3A_173 = arith.constant 7.500000e-01 : f32
      %mul3A_174 = vector.broadcast %mul3A_173 : f32 to vector<3200x1xf32>
      %mul3A_175 = arith.mulf %mul3A_174, %div3A_172 : vector<3200x1xf32>
      %mul3A_176 = arith.mulf %mul3A_175, %div3A_172 : vector<3200x1xf32>
      %max3A_177 = arith.constant 0.000000e+00 : f32
      %max3A_178 = vector.broadcast %max3A_177 : f32 to vector<3200x1xf32>
      %max3A_179 = arith.maximumf %slice3A_162, %max3A_178 : vector<3200x1xf32>
      %mul3A_180 = arith.constant 0.000000e+00 : f32
      %mul3A_181 = vector.broadcast %mul3A_180 : f32 to vector<3200x1xf32>
      %mul3A_182 = arith.mulf %slice3A_162, %mul3A_181 : vector<3200x1xf32>
      %sub3A_183 = arith.subf %max3A_179, %mul3A_182 : vector<3200x1xf32>
      %abs3A_184 = math.absf %slice3A_162 : vector<3200x1xf32>
      %neg3A_185 = arith.constant 0.000000e+00 : f32
      %neg3A_186 = vector.broadcast %neg3A_185 : f32 to vector<3200x1xf32>
      %neg3A_187 = arith.subf %neg3A_186, %abs3A_184 : vector<3200x1xf32>
      %exp3A_188 = math.exp %neg3A_187 : vector<3200x1xf32>
      %log1p3A_189 = math.log1p %exp3A_188 : vector<3200x1xf32>
      %add3A_190 = arith.addf %sub3A_183, %log1p3A_189 : vector<3200x1xf32>
      %mul3A_191 = arith.mulf %mul3A_176, %add3A_190 : vector<3200x1xf32>
      %reduce_sum3A_192 = vector.shape_cast %mul3A_191 : vector<3200x1xf32> to vector<1x3200x1xf32>
      %reduce_sum3A_193 = arith.constant dense<0.000000e+00> : vector<1xf32>
      %reduce_sum3A_194 = vector.multi_reduction <add>, %reduce_sum3A_192, %reduce_sum3A_193 [1, 2] : vector<1x3200x1xf32> to vector<1xf32>
      %reduce_sum3A_195 = vector.shape_cast %reduce_sum3A_194 : vector<1xf32> to vector<1x1x1xf32>
      %reduce_sum3A_196 = vector.extract %reduce_sum3A_195[0, 0, 0] : f32 from vector<1x1x1xf32>
      %add3A_197 = arith.addf %add3A_161, %reduce_sum3A_196 : f32
      %slice3A_198 = vector.extract_strided_slice %get3A_124 {offsets = [0, 174], sizes = [3200, 1], strides = [1, 1]} : vector<3200x255xf32> to vector<3200x1xf32>
      %neg3A_199 = arith.constant 0.000000e+00 : f32
      %neg3A_200 = vector.broadcast %neg3A_199 : f32 to vector<3200x1xf32>
      %neg3A_201 = arith.subf %neg3A_200, %slice3A_198 : vector<3200x1xf32>
      %exp3A_202 = math.exp %neg3A_201 : vector<3200x1xf32>
      %add3A_203 = arith.constant 1.000000e+00 : f32
      %add3A_204 = vector.broadcast %add3A_203 : f32 to vector<3200x1xf32>
      %add3A_205 = arith.addf %add3A_204, %exp3A_202 : vector<3200x1xf32>
      %div3A_206 = arith.constant 1.000000e+00 : f32
      %div3A_207 = vector.broadcast %div3A_206 : f32 to vector<3200x1xf32>
      %div3A_208 = arith.divf %div3A_207, %add3A_205 : vector<3200x1xf32>
      %mul3A_209 = arith.constant 7.500000e-01 : f32
      %mul3A_210 = vector.broadcast %mul3A_209 : f32 to vector<3200x1xf32>
      %mul3A_211 = arith.mulf %mul3A_210, %div3A_208 : vector<3200x1xf32>
      %mul3A_212 = arith.mulf %mul3A_211, %div3A_208 : vector<3200x1xf32>
      %max3A_213 = arith.constant 0.000000e+00 : f32
      %max3A_214 = vector.broadcast %max3A_213 : f32 to vector<3200x1xf32>
      %max3A_215 = arith.maximumf %slice3A_198, %max3A_214 : vector<3200x1xf32>
      %mul3A_216 = arith.constant 0.000000e+00 : f32
      %mul3A_217 = vector.broadcast %mul3A_216 : f32 to vector<3200x1xf32>
      %mul3A_218 = arith.mulf %slice3A_198, %mul3A_217 : vector<3200x1xf32>
      %sub3A_219 = arith.subf %max3A_215, %mul3A_218 : vector<3200x1xf32>
      %abs3A_220 = math.absf %slice3A_198 : vector<3200x1xf32>
      %neg3A_221 = arith.constant 0.000000e+00 : f32
      %neg3A_222 = vector.broadcast %neg3A_221 : f32 to vector<3200x1xf32>
      %neg3A_223 = arith.subf %neg3A_222, %abs3A_220 : vector<3200x1xf32>
      %exp3A_224 = math.exp %neg3A_223 : vector<3200x1xf32>
      %log1p3A_225 = math.log1p %exp3A_224 : vector<3200x1xf32>
      %add3A_226 = arith.addf %sub3A_219, %log1p3A_225 : vector<3200x1xf32>
      %mul3A_227 = arith.mulf %mul3A_212, %add3A_226 : vector<3200x1xf32>
      %reduce_sum3A_228 = vector.shape_cast %mul3A_227 : vector<3200x1xf32> to vector<1x3200x1xf32>
      %reduce_sum3A_229 = arith.constant dense<0.000000e+00> : vector<1xf32>
      %reduce_sum3A_230 = vector.multi_reduction <add>, %reduce_sum3A_228, %reduce_sum3A_229 [1, 2] : vector<1x3200x1xf32> to vector<1xf32>
      %reduce_sum3A_231 = vector.shape_cast %reduce_sum3A_230 : vector<1xf32> to vector<1x1x1xf32>
      %reduce_sum3A_232 = vector.extract %reduce_sum3A_231[0, 0, 0] : f32 from vector<1x1x1xf32>
      %add3A_233 = arith.addf %add3A_197, %reduce_sum3A_232 : f32
      %add3A_234 = arith.addf %get3A_121, %add3A_233 : f32
      %swap3A_235 = arith.constant 1 : index
      %swap3A_236 = memref.load %arg10[%swap3A_235] : memref<4xf32, #tpu.memory_space<smem>>
      memref.store %add3A_234, %arg10[%swap3A_235] : memref<4xf32, #tpu.memory_space<smem>>
    } else {
    }
    %eq3A_110 = arith.constant 0 : i32
    %eq3A_111 = arith.cmpi eq, %arg0, %eq3A_110 : i32
    %convert_element_type3A_112 = arith.extui %eq3A_111 : i1 to i32
    %cond3A_113 = arith.constant 0 : i32
    %cond3A_114 = arith.cmpi ne, %convert_element_type3A_112, %cond3A_113 : i32
    scf.if %cond3A_114 {
      %get3A_120 = arith.constant 2 : index
      %get3A_121 = memref.load %arg10[%get3A_120] : memref<4xf32, #tpu.memory_space<smem>>
      %get3A_122 = arith.constant 0 : index
      %get3A_123 = arith.constant 0 : index
      %get3A_124 = vector.load %arg3[%get3A_122, %get3A_123] : memref<3200x255xf32, #tpu.memory_space<vmem>>, vector<3200x255xf32>
      %slice3A_125 = vector.extract_strided_slice %get3A_124 {offsets = [0, 4], sizes = [3200, 1], strides = [1, 1]} : vector<3200x255xf32> to vector<3200x1xf32>
      %neg3A_126 = arith.constant 0.000000e+00 : f32
      %neg3A_127 = vector.broadcast %neg3A_126 : f32 to vector<3200x1xf32>
      %neg3A_128 = arith.subf %neg3A_127, %slice3A_125 : vector<3200x1xf32>
      %exp3A_129 = math.exp %neg3A_128 : vector<3200x1xf32>
      %add3A_130 = arith.constant 1.000000e+00 : f32
      %add3A_131 = vector.broadcast %add3A_130 : f32 to vector<3200x1xf32>
      %add3A_132 = arith.addf %add3A_131, %exp3A_129 : vector<3200x1xf32>
      %div3A_133 = arith.constant 1.000000e+00 : f32
      %div3A_134 = vector.broadcast %div3A_133 : f32 to vector<3200x1xf32>
      %div3A_135 = arith.divf %div3A_134, %add3A_132 : vector<3200x1xf32>
      %mul3A_136 = arith.constant 7.500000e-01 : f32
      %mul3A_137 = vector.broadcast %mul3A_136 : f32 to vector<3200x1xf32>
      %mul3A_138 = arith.mulf %mul3A_137, %div3A_135 : vector<3200x1xf32>
      %mul3A_139 = arith.mulf %mul3A_138, %div3A_135 : vector<3200x1xf32>
      %max3A_140 = arith.constant 0.000000e+00 : f32
      %max3A_141 = vector.broadcast %max3A_140 : f32 to vector<3200x1xf32>
      %max3A_142 = arith.maximumf %slice3A_125, %max3A_141 : vector<3200x1xf32>
      %mul3A_143 = arith.constant 0.000000e+00 : f32
      %mul3A_144 = vector.broadcast %mul3A_143 : f32 to vector<3200x1xf32>
      %mul3A_145 = arith.mulf %slice3A_125, %mul3A_144 : vector<3200x1xf32>
      %sub3A_146 = arith.subf %max3A_142, %mul3A_145 : vector<3200x1xf32>
      %abs3A_147 = math.absf %slice3A_125 : vector<3200x1xf32>
      %neg3A_148 = arith.constant 0.000000e+00 : f32
      %neg3A_149 = vector.broadcast %neg3A_148 : f32 to vector<3200x1xf32>
      %neg3A_150 = arith.subf %neg3A_149, %abs3A_147 : vector<3200x1xf32>
      %exp3A_151 = math.exp %neg3A_150 : vector<3200x1xf32>
      %log1p3A_152 = math.log1p %exp3A_151 : vector<3200x1xf32>
      %add3A_153 = arith.addf %sub3A_146, %log1p3A_152 : vector<3200x1xf32>
      %mul3A_154 = arith.mulf %mul3A_139, %add3A_153 : vector<3200x1xf32>
      %reduce_sum3A_155 = vector.shape_cast %mul3A_154 : vector<3200x1xf32> to vector<1x3200x1xf32>
      %reduce_sum3A_156 = arith.constant dense<0.000000e+00> : vector<1xf32>
      %reduce_sum3A_157 = vector.multi_reduction <add>, %reduce_sum3A_155, %reduce_sum3A_156 [1, 2] : vector<1x3200x1xf32> to vector<1xf32>
      %reduce_sum3A_158 = vector.shape_cast %reduce_sum3A_157 : vector<1xf32> to vector<1x1x1xf32>
      %reduce_sum3A_159 = vector.extract %reduce_sum3A_158[0, 0, 0] : f32 from vector<1x1x1xf32>
      %add3A_160 = arith.constant 0.000000e+00 : f32
      %add3A_161 = arith.addf %add3A_160, %reduce_sum3A_159 : f32
      %slice3A_162 = vector.extract_strided_slice %get3A_124 {offsets = [0, 89], sizes = [3200, 1], strides = [1, 1]} : vector<3200x255xf32> to vector<3200x1xf32>
      %neg3A_163 = arith.constant 0.000000e+00 : f32
      %neg3A_164 = vector.broadcast %neg3A_163 : f32 to vector<3200x1xf32>
      %neg3A_165 = arith.subf %neg3A_164, %slice3A_162 : vector<3200x1xf32>
      %exp3A_166 = math.exp %neg3A_165 : vector<3200x1xf32>
      %add3A_167 = arith.constant 1.000000e+00 : f32
      %add3A_168 = vector.broadcast %add3A_167 : f32 to vector<3200x1xf32>
      %add3A_169 = arith.addf %add3A_168, %exp3A_166 : vector<3200x1xf32>
      %div3A_170 = arith.constant 1.000000e+00 : f32
      %div3A_171 = vector.broadcast %div3A_170 : f32 to vector<3200x1xf32>
      %div3A_172 = arith.divf %div3A_171, %add3A_169 : vector<3200x1xf32>
      %mul3A_173 = arith.constant 7.500000e-01 : f32
      %mul3A_174 = vector.broadcast %mul3A_173 : f32 to vector<3200x1xf32>
      %mul3A_175 = arith.mulf %mul3A_174, %div3A_172 : vector<3200x1xf32>
      %mul3A_176 = arith.mulf %mul3A_175, %div3A_172 : vector<3200x1xf32>
      %max3A_177 = arith.constant 0.000000e+00 : f32
      %max3A_178 = vector.broadcast %max3A_177 : f32 to vector<3200x1xf32>
      %max3A_179 = arith.maximumf %slice3A_162, %max3A_178 : vector<3200x1xf32>
      %mul3A_180 = arith.constant 0.000000e+00 : f32
      %mul3A_181 = vector.broadcast %mul3A_180 : f32 to vector<3200x1xf32>
      %mul3A_182 = arith.mulf %slice3A_162, %mul3A_181 : vector<3200x1xf32>
      %sub3A_183 = arith.subf %max3A_179, %mul3A_182 : vector<3200x1xf32>
      %abs3A_184 = math.absf %slice3A_162 : vector<3200x1xf32>
      %neg3A_185 = arith.constant 0.000000e+00 : f32
      %neg3A_186 = vector.broadcast %neg3A_185 : f32 to vector<3200x1xf32>
      %neg3A_187 = arith.subf %neg3A_186, %abs3A_184 : vector<3200x1xf32>
      %exp3A_188 = math.exp %neg3A_187 : vector<3200x1xf32>
      %log1p3A_189 = math.log1p %exp3A_188 : vector<3200x1xf32>
      %add3A_190 = arith.addf %sub3A_183, %log1p3A_189 : vector<3200x1xf32>
      %mul3A_191 = arith.mulf %mul3A_176, %add3A_190 : vector<3200x1xf32>
      %reduce_sum3A_192 = vector.shape_cast %mul3A_191 : vector<3200x1xf32> to vector<1x3200x1xf32>
      %reduce_sum3A_193 = arith.constant dense<0.000000e+00> : vector<1xf32>
      %reduce_sum3A_194 = vector.multi_reduction <add>, %reduce_sum3A_192, %reduce_sum3A_193 [1, 2] : vector<1x3200x1xf32> to vector<1xf32>
      %reduce_sum3A_195 = vector.shape_cast %reduce_sum3A_194 : vector<1xf32> to vector<1x1x1xf32>
      %reduce_sum3A_196 = vector.extract %reduce_sum3A_195[0, 0, 0] : f32 from vector<1x1x1xf32>
      %add3A_197 = arith.addf %add3A_161, %reduce_sum3A_196 : f32
      %slice3A_198 = vector.extract_strided_slice %get3A_124 {offsets = [0, 174], sizes = [3200, 1], strides = [1, 1]} : vector<3200x255xf32> to vector<3200x1xf32>
      %neg3A_199 = arith.constant 0.000000e+00 : f32
      %neg3A_200 = vector.broadcast %neg3A_199 : f32 to vector<3200x1xf32>
      %neg3A_201 = arith.subf %neg3A_200, %slice3A_198 : vector<3200x1xf32>
      %exp3A_202 = math.exp %neg3A_201 : vector<3200x1xf32>
      %add3A_203 = arith.constant 1.000000e+00 : f32
      %add3A_204 = vector.broadcast %add3A_203 : f32 to vector<3200x1xf32>
      %add3A_205 = arith.addf %add3A_204, %exp3A_202 : vector<3200x1xf32>
      %div3A_206 = arith.constant 1.000000e+00 : f32
      %div3A_207 = vector.broadcast %div3A_206 : f32 to vector<3200x1xf32>
      %div3A_208 = arith.divf %div3A_207, %add3A_205 : vector<3200x1xf32>
      %mul3A_209 = arith.constant 7.500000e-01 : f32
      %mul3A_210 = vector.broadcast %mul3A_209 : f32 to vector<3200x1xf32>
      %mul3A_211 = arith.mulf %mul3A_210, %div3A_208 : vector<3200x1xf32>
      %mul3A_212 = arith.mulf %mul3A_211, %div3A_208 : vector<3200x1xf32>
      %max3A_213 = arith.constant 0.000000e+00 : f32
      %max3A_214 = vector.broadcast %max3A_213 : f32 to vector<3200x1xf32>
      %max3A_215 = arith.maximumf %slice3A_198, %max3A_214 : vector<3200x1xf32>
      %mul3A_216 = arith.constant 0.000000e+00 : f32
      %mul3A_217 = vector.broadcast %mul3A_216 : f32 to vector<3200x1xf32>
      %mul3A_218 = arith.mulf %slice3A_198, %mul3A_217 : vector<3200x1xf32>
      %sub3A_219 = arith.subf %max3A_215, %mul3A_218 : vector<3200x1xf32>
      %abs3A_220 = math.absf %slice3A_198 : vector<3200x1xf32>
      %neg3A_221 = arith.constant 0.000000e+00 : f32
      %neg3A_222 = vector.broadcast %neg3A_221 : f32 to vector<3200x1xf32>
      %neg3A_223 = arith.subf %neg3A_222, %abs3A_220 : vector<3200x1xf32>
      %exp3A_224 = math.exp %neg3A_223 : vector<3200x1xf32>
      %log1p3A_225 = math.log1p %exp3A_224 : vector<3200x1xf32>
      %add3A_226 = arith.addf %sub3A_219, %log1p3A_225 : vector<3200x1xf32>
      %mul3A_227 = arith.mulf %mul3A_212, %add3A_226 : vector<3200x1xf32>
      %reduce_sum3A_228 = vector.shape_cast %mul3A_227 : vector<3200x1xf32> to vector<1x3200x1xf32>
      %reduce_sum3A_229 = arith.constant dense<0.000000e+00> : vector<1xf32>
      %reduce_sum3A_230 = vector.multi_reduction <add>, %reduce_sum3A_228, %reduce_sum3A_229 [1, 2] : vector<1x3200x1xf32> to vector<1xf32>
      %reduce_sum3A_231 = vector.shape_cast %reduce_sum3A_230 : vector<1xf32> to vector<1x1x1xf32>
      %reduce_sum3A_232 = vector.extract %reduce_sum3A_231[0, 0, 0] : f32 from vector<1x1x1xf32>
      %add3A_233 = arith.addf %add3A_197, %reduce_sum3A_232 : f32
      %add3A_234 = arith.addf %get3A_121, %add3A_233 : f32
      %swap3A_235 = arith.constant 2 : index
      %swap3A_236 = memref.load %arg10[%swap3A_235] : memref<4xf32, #tpu.memory_space<smem>>
      memref.store %add3A_234, %arg10[%swap3A_235] : memref<4xf32, #tpu.memory_space<smem>>
    } else {
    }
    %eq3A_115 = arith.constant 15 : i32
    %eq3A_116 = arith.cmpi eq, %arg0, %eq3A_115 : i32
    %convert_element_type3A_117 = arith.extui %eq3A_116 : i1 to i32
    %cond3A_118 = arith.constant 0 : i32
    %cond3A_119 = arith.cmpi ne, %convert_element_type3A_117, %cond3A_118 : i32
    scf.if %cond3A_119 {
      %get3A_120 = arith.constant 0 : index
      %get3A_121 = arith.constant 0 : index
      %get3A_122 = vector.load %arg5[%get3A_120, %get3A_121] : memref<256x4xf32, #tpu.memory_space<vmem>>, vector<256x4xf32>
      %get3A_123 = arith.constant 0 : index
      %get3A_124 = arith.constant 0 : index
      %get3A_125 = vector.load %arg6[%get3A_123, %get3A_124] : memref<4x256xf32, #tpu.memory_space<vmem>>, vector<4x256xf32>
      %get3A_126 = arith.constant 0 : index
      %get3A_127 = arith.constant 0 : index
      %get3A_128 = vector.load %arg7[%get3A_126, %get3A_127] : memref<256x1xi32, #tpu.memory_space<vmem>>, vector<256x1xi32>
      %get3A_129 = arith.constant 0 : index
      %get3A_130 = arith.constant 0 : index
      %get3A_131 = vector.load %arg8[%get3A_129, %get3A_130] : memref<1x256xi32, #tpu.memory_space<vmem>>, vector<1x256xi32>
      %slice3A_132 = vector.extract_strided_slice %get3A_122 {offsets = [0, 0], sizes = [256, 1], strides = [1, 1]} : vector<256x4xf32> to vector<256x1xf32>
      %slice3A_133 = vector.extract_strided_slice %get3A_122 {offsets = [0, 1], sizes = [256, 1], strides = [1, 1]} : vector<256x4xf32> to vector<256x1xf32>
      %slice3A_134 = vector.extract_strided_slice %get3A_122 {offsets = [0, 2], sizes = [256, 1], strides = [1, 1]} : vector<256x4xf32> to vector<256x1xf32>
      %slice3A_135 = vector.extract_strided_slice %get3A_122 {offsets = [0, 3], sizes = [256, 1], strides = [1, 1]} : vector<256x4xf32> to vector<256x1xf32>
      %sub3A_136 = arith.subf %slice3A_134, %slice3A_132 : vector<256x1xf32>
      %div3A_137 = arith.constant 6.400000e+02 : f32
      %div3A_138 = vector.broadcast %div3A_137 : f32 to vector<256x1xf32>
      %div3A_139 = arith.divf %sub3A_136, %div3A_138 : vector<256x1xf32>
      %jit3A = arith.constant 9.99999997E-7 : f32
      %jit3A_140 = arith.constant 1.000000e+00 : f32
      %max3A_141 = vector.broadcast %jit3A : f32 to vector<256x1xf32>
      %max3A_142 = arith.maximumf %max3A_141, %div3A_139 : vector<256x1xf32>
      %min3A = vector.broadcast %jit3A_140 : f32 to vector<256x1xf32>
      %min3A_143 = arith.minimumf %min3A, %max3A_142 : vector<256x1xf32>
      %sub3A_144 = arith.subf %slice3A_135, %slice3A_133 : vector<256x1xf32>
      %div3A_145 = arith.constant 6.400000e+02 : f32
      %div3A_146 = vector.broadcast %div3A_145 : f32 to vector<256x1xf32>
      %div3A_147 = arith.divf %sub3A_144, %div3A_146 : vector<256x1xf32>
      %jit3A_148 = arith.constant 9.99999997E-7 : f32
      %jit3A_149 = arith.constant 1.000000e+00 : f32
      %max3A_150 = vector.broadcast %jit3A_148 : f32 to vector<256x1xf32>
      %max3A_151 = arith.maximumf %max3A_150, %div3A_147 : vector<256x1xf32>
      %min3A_152 = vector.broadcast %jit3A_149 : f32 to vector<256x1xf32>
      %min3A_153 = arith.minimumf %min3A_152, %max3A_151 : vector<256x1xf32>
      %max3A_154 = arith.maximumf %min3A_143, %min3A_153 : vector<256x1xf32>
      %lt3A_155 = arith.constant 1.500000e-01 : f32
      %lt3A_156 = vector.broadcast %lt3A_155 : f32 to vector<256x1xf32>
      %lt3A_157 = arith.cmpf olt, %max3A_154, %lt3A_156 : vector<256x1xf32>
      %lt3A_158 = arith.constant 4.500000e-01 : f32
      %lt3A_159 = vector.broadcast %lt3A_158 : f32 to vector<256x1xf32>
      %lt3A_160 = arith.cmpf olt, %max3A_154, %lt3A_159 : vector<256x1xf32>
      %jit3A_161 = arith.constant 1 : i32
      %jit3A_162 = arith.constant 2 : i32
      %broadcast_in_dim3A = vector.broadcast %jit3A_161 : i32 to vector<256x1xi32>
      %broadcast_in_dim3A_163 = vector.broadcast %jit3A_162 : i32 to vector<256x1xi32>
      %select_n3A = arith.select %lt3A_160, %broadcast_in_dim3A, %broadcast_in_dim3A_163 : vector<256x1xi1>, vector<256x1xi32>
      %jit3A_164 = arith.constant 0 : i32
      %broadcast_in_dim3A_165 = vector.broadcast %jit3A_164 : i32 to vector<256x1xi32>
      %select_n3A_166 = arith.select %lt3A_157, %broadcast_in_dim3A_165, %select_n3A : vector<256x1xi1>, vector<256x1xi32>
      %add3A_167 = arith.addf %slice3A_132, %slice3A_134 : vector<256x1xf32>
      %mul3A_168 = arith.constant 5.000000e-01 : f32
      %mul3A_169 = vector.broadcast %mul3A_168 : f32 to vector<256x1xf32>
      %mul3A_170 = arith.mulf %add3A_167, %mul3A_169 : vector<256x1xf32>
      %div3A_171 = arith.constant 6.400000e+02 : f32
      %div3A_172 = vector.broadcast %div3A_171 : f32 to vector<256x1xf32>
      %div3A_173 = arith.divf %mul3A_170, %div3A_172 : vector<256x1xf32>
      %jit3A_174 = arith.constant 0.000000e+00 : f32
      %jit3A_175 = arith.constant 0.999998986 : f32
      %max3A_176 = vector.broadcast %jit3A_174 : f32 to vector<256x1xf32>
      %max3A_177 = arith.maximumf %max3A_176, %div3A_173 : vector<256x1xf32>
      %min3A_178 = vector.broadcast %jit3A_175 : f32 to vector<256x1xf32>
      %min3A_179 = arith.minimumf %min3A_178, %max3A_177 : vector<256x1xf32>
      %add3A_180 = arith.addf %slice3A_133, %slice3A_135 : vector<256x1xf32>
      %mul3A_181 = arith.constant 5.000000e-01 : f32
      %mul3A_182 = vector.broadcast %mul3A_181 : f32 to vector<256x1xf32>
      %mul3A_183 = arith.mulf %add3A_180, %mul3A_182 : vector<256x1xf32>
      %div3A_184 = arith.constant 6.400000e+02 : f32
      %div3A_185 = vector.broadcast %div3A_184 : f32 to vector<256x1xf32>
      %div3A_186 = arith.divf %mul3A_183, %div3A_185 : vector<256x1xf32>
      %jit3A_187 = arith.constant 0.000000e+00 : f32
      %jit3A_188 = arith.constant 0.999998986 : f32
      %max3A_189 = vector.broadcast %jit3A_187 : f32 to vector<256x1xf32>
      %max3A_190 = arith.maximumf %max3A_189, %div3A_186 : vector<256x1xf32>
      %min3A_191 = vector.broadcast %jit3A_188 : f32 to vector<256x1xf32>
      %min3A_192 = arith.minimumf %min3A_191, %max3A_190 : vector<256x1xf32>
      %mul3A_193 = arith.constant 8.000000e+01 : f32
      %mul3A_194 = vector.broadcast %mul3A_193 : f32 to vector<256x1xf32>
      %mul3A_195 = arith.mulf %min3A_179, %mul3A_194 : vector<256x1xf32>
      %floor3A = math.floor %mul3A_195 : vector<256x1xf32>
      %convert_element_type3A_196 = arith.fptosi %floor3A : vector<256x1xf32> to vector<256x1xi32>
      %jit3A_197 = arith.constant 0 : i32
      %jit3A_198 = arith.constant 79 : i32
      %max3A_199 = vector.broadcast %jit3A_197 : i32 to vector<256x1xi32>
      %max3A_200 = arith.maxsi %max3A_199, %convert_element_type3A_196 : vector<256x1xi32>
      %min3A_201 = vector.broadcast %jit3A_198 : i32 to vector<256x1xi32>
      %min3A_202 = arith.minsi %min3A_201, %max3A_200 : vector<256x1xi32>
      %mul3A_203 = arith.constant 8.000000e+01 : f32
      %mul3A_204 = vector.broadcast %mul3A_203 : f32 to vector<256x1xf32>
      %mul3A_205 = arith.mulf %min3A_192, %mul3A_204 : vector<256x1xf32>
      %floor3A_206 = math.floor %mul3A_205 : vector<256x1xf32>
      %convert_element_type3A_207 = arith.fptosi %floor3A_206 : vector<256x1xf32> to vector<256x1xi32>
      %jit3A_208 = arith.constant 0 : i32
      %jit3A_209 = arith.constant 79 : i32
      %max3A_210 = vector.broadcast %jit3A_208 : i32 to vector<256x1xi32>
      %max3A_211 = arith.maxsi %max3A_210, %convert_element_type3A_207 : vector<256x1xi32>
      %min3A_212 = vector.broadcast %jit3A_209 : i32 to vector<256x1xi32>
      %min3A_213 = arith.minsi %min3A_212, %max3A_211 : vector<256x1xi32>
      %mul3A_214 = arith.constant 4.000000e+01 : f32
      %mul3A_215 = vector.broadcast %mul3A_214 : f32 to vector<256x1xf32>
      %mul3A_216 = arith.mulf %min3A_179, %mul3A_215 : vector<256x1xf32>
      %floor3A_217 = math.floor %mul3A_216 : vector<256x1xf32>
      %convert_element_type3A_218 = arith.fptosi %floor3A_217 : vector<256x1xf32> to vector<256x1xi32>
      %jit3A_219 = arith.constant 0 : i32
      %jit3A_220 = arith.constant 39 : i32
      %max3A_221 = vector.broadcast %jit3A_219 : i32 to vector<256x1xi32>
      %max3A_222 = arith.maxsi %max3A_221, %convert_element_type3A_218 : vector<256x1xi32>
      %min3A_223 = vector.broadcast %jit3A_220 : i32 to vector<256x1xi32>
      %min3A_224 = arith.minsi %min3A_223, %max3A_222 : vector<256x1xi32>
      %mul3A_225 = arith.constant 4.000000e+01 : f32
      %mul3A_226 = vector.broadcast %mul3A_225 : f32 to vector<256x1xf32>
      %mul3A_227 = arith.mulf %min3A_192, %mul3A_226 : vector<256x1xf32>
      %floor3A_228 = math.floor %mul3A_227 : vector<256x1xf32>
      %convert_element_type3A_229 = arith.fptosi %floor3A_228 : vector<256x1xf32> to vector<256x1xi32>
      %jit3A_230 = arith.constant 0 : i32
      %jit3A_231 = arith.constant 39 : i32
      %max3A_232 = vector.broadcast %jit3A_230 : i32 to vector<256x1xi32>
      %max3A_233 = arith.maxsi %max3A_232, %convert_element_type3A_229 : vector<256x1xi32>
      %min3A_234 = vector.broadcast %jit3A_231 : i32 to vector<256x1xi32>
      %min3A_235 = arith.minsi %min3A_234, %max3A_233 : vector<256x1xi32>
      %mul3A_236 = arith.constant 2.000000e+01 : f32
      %mul3A_237 = vector.broadcast %mul3A_236 : f32 to vector<256x1xf32>
      %mul3A_238 = arith.mulf %min3A_179, %mul3A_237 : vector<256x1xf32>
      %floor3A_239 = math.floor %mul3A_238 : vector<256x1xf32>
      %convert_element_type3A_240 = arith.fptosi %floor3A_239 : vector<256x1xf32> to vector<256x1xi32>
      %jit3A_241 = arith.constant 0 : i32
      %jit3A_242 = arith.constant 19 : i32
      %max3A_243 = vector.broadcast %jit3A_241 : i32 to vector<256x1xi32>
      %max3A_244 = arith.maxsi %max3A_243, %convert_element_type3A_240 : vector<256x1xi32>
      %min3A_245 = vector.broadcast %jit3A_242 : i32 to vector<256x1xi32>
      %min3A_246 = arith.minsi %min3A_245, %max3A_244 : vector<256x1xi32>
      %mul3A_247 = arith.constant 2.000000e+01 : f32
      %mul3A_248 = vector.broadcast %mul3A_247 : f32 to vector<256x1xf32>
      %mul3A_249 = arith.mulf %min3A_192, %mul3A_248 : vector<256x1xf32>
      %floor3A_250 = math.floor %mul3A_249 : vector<256x1xf32>
      %convert_element_type3A_251 = arith.fptosi %floor3A_250 : vector<256x1xf32> to vector<256x1xi32>
      %jit3A_252 = arith.constant 0 : i32
      %jit3A_253 = arith.constant 19 : i32
      %max3A_254 = vector.broadcast %jit3A_252 : i32 to vector<256x1xi32>
      %max3A_255 = arith.maxsi %max3A_254, %convert_element_type3A_251 : vector<256x1xi32>
      %min3A_256 = vector.broadcast %jit3A_253 : i32 to vector<256x1xi32>
      %min3A_257 = arith.minsi %min3A_256, %max3A_255 : vector<256x1xi32>
      %eq3A_258 = arith.constant 0 : i32
      %eq3A_259 = vector.broadcast %eq3A_258 : i32 to vector<256x1xi32>
      %eq3A_260 = arith.cmpi eq, %select_n3A_166, %eq3A_259 : vector<256x1xi32>
      %eq3A_261 = arith.constant 1 : i32
      %eq3A_262 = vector.broadcast %eq3A_261 : i32 to vector<256x1xi32>
      %eq3A_263 = arith.cmpi eq, %select_n3A_166, %eq3A_262 : vector<256x1xi32>
      %select_n3A_264 = arith.select %eq3A_263, %min3A_224, %min3A_246 : vector<256x1xi1>, vector<256x1xi32>
      %select_n3A_265 = arith.select %eq3A_260, %min3A_202, %select_n3A_264 : vector<256x1xi1>, vector<256x1xi32>
      %eq3A_266 = arith.constant 0 : i32
      %eq3A_267 = vector.broadcast %eq3A_266 : i32 to vector<256x1xi32>
      %eq3A_268 = arith.cmpi eq, %select_n3A_166, %eq3A_267 : vector<256x1xi32>
      %eq3A_269 = arith.constant 1 : i32
      %eq3A_270 = vector.broadcast %eq3A_269 : i32 to vector<256x1xi32>
      %eq3A_271 = arith.cmpi eq, %select_n3A_166, %eq3A_270 : vector<256x1xi32>
      %select_n3A_272 = arith.select %eq3A_271, %min3A_235, %min3A_257 : vector<256x1xi1>, vector<256x1xi32>
      %select_n3A_273 = arith.select %eq3A_268, %min3A_213, %select_n3A_272 : vector<256x1xi1>, vector<256x1xi32>
      %slice3A_274 = vector.extract_strided_slice %get3A_125 {offsets = [0, 0], sizes = [1, 256], strides = [1, 1]} : vector<4x256xf32> to vector<1x256xf32>
      %slice3A_275 = vector.extract_strided_slice %get3A_125 {offsets = [1, 0], sizes = [1, 256], strides = [1, 1]} : vector<4x256xf32> to vector<1x256xf32>
      %slice3A_276 = vector.extract_strided_slice %get3A_125 {offsets = [2, 0], sizes = [1, 256], strides = [1, 1]} : vector<4x256xf32> to vector<1x256xf32>
      %slice3A_277 = vector.extract_strided_slice %get3A_125 {offsets = [3, 0], sizes = [1, 256], strides = [1, 1]} : vector<4x256xf32> to vector<1x256xf32>
      %sub3A_278 = arith.subf %slice3A_276, %slice3A_274 : vector<1x256xf32>
      %div3A_279 = arith.constant 6.400000e+02 : f32
      %div3A_280 = vector.broadcast %div3A_279 : f32 to vector<1x256xf32>
      %div3A_281 = arith.divf %sub3A_278, %div3A_280 : vector<1x256xf32>
      %jit3A_282 = arith.constant 9.99999997E-7 : f32
      %jit3A_283 = arith.constant 1.000000e+00 : f32
      %max3A_284 = vector.broadcast %jit3A_282 : f32 to vector<1x256xf32>
      %max3A_285 = arith.maximumf %max3A_284, %div3A_281 : vector<1x256xf32>
      %min3A_286 = vector.broadcast %jit3A_283 : f32 to vector<1x256xf32>
      %min3A_287 = arith.minimumf %min3A_286, %max3A_285 : vector<1x256xf32>
      %sub3A_288 = arith.subf %slice3A_277, %slice3A_275 : vector<1x256xf32>
      %div3A_289 = arith.constant 6.400000e+02 : f32
      %div3A_290 = vector.broadcast %div3A_289 : f32 to vector<1x256xf32>
      %div3A_291 = arith.divf %sub3A_288, %div3A_290 : vector<1x256xf32>
      %jit3A_292 = arith.constant 9.99999997E-7 : f32
      %jit3A_293 = arith.constant 1.000000e+00 : f32
      %max3A_294 = vector.broadcast %jit3A_292 : f32 to vector<1x256xf32>
      %max3A_295 = arith.maximumf %max3A_294, %div3A_291 : vector<1x256xf32>
      %min3A_296 = vector.broadcast %jit3A_293 : f32 to vector<1x256xf32>
      %min3A_297 = arith.minimumf %min3A_296, %max3A_295 : vector<1x256xf32>
      %max3A_298 = arith.maximumf %min3A_287, %min3A_297 : vector<1x256xf32>
      %lt3A_299 = arith.constant 1.500000e-01 : f32
      %lt3A_300 = vector.broadcast %lt3A_299 : f32 to vector<1x256xf32>
      %lt3A_301 = arith.cmpf olt, %max3A_298, %lt3A_300 : vector<1x256xf32>
      %lt3A_302 = arith.constant 4.500000e-01 : f32
      %lt3A_303 = vector.broadcast %lt3A_302 : f32 to vector<1x256xf32>
      %lt3A_304 = arith.cmpf olt, %max3A_298, %lt3A_303 : vector<1x256xf32>
      %jit3A_305 = arith.constant 1 : i32
      %jit3A_306 = arith.constant 2 : i32
      %broadcast_in_dim3A_307 = vector.broadcast %jit3A_305 : i32 to vector<1x256xi32>
      %broadcast_in_dim3A_308 = vector.broadcast %jit3A_306 : i32 to vector<1x256xi32>
      %select_n3A_309 = arith.select %lt3A_304, %broadcast_in_dim3A_307, %broadcast_in_dim3A_308 : vector<1x256xi1>, vector<1x256xi32>
      %jit3A_310 = arith.constant 0 : i32
      %broadcast_in_dim3A_311 = vector.broadcast %jit3A_310 : i32 to vector<1x256xi32>
      %select_n3A_312 = arith.select %lt3A_301, %broadcast_in_dim3A_311, %select_n3A_309 : vector<1x256xi1>, vector<1x256xi32>
      %add3A_313 = arith.addf %slice3A_274, %slice3A_276 : vector<1x256xf32>
      %mul3A_314 = arith.constant 5.000000e-01 : f32
      %mul3A_315 = vector.broadcast %mul3A_314 : f32 to vector<1x256xf32>
      %mul3A_316 = arith.mulf %add3A_313, %mul3A_315 : vector<1x256xf32>
      %div3A_317 = arith.constant 6.400000e+02 : f32
      %div3A_318 = vector.broadcast %div3A_317 : f32 to vector<1x256xf32>
      %div3A_319 = arith.divf %mul3A_316, %div3A_318 : vector<1x256xf32>
      %jit3A_320 = arith.constant 0.000000e+00 : f32
      %jit3A_321 = arith.constant 0.999998986 : f32
      %max3A_322 = vector.broadcast %jit3A_320 : f32 to vector<1x256xf32>
      %max3A_323 = arith.maximumf %max3A_322, %div3A_319 : vector<1x256xf32>
      %min3A_324 = vector.broadcast %jit3A_321 : f32 to vector<1x256xf32>
      %min3A_325 = arith.minimumf %min3A_324, %max3A_323 : vector<1x256xf32>
      %add3A_326 = arith.addf %slice3A_275, %slice3A_277 : vector<1x256xf32>
      %mul3A_327 = arith.constant 5.000000e-01 : f32
      %mul3A_328 = vector.broadcast %mul3A_327 : f32 to vector<1x256xf32>
      %mul3A_329 = arith.mulf %add3A_326, %mul3A_328 : vector<1x256xf32>
      %div3A_330 = arith.constant 6.400000e+02 : f32
      %div3A_331 = vector.broadcast %div3A_330 : f32 to vector<1x256xf32>
      %div3A_332 = arith.divf %mul3A_329, %div3A_331 : vector<1x256xf32>
      %jit3A_333 = arith.constant 0.000000e+00 : f32
      %jit3A_334 = arith.constant 0.999998986 : f32
      %max3A_335 = vector.broadcast %jit3A_333 : f32 to vector<1x256xf32>
      %max3A_336 = arith.maximumf %max3A_335, %div3A_332 : vector<1x256xf32>
      %min3A_337 = vector.broadcast %jit3A_334 : f32 to vector<1x256xf32>
      %min3A_338 = arith.minimumf %min3A_337, %max3A_336 : vector<1x256xf32>
      %mul3A_339 = arith.constant 8.000000e+01 : f32
      %mul3A_340 = vector.broadcast %mul3A_339 : f32 to vector<1x256xf32>
      %mul3A_341 = arith.mulf %min3A_325, %mul3A_340 : vector<1x256xf32>
      %floor3A_342 = math.floor %mul3A_341 : vector<1x256xf32>
      %convert_element_type3A_343 = arith.fptosi %floor3A_342 : vector<1x256xf32> to vector<1x256xi32>
      %jit3A_344 = arith.constant 0 : i32
      %jit3A_345 = arith.constant 79 : i32
      %max3A_346 = vector.broadcast %jit3A_344 : i32 to vector<1x256xi32>
      %max3A_347 = arith.maxsi %max3A_346, %convert_element_type3A_343 : vector<1x256xi32>
      %min3A_348 = vector.broadcast %jit3A_345 : i32 to vector<1x256xi32>
      %min3A_349 = arith.minsi %min3A_348, %max3A_347 : vector<1x256xi32>
      %mul3A_350 = arith.constant 8.000000e+01 : f32
      %mul3A_351 = vector.broadcast %mul3A_350 : f32 to vector<1x256xf32>
      %mul3A_352 = arith.mulf %min3A_338, %mul3A_351 : vector<1x256xf32>
      %floor3A_353 = math.floor %mul3A_352 : vector<1x256xf32>
      %convert_element_type3A_354 = arith.fptosi %floor3A_353 : vector<1x256xf32> to vector<1x256xi32>
      %jit3A_355 = arith.constant 0 : i32
      %jit3A_356 = arith.constant 79 : i32
      %max3A_357 = vector.broadcast %jit3A_355 : i32 to vector<1x256xi32>
      %max3A_358 = arith.maxsi %max3A_357, %convert_element_type3A_354 : vector<1x256xi32>
      %min3A_359 = vector.broadcast %jit3A_356 : i32 to vector<1x256xi32>
      %min3A_360 = arith.minsi %min3A_359, %max3A_358 : vector<1x256xi32>
      %mul3A_361 = arith.constant 4.000000e+01 : f32
      %mul3A_362 = vector.broadcast %mul3A_361 : f32 to vector<1x256xf32>
      %mul3A_363 = arith.mulf %min3A_325, %mul3A_362 : vector<1x256xf32>
      %floor3A_364 = math.floor %mul3A_363 : vector<1x256xf32>
      %convert_element_type3A_365 = arith.fptosi %floor3A_364 : vector<1x256xf32> to vector<1x256xi32>
      %jit3A_366 = arith.constant 0 : i32
      %jit3A_367 = arith.constant 39 : i32
      %max3A_368 = vector.broadcast %jit3A_366 : i32 to vector<1x256xi32>
      %max3A_369 = arith.maxsi %max3A_368, %convert_element_type3A_365 : vector<1x256xi32>
      %min3A_370 = vector.broadcast %jit3A_367 : i32 to vector<1x256xi32>
      %min3A_371 = arith.minsi %min3A_370, %max3A_369 : vector<1x256xi32>
      %mul3A_372 = arith.constant 4.000000e+01 : f32
      %mul3A_373 = vector.broadcast %mul3A_372 : f32 to vector<1x256xf32>
      %mul3A_374 = arith.mulf %min3A_338, %mul3A_373 : vector<1x256xf32>
      %floor3A_375 = math.floor %mul3A_374 : vector<1x256xf32>
      %convert_element_type3A_376 = arith.fptosi %floor3A_375 : vector<1x256xf32> to vector<1x256xi32>
      %jit3A_377 = arith.constant 0 : i32
      %jit3A_378 = arith.constant 39 : i32
      %max3A_379 = vector.broadcast %jit3A_377 : i32 to vector<1x256xi32>
      %max3A_380 = arith.maxsi %max3A_379, %convert_element_type3A_376 : vector<1x256xi32>
      %min3A_381 = vector.broadcast %jit3A_378 : i32 to vector<1x256xi32>
      %min3A_382 = arith.minsi %min3A_381, %max3A_380 : vector<1x256xi32>
      %mul3A_383 = arith.constant 2.000000e+01 : f32
      %mul3A_384 = vector.broadcast %mul3A_383 : f32 to vector<1x256xf32>
      %mul3A_385 = arith.mulf %min3A_325, %mul3A_384 : vector<1x256xf32>
      %floor3A_386 = math.floor %mul3A_385 : vector<1x256xf32>
      %convert_element_type3A_387 = arith.fptosi %floor3A_386 : vector<1x256xf32> to vector<1x256xi32>
      %jit3A_388 = arith.constant 0 : i32
      %jit3A_389 = arith.constant 19 : i32
      %max3A_390 = vector.broadcast %jit3A_388 : i32 to vector<1x256xi32>
      %max3A_391 = arith.maxsi %max3A_390, %convert_element_type3A_387 : vector<1x256xi32>
      %min3A_392 = vector.broadcast %jit3A_389 : i32 to vector<1x256xi32>
      %min3A_393 = arith.minsi %min3A_392, %max3A_391 : vector<1x256xi32>
      %mul3A_394 = arith.constant 2.000000e+01 : f32
      %mul3A_395 = vector.broadcast %mul3A_394 : f32 to vector<1x256xf32>
      %mul3A_396 = arith.mulf %min3A_338, %mul3A_395 : vector<1x256xf32>
      %floor3A_397 = math.floor %mul3A_396 : vector<1x256xf32>
      %convert_element_type3A_398 = arith.fptosi %floor3A_397 : vector<1x256xf32> to vector<1x256xi32>
      %jit3A_399 = arith.constant 0 : i32
      %jit3A_400 = arith.constant 19 : i32
      %max3A_401 = vector.broadcast %jit3A_399 : i32 to vector<1x256xi32>
      %max3A_402 = arith.maxsi %max3A_401, %convert_element_type3A_398 : vector<1x256xi32>
      %min3A_403 = vector.broadcast %jit3A_400 : i32 to vector<1x256xi32>
      %min3A_404 = arith.minsi %min3A_403, %max3A_402 : vector<1x256xi32>
      %eq3A_405 = arith.constant 0 : i32
      %eq3A_406 = vector.broadcast %eq3A_405 : i32 to vector<1x256xi32>
      %eq3A_407 = arith.cmpi eq, %select_n3A_312, %eq3A_406 : vector<1x256xi32>
      %eq3A_408 = arith.constant 1 : i32
      %eq3A_409 = vector.broadcast %eq3A_408 : i32 to vector<1x256xi32>
      %eq3A_410 = arith.cmpi eq, %select_n3A_312, %eq3A_409 : vector<1x256xi32>
      %select_n3A_411 = arith.select %eq3A_410, %min3A_371, %min3A_393 : vector<1x256xi1>, vector<1x256xi32>
      %select_n3A_412 = arith.select %eq3A_407, %min3A_349, %select_n3A_411 : vector<1x256xi1>, vector<1x256xi32>
      %eq3A_413 = arith.constant 0 : i32
      %eq3A_414 = vector.broadcast %eq3A_413 : i32 to vector<1x256xi32>
      %eq3A_415 = arith.cmpi eq, %select_n3A_312, %eq3A_414 : vector<1x256xi32>
      %eq3A_416 = arith.constant 1 : i32
      %eq3A_417 = vector.broadcast %eq3A_416 : i32 to vector<1x256xi32>
      %eq3A_418 = arith.cmpi eq, %select_n3A_312, %eq3A_417 : vector<1x256xi32>
      %select_n3A_419 = arith.select %eq3A_418, %min3A_382, %min3A_404 : vector<1x256xi1>, vector<1x256xi32>
      %select_n3A_420 = arith.select %eq3A_415, %min3A_360, %select_n3A_419 : vector<1x256xi1>, vector<1x256xi32>
      %iota3A = tpu.iota {dimensions = array<i32: 0>} : vector<256x1xi32>
      %jit3A_421 = arith.constant 32 : i32
      %div3A_422 = vector.broadcast %jit3A_421 : i32 to vector<256x1xi32>
      %div3A_423 = arith.divsi %iota3A, %div3A_422 : vector<256x1xi32>
      %sign3A = arith.constant 0 : i32
      %sign3A_424 = vector.broadcast %sign3A : i32 to vector<256x1xi32>
      %sign3A_425 = arith.cmpi sgt, %iota3A, %sign3A_424 : vector<256x1xi32>
      %sign3A_426 = arith.extui %sign3A_425 : vector<256x1xi1> to vector<256x1xi32>
      %sign3A_427 = arith.constant 0 : i32
      %sign3A_428 = vector.broadcast %sign3A_427 : i32 to vector<256x1xi32>
      %sign3A_429 = arith.cmpi slt, %iota3A, %sign3A_428 : vector<256x1xi32>
      %sign3A_430 = arith.extui %sign3A_429 : vector<256x1xi1> to vector<256x1xi32>
      %sign3A_431 = arith.subi %sign3A_426, %sign3A_430 : vector<256x1xi32>
      %sign3A_432 = arith.constant 0 : i32
      %sign3A_433 = arith.cmpi sgt, %jit3A_421, %sign3A_432 : i32
      %sign3A_434 = arith.extui %sign3A_433 : i1 to i32
      %sign3A_435 = arith.constant 0 : i32
      %sign3A_436 = arith.cmpi slt, %jit3A_421, %sign3A_435 : i32
      %sign3A_437 = arith.extui %sign3A_436 : i1 to i32
      %sign3A_438 = arith.subi %sign3A_434, %sign3A_437 : i32
      %ne3A = vector.broadcast %sign3A_438 : i32 to vector<256x1xi32>
      %ne3A_439 = arith.cmpi ne, %sign3A_431, %ne3A : vector<256x1xi32>
      %rem3A = vector.broadcast %jit3A_421 : i32 to vector<256x1xi32>
      %rem3A_440 = arith.remsi %iota3A, %rem3A : vector<256x1xi32>
      %ne3A_441 = arith.constant 0 : i32
      %ne3A_442 = vector.broadcast %ne3A_441 : i32 to vector<256x1xi32>
      %ne3A_443 = arith.cmpi ne, %rem3A_440, %ne3A_442 : vector<256x1xi32>
      %and3A = arith.andi %ne3A_439, %ne3A_443 : vector<256x1xi1>
      %sub3A_444 = arith.constant 1 : i32
      %sub3A_445 = vector.broadcast %sub3A_444 : i32 to vector<256x1xi32>
      %sub3A_446 = arith.subi %div3A_423, %sub3A_445 : vector<256x1xi32>
      %select_n3A_447 = arith.select %and3A, %sub3A_446, %div3A_423 : vector<256x1xi1>, vector<256x1xi32>
      %iota3A_448 = tpu.iota {dimensions = array<i32: 1>} : vector<1x256xi32>
      %jit3A_449 = arith.constant 32 : i32
      %div3A_450 = vector.broadcast %jit3A_449 : i32 to vector<1x256xi32>
      %div3A_451 = arith.divsi %iota3A_448, %div3A_450 : vector<1x256xi32>
      %sign3A_452 = arith.constant 0 : i32
      %sign3A_453 = vector.broadcast %sign3A_452 : i32 to vector<1x256xi32>
      %sign3A_454 = arith.cmpi sgt, %iota3A_448, %sign3A_453 : vector<1x256xi32>
      %sign3A_455 = arith.extui %sign3A_454 : vector<1x256xi1> to vector<1x256xi32>
      %sign3A_456 = arith.constant 0 : i32
      %sign3A_457 = vector.broadcast %sign3A_456 : i32 to vector<1x256xi32>
      %sign3A_458 = arith.cmpi slt, %iota3A_448, %sign3A_457 : vector<1x256xi32>
      %sign3A_459 = arith.extui %sign3A_458 : vector<1x256xi1> to vector<1x256xi32>
      %sign3A_460 = arith.subi %sign3A_455, %sign3A_459 : vector<1x256xi32>
      %sign3A_461 = arith.constant 0 : i32
      %sign3A_462 = arith.cmpi sgt, %jit3A_449, %sign3A_461 : i32
      %sign3A_463 = arith.extui %sign3A_462 : i1 to i32
      %sign3A_464 = arith.constant 0 : i32
      %sign3A_465 = arith.cmpi slt, %jit3A_449, %sign3A_464 : i32
      %sign3A_466 = arith.extui %sign3A_465 : i1 to i32
      %sign3A_467 = arith.subi %sign3A_463, %sign3A_466 : i32
      %ne3A_468 = vector.broadcast %sign3A_467 : i32 to vector<1x256xi32>
      %ne3A_469 = arith.cmpi ne, %sign3A_460, %ne3A_468 : vector<1x256xi32>
      %rem3A_470 = vector.broadcast %jit3A_449 : i32 to vector<1x256xi32>
      %rem3A_471 = arith.remsi %iota3A_448, %rem3A_470 : vector<1x256xi32>
      %ne3A_472 = arith.constant 0 : i32
      %ne3A_473 = vector.broadcast %ne3A_472 : i32 to vector<1x256xi32>
      %ne3A_474 = arith.cmpi ne, %rem3A_471, %ne3A_473 : vector<1x256xi32>
      %and3A_475 = arith.andi %ne3A_469, %ne3A_474 : vector<1x256xi1>
      %sub3A_476 = arith.constant 1 : i32
      %sub3A_477 = vector.broadcast %sub3A_476 : i32 to vector<1x256xi32>
      %sub3A_478 = arith.subi %div3A_451, %sub3A_477 : vector<1x256xi32>
      %select_n3A_479 = arith.select %and3A_475, %sub3A_478, %div3A_451 : vector<1x256xi1>, vector<1x256xi32>
      %jit3A_480 = arith.constant 0 : i32
      %jit3A_481 = arith.constant 79 : i32
      %max3A_482 = vector.broadcast %jit3A_480 : i32 to vector<256x1xi32>
      %max3A_483 = arith.maxsi %max3A_482, %get3A_128 : vector<256x1xi32>
      %min3A_484 = vector.broadcast %jit3A_481 : i32 to vector<256x1xi32>
      %min3A_485 = arith.minsi %min3A_484, %max3A_483 : vector<256x1xi32>
      %jit3A_486 = arith.constant 0 : i32
      %jit3A_487 = arith.constant 79 : i32
      %max3A_488 = vector.broadcast %jit3A_486 : i32 to vector<1x256xi32>
      %max3A_489 = arith.maxsi %max3A_488, %get3A_131 : vector<1x256xi32>
      %min3A_490 = vector.broadcast %jit3A_487 : i32 to vector<1x256xi32>
      %min3A_491 = arith.minsi %min3A_490, %max3A_489 : vector<1x256xi32>
      %ge3A = arith.constant 0 : i32
      %ge3A_492 = vector.broadcast %ge3A : i32 to vector<256x1xi32>
      %ge3A_493 = arith.cmpi sge, %get3A_128, %ge3A_492 : vector<256x1xi32>
      %lt3A_494 = arith.constant 80 : i32
      %lt3A_495 = vector.broadcast %lt3A_494 : i32 to vector<256x1xi32>
      %lt3A_496 = arith.cmpi slt, %get3A_128, %lt3A_495 : vector<256x1xi32>
      %and3A_497 = arith.andi %ge3A_493, %lt3A_496 : vector<256x1xi1>
      %ge3A_498 = arith.constant 0 : i32
      %ge3A_499 = vector.broadcast %ge3A_498 : i32 to vector<1x256xi32>
      %ge3A_500 = arith.cmpi sge, %get3A_131, %ge3A_499 : vector<1x256xi32>
      %lt3A_501 = arith.constant 80 : i32
      %lt3A_502 = vector.broadcast %lt3A_501 : i32 to vector<1x256xi32>
      %lt3A_503 = arith.cmpi slt, %get3A_131, %lt3A_502 : vector<1x256xi32>
      %and3A_504 = arith.andi %ge3A_500, %lt3A_503 : vector<1x256xi1>
      %mul3A_505 = arith.constant 4 : i32
      %mul3A_506 = vector.broadcast %mul3A_505 : i32 to vector<256x1xi32>
      %mul3A_507 = arith.muli %select_n3A_447, %mul3A_506 : vector<256x1xi32>
      %add3A_508 = arith.addi %mul3A_507, %select_n3A_166 : vector<256x1xi32>
      %mul3A_509 = arith.constant 128 : i32
      %mul3A_510 = vector.broadcast %mul3A_509 : i32 to vector<256x1xi32>
      %mul3A_511 = arith.muli %add3A_508, %mul3A_510 : vector<256x1xi32>
      %add3A_512 = arith.addi %mul3A_511, %select_n3A_273 : vector<256x1xi32>
      %mul3A_513 = arith.constant 128 : i32
      %mul3A_514 = vector.broadcast %mul3A_513 : i32 to vector<256x1xi32>
      %mul3A_515 = arith.muli %add3A_512, %mul3A_514 : vector<256x1xi32>
      %add3A_516 = arith.addi %mul3A_515, %select_n3A_265 : vector<256x1xi32>
      %mul3A_517 = arith.constant 4 : i32
      %mul3A_518 = vector.broadcast %mul3A_517 : i32 to vector<1x256xi32>
      %mul3A_519 = arith.muli %select_n3A_479, %mul3A_518 : vector<1x256xi32>
      %add3A_520 = arith.addi %mul3A_519, %select_n3A_312 : vector<1x256xi32>
      %mul3A_521 = arith.constant 128 : i32
      %mul3A_522 = vector.broadcast %mul3A_521 : i32 to vector<1x256xi32>
      %mul3A_523 = arith.muli %add3A_520, %mul3A_522 : vector<1x256xi32>
      %add3A_524 = arith.addi %mul3A_523, %select_n3A_420 : vector<1x256xi32>
      %mul3A_525 = arith.constant 128 : i32
      %mul3A_526 = vector.broadcast %mul3A_525 : i32 to vector<1x256xi32>
      %mul3A_527 = arith.muli %add3A_524, %mul3A_526 : vector<1x256xi32>
      %add3A_528 = arith.addi %mul3A_527, %select_n3A_412 : vector<1x256xi32>
      %mul3A_529 = arith.constant 128 : i32
      %mul3A_530 = vector.broadcast %mul3A_529 : i32 to vector<256x1xi32>
      %mul3A_531 = arith.muli %add3A_516, %mul3A_530 : vector<256x1xi32>
      %add3A_532 = arith.addi %mul3A_531, %min3A_485 : vector<256x1xi32>
      %mul3A_533 = arith.constant 128 : i32
      %mul3A_534 = vector.broadcast %mul3A_533 : i32 to vector<1x256xi32>
      %mul3A_535 = arith.muli %add3A_528, %mul3A_534 : vector<1x256xi32>
      %add3A_536 = arith.addi %mul3A_535, %min3A_491 : vector<1x256xi32>
      %iota3A_537 = tpu.iota {dimensions = array<i32: 1>} : vector<256x256xi32>
      %iota3A_538 = tpu.iota {dimensions = array<i32: 0>} : vector<256x256xi32>
      %lt3A_539 = arith.cmpi slt, %iota3A_537, %iota3A_538 : vector<256x256xi32>
      %eq3A_540 = vector.broadcast %add3A_516 : vector<256x1xi32> to vector<256x256xi32>
      %eq3A_541 = vector.broadcast %add3A_528 : vector<1x256xi32> to vector<256x256xi32>
      %eq3A_542 = arith.cmpi eq, %eq3A_540, %eq3A_541 : vector<256x256xi32>
      %and3A_543 = vector.broadcast %and3A_504 : vector<1x256xi1> to vector<256x256xi1>
      %and3A_544 = arith.andi %eq3A_542, %and3A_543 : vector<256x256xi1>
      %and3A_545 = arith.andi %and3A_544, %lt3A_539 : vector<256x256xi1>
      %convert_element_type3A_546 = arith.extui %and3A_545 : vector<256x256xi1> to vector<256x256xi32>
      %reduce_max3A = arith.constant dense<-2147483648> : vector<256xi32>
      %reduce_max3A_547 = vector.multi_reduction <maxsi>, %convert_element_type3A_546, %reduce_max3A [1] : vector<256x256xi32> to vector<256xi32>
      %broadcast_in_dim3A_548 = vector.shape_cast %reduce_max3A_547 : vector<256xi32> to vector<256x1xi32>
      %eq3A_549 = arith.constant 0 : i32
      %eq3A_550 = vector.broadcast %eq3A_549 : i32 to vector<256x1xi32>
      %eq3A_551 = arith.cmpi eq, %broadcast_in_dim3A_548, %eq3A_550 : vector<256x1xi32>
      %and3A_552 = arith.andi %and3A_497, %eq3A_551 : vector<256x1xi1>
      %eq3A_553 = vector.broadcast %add3A_532 : vector<256x1xi32> to vector<256x256xi32>
      %eq3A_554 = vector.broadcast %add3A_536 : vector<1x256xi32> to vector<256x256xi32>
      %eq3A_555 = arith.cmpi eq, %eq3A_553, %eq3A_554 : vector<256x256xi32>
      %and3A_556 = vector.broadcast %and3A_504 : vector<1x256xi1> to vector<256x256xi1>
      %and3A_557 = arith.andi %eq3A_555, %and3A_556 : vector<256x256xi1>
      %and3A_558 = arith.andi %and3A_557, %lt3A_539 : vector<256x256xi1>
      %convert_element_type3A_559 = arith.extui %and3A_558 : vector<256x256xi1> to vector<256x256xi32>
      %reduce_max3A_560 = arith.constant dense<-2147483648> : vector<256xi32>
      %reduce_max3A_561 = vector.multi_reduction <maxsi>, %convert_element_type3A_559, %reduce_max3A_560 [1] : vector<256x256xi32> to vector<256xi32>
      %broadcast_in_dim3A_562 = vector.shape_cast %reduce_max3A_561 : vector<256xi32> to vector<256x1xi32>
      %eq3A_563 = arith.constant 0 : i32
      %eq3A_564 = vector.broadcast %eq3A_563 : i32 to vector<256x1xi32>
      %eq3A_565 = arith.cmpi eq, %broadcast_in_dim3A_562, %eq3A_564 : vector<256x1xi32>
      %and3A_566 = arith.andi %and3A_497, %eq3A_565 : vector<256x1xi1>
      %convert_element_type3A_567 = arith.extui %and3A_552 : vector<256x1xi1> to vector<256x1xi32>
      %convert_element_type3A_568 = arith.sitofp %convert_element_type3A_567 : vector<256x1xi32> to vector<256x1xf32>
      %convert_element_type3A_569 = arith.extui %and3A_566 : vector<256x1xi1> to vector<256x1xi32>
      %convert_element_type3A_570 = arith.sitofp %convert_element_type3A_569 : vector<256x1xi32> to vector<256x1xf32>
      %convert_element_type3A_571 = arith.extui %and3A_497 : vector<256x1xi1> to vector<256x1xi32>
      %convert_element_type3A_572 = arith.sitofp %convert_element_type3A_571 : vector<256x1xi32> to vector<256x1xf32>
      %eq3A_573 = arith.constant 0 : i32
      %eq3A_574 = vector.broadcast %eq3A_573 : i32 to vector<256x1xi32>
      %eq3A_575 = arith.cmpi eq, %select_n3A_166, %eq3A_574 : vector<256x1xi32>
      %convert_element_type3A_576 = arith.extui %eq3A_575 : vector<256x1xi1> to vector<256x1xi32>
      %convert_element_type3A_577 = arith.sitofp %convert_element_type3A_576 : vector<256x1xi32> to vector<256x1xf32>
      %eq3A_578 = arith.constant 1 : i32
      %eq3A_579 = vector.broadcast %eq3A_578 : i32 to vector<256x1xi32>
      %eq3A_580 = arith.cmpi eq, %select_n3A_166, %eq3A_579 : vector<256x1xi32>
      %convert_element_type3A_581 = arith.extui %eq3A_580 : vector<256x1xi1> to vector<256x1xi32>
      %convert_element_type3A_582 = arith.sitofp %convert_element_type3A_581 : vector<256x1xi32> to vector<256x1xf32>
      %eq3A_583 = arith.constant 2 : i32
      %eq3A_584 = vector.broadcast %eq3A_583 : i32 to vector<256x1xi32>
      %eq3A_585 = arith.cmpi eq, %select_n3A_166, %eq3A_584 : vector<256x1xi32>
      %convert_element_type3A_586 = arith.extui %eq3A_585 : vector<256x1xi1> to vector<256x1xi32>
      %convert_element_type3A_587 = arith.sitofp %convert_element_type3A_586 : vector<256x1xi32> to vector<256x1xf32>
      %get3A_588 = arith.constant 0 : index
      %get3A_589 = arith.constant 0 : index
      %get3A_590 = arith.constant 0 : index
      %get3A_591 = vector.load %arg4[%get3A_588, %get3A_589, %get3A_590] : memref<3x256x255xf32, #tpu.memory_space<vmem>>, vector<3x256x255xf32>
      %slice3A_592 = vector.extract_strided_slice %get3A_591 {offsets = [0, 0, 0], sizes = [1, 256, 255], strides = [1, 1, 1]} : vector<3x256x255xf32> to vector<1x256x255xf32>
      %squeeze3A = vector.shape_cast %slice3A_592 : vector<1x256x255xf32> to vector<256x255xf32>
      %mul3A_593 = vector.broadcast %convert_element_type3A_577 : vector<256x1xf32> to vector<256x255xf32>
      %mul3A_594 = arith.mulf %squeeze3A, %mul3A_593 : vector<256x255xf32>
      %slice3A_595 = vector.extract_strided_slice %get3A_591 {offsets = [1, 0, 0], sizes = [1, 256, 255], strides = [1, 1, 1]} : vector<3x256x255xf32> to vector<1x256x255xf32>
      %squeeze3A_596 = vector.shape_cast %slice3A_595 : vector<1x256x255xf32> to vector<256x255xf32>
      %mul3A_597 = vector.broadcast %convert_element_type3A_582 : vector<256x1xf32> to vector<256x255xf32>
      %mul3A_598 = arith.mulf %squeeze3A_596, %mul3A_597 : vector<256x255xf32>
      %add3A_599 = arith.addf %mul3A_594, %mul3A_598 : vector<256x255xf32>
      %slice3A_600 = vector.extract_strided_slice %get3A_591 {offsets = [2, 0, 0], sizes = [1, 256, 255], strides = [1, 1, 1]} : vector<3x256x255xf32> to vector<1x256x255xf32>
      %squeeze3A_601 = vector.shape_cast %slice3A_600 : vector<1x256x255xf32> to vector<256x255xf32>
      %mul3A_602 = vector.broadcast %convert_element_type3A_587 : vector<256x1xf32> to vector<256x255xf32>
      %mul3A_603 = arith.mulf %squeeze3A_601, %mul3A_602 : vector<256x255xf32>
      %add3A_604 = arith.addf %add3A_599, %mul3A_603 : vector<256x255xf32>
      %iota3A_605 = tpu.iota {dimensions = array<i32: 1>} : vector<256x80xi32>
      %eq3A_606 = vector.broadcast %min3A_485 : vector<256x1xi32> to vector<256x80xi32>
      %eq3A_607 = arith.cmpi eq, %eq3A_606, %iota3A_605 : vector<256x80xi32>
      %convert_element_type3A_608 = arith.extui %eq3A_607 : vector<256x80xi1> to vector<256x80xi32>
      %convert_element_type3A_609 = arith.sitofp %convert_element_type3A_608 : vector<256x80xi32> to vector<256x80xf32>
      %broadcast_in_dim3A_610 = arith.constant 0.000000e+00 : f32
      %broadcast_in_dim3A_611 = vector.broadcast %broadcast_in_dim3A_610 : f32 to vector<256x1xf32>
      %broadcast_in_dim3A_612 = arith.constant 0.000000e+00 : f32
      %broadcast_in_dim3A_613 = vector.broadcast %broadcast_in_dim3A_612 : f32 to vector<256x1xf32>
      %broadcast_in_dim3A_614 = arith.constant 0.000000e+00 : f32
      %broadcast_in_dim3A_615 = vector.broadcast %broadcast_in_dim3A_614 : f32 to vector<256x1xf32>
      %slice3A_616 = vector.extract_strided_slice %add3A_604 {offsets = [0, 4], sizes = [256, 1], strides = [1, 1]} : vector<256x255xf32> to vector<256x1xf32>
      %neg3A_617 = arith.constant 0.000000e+00 : f32
      %neg3A_618 = vector.broadcast %neg3A_617 : f32 to vector<256x1xf32>
      %neg3A_619 = arith.subf %neg3A_618, %slice3A_616 : vector<256x1xf32>
      %exp3A_620 = math.exp %neg3A_619 : vector<256x1xf32>
      %add3A_621 = arith.constant 1.000000e+00 : f32
      %add3A_622 = vector.broadcast %add3A_621 : f32 to vector<256x1xf32>
      %add3A_623 = arith.addf %add3A_622, %exp3A_620 : vector<256x1xf32>
      %div3A_624 = arith.constant 1.000000e+00 : f32
      %div3A_625 = vector.broadcast %div3A_624 : f32 to vector<256x1xf32>
      %div3A_626 = arith.divf %div3A_625, %add3A_623 : vector<256x1xf32>
      %max3A_627 = arith.constant 0.000000e+00 : f32
      %max3A_628 = vector.broadcast %max3A_627 : f32 to vector<256x1xf32>
      %max3A_629 = arith.maximumf %slice3A_616, %max3A_628 : vector<256x1xf32>
      %mul3A_630 = arith.constant 1.000000e+00 : f32
      %mul3A_631 = vector.broadcast %mul3A_630 : f32 to vector<256x1xf32>
      %mul3A_632 = arith.mulf %slice3A_616, %mul3A_631 : vector<256x1xf32>
      %sub3A_633 = arith.subf %max3A_629, %mul3A_632 : vector<256x1xf32>
      %abs3A_634 = math.absf %slice3A_616 : vector<256x1xf32>
      %neg3A_635 = arith.constant 0.000000e+00 : f32
      %neg3A_636 = vector.broadcast %neg3A_635 : f32 to vector<256x1xf32>
      %neg3A_637 = arith.subf %neg3A_636, %abs3A_634 : vector<256x1xf32>
      %exp3A_638 = math.exp %neg3A_637 : vector<256x1xf32>
      %log1p3A_639 = math.log1p %exp3A_638 : vector<256x1xf32>
      %add3A_640 = arith.addf %sub3A_633, %log1p3A_639 : vector<256x1xf32>
      %sub3A_641 = arith.constant 1.000000e+00 : f32
      %sub3A_642 = vector.broadcast %sub3A_641 : f32 to vector<256x1xf32>
      %sub3A_643 = arith.subf %sub3A_642, %div3A_626 : vector<256x1xf32>
      %mul3A_644 = arith.constant 2.500000e-01 : f32
      %mul3A_645 = vector.broadcast %mul3A_644 : f32 to vector<256x1xf32>
      %mul3A_646 = arith.mulf %mul3A_645, %sub3A_643 : vector<256x1xf32>
      %sub3A_647 = arith.constant 1.000000e+00 : f32
      %sub3A_648 = vector.broadcast %sub3A_647 : f32 to vector<256x1xf32>
      %sub3A_649 = arith.subf %sub3A_648, %div3A_626 : vector<256x1xf32>
      %mul3A_650 = arith.mulf %mul3A_646, %sub3A_649 : vector<256x1xf32>
      %mul3A_651 = arith.mulf %add3A_640, %mul3A_650 : vector<256x1xf32>
      %max3A_652 = arith.constant 0.000000e+00 : f32
      %max3A_653 = vector.broadcast %max3A_652 : f32 to vector<256x1xf32>
      %max3A_654 = arith.maximumf %slice3A_616, %max3A_653 : vector<256x1xf32>
      %mul3A_655 = arith.constant 0.000000e+00 : f32
      %mul3A_656 = vector.broadcast %mul3A_655 : f32 to vector<256x1xf32>
      %mul3A_657 = arith.mulf %slice3A_616, %mul3A_656 : vector<256x1xf32>
      %sub3A_658 = arith.subf %max3A_654, %mul3A_657 : vector<256x1xf32>
      %abs3A_659 = math.absf %slice3A_616 : vector<256x1xf32>
      %neg3A_660 = arith.constant 0.000000e+00 : f32
      %neg3A_661 = vector.broadcast %neg3A_660 : f32 to vector<256x1xf32>
      %neg3A_662 = arith.subf %neg3A_661, %abs3A_659 : vector<256x1xf32>
      %exp3A_663 = math.exp %neg3A_662 : vector<256x1xf32>
      %log1p3A_664 = math.log1p %exp3A_663 : vector<256x1xf32>
      %add3A_665 = arith.addf %sub3A_658, %log1p3A_664 : vector<256x1xf32>
      %mul3A_666 = arith.constant 7.500000e-01 : f32
      %mul3A_667 = vector.broadcast %mul3A_666 : f32 to vector<256x1xf32>
      %mul3A_668 = arith.mulf %mul3A_667, %div3A_626 : vector<256x1xf32>
      %mul3A_669 = arith.mulf %mul3A_668, %div3A_626 : vector<256x1xf32>
      %mul3A_670 = arith.mulf %add3A_665, %mul3A_669 : vector<256x1xf32>
      %sub3A_671 = arith.subf %mul3A_651, %mul3A_670 : vector<256x1xf32>
      %add3A_672 = arith.addf %broadcast_in_dim3A_611, %sub3A_671 : vector<256x1xf32>
      %slice3A_673 = vector.extract_strided_slice %add3A_604 {offsets = [0, 5], sizes = [256, 80], strides = [1, 1]} : vector<256x255xf32> to vector<256x80xf32>
      %max3A_674 = arith.constant 0.000000e+00 : f32
      %max3A_675 = vector.broadcast %max3A_674 : f32 to vector<256x80xf32>
      %max3A_676 = arith.maximumf %slice3A_673, %max3A_675 : vector<256x80xf32>
      %mul3A_677 = arith.constant 0.000000e+00 : f32
      %mul3A_678 = vector.broadcast %mul3A_677 : f32 to vector<256x80xf32>
      %mul3A_679 = arith.mulf %slice3A_673, %mul3A_678 : vector<256x80xf32>
      %sub3A_680 = arith.subf %max3A_676, %mul3A_679 : vector<256x80xf32>
      %abs3A_681 = math.absf %slice3A_673 : vector<256x80xf32>
      %neg3A_682 = arith.constant 0.000000e+00 : f32
      %neg3A_683 = vector.broadcast %neg3A_682 : f32 to vector<256x80xf32>
      %neg3A_684 = arith.subf %neg3A_683, %abs3A_681 : vector<256x80xf32>
      %exp3A_685 = math.exp %neg3A_684 : vector<256x80xf32>
      %log1p3A_686 = math.log1p %exp3A_685 : vector<256x80xf32>
      %add3A_687 = arith.addf %sub3A_680, %log1p3A_686 : vector<256x80xf32>
      %reduce_sum3A_688 = arith.constant dense<0.000000e+00> : vector<256xf32>
      %reduce_sum3A_689 = vector.multi_reduction <add>, %add3A_687, %reduce_sum3A_688 [1] : vector<256x80xf32> to vector<256xf32>
      %broadcast_in_dim3A_690 = vector.shape_cast %reduce_sum3A_689 : vector<256xf32> to vector<256x1xf32>
      %add3A_691 = arith.addf %broadcast_in_dim3A_613, %broadcast_in_dim3A_690 : vector<256x1xf32>
      %max3A_692 = arith.constant 0.000000e+00 : f32
      %max3A_693 = vector.broadcast %max3A_692 : f32 to vector<256x80xf32>
      %max3A_694 = arith.maximumf %slice3A_673, %max3A_693 : vector<256x80xf32>
      %mul3A_695 = arith.constant 1.000000e+00 : f32
      %mul3A_696 = vector.broadcast %mul3A_695 : f32 to vector<256x80xf32>
      %mul3A_697 = arith.mulf %slice3A_673, %mul3A_696 : vector<256x80xf32>
      %sub3A_698 = arith.subf %max3A_694, %mul3A_697 : vector<256x80xf32>
      %abs3A_699 = math.absf %slice3A_673 : vector<256x80xf32>
      %neg3A_700 = arith.constant 0.000000e+00 : f32
      %neg3A_701 = vector.broadcast %neg3A_700 : f32 to vector<256x80xf32>
      %neg3A_702 = arith.subf %neg3A_701, %abs3A_699 : vector<256x80xf32>
      %exp3A_703 = math.exp %neg3A_702 : vector<256x80xf32>
      %log1p3A_704 = math.log1p %exp3A_703 : vector<256x80xf32>
      %add3A_705 = arith.addf %sub3A_698, %log1p3A_704 : vector<256x80xf32>
      %sub3A_706 = arith.subf %add3A_705, %add3A_687 : vector<256x80xf32>
      %mul3A_707 = arith.mulf %sub3A_706, %convert_element_type3A_609 : vector<256x80xf32>
      %reduce_sum3A_708 = arith.constant dense<0.000000e+00> : vector<256xf32>
      %reduce_sum3A_709 = vector.multi_reduction <add>, %mul3A_707, %reduce_sum3A_708 [1] : vector<256x80xf32> to vector<256xf32>
      %broadcast_in_dim3A_710 = vector.shape_cast %reduce_sum3A_709 : vector<256xf32> to vector<256x1xf32>
      %add3A_711 = arith.addf %broadcast_in_dim3A_615, %broadcast_in_dim3A_710 : vector<256x1xf32>
      %slice3A_712 = vector.extract_strided_slice %add3A_604 {offsets = [0, 89], sizes = [256, 1], strides = [1, 1]} : vector<256x255xf32> to vector<256x1xf32>
      %neg3A_713 = arith.constant 0.000000e+00 : f32
      %neg3A_714 = vector.broadcast %neg3A_713 : f32 to vector<256x1xf32>
      %neg3A_715 = arith.subf %neg3A_714, %slice3A_712 : vector<256x1xf32>
      %exp3A_716 = math.exp %neg3A_715 : vector<256x1xf32>
      %add3A_717 = arith.constant 1.000000e+00 : f32
      %add3A_718 = vector.broadcast %add3A_717 : f32 to vector<256x1xf32>
      %add3A_719 = arith.addf %add3A_718, %exp3A_716 : vector<256x1xf32>
      %div3A_720 = arith.constant 1.000000e+00 : f32
      %div3A_721 = vector.broadcast %div3A_720 : f32 to vector<256x1xf32>
      %div3A_722 = arith.divf %div3A_721, %add3A_719 : vector<256x1xf32>
      %max3A_723 = arith.constant 0.000000e+00 : f32
      %max3A_724 = vector.broadcast %max3A_723 : f32 to vector<256x1xf32>
      %max3A_725 = arith.maximumf %slice3A_712, %max3A_724 : vector<256x1xf32>
      %mul3A_726 = arith.constant 1.000000e+00 : f32
      %mul3A_727 = vector.broadcast %mul3A_726 : f32 to vector<256x1xf32>
      %mul3A_728 = arith.mulf %slice3A_712, %mul3A_727 : vector<256x1xf32>
      %sub3A_729 = arith.subf %max3A_725, %mul3A_728 : vector<256x1xf32>
      %abs3A_730 = math.absf %slice3A_712 : vector<256x1xf32>
      %neg3A_731 = arith.constant 0.000000e+00 : f32
      %neg3A_732 = vector.broadcast %neg3A_731 : f32 to vector<256x1xf32>
      %neg3A_733 = arith.subf %neg3A_732, %abs3A_730 : vector<256x1xf32>
      %exp3A_734 = math.exp %neg3A_733 : vector<256x1xf32>
      %log1p3A_735 = math.log1p %exp3A_734 : vector<256x1xf32>
      %add3A_736 = arith.addf %sub3A_729, %log1p3A_735 : vector<256x1xf32>
      %sub3A_737 = arith.constant 1.000000e+00 : f32
      %sub3A_738 = vector.broadcast %sub3A_737 : f32 to vector<256x1xf32>
      %sub3A_739 = arith.subf %sub3A_738, %div3A_722 : vector<256x1xf32>
      %mul3A_740 = arith.constant 2.500000e-01 : f32
      %mul3A_741 = vector.broadcast %mul3A_740 : f32 to vector<256x1xf32>
      %mul3A_742 = arith.mulf %mul3A_741, %sub3A_739 : vector<256x1xf32>
      %sub3A_743 = arith.constant 1.000000e+00 : f32
      %sub3A_744 = vector.broadcast %sub3A_743 : f32 to vector<256x1xf32>
      %sub3A_745 = arith.subf %sub3A_744, %div3A_722 : vector<256x1xf32>
      %mul3A_746 = arith.mulf %mul3A_742, %sub3A_745 : vector<256x1xf32>
      %mul3A_747 = arith.mulf %add3A_736, %mul3A_746 : vector<256x1xf32>
      %max3A_748 = arith.constant 0.000000e+00 : f32
      %max3A_749 = vector.broadcast %max3A_748 : f32 to vector<256x1xf32>
      %max3A_750 = arith.maximumf %slice3A_712, %max3A_749 : vector<256x1xf32>
      %mul3A_751 = arith.constant 0.000000e+00 : f32
      %mul3A_752 = vector.broadcast %mul3A_751 : f32 to vector<256x1xf32>
      %mul3A_753 = arith.mulf %slice3A_712, %mul3A_752 : vector<256x1xf32>
      %sub3A_754 = arith.subf %max3A_750, %mul3A_753 : vector<256x1xf32>
      %abs3A_755 = math.absf %slice3A_712 : vector<256x1xf32>
      %neg3A_756 = arith.constant 0.000000e+00 : f32
      %neg3A_757 = vector.broadcast %neg3A_756 : f32 to vector<256x1xf32>
      %neg3A_758 = arith.subf %neg3A_757, %abs3A_755 : vector<256x1xf32>
      %exp3A_759 = math.exp %neg3A_758 : vector<256x1xf32>
      %log1p3A_760 = math.log1p %exp3A_759 : vector<256x1xf32>
      %add3A_761 = arith.addf %sub3A_754, %log1p3A_760 : vector<256x1xf32>
      %mul3A_762 = arith.constant 7.500000e-01 : f32
      %mul3A_763 = vector.broadcast %mul3A_762 : f32 to vector<256x1xf32>
      %mul3A_764 = arith.mulf %mul3A_763, %div3A_722 : vector<256x1xf32>
      %mul3A_765 = arith.mulf %mul3A_764, %div3A_722 : vector<256x1xf32>
      %mul3A_766 = arith.mulf %add3A_761, %mul3A_765 : vector<256x1xf32>
      %sub3A_767 = arith.subf %mul3A_747, %mul3A_766 : vector<256x1xf32>
      %add3A_768 = arith.addf %add3A_672, %sub3A_767 : vector<256x1xf32>
      %slice3A_769 = vector.extract_strided_slice %add3A_604 {offsets = [0, 90], sizes = [256, 80], strides = [1, 1]} : vector<256x255xf32> to vector<256x80xf32>
      %max3A_770 = arith.constant 0.000000e+00 : f32
      %max3A_771 = vector.broadcast %max3A_770 : f32 to vector<256x80xf32>
      %max3A_772 = arith.maximumf %slice3A_769, %max3A_771 : vector<256x80xf32>
      %mul3A_773 = arith.constant 0.000000e+00 : f32
      %mul3A_774 = vector.broadcast %mul3A_773 : f32 to vector<256x80xf32>
      %mul3A_775 = arith.mulf %slice3A_769, %mul3A_774 : vector<256x80xf32>
      %sub3A_776 = arith.subf %max3A_772, %mul3A_775 : vector<256x80xf32>
      %abs3A_777 = math.absf %slice3A_769 : vector<256x80xf32>
      %neg3A_778 = arith.constant 0.000000e+00 : f32
      %neg3A_779 = vector.broadcast %neg3A_778 : f32 to vector<256x80xf32>
      %neg3A_780 = arith.subf %neg3A_779, %abs3A_777 : vector<256x80xf32>
      %exp3A_781 = math.exp %neg3A_780 : vector<256x80xf32>
      %log1p3A_782 = math.log1p %exp3A_781 : vector<256x80xf32>
      %add3A_783 = arith.addf %sub3A_776, %log1p3A_782 : vector<256x80xf32>
      %reduce_sum3A_784 = arith.constant dense<0.000000e+00> : vector<256xf32>
      %reduce_sum3A_785 = vector.multi_reduction <add>, %add3A_783, %reduce_sum3A_784 [1] : vector<256x80xf32> to vector<256xf32>
      %broadcast_in_dim3A_786 = vector.shape_cast %reduce_sum3A_785 : vector<256xf32> to vector<256x1xf32>
      %add3A_787 = arith.addf %add3A_691, %broadcast_in_dim3A_786 : vector<256x1xf32>
      %max3A_788 = arith.constant 0.000000e+00 : f32
      %max3A_789 = vector.broadcast %max3A_788 : f32 to vector<256x80xf32>
      %max3A_790 = arith.maximumf %slice3A_769, %max3A_789 : vector<256x80xf32>
      %mul3A_791 = arith.constant 1.000000e+00 : f32
      %mul3A_792 = vector.broadcast %mul3A_791 : f32 to vector<256x80xf32>
      %mul3A_793 = arith.mulf %slice3A_769, %mul3A_792 : vector<256x80xf32>
      %sub3A_794 = arith.subf %max3A_790, %mul3A_793 : vector<256x80xf32>
      %abs3A_795 = math.absf %slice3A_769 : vector<256x80xf32>
      %neg3A_796 = arith.constant 0.000000e+00 : f32
      %neg3A_797 = vector.broadcast %neg3A_796 : f32 to vector<256x80xf32>
      %neg3A_798 = arith.subf %neg3A_797, %abs3A_795 : vector<256x80xf32>
      %exp3A_799 = math.exp %neg3A_798 : vector<256x80xf32>
      %log1p3A_800 = math.log1p %exp3A_799 : vector<256x80xf32>
      %add3A_801 = arith.addf %sub3A_794, %log1p3A_800 : vector<256x80xf32>
      %sub3A_802 = arith.subf %add3A_801, %add3A_783 : vector<256x80xf32>
      %mul3A_803 = arith.mulf %sub3A_802, %convert_element_type3A_609 : vector<256x80xf32>
      %reduce_sum3A_804 = arith.constant dense<0.000000e+00> : vector<256xf32>
      %reduce_sum3A_805 = vector.multi_reduction <add>, %mul3A_803, %reduce_sum3A_804 [1] : vector<256x80xf32> to vector<256xf32>
      %broadcast_in_dim3A_806 = vector.shape_cast %reduce_sum3A_805 : vector<256xf32> to vector<256x1xf32>
      %add3A_807 = arith.addf %add3A_711, %broadcast_in_dim3A_806 : vector<256x1xf32>
      %slice3A_808 = vector.extract_strided_slice %add3A_604 {offsets = [0, 174], sizes = [256, 1], strides = [1, 1]} : vector<256x255xf32> to vector<256x1xf32>
      %neg3A_809 = arith.constant 0.000000e+00 : f32
      %neg3A_810 = vector.broadcast %neg3A_809 : f32 to vector<256x1xf32>
      %neg3A_811 = arith.subf %neg3A_810, %slice3A_808 : vector<256x1xf32>
      %exp3A_812 = math.exp %neg3A_811 : vector<256x1xf32>
      %add3A_813 = arith.constant 1.000000e+00 : f32
      %add3A_814 = vector.broadcast %add3A_813 : f32 to vector<256x1xf32>
      %add3A_815 = arith.addf %add3A_814, %exp3A_812 : vector<256x1xf32>
      %div3A_816 = arith.constant 1.000000e+00 : f32
      %div3A_817 = vector.broadcast %div3A_816 : f32 to vector<256x1xf32>
      %div3A_818 = arith.divf %div3A_817, %add3A_815 : vector<256x1xf32>
      %max3A_819 = arith.constant 0.000000e+00 : f32
      %max3A_820 = vector.broadcast %max3A_819 : f32 to vector<256x1xf32>
      %max3A_821 = arith.maximumf %slice3A_808, %max3A_820 : vector<256x1xf32>
      %mul3A_822 = arith.constant 1.000000e+00 : f32
      %mul3A_823 = vector.broadcast %mul3A_822 : f32 to vector<256x1xf32>
      %mul3A_824 = arith.mulf %slice3A_808, %mul3A_823 : vector<256x1xf32>
      %sub3A_825 = arith.subf %max3A_821, %mul3A_824 : vector<256x1xf32>
      %abs3A_826 = math.absf %slice3A_808 : vector<256x1xf32>
      %neg3A_827 = arith.constant 0.000000e+00 : f32
      %neg3A_828 = vector.broadcast %neg3A_827 : f32 to vector<256x1xf32>
      %neg3A_829 = arith.subf %neg3A_828, %abs3A_826 : vector<256x1xf32>
      %exp3A_830 = math.exp %neg3A_829 : vector<256x1xf32>
      %log1p3A_831 = math.log1p %exp3A_830 : vector<256x1xf32>
      %add3A_832 = arith.addf %sub3A_825, %log1p3A_831 : vector<256x1xf32>
      %sub3A_833 = arith.constant 1.000000e+00 : f32
      %sub3A_834 = vector.broadcast %sub3A_833 : f32 to vector<256x1xf32>
      %sub3A_835 = arith.subf %sub3A_834, %div3A_818 : vector<256x1xf32>
      %mul3A_836 = arith.constant 2.500000e-01 : f32
      %mul3A_837 = vector.broadcast %mul3A_836 : f32 to vector<256x1xf32>
      %mul3A_838 = arith.mulf %mul3A_837, %sub3A_835 : vector<256x1xf32>
      %sub3A_839 = arith.constant 1.000000e+00 : f32
      %sub3A_840 = vector.broadcast %sub3A_839 : f32 to vector<256x1xf32>
      %sub3A_841 = arith.subf %sub3A_840, %div3A_818 : vector<256x1xf32>
      %mul3A_842 = arith.mulf %mul3A_838, %sub3A_841 : vector<256x1xf32>
      %mul3A_843 = arith.mulf %add3A_832, %mul3A_842 : vector<256x1xf32>
      %max3A_844 = arith.constant 0.000000e+00 : f32
      %max3A_845 = vector.broadcast %max3A_844 : f32 to vector<256x1xf32>
      %max3A_846 = arith.maximumf %slice3A_808, %max3A_845 : vector<256x1xf32>
      %mul3A_847 = arith.constant 0.000000e+00 : f32
      %mul3A_848 = vector.broadcast %mul3A_847 : f32 to vector<256x1xf32>
      %mul3A_849 = arith.mulf %slice3A_808, %mul3A_848 : vector<256x1xf32>
      %sub3A_850 = arith.subf %max3A_846, %mul3A_849 : vector<256x1xf32>
      %abs3A_851 = math.absf %slice3A_808 : vector<256x1xf32>
      %neg3A_852 = arith.constant 0.000000e+00 : f32
      %neg3A_853 = vector.broadcast %neg3A_852 : f32 to vector<256x1xf32>
      %neg3A_854 = arith.subf %neg3A_853, %abs3A_851 : vector<256x1xf32>
      %exp3A_855 = math.exp %neg3A_854 : vector<256x1xf32>
      %log1p3A_856 = math.log1p %exp3A_855 : vector<256x1xf32>
      %add3A_857 = arith.addf %sub3A_850, %log1p3A_856 : vector<256x1xf32>
      %mul3A_858 = arith.constant 7.500000e-01 : f32
      %mul3A_859 = vector.broadcast %mul3A_858 : f32 to vector<256x1xf32>
      %mul3A_860 = arith.mulf %mul3A_859, %div3A_818 : vector<256x1xf32>
      %mul3A_861 = arith.mulf %mul3A_860, %div3A_818 : vector<256x1xf32>
      %mul3A_862 = arith.mulf %add3A_857, %mul3A_861 : vector<256x1xf32>
      %sub3A_863 = arith.subf %mul3A_843, %mul3A_862 : vector<256x1xf32>
      %add3A_864 = arith.addf %add3A_768, %sub3A_863 : vector<256x1xf32>
      %slice3A_865 = vector.extract_strided_slice %add3A_604 {offsets = [0, 175], sizes = [256, 80], strides = [1, 1]} : vector<256x255xf32> to vector<256x80xf32>
      %max3A_866 = arith.constant 0.000000e+00 : f32
      %max3A_867 = vector.broadcast %max3A_866 : f32 to vector<256x80xf32>
      %max3A_868 = arith.maximumf %slice3A_865, %max3A_867 : vector<256x80xf32>
      %mul3A_869 = arith.constant 0.000000e+00 : f32
      %mul3A_870 = vector.broadcast %mul3A_869 : f32 to vector<256x80xf32>
      %mul3A_871 = arith.mulf %slice3A_865, %mul3A_870 : vector<256x80xf32>
      %sub3A_872 = arith.subf %max3A_868, %mul3A_871 : vector<256x80xf32>
      %abs3A_873 = math.absf %slice3A_865 : vector<256x80xf32>
      %neg3A_874 = arith.constant 0.000000e+00 : f32
      %neg3A_875 = vector.broadcast %neg3A_874 : f32 to vector<256x80xf32>
      %neg3A_876 = arith.subf %neg3A_875, %abs3A_873 : vector<256x80xf32>
      %exp3A_877 = math.exp %neg3A_876 : vector<256x80xf32>
      %log1p3A_878 = math.log1p %exp3A_877 : vector<256x80xf32>
      %add3A_879 = arith.addf %sub3A_872, %log1p3A_878 : vector<256x80xf32>
      %reduce_sum3A_880 = arith.constant dense<0.000000e+00> : vector<256xf32>
      %reduce_sum3A_881 = vector.multi_reduction <add>, %add3A_879, %reduce_sum3A_880 [1] : vector<256x80xf32> to vector<256xf32>
      %broadcast_in_dim3A_882 = vector.shape_cast %reduce_sum3A_881 : vector<256xf32> to vector<256x1xf32>
      %add3A_883 = arith.addf %add3A_787, %broadcast_in_dim3A_882 : vector<256x1xf32>
      %max3A_884 = arith.constant 0.000000e+00 : f32
      %max3A_885 = vector.broadcast %max3A_884 : f32 to vector<256x80xf32>
      %max3A_886 = arith.maximumf %slice3A_865, %max3A_885 : vector<256x80xf32>
      %mul3A_887 = arith.constant 1.000000e+00 : f32
      %mul3A_888 = vector.broadcast %mul3A_887 : f32 to vector<256x80xf32>
      %mul3A_889 = arith.mulf %slice3A_865, %mul3A_888 : vector<256x80xf32>
      %sub3A_890 = arith.subf %max3A_886, %mul3A_889 : vector<256x80xf32>
      %abs3A_891 = math.absf %slice3A_865 : vector<256x80xf32>
      %neg3A_892 = arith.constant 0.000000e+00 : f32
      %neg3A_893 = vector.broadcast %neg3A_892 : f32 to vector<256x80xf32>
      %neg3A_894 = arith.subf %neg3A_893, %abs3A_891 : vector<256x80xf32>
      %exp3A_895 = math.exp %neg3A_894 : vector<256x80xf32>
      %log1p3A_896 = math.log1p %exp3A_895 : vector<256x80xf32>
      %add3A_897 = arith.addf %sub3A_890, %log1p3A_896 : vector<256x80xf32>
      %sub3A_898 = arith.subf %add3A_897, %add3A_879 : vector<256x80xf32>
      %mul3A_899 = arith.mulf %sub3A_898, %convert_element_type3A_609 : vector<256x80xf32>
      %reduce_sum3A_900 = arith.constant dense<0.000000e+00> : vector<256xf32>
      %reduce_sum3A_901 = vector.multi_reduction <add>, %mul3A_899, %reduce_sum3A_900 [1] : vector<256x80xf32> to vector<256xf32>
      %broadcast_in_dim3A_902 = vector.shape_cast %reduce_sum3A_901 : vector<256xf32> to vector<256x1xf32>
      %add3A_903 = arith.addf %add3A_807, %broadcast_in_dim3A_902 : vector<256x1xf32>
      %mul3A_904 = arith.mulf %add3A_864, %convert_element_type3A_568 : vector<256x1xf32>
      %mul3A_905 = arith.mulf %add3A_883, %convert_element_type3A_568 : vector<256x1xf32>
      %mul3A_906 = arith.mulf %add3A_903, %convert_element_type3A_570 : vector<256x1xf32>
      %add3A_907 = arith.addf %mul3A_905, %mul3A_906 : vector<256x1xf32>
      %mul3A_908 = arith.mulf %convert_element_type3A_568, %convert_element_type3A_577 : vector<256x1xf32>
      %reduce_sum3A_909 = vector.shape_cast %mul3A_908 : vector<256x1xf32> to vector<1x256x1xf32>
      %reduce_sum3A_910 = arith.constant dense<0.000000e+00> : vector<1xf32>
      %reduce_sum3A_911 = vector.multi_reduction <add>, %reduce_sum3A_909, %reduce_sum3A_910 [1, 2] : vector<1x256x1xf32> to vector<1xf32>
      %reduce_sum3A_912 = vector.shape_cast %reduce_sum3A_911 : vector<1xf32> to vector<1x1x1xf32>
      %reduce_sum3A_913 = vector.extract %reduce_sum3A_912[0, 0, 0] : f32 from vector<1x1x1xf32>
      %mul3A_914 = arith.constant 3.000000e+00 : f32
      %mul3A_915 = arith.mulf %mul3A_914, %reduce_sum3A_913 : f32
      %max3A_916 = arith.constant 1.000000e+00 : f32
      %max3A_917 = arith.maximumf %mul3A_915, %max3A_916 : f32
      %get3A_918 = arith.constant 0 : index
      %get3A_919 = memref.load %arg10[%get3A_918] : memref<4xf32, #tpu.memory_space<smem>>
      %mul3A_920 = arith.mulf %mul3A_904, %convert_element_type3A_577 : vector<256x1xf32>
      %reduce_sum3A_921 = vector.shape_cast %mul3A_920 : vector<256x1xf32> to vector<1x256x1xf32>
      %reduce_sum3A_922 = arith.constant dense<0.000000e+00> : vector<1xf32>
      %reduce_sum3A_923 = vector.multi_reduction <add>, %reduce_sum3A_921, %reduce_sum3A_922 [1, 2] : vector<1x256x1xf32> to vector<1xf32>
      %reduce_sum3A_924 = vector.shape_cast %reduce_sum3A_923 : vector<1xf32> to vector<1x1x1xf32>
      %reduce_sum3A_925 = vector.extract %reduce_sum3A_924[0, 0, 0] : f32 from vector<1x1x1xf32>
      %add3A_926 = arith.addf %get3A_919, %reduce_sum3A_925 : f32
      %div3A_927 = arith.divf %add3A_926, %max3A_917 : f32
      %add3A_928 = arith.constant 0.000000e+00 : f32
      %add3A_929 = arith.addf %add3A_928, %div3A_927 : f32
      %mul3A_930 = arith.mulf %add3A_907, %convert_element_type3A_577 : vector<256x1xf32>
      %reduce_sum3A_931 = vector.shape_cast %mul3A_930 : vector<256x1xf32> to vector<1x256x1xf32>
      %reduce_sum3A_932 = arith.constant dense<0.000000e+00> : vector<1xf32>
      %reduce_sum3A_933 = vector.multi_reduction <add>, %reduce_sum3A_931, %reduce_sum3A_932 [1, 2] : vector<1x256x1xf32> to vector<1xf32>
      %reduce_sum3A_934 = vector.shape_cast %reduce_sum3A_933 : vector<1xf32> to vector<1x1x1xf32>
      %reduce_sum3A_935 = vector.extract %reduce_sum3A_934[0, 0, 0] : f32 from vector<1x1x1xf32>
      %mul3A_936 = arith.constant 8.000000e+01 : f32
      %mul3A_937 = arith.mulf %mul3A_915, %mul3A_936 : f32
      %max3A_938 = arith.constant 1.000000e+00 : f32
      %max3A_939 = arith.maximumf %mul3A_937, %max3A_938 : f32
      %div3A_940 = arith.divf %reduce_sum3A_935, %max3A_939 : f32
      %add3A_941 = arith.constant 0.000000e+00 : f32
      %add3A_942 = arith.addf %add3A_941, %div3A_940 : f32
      %mul3A_943 = arith.mulf %convert_element_type3A_568, %convert_element_type3A_582 : vector<256x1xf32>
      %reduce_sum3A_944 = vector.shape_cast %mul3A_943 : vector<256x1xf32> to vector<1x256x1xf32>
      %reduce_sum3A_945 = arith.constant dense<0.000000e+00> : vector<1xf32>
      %reduce_sum3A_946 = vector.multi_reduction <add>, %reduce_sum3A_944, %reduce_sum3A_945 [1, 2] : vector<1x256x1xf32> to vector<1xf32>
      %reduce_sum3A_947 = vector.shape_cast %reduce_sum3A_946 : vector<1xf32> to vector<1x1x1xf32>
      %reduce_sum3A_948 = vector.extract %reduce_sum3A_947[0, 0, 0] : f32 from vector<1x1x1xf32>
      %mul3A_949 = arith.constant 3.000000e+00 : f32
      %mul3A_950 = arith.mulf %mul3A_949, %reduce_sum3A_948 : f32
      %max3A_951 = arith.constant 1.000000e+00 : f32
      %max3A_952 = arith.maximumf %mul3A_950, %max3A_951 : f32
      %get3A_953 = arith.constant 1 : index
      %get3A_954 = memref.load %arg10[%get3A_953] : memref<4xf32, #tpu.memory_space<smem>>
      %mul3A_955 = arith.mulf %mul3A_904, %convert_element_type3A_582 : vector<256x1xf32>
      %reduce_sum3A_956 = vector.shape_cast %mul3A_955 : vector<256x1xf32> to vector<1x256x1xf32>
      %reduce_sum3A_957 = arith.constant dense<0.000000e+00> : vector<1xf32>
      %reduce_sum3A_958 = vector.multi_reduction <add>, %reduce_sum3A_956, %reduce_sum3A_957 [1, 2] : vector<1x256x1xf32> to vector<1xf32>
      %reduce_sum3A_959 = vector.shape_cast %reduce_sum3A_958 : vector<1xf32> to vector<1x1x1xf32>
      %reduce_sum3A_960 = vector.extract %reduce_sum3A_959[0, 0, 0] : f32 from vector<1x1x1xf32>
      %add3A_961 = arith.addf %get3A_954, %reduce_sum3A_960 : f32
      %div3A_962 = arith.divf %add3A_961, %max3A_952 : f32
      %add3A_963 = arith.addf %add3A_929, %div3A_962 : f32
      %mul3A_964 = arith.mulf %add3A_907, %convert_element_type3A_582 : vector<256x1xf32>
      %reduce_sum3A_965 = vector.shape_cast %mul3A_964 : vector<256x1xf32> to vector<1x256x1xf32>
      %reduce_sum3A_966 = arith.constant dense<0.000000e+00> : vector<1xf32>
      %reduce_sum3A_967 = vector.multi_reduction <add>, %reduce_sum3A_965, %reduce_sum3A_966 [1, 2] : vector<1x256x1xf32> to vector<1xf32>
      %reduce_sum3A_968 = vector.shape_cast %reduce_sum3A_967 : vector<1xf32> to vector<1x1x1xf32>
      %reduce_sum3A_969 = vector.extract %reduce_sum3A_968[0, 0, 0] : f32 from vector<1x1x1xf32>
      %mul3A_970 = arith.constant 8.000000e+01 : f32
      %mul3A_971 = arith.mulf %mul3A_950, %mul3A_970 : f32
      %max3A_972 = arith.constant 1.000000e+00 : f32
      %max3A_973 = arith.maximumf %mul3A_971, %max3A_972 : f32
      %div3A_974 = arith.divf %reduce_sum3A_969, %max3A_973 : f32
      %add3A_975 = arith.addf %add3A_942, %div3A_974 : f32
      %mul3A_976 = arith.mulf %convert_element_type3A_568, %convert_element_type3A_587 : vector<256x1xf32>
      %reduce_sum3A_977 = vector.shape_cast %mul3A_976 : vector<256x1xf32> to vector<1x256x1xf32>
      %reduce_sum3A_978 = arith.constant dense<0.000000e+00> : vector<1xf32>
      %reduce_sum3A_979 = vector.multi_reduction <add>, %reduce_sum3A_977, %reduce_sum3A_978 [1, 2] : vector<1x256x1xf32> to vector<1xf32>
      %reduce_sum3A_980 = vector.shape_cast %reduce_sum3A_979 : vector<1xf32> to vector<1x1x1xf32>
      %reduce_sum3A_981 = vector.extract %reduce_sum3A_980[0, 0, 0] : f32 from vector<1x1x1xf32>
      %mul3A_982 = arith.constant 3.000000e+00 : f32
      %mul3A_983 = arith.mulf %mul3A_982, %reduce_sum3A_981 : f32
      %max3A_984 = arith.constant 1.000000e+00 : f32
      %max3A_985 = arith.maximumf %mul3A_983, %max3A_984 : f32
      %get3A_986 = arith.constant 2 : index
      %get3A_987 = memref.load %arg10[%get3A_986] : memref<4xf32, #tpu.memory_space<smem>>
      %mul3A_988 = arith.mulf %mul3A_904, %convert_element_type3A_587 : vector<256x1xf32>
      %reduce_sum3A_989 = vector.shape_cast %mul3A_988 : vector<256x1xf32> to vector<1x256x1xf32>
      %reduce_sum3A_990 = arith.constant dense<0.000000e+00> : vector<1xf32>
      %reduce_sum3A_991 = vector.multi_reduction <add>, %reduce_sum3A_989, %reduce_sum3A_990 [1, 2] : vector<1x256x1xf32> to vector<1xf32>
      %reduce_sum3A_992 = vector.shape_cast %reduce_sum3A_991 : vector<1xf32> to vector<1x1x1xf32>
      %reduce_sum3A_993 = vector.extract %reduce_sum3A_992[0, 0, 0] : f32 from vector<1x1x1xf32>
      %add3A_994 = arith.addf %get3A_987, %reduce_sum3A_993 : f32
      %div3A_995 = arith.divf %add3A_994, %max3A_985 : f32
      %add3A_996 = arith.addf %add3A_963, %div3A_995 : f32
      %mul3A_997 = arith.mulf %add3A_907, %convert_element_type3A_587 : vector<256x1xf32>
      %reduce_sum3A_998 = vector.shape_cast %mul3A_997 : vector<256x1xf32> to vector<1x256x1xf32>
      %reduce_sum3A_999 = arith.constant dense<0.000000e+00> : vector<1xf32>
      %reduce_sum3A_1000 = vector.multi_reduction <add>, %reduce_sum3A_998, %reduce_sum3A_999 [1, 2] : vector<1x256x1xf32> to vector<1xf32>
      %reduce_sum3A_1001 = vector.shape_cast %reduce_sum3A_1000 : vector<1xf32> to vector<1x1x1xf32>
      %reduce_sum3A_1002 = vector.extract %reduce_sum3A_1001[0, 0, 0] : f32 from vector<1x1x1xf32>
      %mul3A_1003 = arith.constant 8.000000e+01 : f32
      %mul3A_1004 = arith.mulf %mul3A_983, %mul3A_1003 : f32
      %max3A_1005 = arith.constant 1.000000e+00 : f32
      %max3A_1006 = arith.maximumf %mul3A_1004, %max3A_1005 : f32
      %div3A_1007 = arith.divf %reduce_sum3A_1002, %max3A_1006 : f32
      %add3A_1008 = arith.addf %add3A_975, %div3A_1007 : f32
      %mul3A_1009 = arith.constant 8.000000e+01 : f32
      %mul3A_1010 = vector.broadcast %mul3A_1009 : f32 to vector<256x1xf32>
      %mul3A_1011 = arith.mulf %convert_element_type3A_577, %mul3A_1010 : vector<256x1xf32>
      %mul3A_1012 = arith.constant 4.000000e+01 : f32
      %mul3A_1013 = vector.broadcast %mul3A_1012 : f32 to vector<256x1xf32>
      %mul3A_1014 = arith.mulf %convert_element_type3A_582, %mul3A_1013 : vector<256x1xf32>
      %add3A_1015 = arith.addf %mul3A_1011, %mul3A_1014 : vector<256x1xf32>
      %mul3A_1016 = arith.constant 2.000000e+01 : f32
      %mul3A_1017 = vector.broadcast %mul3A_1016 : f32 to vector<256x1xf32>
      %mul3A_1018 = arith.mulf %convert_element_type3A_587, %mul3A_1017 : vector<256x1xf32>
      %add3A_1019 = arith.addf %add3A_1015, %mul3A_1018 : vector<256x1xf32>
      %div3A_1020 = arith.constant 2.000000e+00 : f32
      %div3A_1021 = vector.broadcast %div3A_1020 : f32 to vector<256x1xf32>
      %div3A_1022 = arith.divf %min3A_143, %div3A_1021 : vector<256x1xf32>
      %sub3A_1023 = arith.subf %min3A_179, %div3A_1022 : vector<256x1xf32>
      %div3A_1024 = arith.constant 2.000000e+00 : f32
      %div3A_1025 = vector.broadcast %div3A_1024 : f32 to vector<256x1xf32>
      %div3A_1026 = arith.divf %min3A_153, %div3A_1025 : vector<256x1xf32>
      %sub3A_1027 = arith.subf %min3A_192, %div3A_1026 : vector<256x1xf32>
      %div3A_1028 = arith.constant 2.000000e+00 : f32
      %div3A_1029 = vector.broadcast %div3A_1028 : f32 to vector<256x1xf32>
      %div3A_1030 = arith.divf %min3A_143, %div3A_1029 : vector<256x1xf32>
      %add3A_1031 = arith.addf %min3A_179, %div3A_1030 : vector<256x1xf32>
      %div3A_1032 = arith.constant 2.000000e+00 : f32
      %div3A_1033 = vector.broadcast %div3A_1032 : f32 to vector<256x1xf32>
      %div3A_1034 = arith.divf %min3A_153, %div3A_1033 : vector<256x1xf32>
      %add3A_1035 = arith.addf %min3A_192, %div3A_1034 : vector<256x1xf32>
      %sub3A_1036 = arith.subf %add3A_1031, %sub3A_1023 : vector<256x1xf32>
      %sub3A_1037 = arith.subf %add3A_1035, %sub3A_1027 : vector<256x1xf32>
      %mul3A_1038 = arith.mulf %sub3A_1036, %sub3A_1037 : vector<256x1xf32>
      %convert_element_type3A_1039 = arith.sitofp %select_n3A_265 : vector<256x1xi32> to vector<256x1xf32>
      %convert_element_type3A_1040 = arith.sitofp %select_n3A_273 : vector<256x1xi32> to vector<256x1xf32>
      %slice3A_1041 = vector.extract_strided_slice %add3A_604 {offsets = [0, 0], sizes = [256, 1], strides = [1, 1]} : vector<256x255xf32> to vector<256x1xf32>
      %neg3A_1042 = arith.constant 0.000000e+00 : f32
      %neg3A_1043 = vector.broadcast %neg3A_1042 : f32 to vector<256x1xf32>
      %neg3A_1044 = arith.subf %neg3A_1043, %slice3A_1041 : vector<256x1xf32>
      %exp3A_1045 = math.exp %neg3A_1044 : vector<256x1xf32>
      %add3A_1046 = arith.constant 1.000000e+00 : f32
      %add3A_1047 = vector.broadcast %add3A_1046 : f32 to vector<256x1xf32>
      %add3A_1048 = arith.addf %add3A_1047, %exp3A_1045 : vector<256x1xf32>
      %div3A_1049 = arith.constant 1.000000e+00 : f32
      %div3A_1050 = vector.broadcast %div3A_1049 : f32 to vector<256x1xf32>
      %div3A_1051 = arith.divf %div3A_1050, %add3A_1048 : vector<256x1xf32>
      %slice3A_1052 = vector.extract_strided_slice %add3A_604 {offsets = [0, 1], sizes = [256, 1], strides = [1, 1]} : vector<256x255xf32> to vector<256x1xf32>
      %neg3A_1053 = arith.constant 0.000000e+00 : f32
      %neg3A_1054 = vector.broadcast %neg3A_1053 : f32 to vector<256x1xf32>
      %neg3A_1055 = arith.subf %neg3A_1054, %slice3A_1052 : vector<256x1xf32>
      %exp3A_1056 = math.exp %neg3A_1055 : vector<256x1xf32>
      %add3A_1057 = arith.constant 1.000000e+00 : f32
      %add3A_1058 = vector.broadcast %add3A_1057 : f32 to vector<256x1xf32>
      %add3A_1059 = arith.addf %add3A_1058, %exp3A_1056 : vector<256x1xf32>
      %div3A_1060 = arith.constant 1.000000e+00 : f32
      %div3A_1061 = vector.broadcast %div3A_1060 : f32 to vector<256x1xf32>
      %div3A_1062 = arith.divf %div3A_1061, %add3A_1059 : vector<256x1xf32>
      %slice3A_1063 = vector.extract_strided_slice %add3A_604 {offsets = [0, 2], sizes = [256, 1], strides = [1, 1]} : vector<256x255xf32> to vector<256x1xf32>
      %neg3A_1064 = arith.constant 0.000000e+00 : f32
      %neg3A_1065 = vector.broadcast %neg3A_1064 : f32 to vector<256x1xf32>
      %neg3A_1066 = arith.subf %neg3A_1065, %slice3A_1063 : vector<256x1xf32>
      %exp3A_1067 = math.exp %neg3A_1066 : vector<256x1xf32>
      %add3A_1068 = arith.constant 1.000000e+00 : f32
      %add3A_1069 = vector.broadcast %add3A_1068 : f32 to vector<256x1xf32>
      %add3A_1070 = arith.addf %add3A_1069, %exp3A_1067 : vector<256x1xf32>
      %div3A_1071 = arith.constant 1.000000e+00 : f32
      %div3A_1072 = vector.broadcast %div3A_1071 : f32 to vector<256x1xf32>
      %div3A_1073 = arith.divf %div3A_1072, %add3A_1070 : vector<256x1xf32>
      %slice3A_1074 = vector.extract_strided_slice %add3A_604 {offsets = [0, 3], sizes = [256, 1], strides = [1, 1]} : vector<256x255xf32> to vector<256x1xf32>
      %neg3A_1075 = arith.constant 0.000000e+00 : f32
      %neg3A_1076 = vector.broadcast %neg3A_1075 : f32 to vector<256x1xf32>
      %neg3A_1077 = arith.subf %neg3A_1076, %slice3A_1074 : vector<256x1xf32>
      %exp3A_1078 = math.exp %neg3A_1077 : vector<256x1xf32>
      %add3A_1079 = arith.constant 1.000000e+00 : f32
      %add3A_1080 = vector.broadcast %add3A_1079 : f32 to vector<256x1xf32>
      %add3A_1081 = arith.addf %add3A_1080, %exp3A_1078 : vector<256x1xf32>
      %div3A_1082 = arith.constant 1.000000e+00 : f32
      %div3A_1083 = vector.broadcast %div3A_1082 : f32 to vector<256x1xf32>
      %div3A_1084 = arith.divf %div3A_1083, %add3A_1081 : vector<256x1xf32>
      %add3A_1085 = arith.addf %convert_element_type3A_1039, %div3A_1051 : vector<256x1xf32>
      %div3A_1086 = arith.divf %add3A_1085, %add3A_1019 : vector<256x1xf32>
      %add3A_1087 = arith.addf %convert_element_type3A_1040, %div3A_1062 : vector<256x1xf32>
      %div3A_1088 = arith.divf %add3A_1087, %add3A_1019 : vector<256x1xf32>
      %div3A_1089 = arith.constant 2.000000e+00 : f32
      %div3A_1090 = vector.broadcast %div3A_1089 : f32 to vector<256x1xf32>
      %div3A_1091 = arith.divf %div3A_1073, %div3A_1090 : vector<256x1xf32>
      %sub3A_1092 = arith.subf %div3A_1086, %div3A_1091 : vector<256x1xf32>
      %div3A_1093 = arith.constant 2.000000e+00 : f32
      %div3A_1094 = vector.broadcast %div3A_1093 : f32 to vector<256x1xf32>
      %div3A_1095 = arith.divf %div3A_1084, %div3A_1094 : vector<256x1xf32>
      %sub3A_1096 = arith.subf %div3A_1088, %div3A_1095 : vector<256x1xf32>
      %div3A_1097 = arith.constant 2.000000e+00 : f32
      %div3A_1098 = vector.broadcast %div3A_1097 : f32 to vector<256x1xf32>
      %div3A_1099 = arith.divf %div3A_1073, %div3A_1098 : vector<256x1xf32>
      %add3A_1100 = arith.addf %div3A_1086, %div3A_1099 : vector<256x1xf32>
      %div3A_1101 = arith.constant 2.000000e+00 : f32
      %div3A_1102 = vector.broadcast %div3A_1101 : f32 to vector<256x1xf32>
      %div3A_1103 = arith.divf %div3A_1084, %div3A_1102 : vector<256x1xf32>
      %add3A_1104 = arith.addf %div3A_1088, %div3A_1103 : vector<256x1xf32>
      %sub3A_1105 = arith.subf %add3A_1100, %sub3A_1092 : vector<256x1xf32>
      %sub3A_1106 = arith.subf %add3A_1104, %sub3A_1096 : vector<256x1xf32>
      %mul3A_1107 = arith.mulf %sub3A_1105, %sub3A_1106 : vector<256x1xf32>
      %min3A_1108 = arith.minimumf %add3A_1100, %add3A_1031 : vector<256x1xf32>
      %max3A_1109 = arith.maximumf %sub3A_1092, %sub3A_1023 : vector<256x1xf32>
      %sub3A_1110 = arith.subf %min3A_1108, %max3A_1109 : vector<256x1xf32>
      %max3A_1111 = arith.constant 0.000000e+00 : f32
      %max3A_1112 = vector.broadcast %max3A_1111 : f32 to vector<256x1xf32>
      %max3A_1113 = arith.maximumf %sub3A_1110, %max3A_1112 : vector<256x1xf32>
      %min3A_1114 = arith.minimumf %add3A_1104, %add3A_1035 : vector<256x1xf32>
      %max3A_1115 = arith.maximumf %sub3A_1096, %sub3A_1027 : vector<256x1xf32>
      %sub3A_1116 = arith.subf %min3A_1114, %max3A_1115 : vector<256x1xf32>
      %max3A_1117 = arith.constant 0.000000e+00 : f32
      %max3A_1118 = vector.broadcast %max3A_1117 : f32 to vector<256x1xf32>
      %max3A_1119 = arith.maximumf %sub3A_1116, %max3A_1118 : vector<256x1xf32>
      %mul3A_1120 = arith.mulf %max3A_1113, %max3A_1119 : vector<256x1xf32>
      %add3A_1121 = arith.addf %mul3A_1107, %mul3A_1038 : vector<256x1xf32>
      %sub3A_1122 = arith.subf %add3A_1121, %mul3A_1120 : vector<256x1xf32>
      %div3A_1123 = arith.divf %mul3A_1120, %sub3A_1122 : vector<256x1xf32>
      %max3A_1124 = arith.maximumf %add3A_1100, %add3A_1031 : vector<256x1xf32>
      %min3A_1125 = arith.minimumf %sub3A_1092, %sub3A_1023 : vector<256x1xf32>
      %sub3A_1126 = arith.subf %max3A_1124, %min3A_1125 : vector<256x1xf32>
      %max3A_1127 = arith.constant 0.000000e+00 : f32
      %max3A_1128 = vector.broadcast %max3A_1127 : f32 to vector<256x1xf32>
      %max3A_1129 = arith.maximumf %sub3A_1126, %max3A_1128 : vector<256x1xf32>
      %max3A_1130 = arith.maximumf %add3A_1104, %add3A_1035 : vector<256x1xf32>
      %min3A_1131 = arith.minimumf %sub3A_1096, %sub3A_1027 : vector<256x1xf32>
      %sub3A_1132 = arith.subf %max3A_1130, %min3A_1131 : vector<256x1xf32>
      %max3A_1133 = arith.constant 0.000000e+00 : f32
      %max3A_1134 = vector.broadcast %max3A_1133 : f32 to vector<256x1xf32>
      %max3A_1135 = arith.maximumf %sub3A_1132, %max3A_1134 : vector<256x1xf32>
      %mul3A_1136 = arith.mulf %max3A_1129, %max3A_1135 : vector<256x1xf32>
      %sub3A_1137 = arith.subf %mul3A_1136, %sub3A_1122 : vector<256x1xf32>
      %div3A_1138 = arith.divf %sub3A_1137, %mul3A_1136 : vector<256x1xf32>
      %sub3A_1139 = arith.subf %div3A_1123, %div3A_1138 : vector<256x1xf32>
      %sub3A_1140 = arith.constant 1.000000e+00 : f32
      %sub3A_1141 = vector.broadcast %sub3A_1140 : f32 to vector<256x1xf32>
      %sub3A_1142 = arith.subf %sub3A_1141, %sub3A_1139 : vector<256x1xf32>
      %mul3A_1143 = arith.mulf %sub3A_1142, %convert_element_type3A_572 : vector<256x1xf32>
      %reduce_sum3A_1144 = vector.shape_cast %mul3A_1143 : vector<256x1xf32> to vector<1x256x1xf32>
      %reduce_sum3A_1145 = arith.constant dense<0.000000e+00> : vector<1xf32>
      %reduce_sum3A_1146 = vector.multi_reduction <add>, %reduce_sum3A_1144, %reduce_sum3A_1145 [1, 2] : vector<1x256x1xf32> to vector<1xf32>
      %reduce_sum3A_1147 = vector.shape_cast %reduce_sum3A_1146 : vector<1xf32> to vector<1x1x1xf32>
      %reduce_sum3A_1148 = vector.extract %reduce_sum3A_1147[0, 0, 0] : f32 from vector<1x1x1xf32>
      %add3A_1149 = arith.constant 0.000000e+00 : f32
      %add3A_1150 = arith.addf %add3A_1149, %reduce_sum3A_1148 : f32
      %slice3A_1151 = vector.extract_strided_slice %add3A_604 {offsets = [0, 85], sizes = [256, 1], strides = [1, 1]} : vector<256x255xf32> to vector<256x1xf32>
      %neg3A_1152 = arith.constant 0.000000e+00 : f32
      %neg3A_1153 = vector.broadcast %neg3A_1152 : f32 to vector<256x1xf32>
      %neg3A_1154 = arith.subf %neg3A_1153, %slice3A_1151 : vector<256x1xf32>
      %exp3A_1155 = math.exp %neg3A_1154 : vector<256x1xf32>
      %add3A_1156 = arith.constant 1.000000e+00 : f32
      %add3A_1157 = vector.broadcast %add3A_1156 : f32 to vector<256x1xf32>
      %add3A_1158 = arith.addf %add3A_1157, %exp3A_1155 : vector<256x1xf32>
      %div3A_1159 = arith.constant 1.000000e+00 : f32
      %div3A_1160 = vector.broadcast %div3A_1159 : f32 to vector<256x1xf32>
      %div3A_1161 = arith.divf %div3A_1160, %add3A_1158 : vector<256x1xf32>
      %slice3A_1162 = vector.extract_strided_slice %add3A_604 {offsets = [0, 86], sizes = [256, 1], strides = [1, 1]} : vector<256x255xf32> to vector<256x1xf32>
      %neg3A_1163 = arith.constant 0.000000e+00 : f32
      %neg3A_1164 = vector.broadcast %neg3A_1163 : f32 to vector<256x1xf32>
      %neg3A_1165 = arith.subf %neg3A_1164, %slice3A_1162 : vector<256x1xf32>
      %exp3A_1166 = math.exp %neg3A_1165 : vector<256x1xf32>
      %add3A_1167 = arith.constant 1.000000e+00 : f32
      %add3A_1168 = vector.broadcast %add3A_1167 : f32 to vector<256x1xf32>
      %add3A_1169 = arith.addf %add3A_1168, %exp3A_1166 : vector<256x1xf32>
      %div3A_1170 = arith.constant 1.000000e+00 : f32
      %div3A_1171 = vector.broadcast %div3A_1170 : f32 to vector<256x1xf32>
      %div3A_1172 = arith.divf %div3A_1171, %add3A_1169 : vector<256x1xf32>
      %slice3A_1173 = vector.extract_strided_slice %add3A_604 {offsets = [0, 87], sizes = [256, 1], strides = [1, 1]} : vector<256x255xf32> to vector<256x1xf32>
      %neg3A_1174 = arith.constant 0.000000e+00 : f32
      %neg3A_1175 = vector.broadcast %neg3A_1174 : f32 to vector<256x1xf32>
      %neg3A_1176 = arith.subf %neg3A_1175, %slice3A_1173 : vector<256x1xf32>
      %exp3A_1177 = math.exp %neg3A_1176 : vector<256x1xf32>
      %add3A_1178 = arith.constant 1.000000e+00 : f32
      %add3A_1179 = vector.broadcast %add3A_1178 : f32 to vector<256x1xf32>
      %add3A_1180 = arith.addf %add3A_1179, %exp3A_1177 : vector<256x1xf32>
      %div3A_1181 = arith.constant 1.000000e+00 : f32
      %div3A_1182 = vector.broadcast %div3A_1181 : f32 to vector<256x1xf32>
      %div3A_1183 = arith.divf %div3A_1182, %add3A_1180 : vector<256x1xf32>
      %slice3A_1184 = vector.extract_strided_slice %add3A_604 {offsets = [0, 88], sizes = [256, 1], strides = [1, 1]} : vector<256x255xf32> to vector<256x1xf32>
      %neg3A_1185 = arith.constant 0.000000e+00 : f32
      %neg3A_1186 = vector.broadcast %neg3A_1185 : f32 to vector<256x1xf32>
      %neg3A_1187 = arith.subf %neg3A_1186, %slice3A_1184 : vector<256x1xf32>
      %exp3A_1188 = math.exp %neg3A_1187 : vector<256x1xf32>
      %add3A_1189 = arith.constant 1.000000e+00 : f32
      %add3A_1190 = vector.broadcast %add3A_1189 : f32 to vector<256x1xf32>
      %add3A_1191 = arith.addf %add3A_1190, %exp3A_1188 : vector<256x1xf32>
      %div3A_1192 = arith.constant 1.000000e+00 : f32
      %div3A_1193 = vector.broadcast %div3A_1192 : f32 to vector<256x1xf32>
      %div3A_1194 = arith.divf %div3A_1193, %add3A_1191 : vector<256x1xf32>
      %add3A_1195 = arith.addf %convert_element_type3A_1039, %div3A_1161 : vector<256x1xf32>
      %div3A_1196 = arith.divf %add3A_1195, %add3A_1019 : vector<256x1xf32>
      %add3A_1197 = arith.addf %convert_element_type3A_1040, %div3A_1172 : vector<256x1xf32>
      %div3A_1198 = arith.divf %add3A_1197, %add3A_1019 : vector<256x1xf32>
      %div3A_1199 = arith.constant 2.000000e+00 : f32
      %div3A_1200 = vector.broadcast %div3A_1199 : f32 to vector<256x1xf32>
      %div3A_1201 = arith.divf %div3A_1183, %div3A_1200 : vector<256x1xf32>
      %sub3A_1202 = arith.subf %div3A_1196, %div3A_1201 : vector<256x1xf32>
      %div3A_1203 = arith.constant 2.000000e+00 : f32
      %div3A_1204 = vector.broadcast %div3A_1203 : f32 to vector<256x1xf32>
      %div3A_1205 = arith.divf %div3A_1194, %div3A_1204 : vector<256x1xf32>
      %sub3A_1206 = arith.subf %div3A_1198, %div3A_1205 : vector<256x1xf32>
      %div3A_1207 = arith.constant 2.000000e+00 : f32
      %div3A_1208 = vector.broadcast %div3A_1207 : f32 to vector<256x1xf32>
      %div3A_1209 = arith.divf %div3A_1183, %div3A_1208 : vector<256x1xf32>
      %add3A_1210 = arith.addf %div3A_1196, %div3A_1209 : vector<256x1xf32>
      %div3A_1211 = arith.constant 2.000000e+00 : f32
      %div3A_1212 = vector.broadcast %div3A_1211 : f32 to vector<256x1xf32>
      %div3A_1213 = arith.divf %div3A_1194, %div3A_1212 : vector<256x1xf32>
      %add3A_1214 = arith.addf %div3A_1198, %div3A_1213 : vector<256x1xf32>
      %sub3A_1215 = arith.subf %add3A_1210, %sub3A_1202 : vector<256x1xf32>
      %sub3A_1216 = arith.subf %add3A_1214, %sub3A_1206 : vector<256x1xf32>
      %mul3A_1217 = arith.mulf %sub3A_1215, %sub3A_1216 : vector<256x1xf32>
      %min3A_1218 = arith.minimumf %add3A_1210, %add3A_1031 : vector<256x1xf32>
      %max3A_1219 = arith.maximumf %sub3A_1202, %sub3A_1023 : vector<256x1xf32>
      %sub3A_1220 = arith.subf %min3A_1218, %max3A_1219 : vector<256x1xf32>
      %max3A_1221 = arith.constant 0.000000e+00 : f32
      %max3A_1222 = vector.broadcast %max3A_1221 : f32 to vector<256x1xf32>
      %max3A_1223 = arith.maximumf %sub3A_1220, %max3A_1222 : vector<256x1xf32>
      %min3A_1224 = arith.minimumf %add3A_1214, %add3A_1035 : vector<256x1xf32>
      %max3A_1225 = arith.maximumf %sub3A_1206, %sub3A_1027 : vector<256x1xf32>
      %sub3A_1226 = arith.subf %min3A_1224, %max3A_1225 : vector<256x1xf32>
      %max3A_1227 = arith.constant 0.000000e+00 : f32
      %max3A_1228 = vector.broadcast %max3A_1227 : f32 to vector<256x1xf32>
      %max3A_1229 = arith.maximumf %sub3A_1226, %max3A_1228 : vector<256x1xf32>
      %mul3A_1230 = arith.mulf %max3A_1223, %max3A_1229 : vector<256x1xf32>
      %add3A_1231 = arith.addf %mul3A_1217, %mul3A_1038 : vector<256x1xf32>
      %sub3A_1232 = arith.subf %add3A_1231, %mul3A_1230 : vector<256x1xf32>
      %div3A_1233 = arith.divf %mul3A_1230, %sub3A_1232 : vector<256x1xf32>
      %max3A_1234 = arith.maximumf %add3A_1210, %add3A_1031 : vector<256x1xf32>
      %min3A_1235 = arith.minimumf %sub3A_1202, %sub3A_1023 : vector<256x1xf32>
      %sub3A_1236 = arith.subf %max3A_1234, %min3A_1235 : vector<256x1xf32>
      %max3A_1237 = arith.constant 0.000000e+00 : f32
      %max3A_1238 = vector.broadcast %max3A_1237 : f32 to vector<256x1xf32>
      %max3A_1239 = arith.maximumf %sub3A_1236, %max3A_1238 : vector<256x1xf32>
      %max3A_1240 = arith.maximumf %add3A_1214, %add3A_1035 : vector<256x1xf32>
      %min3A_1241 = arith.minimumf %sub3A_1206, %sub3A_1027 : vector<256x1xf32>
      %sub3A_1242 = arith.subf %max3A_1240, %min3A_1241 : vector<256x1xf32>
      %max3A_1243 = arith.constant 0.000000e+00 : f32
      %max3A_1244 = vector.broadcast %max3A_1243 : f32 to vector<256x1xf32>
      %max3A_1245 = arith.maximumf %sub3A_1242, %max3A_1244 : vector<256x1xf32>
      %mul3A_1246 = arith.mulf %max3A_1239, %max3A_1245 : vector<256x1xf32>
      %sub3A_1247 = arith.subf %mul3A_1246, %sub3A_1232 : vector<256x1xf32>
      %div3A_1248 = arith.divf %sub3A_1247, %mul3A_1246 : vector<256x1xf32>
      %sub3A_1249 = arith.subf %div3A_1233, %div3A_1248 : vector<256x1xf32>
      %sub3A_1250 = arith.constant 1.000000e+00 : f32
      %sub3A_1251 = vector.broadcast %sub3A_1250 : f32 to vector<256x1xf32>
      %sub3A_1252 = arith.subf %sub3A_1251, %sub3A_1249 : vector<256x1xf32>
      %mul3A_1253 = arith.mulf %sub3A_1252, %convert_element_type3A_572 : vector<256x1xf32>
      %reduce_sum3A_1254 = vector.shape_cast %mul3A_1253 : vector<256x1xf32> to vector<1x256x1xf32>
      %reduce_sum3A_1255 = arith.constant dense<0.000000e+00> : vector<1xf32>
      %reduce_sum3A_1256 = vector.multi_reduction <add>, %reduce_sum3A_1254, %reduce_sum3A_1255 [1, 2] : vector<1x256x1xf32> to vector<1xf32>
      %reduce_sum3A_1257 = vector.shape_cast %reduce_sum3A_1256 : vector<1xf32> to vector<1x1x1xf32>
      %reduce_sum3A_1258 = vector.extract %reduce_sum3A_1257[0, 0, 0] : f32 from vector<1x1x1xf32>
      %add3A_1259 = arith.addf %add3A_1150, %reduce_sum3A_1258 : f32
      %slice3A_1260 = vector.extract_strided_slice %add3A_604 {offsets = [0, 170], sizes = [256, 1], strides = [1, 1]} : vector<256x255xf32> to vector<256x1xf32>
      %neg3A_1261 = arith.constant 0.000000e+00 : f32
      %neg3A_1262 = vector.broadcast %neg3A_1261 : f32 to vector<256x1xf32>
      %neg3A_1263 = arith.subf %neg3A_1262, %slice3A_1260 : vector<256x1xf32>
      %exp3A_1264 = math.exp %neg3A_1263 : vector<256x1xf32>
      %add3A_1265 = arith.constant 1.000000e+00 : f32
      %add3A_1266 = vector.broadcast %add3A_1265 : f32 to vector<256x1xf32>
      %add3A_1267 = arith.addf %add3A_1266, %exp3A_1264 : vector<256x1xf32>
      %div3A_1268 = arith.constant 1.000000e+00 : f32
      %div3A_1269 = vector.broadcast %div3A_1268 : f32 to vector<256x1xf32>
      %div3A_1270 = arith.divf %div3A_1269, %add3A_1267 : vector<256x1xf32>
      %slice3A_1271 = vector.extract_strided_slice %add3A_604 {offsets = [0, 171], sizes = [256, 1], strides = [1, 1]} : vector<256x255xf32> to vector<256x1xf32>
      %neg3A_1272 = arith.constant 0.000000e+00 : f32
      %neg3A_1273 = vector.broadcast %neg3A_1272 : f32 to vector<256x1xf32>
      %neg3A_1274 = arith.subf %neg3A_1273, %slice3A_1271 : vector<256x1xf32>
      %exp3A_1275 = math.exp %neg3A_1274 : vector<256x1xf32>
      %add3A_1276 = arith.constant 1.000000e+00 : f32
      %add3A_1277 = vector.broadcast %add3A_1276 : f32 to vector<256x1xf32>
      %add3A_1278 = arith.addf %add3A_1277, %exp3A_1275 : vector<256x1xf32>
      %div3A_1279 = arith.constant 1.000000e+00 : f32
      %div3A_1280 = vector.broadcast %div3A_1279 : f32 to vector<256x1xf32>
      %div3A_1281 = arith.divf %div3A_1280, %add3A_1278 : vector<256x1xf32>
      %slice3A_1282 = vector.extract_strided_slice %add3A_604 {offsets = [0, 172], sizes = [256, 1], strides = [1, 1]} : vector<256x255xf32> to vector<256x1xf32>
      %neg3A_1283 = arith.constant 0.000000e+00 : f32
      %neg3A_1284 = vector.broadcast %neg3A_1283 : f32 to vector<256x1xf32>
      %neg3A_1285 = arith.subf %neg3A_1284, %slice3A_1282 : vector<256x1xf32>
      %exp3A_1286 = math.exp %neg3A_1285 : vector<256x1xf32>
      %add3A_1287 = arith.constant 1.000000e+00 : f32
      %add3A_1288 = vector.broadcast %add3A_1287 : f32 to vector<256x1xf32>
      %add3A_1289 = arith.addf %add3A_1288, %exp3A_1286 : vector<256x1xf32>
      %div3A_1290 = arith.constant 1.000000e+00 : f32
      %div3A_1291 = vector.broadcast %div3A_1290 : f32 to vector<256x1xf32>
      %div3A_1292 = arith.divf %div3A_1291, %add3A_1289 : vector<256x1xf32>
      %slice3A_1293 = vector.extract_strided_slice %add3A_604 {offsets = [0, 173], sizes = [256, 1], strides = [1, 1]} : vector<256x255xf32> to vector<256x1xf32>
      %neg3A_1294 = arith.constant 0.000000e+00 : f32
      %neg3A_1295 = vector.broadcast %neg3A_1294 : f32 to vector<256x1xf32>
      %neg3A_1296 = arith.subf %neg3A_1295, %slice3A_1293 : vector<256x1xf32>
      %exp3A_1297 = math.exp %neg3A_1296 : vector<256x1xf32>
      %add3A_1298 = arith.constant 1.000000e+00 : f32
      %add3A_1299 = vector.broadcast %add3A_1298 : f32 to vector<256x1xf32>
      %add3A_1300 = arith.addf %add3A_1299, %exp3A_1297 : vector<256x1xf32>
      %div3A_1301 = arith.constant 1.000000e+00 : f32
      %div3A_1302 = vector.broadcast %div3A_1301 : f32 to vector<256x1xf32>
      %div3A_1303 = arith.divf %div3A_1302, %add3A_1300 : vector<256x1xf32>
      %add3A_1304 = arith.addf %convert_element_type3A_1039, %div3A_1270 : vector<256x1xf32>
      %div3A_1305 = arith.divf %add3A_1304, %add3A_1019 : vector<256x1xf32>
      %add3A_1306 = arith.addf %convert_element_type3A_1040, %div3A_1281 : vector<256x1xf32>
      %div3A_1307 = arith.divf %add3A_1306, %add3A_1019 : vector<256x1xf32>
      %div3A_1308 = arith.constant 2.000000e+00 : f32
      %div3A_1309 = vector.broadcast %div3A_1308 : f32 to vector<256x1xf32>
      %div3A_1310 = arith.divf %div3A_1292, %div3A_1309 : vector<256x1xf32>
      %sub3A_1311 = arith.subf %div3A_1305, %div3A_1310 : vector<256x1xf32>
      %div3A_1312 = arith.constant 2.000000e+00 : f32
      %div3A_1313 = vector.broadcast %div3A_1312 : f32 to vector<256x1xf32>
      %div3A_1314 = arith.divf %div3A_1303, %div3A_1313 : vector<256x1xf32>
      %sub3A_1315 = arith.subf %div3A_1307, %div3A_1314 : vector<256x1xf32>
      %div3A_1316 = arith.constant 2.000000e+00 : f32
      %div3A_1317 = vector.broadcast %div3A_1316 : f32 to vector<256x1xf32>
      %div3A_1318 = arith.divf %div3A_1292, %div3A_1317 : vector<256x1xf32>
      %add3A_1319 = arith.addf %div3A_1305, %div3A_1318 : vector<256x1xf32>
      %div3A_1320 = arith.constant 2.000000e+00 : f32
      %div3A_1321 = vector.broadcast %div3A_1320 : f32 to vector<256x1xf32>
      %div3A_1322 = arith.divf %div3A_1303, %div3A_1321 : vector<256x1xf32>
      %add3A_1323 = arith.addf %div3A_1307, %div3A_1322 : vector<256x1xf32>
      %sub3A_1324 = arith.subf %add3A_1319, %sub3A_1311 : vector<256x1xf32>
      %sub3A_1325 = arith.subf %add3A_1323, %sub3A_1315 : vector<256x1xf32>
      %mul3A_1326 = arith.mulf %sub3A_1324, %sub3A_1325 : vector<256x1xf32>
      %min3A_1327 = arith.minimumf %add3A_1319, %add3A_1031 : vector<256x1xf32>
      %max3A_1328 = arith.maximumf %sub3A_1311, %sub3A_1023 : vector<256x1xf32>
      %sub3A_1329 = arith.subf %min3A_1327, %max3A_1328 : vector<256x1xf32>
      %max3A_1330 = arith.constant 0.000000e+00 : f32
      %max3A_1331 = vector.broadcast %max3A_1330 : f32 to vector<256x1xf32>
      %max3A_1332 = arith.maximumf %sub3A_1329, %max3A_1331 : vector<256x1xf32>
      %min3A_1333 = arith.minimumf %add3A_1323, %add3A_1035 : vector<256x1xf32>
      %max3A_1334 = arith.maximumf %sub3A_1315, %sub3A_1027 : vector<256x1xf32>
      %sub3A_1335 = arith.subf %min3A_1333, %max3A_1334 : vector<256x1xf32>
      %max3A_1336 = arith.constant 0.000000e+00 : f32
      %max3A_1337 = vector.broadcast %max3A_1336 : f32 to vector<256x1xf32>
      %max3A_1338 = arith.maximumf %sub3A_1335, %max3A_1337 : vector<256x1xf32>
      %mul3A_1339 = arith.mulf %max3A_1332, %max3A_1338 : vector<256x1xf32>
      %add3A_1340 = arith.addf %mul3A_1326, %mul3A_1038 : vector<256x1xf32>
      %sub3A_1341 = arith.subf %add3A_1340, %mul3A_1339 : vector<256x1xf32>
      %div3A_1342 = arith.divf %mul3A_1339, %sub3A_1341 : vector<256x1xf32>
      %max3A_1343 = arith.maximumf %add3A_1319, %add3A_1031 : vector<256x1xf32>
      %min3A_1344 = arith.minimumf %sub3A_1311, %sub3A_1023 : vector<256x1xf32>
      %sub3A_1345 = arith.subf %max3A_1343, %min3A_1344 : vector<256x1xf32>
      %max3A_1346 = arith.constant 0.000000e+00 : f32
      %max3A_1347 = vector.broadcast %max3A_1346 : f32 to vector<256x1xf32>
      %max3A_1348 = arith.maximumf %sub3A_1345, %max3A_1347 : vector<256x1xf32>
      %max3A_1349 = arith.maximumf %add3A_1323, %add3A_1035 : vector<256x1xf32>
      %min3A_1350 = arith.minimumf %sub3A_1315, %sub3A_1027 : vector<256x1xf32>
      %sub3A_1351 = arith.subf %max3A_1349, %min3A_1350 : vector<256x1xf32>
      %max3A_1352 = arith.constant 0.000000e+00 : f32
      %max3A_1353 = vector.broadcast %max3A_1352 : f32 to vector<256x1xf32>
      %max3A_1354 = arith.maximumf %sub3A_1351, %max3A_1353 : vector<256x1xf32>
      %mul3A_1355 = arith.mulf %max3A_1348, %max3A_1354 : vector<256x1xf32>
      %sub3A_1356 = arith.subf %mul3A_1355, %sub3A_1341 : vector<256x1xf32>
      %div3A_1357 = arith.divf %sub3A_1356, %mul3A_1355 : vector<256x1xf32>
      %sub3A_1358 = arith.subf %div3A_1342, %div3A_1357 : vector<256x1xf32>
      %sub3A_1359 = arith.constant 1.000000e+00 : f32
      %sub3A_1360 = vector.broadcast %sub3A_1359 : f32 to vector<256x1xf32>
      %sub3A_1361 = arith.subf %sub3A_1360, %sub3A_1358 : vector<256x1xf32>
      %mul3A_1362 = arith.mulf %sub3A_1361, %convert_element_type3A_572 : vector<256x1xf32>
      %reduce_sum3A_1363 = vector.shape_cast %mul3A_1362 : vector<256x1xf32> to vector<1x256x1xf32>
      %reduce_sum3A_1364 = arith.constant dense<0.000000e+00> : vector<1xf32>
      %reduce_sum3A_1365 = vector.multi_reduction <add>, %reduce_sum3A_1363, %reduce_sum3A_1364 [1, 2] : vector<1x256x1xf32> to vector<1xf32>
      %reduce_sum3A_1366 = vector.shape_cast %reduce_sum3A_1365 : vector<1xf32> to vector<1x1x1xf32>
      %reduce_sum3A_1367 = vector.extract %reduce_sum3A_1366[0, 0, 0] : f32 from vector<1x1x1xf32>
      %add3A_1368 = arith.addf %add3A_1259, %reduce_sum3A_1367 : f32
      %reduce_sum3A_1369 = vector.shape_cast %convert_element_type3A_572 : vector<256x1xf32> to vector<1x256x1xf32>
      %reduce_sum3A_1370 = arith.constant dense<0.000000e+00> : vector<1xf32>
      %reduce_sum3A_1371 = vector.multi_reduction <add>, %reduce_sum3A_1369, %reduce_sum3A_1370 [1, 2] : vector<1x256x1xf32> to vector<1xf32>
      %reduce_sum3A_1372 = vector.shape_cast %reduce_sum3A_1371 : vector<1xf32> to vector<1x1x1xf32>
      %reduce_sum3A_1373 = vector.extract %reduce_sum3A_1372[0, 0, 0] : f32 from vector<1x1x1xf32>
      %mul3A_1374 = arith.constant 3.000000e+00 : f32
      %mul3A_1375 = arith.mulf %mul3A_1374, %reduce_sum3A_1373 : f32
      %mul3A_1376 = arith.constant 5.000000e-01 : f32
      %mul3A_1377 = arith.mulf %mul3A_1376, %add3A_1008 : f32
      %add3A_1378 = arith.addf %add3A_996, %mul3A_1377 : f32
      %mul3A_1379 = arith.constant 5.000000e+00 : f32
      %mul3A_1380 = arith.mulf %mul3A_1379, %add3A_1368 : f32
      %max3A_1381 = arith.constant 1.000000e+00 : f32
      %max3A_1382 = arith.maximumf %mul3A_1375, %max3A_1381 : f32
      %div3A_1383 = arith.divf %mul3A_1380, %max3A_1382 : f32
      %add3A_1384 = arith.addf %add3A_1378, %div3A_1383 : f32
      %reshape3A = vector.broadcast %add3A_1384 : f32 to vector<1x1xf32>
      %swap3A_1385 = arith.constant 0 : index
      %swap3A_1386 = arith.constant 0 : index
      %swap3A_1387 = vector.load %arg9[%swap3A_1385, %swap3A_1386] : memref<1x1xf32, #tpu.memory_space<vmem>>, vector<1x1xf32>
      tpu.vector_store %arg9[%swap3A_1385, %swap3A_1386], %reshape3A {strides = array<i32>} : memref<1x1xf32, #tpu.memory_space<vmem>>, vector<1x1xf32>,
    } else {
    }
    return
  }
  func.func @transform_0(%arg0: i32) -> (i32, i32) {
    %c0_i32 = arith.constant 0 : i32
    %c0_i32_0 = arith.constant 0 : i32
    return %arg0, %c0_i32 : i32, i32
  }
  func.func @transform_1(%arg0: i32) -> (i32, i32) {
    %min3A = arith.constant 3 : i32
    %min3A_0 = arith.minsi %arg0, %min3A : i32
    %c0_i32 = arith.constant 0 : i32
    %c0_i32_1 = arith.constant 0 : i32
    return %min3A_0, %c0_i32 : i32, i32
  }
  func.func @transform_2(%arg0: i32) -> (i32, i32) {
    %c0_i32 = arith.constant 0 : i32
    %c0_i32_0 = arith.constant 0 : i32
    %c0_i32_1 = arith.constant 0 : i32
    return %c0_i32, %c0_i32_0 : i32, i32
  }
  func.func @transform_3(%arg0: i32) -> (i32, i32, i32) {
    %c0_i32 = arith.constant 0 : i32
    %c0_i32_0 = arith.constant 0 : i32
    %c0_i32_1 = arith.constant 0 : i32
    %c0_i32_2 = arith.constant 0 : i32
    return %c0_i32, %c0_i32_0, %c0_i32_1 : i32, i32, i32
  }
  func.func @transform_4(%arg0: i32) -> (i32, i32) {
    %c0_i32 = arith.constant 0 : i32
    %c0_i32_0 = arith.constant 0 : i32
    %c0_i32_1 = arith.constant 0 : i32
    return %c0_i32, %c0_i32_0 : i32, i32
  }
  func.func @transform_5(%arg0: i32) -> (i32, i32) {
    %c0_i32 = arith.constant 0 : i32
    %c0_i32_0 = arith.constant 0 : i32
    %c0_i32_1 = arith.constant 0 : i32
    return %c0_i32, %c0_i32_0 : i32, i32
  }
  func.func @transform_6(%arg0: i32) -> (i32, i32) {
    %c0_i32 = arith.constant 0 : i32
    %c0_i32_0 = arith.constant 0 : i32
    %c0_i32_1 = arith.constant 0 : i32
    return %c0_i32, %c0_i32_0 : i32, i32
  }
  func.func @transform_7(%arg0: i32) -> (i32, i32) {
    %c0_i32 = arith.constant 0 : i32
    %c0_i32_0 = arith.constant 0 : i32
    %c0_i32_1 = arith.constant 0 : i32
    return %c0_i32, %c0_i32_0 : i32, i32
  }
  func.func @transform_8(%arg0: i32) -> (i32, i32) {
    %c0_i32 = arith.constant 0 : i32
    %c0_i32_0 = arith.constant 0 : i32
    %c0_i32_1 = arith.constant 0 : i32
    return %c0_i32, %c0_i32_0 : i32, i32
  }
}

</mosaic_0001>

<sc_bundles>
// kernel: kernel.4.cloned.1.call-start
scs
__scs_entry_jumppad:
0x0: {  	(pc) =	sbr.rel $0x88, $3  }
0x1: {  	(tag) =	ssettag $0x0;
	lr =	simm.s32 $0x1  }
0x2: {  	[smem:$0x3F9C] =	sst lr;
	_ =	strace $0xD0000000  }
0x3: {  	_ = 	snop  }
0x4: {  	_ = 	snop  }
0x5: {  	_ = 	snop  }
0x6: {  	_ = 	snop  }
0x7: {  	_ = 	snop  }
__scs_overlays_trampoline_lowered:
0x8: {  	[smem:$0x3FAB] =	sst s0  }
0x9: {  	[smem:$0x3FAC] =	sst s1  }
0xa: {  	[smem:$0x3FAD] =	sst s2  }
0xb: {  	[smem:$0x3FAE] =	sst s3  }
0xc: {  	[smem:$0x3FAF] =	sst s4  }
0xd: {  	[smem:$0x3FB0] =	sst s5  }
0xe: {  	[smem:$0x3FB1] =	sst s6  }
0xf: {  	[smem:$0x3FB2] =	sst s7  }
0x10: {  	[smem:$0x3FB3] =	sst s8  }
0x11: {  	[smem:$0x3FB4] =	sst s9;
	s0 =	simm.s32 @!p0 $0x0  }
0x12: {  	s1 =	sld [smem:$0x3F9A];
	s0 =	simm.s32 @p0 $0x1  }
0x13: {  	[smem:$0x3FB5] =	sst s0;
	s0 =	simm.s32 @!p1 $0x0  }
0x14: {  	s2 =	sld [smem:$0x3F99];
	s0 =	simm.s32 @p1 $0x1  }
0x15: {  	[smem:$0x3FB6] =	sst s0;
	s0 =	simm.s32 @!p2 $0x0  }
0x16: {  	s3 =	sld [smem:$0x3FDB];
	s0 =	simm.s32 @p2 $0x1  }
0x17: {  	s4 =	simm.s32 $0x1BF5;
	[smem:$0x3FB8] =	sst s0  }
0x18: {  	s0 =	sld [smem:$0x3F9B];
	_ =	swait.ge [sflag:s4], $0x0  }
0x19: {  	s7 =	sld [smem:$0x3F9C]  }
0x1a: {  	s8 =	sadd.s32 $0xFFFFE003, lr  }
0x1b: {  	s9 =	sadd.s32 $0xFFFFFEF7, lr;
	s5 =	simm.s32 $0xFFFFFFFF;
	p2 =	slt.u32 s8, $0xFFFFF086  }
0x1c: {  	p1 =	slt.u32 s9, $0xF7A;
	s5 =	simm.s32 @!p2 $0x0  }
0x1d: {  	s5 =	simm.s32 @p1 $0x1;
	p0 =	seq.s32 s7, s2  }
0x1e: {  	s7 =	smul.u32 @!p0 $0xF7A, s2;
	p2 =	seq.s32 @!p0 s5, $0x0  }
0x1f: {  	s9 =	smul.u32 $0xF7A, s1;
	s8 =	simm.s32 @!p0 $0x1BF5;
	p2 =	por !p2, p0  }
0x20: {  	[sflag:s8] =	ssyncset.s32 @!p0 $0xFFFFF086;
	s6 =	sadd.s32 @!p0 s3, s7;
	s7 =	simm.s32 @!p0 $0x108  }
0x21: {  	s3 =	sadd.s32 s3, s9;
	s6 =	sadd.s32 @!p0 $0x88, s6;
	s7 =	simm.s32 @p2 $0x1082  }
0x22: {  	[simem:s7], [sflag:s8] =	dma.local @!p0 [hbm:s6], $0xF7A  }
0x23: {  	s9 =	sor.u32 $0xD0000000, s2;
	s6 =	simm.s32 $0x108;
	_ =	swait.ge @!p0 [sflag:s8], $0x0  }
0x24: {  	s3 =	sadd.s32 $0x88, s3;
	s6 =	simm.s32 @!p1 $0x1082;
	[sflag:s4] =	ssyncset.s32 $0xFFFFF086  }
0x25: {  	[simem:s6], [sflag:s4] =	dma.local [hbm:s3], $0xF7A  }
0x26: {  	[smem:$0x3F9C] =	sst s1;
	(tag) =	ssettag s2;
	_ =	strace s9  }
0x27: {  	s1 =	sld [smem:$0x3FAC]  }
0x28: {  	s2 =	sld [smem:$0x3FAD]  }
0x29: {  	s4 =	sld [smem:$0x3FAF]  }
0x2a: {  	p0 =	seq.s32 s5, $0x0;
	s5 =	sld [smem:$0x3FB0]  }
0x2b: {  	s6 =	sld [smem:$0x3FB1]  }
0x2c: {  	s7 =	sld [smem:$0x3FB2]  }
0x2d: {  	s3 =	simm.s32 $0x108;
	s8 =	sld [smem:$0x3FB3]  }
0x2e: {  	s3 =	simm.s32 @!p0 $0x1082;
	s9 =	sld [smem:$0x3FB4]  }
0x2f: {  	lr =	sadd.s32 s0, s3;
	s0 =	sld [smem:$0x3FAB]  }
0x30: {  	s3 =	sld [smem:$0x3FAE]  }
0x31: {  	[smem:$0x3FB7] =	sst s10  }
0x32: {  	s10 =	sld [smem:$0x3FB5];
	_ =	sdelay $0x3  }
0x33: {  	p0 =	seq.s32 s10, $0x1;
	s10 =	sld [smem:$0x3FB7];
	_ =	sdelay $0x3  }
0x34: {  	[smem:$0x3FB7] =	sst s10  }
0x35: {  	s10 =	sld [smem:$0x3FB6];
	_ =	sdelay $0x3  }
0x36: {  	p1 =	seq.s32 s10, $0x1;
	s10 =	sld [smem:$0x3FB7];
	_ =	sdelay $0x3  }
0x37: {  	[smem:$0x3FB7] =	sst s10  }
0x38: {  	s10 =	sld [smem:$0x3FB8]  }
0x39: {  	_ = 	snop;
	(pc) =	sbr.ind lr, $3  }
0x3a: {  	_ = 	snop  }
0x3b: {  	_ = 	snop  }
0x3c: {  	p2 =	seq.s32 s10, $0x1;
	s10 =	sld [smem:$0x3FB7]  }
0x3d: {  	_ =	shalt  }
0x3e: {  	_ =	shalt  }
0x3f: {  	_ =	shalt  }
0x40: {  	_ =	shalt  }
0x41: {  	_ =	shalt  }
0x42: {  	_ =	shalt  }
0x43: {  	_ =	shalt  }
0x44: {  	_ =	shalt  }
0x45: {  	_ =	shalt  }
0x46: {  	_ =	shalt  }
0x47: {  	_ =	shalt  }
0x48: {  	_ =	shalt  }
0x49: {  	_ =	shalt  }
0x4a: {  	_ =	shalt  }
0x4b: {  	_ =	shalt  }
0x4c: {  	_ =	shalt  }
0x4d: {  	_ =	shalt  }
0x4e: {  	_ =	shalt  }
0x4f: {  	_ =	shalt  }
0x50: {  	_ =	shalt  }
0x51: {  	_ =	shalt  }
0x52: {  	_ =	shalt  }
0x53: {  	_ =	shalt  }
0x54: {  	_ =	shalt  }
0x55: {  	_ =	shalt  }
0x56: {  	_ =	shalt  }
0x57: {  	_ =	shalt  }
0x58: {  	_ =	shalt  }
0x59: {  	_ =	shalt  }
0x5a: {  	_ =	shalt  }
0x5b: {  	_ =	shalt  }
0x5c: {  	_ =	shalt  }
0x5d: {  	_ =	shalt  }
0x5e: {  	_ =	shalt  }
0x5f: {  	_ =	shalt  }
0x60: {  	_ =	shalt  }
0x61: {  	_ =	shalt  }
0x62: {  	_ =	shalt  }
0x63: {  	_ =	shalt  }
0x64: {  	_ =	shalt  }
0x65: {  	_ =	shalt  }
0x66: {  	_ =	shalt  }
0x67: {  	_ =	shalt  }
0x68: {  	_ =	shalt  }
0x69: {  	_ =	shalt  }
0x6a: {  	_ =	shalt  }
0x6b: {  	_ =	shalt  }
0x6c: {  	_ =	shalt  }
0x6d: {  	_ =	shalt  }
0x6e: {  	_ =	shalt  }
0x6f: {  	_ =	shalt  }
0x70: {  	_ =	shalt  }
0x71: {  	_ =	shalt  }
0x72: {  	_ =	shalt  }
0x73: {  	_ =	shalt  }
0x74: {  	_ =	shalt  }
0x75: {  	_ =	shalt  }
0x76: {  	_ =	shalt  }
0x77: {  	_ =	shalt  }
0x78: {  	_ =	shalt  }
0x79: {  	_ =	shalt  }
0x7a: {  	_ =	shalt  }
0x7b: {  	_ =	shalt  }
0x7c: {  	_ =	shalt  }
0x7d: {  	_ =	shalt  }
0x7e: {  	_ =	shalt  }
0x7f: {  	_ =	shalt  }
0x80: {  	_ =	shalt  }
0x81: {  	_ =	shalt  }
0x82: {  	_ =	shalt  }
0x83: {  	_ =	shalt  }
0x84: {  	_ =	shalt  }
0x85: {  	_ =	shalt  }
0x86: {  	_ =	shalt  }
0x87: {  	_ =	shalt  }
.Lfunc_end0:
.L_simem_size_0:
called_computation_lowered:
.L_overlay_start_0:
0x88: {  	s2 =	sld [smem:$0x3FD9]  }
0x89: {  	s3 =	sld [smem:$0x3FFE];
	_ =	sdelay $0x1  }
0x8a: {  	s1 =	srdreg.scid  }
0x8b: {  	s0 =	sand.u32 $0x1, s1  }
0x8c: {  	s17 =	sshll.u32 s0, $0xA;
	s2 =	sadd.s32 s3, s2  }
0x8d: {  	s2 =	sadd.s32 s2, s17  }
0x8e: {  	[smem:$0x3FC3] =	sst s2  }
0x8f: {  	_ = 	snop  }
0x90: {  	s2 =	sld [smem:$0x3FC9]  }
0x91: {  	s18 =	sld [smem:$0x3FC8]  }
0x92: {  	s4 =	sld [smem:$0x3FC7];
	(tm) =	ssettm $0x1  }
0x93: {  	s5 =	sld [smem:$0x3FFB];
	_ =	sdelay $0x3  }
0x94: {  	_ =	strace s5  }
0x95: {  	s5 =	sld [smem:$0x3FFC];
	_ =	sdelay $0x3  }
0x96: {  	_ =	strace s5  }
0x97: {  	s5 =	sld [smem:$0x3FFD];
	_ =	sdelay $0x3  }
0x98: {  	_ =	strace s5  }
0x99: {  	_ =	strace $0x8FFFFFFF  }
0x9a: {  	s19 =	sld [smem:$0x3FDB];
	_ =	sdelay $0x1  }
0x9b: {  	s6 =	simm.s32 $_scs_section_size  }
0x9c: {  	s7 =	simm.s32 $_size__tile_overlayer_lowered;
	s8 =	simm.s32 $_tile_overlayer_lowered  }
0x9d: {  	s22 =	simm.s32 $0x1BFF;
	s21 =	sshll.u32 s8, $0x1;
	s5 =	sadd.s32 s6, s19  }
0x9e: {  	s9 =	simm.s32 $0x0;
	s20 =	sshll.u32 s7, $0x1;
	s7 =	sadd.s32 s21, s5  }
0x9f: {  	[timem:s9], [sflag:s22] =	dma.local [hbm:s7], s20  }
0xa0: {  	_ =	swait.ge [sflag:s22], s20  }
0xa1: {  	s6 =	ssub.s32 $0x0, s20;
	[sflag:s22] =	ssyncset.done $0x0  }
0xa2: {  	[sflag:s22] =	ssyncadd.s32 s6;
	_ =	sdelay $0x1  }
0xa3: {  	s23 =	simm.s32 $0x1B8B  }
0xa4: {  	_ =	swait.ge [sflag:s23], $0x1  }
0xa5: {  	[sflag:s23] =	ssyncset.done $0x0  }
0xa6: {  	s25 =	simm.s32 $0x1B8E;
	s24 =	sld [smem:$0x3FFE];
	[sflag:s23] =	ssyncadd.s32 $0xFFFFFFFF  }
0xa7: {  	s26 =	simm.s32 $execute0_lowered;
	[smem:$0x3FD2] =	sst s25  }
0xa8: {  	s7 =	sshll.u32 s26, $0x1;
	_ =	strace $0x80000046;
	[dreg:$0x1] =	wrdreg $0xFFFFFFFF  }
0xa9: {  	s28 =	simm.s32 $_size_execute0_lowered;
	s5 =	sadd.s32 s5, s7;
	[dreg:$0x0] =	wrdreg $0x0  }
0xaa: {  	s7 =	sshll.u32 s28, $0x1;
	[dreg:$0x2] =	wrdreg s5  }
0xab: {  	[dreg:$0x3] =	wrdreg s7  }
0xac: {  	[dreg:$0x4] =	wrdreg $0xC0  }
0xad: {  	_ =	task [dreg:s9], $0x5FFFF  }
0xae: {  	[dreg:$0x1] =	wrdreg $0xFFFFFFFF  }
0xaf: {  	[dreg:$0x0] =	wrdreg $0x60  }
0xb0: {  	[dreg:$0x2] =	wrdreg s2  }
0xb1: {  	[dreg:$0x3] =	wrdreg s18  }
0xb2: {  	[dreg:$0x4] =	wrdreg s4  }
0xb3: {  	[dreg:$0x5] =	wrdreg s24  }
0xb4: {  	[dreg:$0x6] =	wrdreg $0x9  }
0xb5: {  	_ =	task.clear_ibuf [dreg:s9], $0x7FFFF;
	_ =	strace $0x90000046  }
0xb6: {  	s29 =	simm.s32 $0x9;
	_ =	strace $0x80000048  }
0xb7: {  	_ =	swait.ge [sflag:s29], $0x1  }
0xb8: {  	[sflag:s29] =	ssyncadd.s32 $0xFFFFFFFF  }
0xb9: {  	_ =	strace $0x90000048  }
0xba: {  	_ =	sfence  }
0xbb: {  	s30 =	sld [smem:$0x0];
	_ =	sdelay $0x2  }
0xbc: {  	s31 =	sshll.u32 s1, $0xD;
	s1 =	sshrl.u32 s1, $0x2  }
0xbd: {  	s3 =	sand.u32 $0x4000, s31;
	s1 =	sadd.s32 s1, s30  }
0xbe: {  	s0 =	sor.u32 s3, s0;
	s1 =	sshll.u32 s1, $0x11  }
0xbf: {  	s0 =	sor.u32 s1, s0  }
0xc0: {  	s0 =	sadd.s32 $0x8F2B, s0  }
0xc1: {  	[sflag:s0] =	ssyncadd.remote.s32 $0x1  }
0xc2: {  	_ =	sfence.sel $0xFFFF  }
0xc3: {  	[dreg:$0x0] =	wrdreg $0xFFFFFFFF;
	(pc) =	sbr.abs _section_cstart, $3  }
0xc4: {  	[dreg:$0x1] =	wrdreg $0xFFFFFFFF  }
0xc5: {  	_ =	task.clear_ibuf [dreg:s9], $0x2FFFF;
	_ =	strace $0x9FFFFFFF  }
0xc6: {  	(tm) =	ssettm $0x7FFFFFFF  }
0xc7: {  	_ =	shalt  }
tec
execute0_lowered:
.L_overlay_start_1:
0x0: {  	(tag) =	ssettag $0x1  }
0x1: {  	s1 =	rddreg [dreg:$0x0]  }
0x2: {  	s2 =	rddreg [dreg:$0x1]  }
0x3: {  	s4 =	rddreg [dreg:$0x2]  }
0x4: {  	s3 =	srdreg.scid;
	s7 =	rddreg [dreg:$0x3]  }
0x5: {  	s5 =	simm.s32 $0x0;
	s6 =	sand.u32 $0x1, s3;
	s3 =	rddreg [dreg:$0x4]  }
0x6: {  	s11 =	simm.s32 $0x480;
	[smem:$0x7FF] =	sst s5  }
0x7: {  	s12 =	simm.s32 $0x100;
	_ =	strace $0x80000047;
	[dreg:$0x9] =	wrdreg s11  }
0x8: {  	s13 =	simm.s32 $0x500;
	[dreg:$0xa] =	wrdreg s12  }
0x9: {  	s14 =	simm.s32 $0x180;
	[dreg:$0xb] =	wrdreg s13  }
0xa: {  	s15 =	simm.s32 $0x580;
	[dreg:$0xc] =	wrdreg s14  }
0xb: {  	s16 =	simm.s32 $0x200;
	[dreg:$0xd] =	wrdreg s15  }
0xc: {  	s17 =	simm.s32 $0x600;
	[dreg:$0xe] =	wrdreg s16  }
0xd: {  	s18 =	simm.s32 $0x280;
	[dreg:$0xf] =	wrdreg s17  }
0xe: {  	s19 =	simm.s32 $0x680;
	[dreg:$0x10] =	wrdreg s18  }
0xf: {  	s20 =	simm.s32 $0x300;
	[dreg:$0x11] =	wrdreg s19  }
0x10: {  	s21 =	simm.s32 $0x700;
	[dreg:$0x12] =	wrdreg s20  }
0x11: {  	s22 =	simm.s32 $0x380;
	[dreg:$0x13] =	wrdreg s21  }
0x12: {  	s23 =	simm.s32 $0x780;
	[dreg:$0x14] =	wrdreg s22  }
0x13: {  	s24 =	simm.s32 $0x400;
	[dreg:$0x15] =	wrdreg s23  }
0x14: {  	s25 =	simm.s32 $0x800;
	[dreg:$0x16] =	wrdreg s24  }
0x15: {  	s26 =	simm.s32 $0xC80;
	[dreg:$0x17] =	wrdreg s25  }
0x16: {  	s0 =	stileid.u32;
	s28 =	simm.s32 $0x900;
	[dreg:$0x18] =	wrdreg s26  }
0x17: {  	s29 =	simm.s32 $0xD00;
	s30 =	sshll.u32 s0, $0x1;
	[dreg:$0x19] =	wrdreg s28  }
0x18: {  	s8 =	sor.u32 s6, s30;
	[dreg:$0x1a] =	wrdreg s29;
	s30 =	simm.s32 $0x980  }
0x19: {  	s11 =	simm.s32 $0xE80;
	[dreg:$0x1b] =	wrdreg s30  }
0x1a: {  	s12 =	simm.s32 $0xB00;
	[smem:$0x7E8] =	sst s11  }
0x1b: {  	s13 =	simm.s32 $0xF00;
	[smem:$0x7E9] =	sst s12  }
0x1c: {  	s14 =	simm.s32 $0xB80;
	[smem:$0x7EA] =	sst s13  }
0x1d: {  	s15 =	simm.s32 $0xF80;
	[smem:$0x7EB] =	sst s14  }
0x1e: {  	s16 =	simm.s32 $0xC00;
	[smem:$0x7EC] =	sst s15  }
0x1f: {  	s17 =	simm.s32 $0x1000;
	[smem:$0x7ED] =	sst s16  }
0x20: {  	s18 =	simm.s32 $0x1480;
	[smem:$0x7EE] =	sst s17  }
0x21: {  	s19 =	simm.s32 $0x1100;
	[smem:$0x7EF] =	sst s18  }
0x22: {  	s20 =	simm.s32 $0x1500;
	[smem:$0x7F0] =	sst s19  }
0x23: {  	s21 =	simm.s32 $0x1180;
	[smem:$0x7F1] =	sst s20  }
0x24: {  	s22 =	simm.s32 $0x1580;
	[smem:$0x7F2] =	sst s21  }
0x25: {  	s24 =	simm.s32 $0x1200;
	[smem:$0x7F3] =	sst s22  }
0x26: {  	s26 =	simm.s32 $0x1600;
	[smem:$0x7F4] =	sst s24  }
0x27: {  	s29 =	simm.s32 $0x1280;
	[smem:$0x7F5] =	sst s26  }
0x28: {  	s6 =	ssub.s32 $0x2, s6;
	[smem:$0x7F6] =	sst s29;
	s30 =	simm.s32 $0x1300  }
0x29: {  	s28 =	sshrl.u32 s0, $0x1;
	s11 =	simm.s32 $0x1380;
	[smem:$0x7F8] =	sst s30  }
0x2a: {  	s9 =	sshll.u32 s8, $0x2;
	s12 =	simm.s32 $0x1780;
	[smem:$0x7FA] =	sst s11  }
0x2b: {  	v0 =	vimm.s32 $0xC080400;
	s8 =	sshll.u32 s8, $0x8;
	s13 =	simm.s32 $0x1400;
	[smem:$0x7FB] =	sst s12  }
0x2c: {  	v1 =	vimm.s32 $0x1C181410;
	v2 =	vimm.f32 $6.400000000e+02;
	s14 =	simm.s32 $0x1800;
	s9 =	sadd.s32 s9, s7;
	[smem:$0x7FC] =	sst s13  }
0x2d: {  	vm0 =	vcmask $0xF00;
	vm1 =	vcmask $0x1F10;
	v3 =	vimm.s32 $0xE0A0602;
	s7 =	sadd.s32 s8, s7;
	s8 =	simm.s32 $0xA00;
	[smem:$0x7FD] =	sst s14  }
0x2e: {  	v4 =	vimm.s32 $0x1E1A1612;
	v5 =	vimm.s32 $0xF0B0703;
	s23 =	sshrl.u32 s6, $0x1;
	(erf) = vrcp.f32 v2;
	s31 =	sadd.s32 $0xE00, s9;
	[dreg:$0x1d] =	wrdreg s8  }
0x2f: {  	v6 =	vimm.s32 $0x1F1B1713;
	vm2 =	vcmask $0x70C;
	v0 =	vunpack.c.0.s8.s32 v0;
	s25 =	ssub.s32 s6, s23;
	s9 =	sadd.s32 $0x1000, s7;
	[dreg:$0x5] =	wrdreg s31  }
0x30: {  	vm3 =	vcmask $0xB10;
	vm4 =	vcmask $0xF14;
	v1 =	vunpack.c.0.s8.s32 v1;
	s6 =	smul.u32 $0x190000, s28;
	s10 =	sadd.s32 $0x3000, s7;
	[dreg:$0x6] =	wrdreg s9  }
0x31: {  	vm5 =	vcmask $0x1318;
	vm6 =	vcmask $0x171C;
	v0 =	vnsel vm0, $0x1C, v0;
	s11 =	simm.s32 $0x80;
	s7 =	sadd.s32 $0x5000, s7;
	[dreg:$0x7] =	wrdreg s10  }
0x32: {  	v3 =	vunpack.c.0.s8.s32 v3;
	v0 =	vsel vm1, v1, v0;
	v1 =	vimm.s32 $0xD090501;
	s12 =	simm.s32 $0x880;
	[dreg:$0x8] =	wrdreg s7;
	s31 =	simm.s32 $0xD80  }
0x33: {  	v4 =	vunpack.c.0.s8.s32 v4;
	v2 =	vimm.s32 $0x1D191511;
	s13 =	simm.s32 $0x1080;
	v1 =	vunpack.c.0.s8.s32 v1;
	s9 =	simm.s32 $0xE00;
	[dreg:$0x1c] =	wrdreg s31  }
0x34: {  	vm7 =	vcmask $0x1B20;
	v5 =	vunpack.c.0.s8.s32 v5;
	v2 =	vunpack.c.0.s8.s32 v2;
	s14 =	simm.s32 $0x1;
	s10 =	simm.s32 $0xA80;
	[dreg:$0x1e] =	wrdreg s9  }
0x35: {  	v6 =	vunpack.c.0.s8.s32 v6;
	v3 =	vnsel vm0, $0x1E, v3;
	s8 =	sshll.u32 s28, $0x7;
	[dreg:$0x1f] =	wrdreg s10;
	s10 =	simm.s32 $0x1680;
	v1 =	vnsel vm0, $0x1D, v1  }
0x36: {  	s7 =	smul.u32 $0x64000, s28;
	s31 =	simm.s32 $0x1700;
	[smem:$0x7F7] =	sst s10;
	v1 =	vsel vm1, v2, v1;
	v2 =	vsel vm1, v4, v3;
	v3 =	vnsel vm0, $0x1F, v5  }
0x37: {  	s9 =	smax.u32 s25, $0x1;
	[smem:$0x7F9] =	sst s31;
	s10 =	simm.s32 $0x2;
	vm0 =	vmmov $0x1;
	v3 =	vsel vm1, v6, v3;
	vm1 =	vcmask $0x308;
	v4 =	vpop (erf)  }
.LBB2_1:
0x38: {  	s15 =	rddreg [dreg:$0x5]  }
0x39: {  	[tilespmem:s5], [sflag:$0x2] =	stream.linear.gather [hbm4b:s15+s5], $0x20, $0x38;
	[tilespmem:$0x1880] =	vst v63  }
0x3a: {  	_ =	swait.ge [sflag:s10], $0x20  }
0x3b: {  	[sflag:s10] =	ssyncset.done $0x0  }
0x3c: {  	[sflag:s10] =	ssyncadd.s32 $0xFFFFFFE0  }
0x3d: {  	v5 =	vld.idx.msk [tilespmem:v0+s5+$0x0], $0xffff  }
0x3e: {  	v6 =	vld.idx.msk [tilespmem:v1+s5+$0x0], $0xffff  }
0x3f: {  	v7 =	vld.idx.msk [tilespmem:v3+s5+$0x0], $0xffff  }
0x40: {  	v8 =	vld.idx.msk [tilespmem:v2+s5+$0x0], $0xffff;
	_ =	sdelay $0x3  }
0x41: {  	v6 =	vadd.f32 v7, v6  }
0x42: {  	v5 =	vadd.f32 v8, v5  }
0x43: {  	v6 =	vmul.f32 $5.000000000e-01, v6  }
0x44: {  	v5 =	vmul.f32 $5.000000000e-01, v5  }
0x45: {  	v6 =	vmul.f32 v6, v4  }
0x46: {  	v5 =	vmul.f32 v5, v4  }
0x47: {  	v6 =	vmax.f32 v6, $0.0e+00  }
0x48: {  	v7 =	vmax.f32 v5, $0.0e+00;
	v5 =	vmin.f32 v6, $9.999989860e-01  }
0x49: {  	v6 =	vmin.f32 v7, $9.999989860e-01;
	v7 =	vmul.f32 $8.000000000e+01, v5  }
0x4a: {  	v49 =	vmul.f32 $8.000000000e+01, v6  }
0x4b: {  	v7 =	vtrunc.f32 v7  }
0x4c: {  	v8 =	vtrunc.f32 v49;
	v7 =	vcvt.f32.s32 v7  }
0x4d: {  	v8 =	vcvt.f32.s32 v8  }
0x4e: {  	vm8 =	vgt.s32 v7, $0x0  }
0x4f: {  	v7 =	vnsel vm8, $0x0, v7;
	vm8 =	vgt.s32 v8, $0x0  }
0x50: {  	v8 =	vnsel vm8, $0x0, v8;
	v7 =	vmin.u32 v7, $0x4F  }
0x51: {  	v8 =	vmin.u32 v8, $0x4F;
	v9 =	vnsel vm0, $0x0, v7  }
0x52: {  	v9 =	vor.u32 $0x80000000, v9;
	v10 =	vnsel vm0, $0x0, v8  }
0x53: {  	(xrf0) =	vmax.scan.msk.u32 $0xffff, v9;
	v50 =	vor.u32 $0x80000000, v10  }
0x54: {  	(xrf0) =	vmax.scan.msk.u32 $0xffff, v50;
	_ =	sdelay $0x4  }
0x55: {  	v53 =	vsel vm1, $0x0, v8;
	v51, _, _ =	vpop (xrf0)  }
0x56: {  	v9 =	vor.u32 $0x80000000, v53;
	(v2sf) =	vpush v51, $0xF;
	v52, _, _ =	vpop (xrf0)  }
0x57: {  	(xrf0) =	vmax.scan.msk.u32 $0xffff, v9;
	(v2sf) =	vpush v52, $0xF;
	_ =	sdelay $0x1  }
0x58: {  	v54 =	vsel vm1, $0x0, v7  }
0x59: {  	v9 =	vor.u32 $0x80000000, v54  }
0x5a: {  	(xrf0) =	vmax.scan.msk.u32 $0xffff, v9;
	_ =	sdelay $0x1  }
0x5b: {  	v55, _, _ =	vpop (xrf0)  }
0x5c: {  	v57 =	vsel vm2, $0x0, v8;
	(v2sf) =	vpush v55, $0xF  }
0x5d: {  	v9 =	vor.u32 $0x80000000, v57  }
0x5e: {  	(xrf0) =	vmax.scan.msk.u32 $0xffff, v9  }
0x5f: {  	v56, _, _ =	vpop (xrf0)  }
0x60: {  	v58 =	vsel vm2, $0x0, v7;
	(v2sf) =	vpush v56, $0xF  }
0x61: {  	v9 =	vor.u32 $0x80000000, v58  }
0x62: {  	(xrf0) =	vmax.scan.msk.u32 $0xffff, v9  }
0x63: {  	s31 =	spop (v2sf)  }
0x64: {  	v59, _, _ =	vpop (xrf0);
	s16 =	spop (v2sf)  }
0x65: {  	v61 =	vsel vm3, $0x0, v8;
	(v2sf) =	vpush v59, $0xF;
	s17 =	sshll.u32 s16, $0x8  }
0x66: {  	v9 =	vor.u32 $0x80000000, v61;
	s16 =	sshll.u32 s16, $0x7;
	s17 =	sand.u32 $0xFFFFF800, s17  }
0x67: {  	(xrf0) =	vmax.scan.msk.u32 $0xffff, v9;
	s15 =	smul.u32 $0x5000, s31;
	s16 =	sand.u32 $0x380, s16;
	s17 =	sadd.s32 s6, s17  }
0x68: {  	v60, _, _ =	vpop (xrf0);
	s16 =	sor.u32 s16, s17  }
0x69: {  	v62 =	vsel vm3, $0x0, v7;
	(v2sf) =	vpush v60, $0xF;
	s15 =	sadd.s32 s15, s16  }
0x6a: {  	v9 =	vor.u32 $0x80000000, v62;
	s15 =	sshrl.u32 s15, $0x3  }
0x6b: {  	(xrf0) =	vmax.scan.msk.u32 $0xffff, v9;
	s18 =	spop (v2sf);
	s15 =	sadd.s32 s1, s15  }
0x6c: {  	[tilespmem:s11], [sflag:$0x1] =	stream.linear.gather [hbm4b:s15+s5], $0x80, $0x38;
	[tilespmem:$0x1880] =	vst v63  }
0x6d: {  	v63, _, _ =	vpop (xrf0);
	s17 =	rddreg [dreg:$0x9];
	s19 =	sshll.u32 s18, $0x8;
	s15 =	sadd.s32 $0x80, s15  }
0x6e: {  	v13 =	vsel vm4, $0x0, v8;
	(v2sf) =	vpush v63, $0xF;
	[tilespmem:s17], [sflag:$0x1] =	stream.linear.gather [hbm4b:s15+s5], $0x80, $0x38;
	[tilespmem:$0x1880] =	vst v63  }
0x6f: {  	v9 =	vor.u32 $0x80000000, v13;
	s20 =	spop (v2sf);
	s16 =	sand.u32 $0xFFFFF800, s19;
	s15 =	sshll.u32 s18, $0x7  }
0x70: {  	(xrf0) =	vmax.scan.msk.u32 $0xffff, v9;
	s16 =	sadd.s32 s6, s16;
	s17 =	smul.u32 $0x5000, s20;
	s15 =	sand.u32 $0x380, s15  }
0x71: {  	v12, _, _ =	vpop (xrf0);
	s15 =	sor.u32 s15, s16  }
0x72: {  	v14 =	vsel vm4, $0x0, v7;
	(v2sf) =	vpush v12, $0xF;
	s15 =	sadd.s32 s17, s15  }
0x73: {  	v9 =	vor.u32 $0x80000000, v14;
	s15 =	sshrl.u32 s15, $0x3  }
0x74: {  	s21 =	rddreg [dreg:$0xa];
	(xrf0) =	vmax.scan.msk.u32 $0xffff, v9;
	s23 =	spop (v2sf);
	s15 =	sadd.s32 s1, s15  }
0x75: {  	[tilespmem:s21], [sflag:$0x1] =	stream.linear.gather [hbm4b:s15+s5], $0x80, $0x38;
	[tilespmem:$0x1880] =	vst v63  }
0x76: {  	s22 =	rddreg [dreg:$0xb];
	v15, _, _ =	vpop (xrf0);
	s24 =	sshll.u32 s23, $0x8;
	s15 =	sadd.s32 $0x80, s15  }
0x77: {  	v17 =	vsel vm5, $0x0, v8;
	(v2sf) =	vpush v15, $0xF;
	[tilespmem:s22], [sflag:$0x1] =	stream.linear.gather [hbm4b:s15+s5], $0x80, $0x38;
	[tilespmem:$0x1880] =	vst v63  }
0x78: {  	v9 =	vor.u32 $0x80000000, v17;
	s25 =	spop (v2sf);
	s16 =	sand.u32 $0xFFFFF800, s24;
	s15 =	sshll.u32 s23, $0x7  }
0x79: {  	(xrf0) =	vmax.scan.msk.u32 $0xffff, v9;
	s17 =	smul.u32 $0x5000, s25;
	s16 =	sadd.s32 s6, s16;
	s15 =	sand.u32 $0x380, s15  }
0x7a: {  	v16, _, _ =	vpop (xrf0);
	s15 =	sor.u32 s15, s16  }
0x7b: {  	v18 =	vsel vm5, $0x0, v7;
	(v2sf) =	vpush v16, $0xF;
	s15 =	sadd.s32 s17, s15  }
0x7c: {  	v9 =	vor.u32 $0x80000000, v18;
	s15 =	sshrl.u32 s15, $0x3  }
0x7d: {  	s26 =	rddreg [dreg:$0xc];
	(xrf0) =	vmax.scan.msk.u32 $0xffff, v9;
	s29 =	spop (v2sf);
	s15 =	sadd.s32 s1, s15  }
0x7e: {  	[tilespmem:s26], [sflag:$0x1] =	stream.linear.gather [hbm4b:s15+s5], $0x80, $0x38;
	[tilespmem:$0x1880] =	vst v63  }
0x7f: {  	s28 =	rddreg [dreg:$0xd];
	v19, _, _ =	vpop (xrf0);
	s30 =	sshll.u32 s29, $0x8;
	s15 =	sadd.s32 $0x80, s15  }
0x80: {  	v21 =	vsel vm6, $0x0, v8;
	(v2sf) =	vpush v19, $0xF;
	[tilespmem:s28], [sflag:$0x1] =	stream.linear.gather [hbm4b:s15+s5], $0x80, $0x38;
	[tilespmem:$0x1880] =	vst v63  }
0x81: {  	v9 =	vor.u32 $0x80000000, v21;
	s31 =	spop (v2sf);
	s16 =	sand.u32 $0xFFFFF800, s30;
	s15 =	sshll.u32 s29, $0x7  }
0x82: {  	(xrf0) =	vmax.scan.msk.u32 $0xffff, v9;
	s17 =	smul.u32 $0x5000, s31;
	s16 =	sadd.s32 s6, s16;
	s15 =	sand.u32 $0x380, s15  }
0x83: {  	v20, _, _ =	vpop (xrf0);
	s15 =	sor.u32 s15, s16  }
0x84: {  	v22 =	vsel vm6, $0x0, v7;
	(v2sf) =	vpush v20, $0xF;
	s15 =	sadd.s32 s17, s15  }
0x85: {  	v9 =	vor.u32 $0x80000000, v22;
	s15 =	sshrl.u32 s15, $0x3  }
0x86: {  	s18 =	rddreg [dreg:$0xe];
	(xrf0) =	vmax.scan.msk.u32 $0xffff, v9;
	s20 =	spop (v2sf);
	s15 =	sadd.s32 s1, s15  }
0x87: {  	[tilespmem:s18], [sflag:$0x1] =	stream.linear.gather [hbm4b:s15+s5], $0x80, $0x38;
	[tilespmem:$0x1880] =	vst v63  }
0x88: {  	s19 =	rddreg [dreg:$0xf];
	v23, _, _ =	vpop (xrf0);
	s21 =	sshll.u32 s20, $0x8;
	s15 =	sadd.s32 $0x80, s15  }
0x89: {  	v8 =	vsel vm7, $0x0, v8;
	(v2sf) =	vpush v23, $0xF;
	[tilespmem:s19], [sflag:$0x1] =	stream.linear.gather [hbm4b:s15+s5], $0x80, $0x38;
	[tilespmem:$0x1880] =	vst v63  }
0x8a: {  	v25 =	vmul.f32 $4.000000000e+01, v6;
	v7 =	vsel vm7, $0x0, v7;
	v8 =	vor.u32 $0x80000000, v8;
	s22 =	spop (v2sf);
	s16 =	sand.u32 $0xFFFFF800, s21;
	s15 =	sshll.u32 s20, $0x7  }
0x8b: {  	v7 =	vor.u32 $0x80000000, v7;
	(xrf0) =	vmax.scan.msk.u32 $0xffff, v8;
	s17 =	smul.u32 $0x5000, s22;
	s16 =	sadd.s32 s6, s16;
	s15 =	sand.u32 $0x380, s15  }
0x8c: {  	v24, _, _ =	vpop (xrf0);
	(xrf0) =	vmax.scan.msk.u32 $0xffff, v7;
	v7 =	vtrunc.f32 v25;
	s15 =	sor.u32 s15, s16  }
0x8d: {  	v7 =	vcvt.f32.s32 v7;
	(v2sf) =	vpush v24, $0xF;
	s15 =	sadd.s32 s17, s15  }
0x8e: {  	v26 =	vmul.f32 $4.000000000e+01, v5;
	s15 =	sshrl.u32 s15, $0x3  }
0x8f: {  	s23 =	rddreg [dreg:$0x10];
	vm8 =	vgt.s32 v7, $0x0;
	s25 =	spop (v2sf);
	s15 =	sadd.s32 s1, s15  }
0x90: {  	v8 =	vtrunc.f32 v26;
	v7 =	vnsel vm8, $0x0, v7;
	[tilespmem:s23], [sflag:$0x1] =	stream.linear.gather [hbm4b:s15+s5], $0x80, $0x38;
	[tilespmem:$0x1880] =	vst v63  }
0x91: {  	s24 =	rddreg [dreg:$0x11];
	v8 =	vcvt.f32.s32 v8;
	v27, _, _ =	vpop (xrf0);
	v7 =	vmin.u32 v7, $0x27;
	s26 =	sshll.u32 s25, $0x8;
	s15 =	sadd.s32 $0x80, s15  }
0x92: {  	v29 =	vnsel vm0, $0x0, v7;
	(v2sf) =	vpush v27, $0xF;
	[tilespmem:s24], [sflag:$0x1] =	stream.linear.gather [hbm4b:s15+s5], $0x80, $0x38;
	[tilespmem:$0x1880] =	vst v63  }
0x93: {  	vm8 =	vgt.s32 v8, $0x0;
	v9 =	vor.u32 $0x80000000, v29;
	s28 =	spop (v2sf);
	s16 =	sand.u32 $0xFFFFF800, s26;
	s15 =	sshll.u32 s25, $0x7  }
0x94: {  	v8 =	vnsel vm8, $0x0, v8;
	(xrf0) =	vmax.scan.msk.u32 $0xffff, v9;
	s17 =	smul.u32 $0x5000, s28;
	s16 =	sadd.s32 s6, s16;
	s15 =	sand.u32 $0x380, s15  }
0x95: {  	v28, _, _ =	vpop (xrf0);
	v8 =	vmin.u32 v8, $0x27;
	s15 =	sor.u32 s15, s16  }
0x96: {  	v30 =	vnsel vm0, $0x0, v8;
	(v2sf) =	vpush v28, $0xF;
	s15 =	sadd.s32 s17, s15  }
0x97: {  	v9 =	vor.u32 $0x80000000, v30;
	s15 =	sshrl.u32 s15, $0x3  }
0x98: {  	s29 =	rddreg [dreg:$0x12];
	(xrf0) =	vmax.scan.msk.u32 $0xffff, v9;
	s31 =	spop (v2sf);
	s15 =	sadd.s32 s1, s15  }
0x99: {  	[tilespmem:s29], [sflag:$0x1] =	stream.linear.gather [hbm4b:s15+s5], $0x80, $0x38;
	[tilespmem:$0x1880] =	vst v63  }
0x9a: {  	s30 =	rddreg [dreg:$0x13];
	v31, _, _ =	vpop (xrf0);
	s17 =	sshll.u32 s31, $0x8;
	s15 =	sadd.s32 $0x80, s15  }
0x9b: {  	v33 =	vsel vm1, $0x0, v7;
	(v2sf) =	vpush v31, $0xF;
	[tilespmem:s30], [sflag:$0x1] =	stream.linear.gather [hbm4b:s15+s5], $0x80, $0x38;
	[tilespmem:$0x1880] =	vst v63  }
0x9c: {  	v9 =	vor.u32 $0x80000000, v33;
	s18 =	spop (v2sf);
	s16 =	sand.u32 $0xFFFFF800, s17;
	s15 =	sshll.u32 s31, $0x7  }
0x9d: {  	v34 =	vsel vm1, $0x0, v8;
	(xrf0) =	vmax.scan.msk.u32 $0xffff, v9;
	s17 =	smul.u32 $0x5000, s18;
	s16 =	sadd.s32 s6, s16;
	s15 =	sand.u32 $0x380, s15  }
0x9e: {  	v9 =	vor.u32 $0x80000000, v34;
	v32, _, _ =	vpop (xrf0);
	s15 =	sor.u32 s15, s16  }
0x9f: {  	(xrf0) =	vmax.scan.msk.u32 $0xffff, v9;
	(v2sf) =	vpush v32, $0xF;
	s15 =	sadd.s32 s17, s15  }
0xa0: {  	s15 =	sshrl.u32 s15, $0x3  }
0xa1: {  	s19 =	rddreg [dreg:$0x14];
	s21 =	spop (v2sf);
	s15 =	sadd.s32 s1, s15  }
0xa2: {  	[tilespmem:s19], [sflag:$0x1] =	stream.linear.gather [hbm4b:s15+s5], $0x80, $0x38;
	[tilespmem:$0x1880] =	vst v63  }
0xa3: {  	s20 =	rddreg [dreg:$0x15];
	v35, _, _ =	vpop (xrf0);
	s22 =	sshll.u32 s21, $0x8;
	s15 =	sadd.s32 $0x80, s15  }
0xa4: {  	v37 =	vsel vm2, $0x0, v7;
	(v2sf) =	vpush v35, $0xF;
	[tilespmem:s20], [sflag:$0x1] =	stream.linear.gather [hbm4b:s15+s5], $0x80, $0x38;
	[tilespmem:$0x1880] =	vst v63  }
0xa5: {  	v9 =	vor.u32 $0x80000000, v37;
	v36, _, _ =	vpop (xrf0);
	s23 =	spop (v2sf);
	s16 =	sand.u32 $0xFFFFF800, s22;
	s15 =	sshll.u32 s21, $0x7  }
0xa6: {  	v38 =	vsel vm2, $0x0, v8;
	(xrf0) =	vmax.scan.msk.u32 $0xffff, v9;
	(v2sf) =	vpush v36, $0xF;
	s17 =	smul.u32 $0x5000, s23;
	s16 =	sadd.s32 s6, s16;
	s15 =	sand.u32 $0x380, s15  }
0xa7: {  	v9 =	vor.u32 $0x80000000, v38;
	s15 =	sor.u32 s15, s16  }
0xa8: {  	(xrf0) =	vmax.scan.msk.u32 $0xffff, v9;
	s15 =	sadd.s32 s17, s15  }
0xa9: {  	s15 =	sshrl.u32 s15, $0x3  }
0xaa: {  	v41 =	vsel vm3, $0x0, v7;
	s24 =	rddreg [dreg:$0x16];
	s26 =	spop (v2sf);
	s15 =	sadd.s32 s1, s15  }
0xab: {  	v9 =	vor.u32 $0x80000000, v41;
	[tilespmem:s24], [sflag:$0x1] =	stream.linear.gather [hbm4b:s15+s5], $0x80, $0x38;
	[tilespmem:$0x1880] =	vst v63  }
0xac: {  	v42 =	vsel vm3, $0x0, v8;
	s25 =	rddreg [dreg:$0x17];
	v39, _, _ =	vpop (xrf0);
	(xrf0) =	vmax.scan.msk.u32 $0xffff, v9;
	s28 =	sshll.u32 s26, $0x8;
	s15 =	sadd.s32 $0x80, s15  }
0xad: {  	v9 =	vor.u32 $0x80000000, v42;
	(v2sf) =	vpush v39, $0xF;
	[tilespmem:s25], [sflag:$0x1] =	stream.linear.gather [hbm4b:s15+s5], $0x80, $0x38;
	[tilespmem:$0x1880] =	vst v63  }
0xae: {  	v40, _, _ =	vpop (xrf0);
	(xrf0) =	vmax.scan.msk.u32 $0xffff, v9;
	s29 =	spop (v2sf);
	s16 =	sand.u32 $0xFFFFF800, s28;
	s15 =	sshll.u32 s26, $0x7  }
0xaf: {  	(v2sf) =	vpush v40, $0xF;
	s17 =	smul.u32 $0x2800, s29;
	s16 =	sadd.s32 s7, s16;
	s15 =	sand.u32 $0x380, s15  }
0xb0: {  	s15 =	sor.u32 s15, s16  }
0xb1: {  	v45 =	vsel vm4, $0x0, v7;
	s15 =	sadd.s32 s17, s15  }
0xb2: {  	v9 =	vor.u32 $0x80000000, v45;
	s15 =	sshrl.u32 s15, $0x3  }
0xb3: {  	v46 =	vsel vm4, $0x0, v8;
	s30 =	rddreg [dreg:$0x18];
	v43, _, _ =	vpop (xrf0);
	(xrf0) =	vmax.scan.msk.u32 $0xffff, v9;
	s31 =	spop (v2sf);
	s15 =	sadd.s32 s2, s15  }
0xb4: {  	v9 =	vor.u32 $0x80000000, v46;
	v44, _, _ =	vpop (xrf0);
	(v2sf) =	vpush v43, $0xF;
	[tilespmem:s12], [sflag:$0x1] =	stream.linear.gather [hbm4b:s15+s5], $0x80, $0x38;
	[tilespmem:$0x1880] =	vst v63  }
0xb5: {  	(xrf0) =	vmax.scan.msk.u32 $0xffff, v9;
	s18 =	spop (v2sf);
	(v2sf) =	vpush v44, $0xF;
	s17 =	sshll.u32 s31, $0x8;
	s15 =	sadd.s32 $0x80, s15  }
0xb6: {  	[tilespmem:s30], [sflag:$0x1] =	stream.linear.gather [hbm4b:s15+s5], $0x80, $0x38;
	[tilespmem:$0x1880] =	vst v63  }
0xb7: {  	s16 =	sand.u32 $0xFFFFF800, s17;
	s15 =	sshll.u32 s31, $0x7  }
0xb8: {  	s17 =	smul.u32 $0x2800, s18;
	s16 =	sadd.s32 s7, s16;
	s15 =	sand.u32 $0x380, s15  }
0xb9: {  	v49 =	vsel vm5, $0x0, v7;
	s15 =	sor.u32 s15, s16  }
0xba: {  	v50 =	vsel vm5, $0x0, v8;
	v9 =	vor.u32 $0x80000000, v49;
	s15 =	sadd.s32 s17, s15  }
0xbb: {  	s19 =	rddreg [dreg:$0x19];
	v47, _, _ =	vpop (xrf0);
	(xrf0) =	vmax.scan.msk.u32 $0xffff, v9;
	v9 =	vor.u32 $0x80000000, v50;
	s15 =	sshrl.u32 s15, $0x3  }
0xbc: {  	s20 =	rddreg [dreg:$0x1a];
	v48, _, _ =	vpop (xrf0);
	(xrf0) =	vmax.scan.msk.u32 $0xffff, v9;
	s21 =	spop (v2sf);
	s15 =	sadd.s32 s2, s15  }
0xbd: {  	[tilespmem:s19], [sflag:$0x1] =	stream.linear.gather [hbm4b:s15+s5], $0x80, $0x38;
	[tilespmem:$0x1880] =	vst v63  }
0xbe: {  	(v2sf) =	vpush v47, $0xF;
	s22 =	sshll.u32 s21, $0x8;
	s23 =	spop (v2sf);
	s15 =	sadd.s32 $0x80, s15  }
0xbf: {  	(v2sf) =	vpush v48, $0xF;
	[tilespmem:s20], [sflag:$0x1] =	stream.linear.gather [hbm4b:s15+s5], $0x80, $0x38;
	[tilespmem:$0x1880] =	vst v63  }
0xc0: {  	s16 =	sand.u32 $0xFFFFF800, s22;
	s15 =	sshll.u32 s21, $0x7  }
0xc1: {  	s17 =	smul.u32 $0x2800, s23;
	s16 =	sadd.s32 s7, s16;
	s15 =	sand.u32 $0x380, s15  }
0xc2: {  	v53 =	vsel vm6, $0x0, v7;
	v51, _, _ =	vpop (xrf0);
	s15 =	sor.u32 s15, s16  }
0xc3: {  	v54 =	vsel vm6, $0x0, v8;
	v9 =	vor.u32 $0x80000000, v53;
	v52, _, _ =	vpop (xrf0);
	s26 =	spop (v2sf);
	(v2sf) =	vpush v51, $0xF;
	s15 =	sadd.s32 s17, s15  }
0xc4: {  	(xrf0) =	vmax.scan.msk.u32 $0xffff, v9;
	v9 =	vor.u32 $0x80000000, v54;
	s29 =	spop (v2sf);
	(v2sf) =	vpush v52, $0xF;
	s15 =	sshrl.u32 s15, $0x3  }
0xc5: {  	s24 =	rddreg [dreg:$0x1b];
	(xrf0) =	vmax.scan.msk.u32 $0xffff, v9;
	s15 =	sadd.s32 s2, s15  }
0xc6: {  	[tilespmem:s24], [sflag:$0x1] =	stream.linear.gather [hbm4b:s15+s5], $0x80, $0x38;
	[tilespmem:$0x1880] =	vst v63  }
0xc7: {  	s25 =	rddreg [dreg:$0x1c];
	s28 =	sshll.u32 s26, $0x8;
	s15 =	sadd.s32 $0x80, s15  }
0xc8: {  	v7 =	vsel vm7, $0x0, v7;
	[tilespmem:s25], [sflag:$0x1] =	stream.linear.gather [hbm4b:s15+s5], $0x80, $0x38;
	[tilespmem:$0x1880] =	vst v63  }
0xc9: {  	v7 =	vor.u32 $0x80000000, v7;
	s16 =	sand.u32 $0xFFFFF800, s28;
	s15 =	sshll.u32 s26, $0x7  }
0xca: {  	v55, _, _ =	vpop (xrf0);
	(xrf0) =	vmax.scan.msk.u32 $0xffff, v7;
	v7 =	vsel vm7, $0x0, v8;
	s17 =	smul.u32 $0x2800, s29;
	s16 =	sadd.s32 s7, s16;
	s15 =	sand.u32 $0x380, s15  }
0xcb: {  	v6 =	vmul.f32 $2.000000000e+01, v6;
	v7 =	vor.u32 $0x80000000, v7;
	s15 =	sor.u32 s15, s16  }
0xcc: {  	v5 =	vmul.f32 $2.000000000e+01, v5;
	v56, _, _ =	vpop (xrf0);
	(xrf0) =	vmax.scan.msk.u32 $0xffff, v7;
	s15 =	sadd.s32 s17, s15  }
0xcd: {  	v6 =	vtrunc.f32 v6;
	s30 =	rddreg [dreg:$0x1d];
	s18 =	spop (v2sf);
	(v2sf) =	vpush v55, $0xF;
	s15 =	sshrl.u32 s15, $0x3  }
0xce: {  	v5 =	vtrunc.f32 v5;
	v6 =	vcvt.f32.s32 v6;
	s19 =	sshll.u32 s18, $0x8;
	s20 =	spop (v2sf);
	(v2sf) =	vpush v56, $0xF;
	s15 =	sadd.s32 s2, s15  }
0xcf: {  	v5 =	vcvt.f32.s32 v5;
	[tilespmem:s30], [sflag:$0x1] =	stream.linear.gather [hbm4b:s15+s5], $0x80, $0x38;
	[tilespmem:$0x1880] =	vst v63  }
0xd0: {  	vm8 =	vgt.s32 v6, $0x0;
	s31 =	rddreg [dreg:$0x1e];
	s16 =	sand.u32 $0xFFFFF800, s19;
	s15 =	sadd.s32 $0x80, s15  }
0xd1: {  	v6 =	vnsel vm8, $0x0, v6;
	vm8 =	vgt.s32 v5, $0x0;
	v7, _, _ =	vpop (xrf0);
	[tilespmem:s31], [sflag:$0x1] =	stream.linear.gather [hbm4b:s15+s5], $0x80, $0x38;
	[tilespmem:$0x1880] =	vst v63  }
0xd2: {  	v6 =	vmin.u32 v6, $0x13;
	v5 =	vnsel vm8, $0x0, v5;
	s17 =	smul.u32 $0x2800, s20;
	s23 =	spop (v2sf);
	(v2sf) =	vpush v7, $0xF;
	v7, _, _ =	vpop (xrf0);
	s15 =	sshll.u32 s18, $0x7  }
0xd3: {  	v5 =	vmin.u32 v5, $0x13;
	s16 =	sadd.s32 s7, s16;
	s25 =	spop (v2sf);
	(v2sf) =	vpush v7, $0xF;
	v7 =	vnsel vm0, $0x0, v6;
	s15 =	sand.u32 $0x380, s15  }
0xd4: {  	v57 =	vnsel vm0, $0x0, v5;
	v7 =	vor.u32 $0x80000000, v7;
	s15 =	sor.u32 s15, s16  }
0xd5: {  	(xrf0) =	vmax.scan.msk.u32 $0xffff, v7;
	v7 =	vor.u32 $0x80000000, v57;
	s15 =	sadd.s32 s17, s15  }
0xd6: {  	s22 =	sld [smem:$0x7E8];
	(xrf0) =	vmax.scan.msk.u32 $0xffff, v7;
	s15 =	sshrl.u32 s15, $0x3  }
0xd7: {  	s21 =	rddreg [dreg:$0x1f];
	s15 =	sadd.s32 s2, s15  }
0xd8: {  	[tilespmem:s21], [sflag:$0x1] =	stream.linear.gather [hbm4b:s15+s5], $0x80, $0x38;
	[tilespmem:$0x1880] =	vst v63  }
0xd9: {  	s24 =	sshll.u32 s23, $0x8;
	s15 =	sadd.s32 $0x80, s15  }
0xda: {  	[tilespmem:s22], [sflag:$0x1] =	stream.linear.gather [hbm4b:s15+s5], $0x80, $0x38;
	[tilespmem:$0x1880] =	vst v63  }
0xdb: {  	s16 =	sand.u32 $0xFFFFF800, s24;
	s17 =	smul.u32 $0x2800, s25;
	v7, _, _ =	vpop (xrf0);
	s15 =	sshll.u32 s23, $0x7  }
0xdc: {  	s16 =	sadd.s32 s7, s16;
	s29 =	spop (v2sf);
	(v2sf) =	vpush v7, $0xF;
	v7, _, _ =	vpop (xrf0);
	s15 =	sand.u32 $0x380, s15  }
0xdd: {  	s31 =	spop (v2sf);
	(v2sf) =	vpush v7, $0xF;
	v7 =	vsel vm1, $0x0, v6;
	s15 =	sor.u32 s15, s16  }
0xde: {  	v58 =	vsel vm1, $0x0, v5;
	s26 =	sld [smem:$0x7E9];
	v7 =	vor.u32 $0x80000000, v7;
	s15 =	sadd.s32 s17, s15  }
0xdf: {  	(xrf0) =	vmax.scan.msk.u32 $0xffff, v7;
	v7 =	vor.u32 $0x80000000, v58;
	s15 =	sshrl.u32 s15, $0x3  }
0xe0: {  	s28 =	sld [smem:$0x7EA];
	(xrf0) =	vmax.scan.msk.u32 $0xffff, v7;
	s15 =	sadd.s32 s2, s15  }
0xe1: {  	[tilespmem:s26], [sflag:$0x1] =	stream.linear.gather [hbm4b:s15+s5], $0x80, $0x38;
	[tilespmem:$0x1880] =	vst v63  }
0xe2: {  	s30 =	sshll.u32 s29, $0x8;
	s15 =	sadd.s32 $0x80, s15  }
0xe3: {  	[tilespmem:s28], [sflag:$0x1] =	stream.linear.gather [hbm4b:s15+s5], $0x80, $0x38;
	[tilespmem:$0x1880] =	vst v63  }
0xe4: {  	s16 =	sand.u32 $0xFFFFF800, s30;
	s15 =	sshll.u32 s29, $0x7  }
0xe5: {  	s17 =	smul.u32 $0x2800, s31;
	s16 =	sadd.s32 s7, s16;
	v7, _, _ =	vpop (xrf0);
	s15 =	sand.u32 $0x380, s15  }
0xe6: {  	s19 =	spop (v2sf);
	(v2sf) =	vpush v7, $0xF;
	v7, _, _ =	vpop (xrf0);
	s15 =	sor.u32 s15, s16  }
0xe7: {  	s21 =	spop (v2sf);
	(v2sf) =	vpush v7, $0xF;
	v7 =	vsel vm2, $0x0, v6;
	s15 =	sadd.s32 s17, s15;
	s17 =	sld [smem:$0x7EB]  }
0xe8: {  	v7 =	vor.u32 $0x80000000, v7;
	s15 =	sshrl.u32 s15, $0x3  }
0xe9: {  	v59 =	vsel vm2, $0x0, v5;
	s18 =	sld [smem:$0x7EC];
	(xrf0) =	vmax.scan.msk.u32 $0xffff, v7;
	s15 =	sadd.s32 s2, s15  }
0xea: {  	v7 =	vor.u32 $0x80000000, v59;
	[tilespmem:s17], [sflag:$0x1] =	stream.linear.gather [hbm4b:s15+s5], $0x80, $0x38;
	[tilespmem:$0x1880] =	vst v63  }
0xeb: {  	s20 =	sshll.u32 s19, $0x8;
	(xrf0) =	vmax.scan.msk.u32 $0xffff, v7;
	s15 =	sadd.s32 $0x80, s15  }
0xec: {  	[tilespmem:s18], [sflag:$0x1] =	stream.linear.gather [hbm4b:s15+s5], $0x80, $0x38;
	[tilespmem:$0x1880] =	vst v63  }
0xed: {  	s16 =	sand.u32 $0xFFFFF800, s20;
	s15 =	sshll.u32 s19, $0x7  }
0xee: {  	s16 =	sadd.s32 s7, s16;
	s17 =	smul.u32 $0x2800, s21;
	s15 =	sand.u32 $0x380, s15  }
0xef: {  	s15 =	sor.u32 s15, s16  }
0xf0: {  	s22 =	sld [smem:$0x7ED];
	s15 =	sadd.s32 s17, s15  }
0xf1: {  	s24 =	spop (v2sf);
	v7, _, _ =	vpop (xrf0);
	s15 =	sshrl.u32 s15, $0x3  }
0xf2: {  	s23 =	sld [smem:$0x7EE];
	s25 =	spop (v2sf);
	(v2sf) =	vpush v7, $0xF;
	v7, _, _ =	vpop (xrf0);
	s15 =	sadd.s32 s2, s15  }
0xf3: {  	(v2sf) =	vpush v7, $0xF;
	[tilespmem:s22], [sflag:$0x1] =	stream.linear.gather [hbm4b:s15+s5], $0x80, $0x38;
	[tilespmem:$0x1880] =	vst v63  }
0xf4: {  	s16 =	smul.u32 $0xA000, s25;
	v7 =	vsel vm3, $0x0, v6;
	s15 =	sadd.s32 $0x80, s15  }
0xf5: {  	v7 =	vor.u32 $0x80000000, v7;
	[tilespmem:s23], [sflag:$0x1] =	stream.linear.gather [hbm4b:s15+s5], $0x80, $0x38;
	[tilespmem:$0x1880] =	vst v63  }
0xf6: {  	v60 =	vsel vm3, $0x0, v5;
	(xrf0) =	vmax.scan.msk.u32 $0xffff, v7;
	s15 =	sshll.u32 s24, $0xB  }
0xf7: {  	v7 =	vor.u32 $0x80000000, v60;
	s15 =	sadd.s32 s15, s16  }
0xf8: {  	(xrf0) =	vmax.scan.msk.u32 $0xffff, v7;
	s15 =	sor.u32 s8, s15  }
0xf9: {  	s28 =	spop (v2sf);
	s15 =	sshrl.u32 s15, $0x3  }
0xfa: {  	s26 =	sld [smem:$0x7EF];
	s29 =	spop (v2sf);
	s15 =	sadd.s32 s4, s15  }
0xfb: {  	[tilespmem:s13], [sflag:$0x1] =	stream.linear.gather [hbm4b:s15+s5], $0x80, $0x38;
	[tilespmem:$0x1880] =	vst v63  }
0xfc: {  	s16 =	smul.u32 $0xA000, s29;
	v7, _, _ =	vpop (xrf0);
	s15 =	sadd.s32 $0x80, s15  }
0xfd: {  	(v2sf) =	vpush v7, $0xF;
	[tilespmem:s26], [sflag:$0x1] =	stream.linear.gather [hbm4b:s15+s5], $0x80, $0x38;
	[tilespmem:$0x1880] =	vst v63  }
0xfe: {  	v7, _, _ =	vpop (xrf0);
	s15 =	sshll.u32 s28, $0xB  }
0xff: {  	(v2sf) =	vpush v7, $0xF;
	v7 =	vsel vm4, $0x0, v6;
	s15 =	sadd.s32 s15, s16  }
0x100: {  	v61 =	vsel vm4, $0x0, v5;
	s30 =	sld [smem:$0x7F0];
	v7 =	vor.u32 $0x80000000, v7;
	s15 =	sor.u32 s8, s15  }
0x101: {  	(xrf0) =	vmax.scan.msk.u32 $0xffff, v7;
	v7 =	vor.u32 $0x80000000, v61;
	s15 =	sshrl.u32 s15, $0x3;
	s18 =	spop (v2sf)  }
0x102: {  	s31 =	sld [smem:$0x7F1];
	(xrf0) =	vmax.scan.msk.u32 $0xffff, v7;
	s15 =	sadd.s32 s4, s15;
	s19 =	spop (v2sf)  }
0x103: {  	[tilespmem:s30], [sflag:$0x1] =	stream.linear.gather [hbm4b:s15+s5], $0x80, $0x38;
	[tilespmem:$0x1880] =	vst v63  }
0x104: {  	s15 =	sadd.s32 $0x80, s15;
	s16 =	smul.u32 $0xA000, s19  }
0x105: {  	[tilespmem:s31], [sflag:$0x1] =	stream.linear.gather [hbm4b:s15+s5], $0x80, $0x38;
	[tilespmem:$0x1880] =	vst v63  }
0x106: {  	s15 =	sshll.u32 s18, $0xB  }
0x107: {  	s15 =	sadd.s32 s15, s16  }
0x108: {  	s20 =	sld [smem:$0x7F2];
	v7, _, _ =	vpop (xrf0);
	s15 =	sor.u32 s8, s15  }
0x109: {  	(v2sf) =	vpush v7, $0xF;
	v7, _, _ =	vpop (xrf0);
	s15 =	sshrl.u32 s15, $0x3  }
0x10a: {  	s21 =	sld [smem:$0x7F3];
	(v2sf) =	vpush v7, $0xF;
	v7 =	vsel vm5, $0x0, v6;
	s15 =	sadd.s32 s4, s15  }
0x10b: {  	v7 =	vor.u32 $0x80000000, v7;
	[tilespmem:s20], [sflag:$0x1] =	stream.linear.gather [hbm4b:s15+s5], $0x80, $0x38;
	[tilespmem:$0x1880] =	vst v63  }
0x10c: {  	v62 =	vsel vm5, $0x0, v5;
	(xrf0) =	vmax.scan.msk.u32 $0xffff, v7;
	s15 =	sadd.s32 $0x80, s15;
	s22 =	spop (v2sf)  }
0x10d: {  	v7 =	vor.u32 $0x80000000, v62;
	[tilespmem:s21], [sflag:$0x1] =	stream.linear.gather [hbm4b:s15+s5], $0x80, $0x38;
	[tilespmem:$0x1880] =	vst v63  }
0x10e: {  	(xrf0) =	vmax.scan.msk.u32 $0xffff, v7;
	s23 =	spop (v2sf)  }
0x10f: {  	s16 =	smul.u32 $0xA000, s23  }
0x110: {  	s15 =	sshll.u32 s22, $0xB  }
0x111: {  	s15 =	sadd.s32 s15, s16  }
0x112: {  	s24 =	sld [smem:$0x7F4];
	s15 =	sor.u32 s8, s15  }
0x113: {  	v7, _, _ =	vpop (xrf0);
	s15 =	sshrl.u32 s15, $0x3  }
0x114: {  	v63 =	vsel vm6, $0x0, v6;
	s25 =	sld [smem:$0x7F5];
	(v2sf) =	vpush v7, $0xF;
	v7, _, _ =	vpop (xrf0);
	s15 =	sadd.s32 s4, s15  }
0x115: {  	(v2sf) =	vpush v7, $0xF;
	v7 =	vor.u32 $0x80000000, v63;
	[tilespmem:s24], [sflag:$0x1] =	stream.linear.gather [hbm4b:s15+s5], $0x80, $0x38;
	[tilespmem:$0x1880] =	vst v63  }
0x116: {  	(xrf0) =	vmax.scan.msk.u32 $0xffff, v7;
	v7 =	vsel vm6, $0x0, v5;
	s15 =	sadd.s32 $0x80, s15  }
0x117: {  	v7 =	vor.u32 $0x80000000, v7;
	[tilespmem:s25], [sflag:$0x1] =	stream.linear.gather [hbm4b:s15+s5], $0x80, $0x38;
	[tilespmem:$0x1880] =	vst v63  }
0x118: {  	(xrf0) =	vmax.scan.msk.u32 $0xffff, v7;
	s26 =	spop (v2sf)  }
0x119: {  	s28 =	spop (v2sf)  }
0x11a: {  	s16 =	smul.u32 $0xA000, s28  }
0x11b: {  	s15 =	sshll.u32 s26, $0xB  }
0x11c: {  	v6 =	vsel vm7, $0x0, v6;
	v7, _, _ =	vpop (xrf0);
	s15 =	sadd.s32 s15, s16  }
0x11d: {  	s29 =	sld [smem:$0x7F6];
	v6 =	vor.u32 $0x80000000, v6;
	v5 =	vsel vm7, $0x0, v5;
	(v2sf) =	vpush v7, $0xF;
	s15 =	sor.u32 s8, s15  }
0x11e: {  	v5 =	vor.u32 $0x80000000, v5;
	(xrf0) =	vmax.scan.msk.u32 $0xffff, v6;
	v7, _, _ =	vpop (xrf0);
	s15 =	sshrl.u32 s15, $0x3  }
0x11f: {  	s30 =	sld [smem:$0x7F7];
	(xrf0) =	vmax.scan.msk.u32 $0xffff, v5;
	(v2sf) =	vpush v7, $0xF;
	s15 =	sadd.s32 s4, s15  }
0x120: {  	[tilespmem:s29], [sflag:$0x1] =	stream.linear.gather [hbm4b:s15+s5], $0x80, $0x38;
	[tilespmem:$0x1880] =	vst v63  }
0x121: {  	s15 =	sadd.s32 $0x80, s15  }
0x122: {  	[tilespmem:s30], [sflag:$0x1] =	stream.linear.gather [hbm4b:s15+s5], $0x80, $0x38;
	[tilespmem:$0x1880] =	vst v63  }
0x123: {  	s31 =	spop (v2sf)  }
0x124: {  	v5, _, _ =	vpop (xrf0);
	s17 =	spop (v2sf)  }
0x125: {  	(v2sf) =	vpush v5, $0xF;
	s16 =	smul.u32 $0xA000, s17  }
0x126: {  	s15 =	sshll.u32 s31, $0xB;
	v5, _, _ =	vpop (xrf0)  }
0x127: {  	(v2sf) =	vpush v5, $0xF;
	s15 =	sadd.s32 s15, s16  }
0x128: {  	s18 =	sld [smem:$0x7F8];
	s15 =	sor.u32 s8, s15  }
0x129: {  	s15 =	sshrl.u32 s15, $0x3  }
0x12a: {  	s19 =	sld [smem:$0x7F9];
	s15 =	sadd.s32 s4, s15  }
0x12b: {  	[tilespmem:s18], [sflag:$0x1] =	stream.linear.gather [hbm4b:s15+s5], $0x80, $0x38;
	[tilespmem:$0x1880] =	vst v63  }
0x12c: {  	s15 =	sadd.s32 $0x80, s15;
	s20 =	spop (v2sf)  }
0x12d: {  	[tilespmem:s19], [sflag:$0x1] =	stream.linear.gather [hbm4b:s15+s5], $0x80, $0x38;
	[tilespmem:$0x1880] =	vst v63  }
0x12e: {  	s21 =	spop (v2sf)  }
0x12f: {  	s15 =	smul.u32 $0xA000, s21  }
0x130: {  	s16 =	sshll.u32 s20, $0xB  }
0x131: {  	s15 =	sadd.s32 s16, s15  }
0x132: {  	s22 =	sld [smem:$0x7FA];
	s15 =	sor.u32 s8, s15  }
0x133: {  	s15 =	sshrl.u32 s15, $0x3  }
0x134: {  	s23 =	sld [smem:$0x7FB];
	s24 =	spop (v2sf);
	s15 =	sadd.s32 s4, s15  }
0x135: {  	[tilespmem:s22], [sflag:$0x1] =	stream.linear.gather [hbm4b:s15+s5], $0x80, $0x38;
	[tilespmem:$0x1880] =	vst v63  }
0x136: {  	s25 =	spop (v2sf);
	s15 =	sadd.s32 $0x80, s15  }
0x137: {  	[tilespmem:s23], [sflag:$0x1] =	stream.linear.gather [hbm4b:s15+s5], $0x80, $0x38;
	[tilespmem:$0x1880] =	vst v63  }
0x138: {  	s15 =	smul.u32 $0xA000, s25  }
0x139: {  	s16 =	sshll.u32 s24, $0xB  }
0x13a: {  	s15 =	sadd.s32 s16, s15  }
0x13b: {  	s26 =	sld [smem:$0x7FC];
	s15 =	sor.u32 s8, s15  }
0x13c: {  	s15 =	sshrl.u32 s15, $0x3  }
0x13d: {  	s28 =	sld [smem:$0x7FD];
	s15 =	sadd.s32 s4, s15  }
0x13e: {  	[tilespmem:s26], [sflag:$0x1] =	stream.linear.gather [hbm4b:s15+s5], $0x80, $0x38;
	[tilespmem:$0x1880] =	vst v63  }
0x13f: {  	s15 =	sadd.s32 $0x80, s15  }
0x140: {  	[tilespmem:s28], [sflag:$0x1] =	stream.linear.gather [hbm4b:s15+s5], $0x80, $0x38;
	[tilespmem:$0x1880] =	vst v63  }
0x141: {  	_ =	swait.ge [sflag:s14], $0x100  }
0x142: {  	[sflag:s14] =	ssyncset.done $0x0  }
0x143: {  	[sflag:s14] =	ssyncadd.s32 $0xFFFFFF00  }
0x144: {  	_ =	swait.ge [sflag:s14], $0x100  }
0x145: {  	[sflag:s14] =	ssyncset.done $0x0  }
0x146: {  	[sflag:s14] =	ssyncadd.s32 $0xFFFFFF00  }
0x147: {  	_ =	swait.ge [sflag:s14], $0x100  }
0x148: {  	[sflag:s14] =	ssyncset.done $0x0  }
0x149: {  	[sflag:s14] =	ssyncadd.s32 $0xFFFFFF00  }
0x14a: {  	_ =	swait.ge [sflag:s14], $0x100  }
0x14b: {  	[sflag:s14] =	ssyncset.done $0x0  }
0x14c: {  	[sflag:s14] =	ssyncadd.s32 $0xFFFFFF00  }
0x14d: {  	_ =	swait.ge [sflag:s14], $0x100  }
0x14e: {  	[sflag:s14] =	ssyncset.done $0x0  }
0x14f: {  	[sflag:s14] =	ssyncadd.s32 $0xFFFFFF00  }
0x150: {  	_ =	swait.ge [sflag:s14], $0x100  }
0x151: {  	[sflag:s14] =	ssyncset.done $0x0  }
0x152: {  	[sflag:s14] =	ssyncadd.s32 $0xFFFFFF00  }
0x153: {  	_ =	swait.ge [sflag:s14], $0x100  }
0x154: {  	[sflag:s14] =	ssyncset.done $0x0  }
0x155: {  	[sflag:s14] =	ssyncadd.s32 $0xFFFFFF00  }
0x156: {  	_ =	swait.ge [sflag:s14], $0x100  }
0x157: {  	[sflag:s14] =	ssyncset.done $0x0  }
0x158: {  	[sflag:s14] =	ssyncadd.s32 $0xFFFFFF00  }
0x159: {  	_ =	swait.ge [sflag:s14], $0x100  }
0x15a: {  	[sflag:s14] =	ssyncset.done $0x0  }
0x15b: {  	[sflag:s14] =	ssyncadd.s32 $0xFFFFFF00  }
0x15c: {  	_ =	swait.ge [sflag:s14], $0x100  }
0x15d: {  	[sflag:s14] =	ssyncset.done $0x0  }
0x15e: {  	[sflag:s14] =	ssyncadd.s32 $0xFFFFFF00  }
0x15f: {  	_ =	swait.ge [sflag:s14], $0x100  }
0x160: {  	[sflag:s14] =	ssyncset.done $0x0  }
0x161: {  	[sflag:s14] =	ssyncadd.s32 $0xFFFFFF00  }
0x162: {  	_ =	swait.ge [sflag:s14], $0x100  }
0x163: {  	[sflag:s14] =	ssyncset.done $0x0  }
0x164: {  	[sflag:s14] =	ssyncadd.s32 $0xFFFFFF00  }
0x165: {  	_ =	swait.ge [sflag:s14], $0x100  }
0x166: {  	[sflag:s14] =	ssyncset.done $0x0  }
0x167: {  	[sflag:s14] =	ssyncadd.s32 $0xFFFFFF00  }
0x168: {  	_ =	swait.ge [sflag:s14], $0x100  }
0x169: {  	[sflag:s14] =	ssyncset.done $0x0  }
0x16a: {  	[sflag:s14] =	ssyncadd.s32 $0xFFFFFF00  }
0x16b: {  	_ =	swait.ge [sflag:s14], $0x100  }
0x16c: {  	[sflag:s14] =	ssyncset.done $0x0  }
0x16d: {  	[sflag:s14] =	ssyncadd.s32 $0xFFFFFF00  }
0x16e: {  	_ =	swait.ge [sflag:s14], $0x100  }
0x16f: {  	[sflag:s14] =	ssyncset.done $0x0  }
0x170: {  	[sflag:s14] =	ssyncadd.s32 $0xFFFFFF00  }
0x171: {  	_ =	swait.ge [sflag:s14], $0x100  }
0x172: {  	[sflag:s14] =	ssyncset.done $0x0  }
0x173: {  	[sflag:s14] =	ssyncadd.s32 $0xFFFFFF00  }
0x174: {  	_ =	swait.ge [sflag:s14], $0x100  }
0x175: {  	[sflag:s14] =	ssyncset.done $0x0  }
0x176: {  	[sflag:s14] =	ssyncadd.s32 $0xFFFFFF00  }
0x177: {  	_ =	swait.ge [sflag:s14], $0x100  }
0x178: {  	[sflag:s14] =	ssyncset.done $0x0  }
0x179: {  	[sflag:s14] =	ssyncadd.s32 $0xFFFFFF00  }
0x17a: {  	_ =	swait.ge [sflag:s14], $0x100  }
0x17b: {  	[sflag:s14] =	ssyncset.done $0x0  }
0x17c: {  	[sflag:s14] =	ssyncadd.s32 $0xFFFFFF00  }
0x17d: {  	_ =	swait.ge [sflag:s14], $0x100  }
0x17e: {  	[sflag:s14] =	ssyncset.done $0x0  }
0x17f: {  	[sflag:s14] =	ssyncadd.s32 $0xFFFFFF00  }
0x180: {  	_ =	swait.ge [sflag:s14], $0x100  }
0x181: {  	[sflag:s14] =	ssyncset.done $0x0  }
0x182: {  	[sflag:s14] =	ssyncadd.s32 $0xFFFFFF00  }
0x183: {  	_ =	swait.ge [sflag:s14], $0x100  }
0x184: {  	[sflag:s14] =	ssyncset.done $0x0  }
0x185: {  	[sflag:s14] =	ssyncadd.s32 $0xFFFFFF00  }
0x186: {  	_ =	swait.ge [sflag:s14], $0x100  }
0x187: {  	[sflag:s14] =	ssyncset.done $0x0  }
0x188: {  	s29 =	rddreg [dreg:$0x6];
	[sflag:s14] =	ssyncadd.s32 $0xFFFFFF00  }
0x189: {  	[hbm4b:s29+s5] =	stream.linear.scatter [tilespmem:s11], [sflag:$0x2], $0x800, $0x38;
	[tilespmem:$0x1880] =	vst v63  }
0x18a: {  	_ =	swait.ge [sflag:s10], $0x800  }
0x18b: {  	[sflag:s10] =	ssyncset.done $0x0  }
0x18c: {  	s30 =	rddreg [dreg:$0x7];
	[sflag:s10] =	ssyncadd.s32 $0xFFFFF800  }
0x18d: {  	[hbm4b:s30+s5] =	stream.linear.scatter [tilespmem:s12], [sflag:$0x2], $0x800, $0x38;
	[tilespmem:$0x1880] =	vst v63  }
0x18e: {  	_ =	swait.ge [sflag:s10], $0x800  }
0x18f: {  	p0 =	sne.s32 s9, $0x1;
	[sflag:s10] =	ssyncset.done $0x0  }
.Ltmp0:
0x190: {  	s31 =	rddreg [dreg:$0x8];
	[sflag:s10] =	ssyncadd.s32 $0xFFFFF800;
	(pc) =	sbr.rel @p0 .LBB2_1-.Ltmp0, $4  }
0x191: {  	[hbm4b:s31+s5] =	stream.linear.scatter [tilespmem:s13], [sflag:$0x2], $0x800, $0x38;
	[tilespmem:$0x1880] =	vst v63  }
0x192: {  	_ =	swait.ge [sflag:s10], $0x800  }
0x193: {  	[sflag:s10] =	ssyncset.done $0x0  }
0x194: {  	s9 =	sadd.s32 $0xFFFFFFFF, s9;
	[sflag:s10] =	ssyncadd.s32 $0xFFFFF800  }
0x195: {  	_ =	sfence.sel $0x180000  }
0x196: {  	[bflag:$0x0] =	sbarrier.arrive $0xFFFF  }
0x197: {  	p0 =	sne.s32 s0, $0x0;
	_ =	strace $0x90000047  }
0x198: {  	s0 =	sadd.s32 @!p0 $0x100000, s3;
	[bflag:$0x2] =	sbarrier.arrive $0xFFFF  }
0x199: {  	[sflag:s0] =	ssyncadd.tile.s32 @!p0 $0x1;
	_ =	shalt  }
.Lfunc_end2:
_tile_overlayer_lowered:
.L_overlay_start_2:
0x19a: {  	(tag) =	ssettag $0x2  }
0x19b: {  	s0 =	rddreg [dreg:$0x0];
	s2 =	stileid.u32  }
0x19c: {  	s1 =	rddreg [dreg:$0x1];
	p0 =	sne.s32 s2, $0x0  }
0x19d: {  	s3 =	rddreg [dreg:$0x2];
	[bflag:$0x3] =	sbarrier.arrive $0xFFFF;
	s2 =	simm.s32 @!p0 $0x1C02  }
0x19e: {  	[timem:s3], [sflag:s2] =	dma.local @!p0 [hbm:s0], s1  }
0x19f: {  	s0 =	simm.s32 @!p0 $0x2  }
0x1a0: {  	_ =	swait.ge @!p0 [sflag:s0], s1  }
0x1a1: {  	s1 =	ssub.s32 @!p0 $0x0, s1;
	[sflag:s0] =	ssyncset.done @!p0 $0x0  }
0x1a2: {  	[sflag:s0] =	ssyncadd.s32 @!p0 s1  }
0x1a3: {  	[bflag:$0x3] =	sbarrier.arrive $0xFFFF  }
0x1a4: {  	_ =	shalt  }

</sc_bundles>
